<compile_context>
chip_gen: v7x
topology: tpu7x:2x2x1
jax: 0.10.2.dev20260603
libtpu: 0.0.44.dev20260713+nightly
codegen_flags: <defaults>
</compile_context>

<pallas_src>
import functools

import jax
import jax.numpy as jnp
from jax import lax
from jax.experimental import pallas as pl
from jax.experimental.pallas import tpu as pltpu
from jax.experimental.pallas import tpu_sc as plsc

H = 128
NUM_FRAG = 50
N_CORES = 2
N_SUBCORES = 16
NW = N_CORES * N_SUBCORES
NBUF = 2
P = 4
BLOCK_G = 64


def _sc_embedding_sum(in_tab, out_tab, idx_in3, idx_out3):
    n_chunks, chunk = idx_in3.shape[1], idx_in3.shape[2]
    per_w = n_chunks * chunk
    B = NW * per_w
    mesh = plsc.VectorSubcoreMesh(core_axis_name="c", subcore_axis_name="s")

    @functools.partial(
        pl.kernel,
        mesh=mesh,
        out_type=jax.ShapeDtypeStruct((B, H), jnp.float32),
        scratch_types=[
            pltpu.VMEM_SHARED((512, H), jnp.float32),
            pltpu.VMEM_SHARED((512, H), jnp.float32),
            pltpu.VMEM((n_chunks, chunk), jnp.int32),
            pltpu.VMEM((n_chunks, chunk), jnp.int32),
        ]
        + [pltpu.VMEM((chunk, H), jnp.float32) for _ in range(3 * NBUF)]
        + [pltpu.SemaphoreType.DMA for _ in range(3 * NBUF)],
    )
    def k(in_tab_h, out_tab_h, ii_h, io_h, out_h, in_sp, out_sp, iiB, ioB,
          ri0, ri1, ro0, ro1, o0, o1, si0, si1, so0, so1, sw0, sw1):
        cid = lax.axis_index("c")
        sid = lax.axis_index("s")
        wid = sid * N_CORES + cid
        base = wid * per_w
        ri = [ri0, ri1]
        ro = [ro0, ro1]
        o = [o0, o1]
        si = [si0, si1]
        so = [so0, so1]
        sw = [sw0, sw1]

        @pl.when(sid == 0)
        def _():
            pltpu.sync_copy(in_tab_h, in_sp)
            pltpu.sync_copy(out_tab_h, out_sp)

        pltpu.sync_copy(ii_h.at[wid], iiB)
        pltpu.sync_copy(io_h.at[wid], ioB)
        plsc.subcore_barrier()

        def fill(b, ci):
            pltpu.async_copy(in_sp.at[iiB.at[ci]], ri[b], si[b])
            pltpu.async_copy(out_sp.at[ioB.at[ci]], ro[b], so[b])

        for b in range(NBUF):
            fill(b, b)

        def macro(m, carry):
            for b in range(NBUF):
                ci = NBUF * m + b
                off = base + ci * chunk
                pltpu.make_async_copy(in_sp.at[iiB.at[ci]], ri[b], si[b]).wait()
                pltpu.make_async_copy(out_sp.at[ioB.at[ci]], ro[b], so[b]).wait()

                @pl.when(m > 0)
                def _():
                    pltpu.make_async_copy(
                        o[b], out_h.at[pl.ds(base, chunk)], sw[b]).wait()

                @plsc.parallel_loop(0, chunk, unroll=2)
                def add_row(i):
                    for j in range(H // 16):
                        sl = pl.ds(j * 16, 16)
                        o[b][i, sl] = ri[b][i, sl] + ro[b][i, sl]
                pltpu.async_copy(o[b], out_h.at[pl.ds(off, chunk)], sw[b])

                @pl.when(ci + NBUF < n_chunks)
                def _():
                    fill(b, ci + NBUF)

            return carry

        lax.fori_loop(0, n_chunks // NBUF, macro, 0)

        for b in range(NBUF):
            pltpu.make_async_copy(
                o[b], out_h.at[pl.ds(base, chunk)], sw[b]).wait()

    return k(in_tab, out_tab, idx_in3, idx_out3)


def _tc_body(frag_ref, emb_ref, w_ref, b_ref, tok_ref, out_ref):
    x = frag_ref[...].reshape(NUM_FRAG * BLOCK_G, H)
    feat = lax.dot_general(
        x, w_ref[...], (((1,), (1,)), ((), ())),
        preferred_element_type=jnp.float32,
    )
    feat = feat + emb_ref[...].reshape(NUM_FRAG * BLOCK_G, H) + b_ref[...]
    out_ref[1:, :, :] = feat.reshape(NUM_FRAG, BLOCK_G, H)
    out_ref[0:1, :, :] = jnp.broadcast_to(tok_ref[...][None, :, :],
                                          (1, BLOCK_G, H))


def _tc_fuse_part(prev, frag_t, emb_p3, W, b2, tok, n_graph, off_blocks):
    grid = emb_p3.shape[1] // BLOCK_G

    common = dict(
        grid=(grid,),
        out_specs=pl.BlockSpec((NUM_FRAG + 1, BLOCK_G, H),
                               lambda i: (0, i + off_blocks, 0)),
        out_shape=jax.ShapeDtypeStruct((NUM_FRAG + 1, n_graph, H),
                                       jnp.float32),
        compiler_params=pltpu.CompilerParams(
            dimension_semantics=("arbitrary",)),
    )
    data_specs = [
        pl.BlockSpec((NUM_FRAG, BLOCK_G, H), lambda i: (0, i + off_blocks, 0)),
        pl.BlockSpec((NUM_FRAG, BLOCK_G, H), lambda i: (0, i, 0)),
        pl.BlockSpec((H, H), lambda i: (0, 0)),
        pl.BlockSpec((1, H), lambda i: (0, 0)),
        pl.BlockSpec((1, H), lambda i: (0, 0)),
    ]
    if prev is None:
        return pl.pallas_call(
            _tc_body, in_specs=data_specs, **common,
        )(frag_t, emb_p3, W, b2, tok)

    def body(prev_ref, frag_ref, emb_ref, w_ref, b_ref, tok_ref, out_ref):
        _tc_body(frag_ref, emb_ref, w_ref, b_ref, tok_ref, out_ref)

    return pl.pallas_call(
        body,
        in_specs=[pl.BlockSpec((1, 8, H), lambda i: (0, 0, 0))] + data_specs,
        input_output_aliases={0: 0},
        **common,
    )(prev, frag_t, emb_p3, W, b2, tok)


def kernel(frag_feature, in_degree, out_degree, W_feat, b_feat, in_tab,
           out_tab, graph_token):
    n_graph = frag_feature.shape[0]
    parts = [n_graph // 8, n_graph // 4, n_graph // 4, 3 * n_graph // 8]
    b2 = b_feat.reshape(1, H)

    frag_t = frag_feature.transpose(1, 0, 2)
    ii_t = in_degree.transpose(1, 0)
    io_t = out_degree.transpose(1, 0)

    embs = []
    g0 = 0
    for part_g in parts:
        per_w = part_g * NUM_FRAG // NW
        chunk = 128 if per_w % 128 == 0 else 80
        ii = lax.slice(ii_t, (0, g0), (NUM_FRAG, g0 + part_g))
        io = lax.slice(io_t, (0, g0), (NUM_FRAG, g0 + part_g))
        emb = _sc_embedding_sum(
            in_tab, out_tab,
            ii.reshape(NW, per_w // chunk, chunk),
            io.reshape(NW, per_w // chunk, chunk))
        embs.append(emb.reshape(NUM_FRAG, part_g, H))
        g0 += part_g

    out = None
    g0 = 0
    for part_g, emb in zip(parts, embs):
        out = _tc_fuse_part(out, frag_t, emb, W_feat, b2, graph_token,
                            n_graph, g0 // BLOCK_G)
        g0 += part_g
    return out.transpose(1, 0, 2)

# --- scband reference (transcript-rebuilt; emitter-appended) ---
"""Pipeline reference for scband-graph-frag-feature-3831110828528 (READ-ONLY COPY).

The authoritative reference and input builder live on the scoring server;
editing this copy changes nothing except your own understanding.
"""

import jax, jax.numpy as jnp
import numpy as np

NUM_IN_DEG = 512
NUM_OUT_DEG = 512
IN_FEATURES = 128
HIDDEN_DIM = 128
N_LAYERS = 12
N_GRAPH = 4096
N_FRAG = 50


def setup_inputs(seed: int = 0) -> dict:
    key = jax.random.key(seed)
    ks = jax.random.split(key, 8)
    frag_feature = jax.random.normal(ks[0], (N_GRAPH, N_FRAG, IN_FEATURES), dtype=jnp.float32)
    in_degree = jax.random.randint(ks[1], (N_GRAPH, N_FRAG), 0, NUM_IN_DEG, dtype=jnp.int64 if jax.config.jax_enable_x64 else jnp.int32).astype(jnp.int32)
    out_degree = jax.random.randint(ks[2], (N_GRAPH, N_FRAG), 0, NUM_OUT_DEG, dtype=jnp.int64 if jax.config.jax_enable_x64 else jnp.int32).astype(jnp.int32)
    std_lin = 0.02 / np.sqrt(N_LAYERS)
    W_feat = jax.random.normal(ks[3], (HIDDEN_DIM, IN_FEATURES), dtype=jnp.float32) * std_lin
    b_feat = jnp.zeros((HIDDEN_DIM,), dtype=jnp.float32)
    in_tab = jax.random.normal(ks[4], (NUM_IN_DEG, HIDDEN_DIM), dtype=jnp.float32) * 0.02
    in_tab = in_tab.at[0].set(0.0)  # padding_idx=0
    out_tab = jax.random.normal(ks[5], (NUM_OUT_DEG, HIDDEN_DIM), dtype=jnp.float32) * 0.02
    out_tab = out_tab.at[0].set(0.0)  # padding_idx=0
    graph_token = jax.random.normal(ks[6], (1, HIDDEN_DIM), dtype=jnp.float32) * 0.02
    return {
        "frag_feature": frag_feature,
        "in_degree": in_degree,
        "out_degree": out_degree,
        "W_feat": W_feat,
        "b_feat": b_feat,
        "in_tab": in_tab,
        "out_tab": out_tab,
        "graph_token": graph_token,
    }


def reference(frag_feature, in_degree, out_degree, W_feat, b_feat, in_tab, out_tab, graph_token):
    n_graph = frag_feature.shape[0]
    # feat_lin: x @ W^T + b
    feat = jnp.einsum('bnf,hf->bnh', frag_feature, W_feat) + b_feat
    # degree embedding lookups (SparseCore gather)
    feat = feat + jnp.take(in_tab, in_degree, axis=0) + jnp.take(out_tab, out_degree, axis=0)
    # graph token: [1, H] -> [n_graph, 1, H]
    graph_token_feature = jnp.broadcast_to(graph_token[None, :, :], (n_graph, 1, graph_token.shape[-1]))
    graph_frag_feature = jnp.concatenate([graph_token_feature, feat], axis=1)
    return graph_frag_feature

if __name__ == "__main__":
    import jax
    _d = setup_inputs()
    print(jax.jit(kernel)(*tuple(_d.values())))

</pallas_src>

<mosaic_0001>
#map = affine_map<(d0, d1) -> (0, 0)>
#map1 = affine_map<(d0, d1) -> (0, 0, 0)>
module attributes {stable_mosaic.version = 14 : i64} {
  func.func @k(%arg0: i32, %arg1: i32, %arg2: memref<512x128xf32, #tpu.memory_space<hbm>>, %arg3: memref<512x128xf32, #tpu.memory_space<hbm>>, %arg4: memref<32x20x80xi32, #tpu.memory_space<hbm>>, %arg5: memref<32x20x80xi32, #tpu.memory_space<hbm>>, %arg6: memref<51200x128xf32, #tpu.memory_space<hbm>>, %arg7: memref<512x128xf32, #tpu.memory_space<vmem_shared>>, %arg8: memref<512x128xf32, #tpu.memory_space<vmem_shared>>, %arg9: memref<20x80xi32, #tpu.memory_space<vmem>>, %arg10: memref<20x80xi32, #tpu.memory_space<vmem>>, %arg11: memref<80x128xf32, #tpu.memory_space<vmem>>, %arg12: memref<80x128xf32, #tpu.memory_space<vmem>>, %arg13: memref<80x128xf32, #tpu.memory_space<vmem>>, %arg14: memref<80x128xf32, #tpu.memory_space<vmem>>, %arg15: memref<80x128xf32, #tpu.memory_space<vmem>>, %arg16: memref<80x128xf32, #tpu.memory_space<vmem>>, %arg17: memref<!tpu.dma_semaphore, #tpu.memory_space<semaphore_mem>>, %arg18: memref<!tpu.dma_semaphore, #tpu.memory_space<semaphore_mem>>, %arg19: memref<!tpu.dma_semaphore, #tpu.memory_space<semaphore_mem>>, %arg20: memref<!tpu.dma_semaphore, #tpu.memory_space<semaphore_mem>>, %arg21: memref<!tpu.dma_semaphore, #tpu.memory_space<semaphore_mem>>, %arg22: memref<!tpu.dma_semaphore, #tpu.memory_space<semaphore_mem>>) attributes {dimension_semantics = [#tpu.dimension_semantics<core_parallel>, #tpu.dimension_semantics<subcore_parallel>], iteration_bounds = array<i64: 2, 16>, scalar_prefetch = 0 : i64, scratch_operands = 16 : i64, tpu.core_type = #tpu.core_type<sc_vector_subcore>, window_params = [{transform_indices = #map}, {transform_indices = #map}, {transform_indices = #map1}, {transform_indices = #map1}, {transform_indices = #map}]} {
    %mul3A = arith.constant 2 : i32
    %mul3A_0 = arith.muli %arg1, %mul3A : i32
    %add3A = arith.addi %mul3A_0, %arg0 : i32
    %mul3A_1 = arith.constant 1600 : i32
    %mul3A_2 = arith.muli %add3A, %mul3A_1 : i32
    %eq3A = arith.constant 0 : i32
    %eq3A_3 = arith.cmpi eq, %arg1, %eq3A : i32
    %convert_element_type3A = arith.extui %eq3A_3 : i1 to i32
    %cond3A = arith.constant 0 : i32
    %cond3A_4 = arith.cmpi ne, %convert_element_type3A, %cond3A : i32
    scf.if %cond3A_4 {
      "tpu.region"() ({
        %run_scoped3A = tpu.sem_alloc : memref<!tpu.dma_semaphore, #tpu.memory_space<semaphore_mem>>
        tpu.enqueue_dma source(%arg2 : memref<512x128xf32, #tpu.memory_space<hbm>>) target(%arg7 : memref<512x128xf32, #tpu.memory_space<vmem_shared>>) target_semaphore(%run_scoped3A : memref<!tpu.dma_semaphore, #tpu.memory_space<semaphore_mem>>)
        tpu.wait_dma2 semaphore(%run_scoped3A : memref<!tpu.dma_semaphore, #tpu.memory_space<semaphore_mem>>) src(%arg2 : memref<512x128xf32, #tpu.memory_space<hbm>>) dst(%arg7 : memref<512x128xf32, #tpu.memory_space<vmem_shared>>)
        tpu.yield
      }) : () -> ()
      "tpu.region"() ({
        %run_scoped3A = tpu.sem_alloc : memref<!tpu.dma_semaphore, #tpu.memory_space<semaphore_mem>>
        tpu.enqueue_dma source(%arg3 : memref<512x128xf32, #tpu.memory_space<hbm>>) target(%arg8 : memref<512x128xf32, #tpu.memory_space<vmem_shared>>) target_semaphore(%run_scoped3A : memref<!tpu.dma_semaphore, #tpu.memory_space<semaphore_mem>>)
        tpu.wait_dma2 semaphore(%run_scoped3A : memref<!tpu.dma_semaphore, #tpu.memory_space<semaphore_mem>>) src(%arg3 : memref<512x128xf32, #tpu.memory_space<hbm>>) dst(%arg8 : memref<512x128xf32, #tpu.memory_space<vmem_shared>>)
        tpu.yield
      }) : () -> ()
    } else {
    }
    "tpu.region"() ({
      %run_scoped3A = tpu.sem_alloc : memref<!tpu.dma_semaphore, #tpu.memory_space<semaphore_mem>>
      %dma_start3A_44 = arith.constant 0 : i32
      %dma_start3A_45 = arith.constant 0 : i32
      %dma_start3A_46 = tpu.memref_slice %arg4[%add3A, %dma_start3A_44, %dma_start3A_45] : memref<32x20x80xi32, #tpu.memory_space<hbm>> -> memref<1x20x80xi32, #tpu.memory_space<hbm>>
      %dma_start3A_47 = tpu.memref_squeeze %dma_start3A_46 : memref<1x20x80xi32, #tpu.memory_space<hbm>> -> memref<20x80xi32, #tpu.memory_space<hbm>>
      %dma_start3A_48 = arith.constant 0 : i32
      %dma_start3A_49 = arith.constant 0 : i32
      %dma_start3A_50 = tpu.memref_slice %arg4[%add3A, %dma_start3A_48, %dma_start3A_49] : memref<32x20x80xi32, #tpu.memory_space<hbm>> -> memref<1x20x80xi32, #tpu.memory_space<hbm>>
      %dma_start3A_51 = tpu.memref_squeeze %dma_start3A_50 : memref<1x20x80xi32, #tpu.memory_space<hbm>> -> memref<20x80xi32, #tpu.memory_space<hbm>>
      tpu.enqueue_dma source(%dma_start3A_51 : memref<20x80xi32, #tpu.memory_space<hbm>>) target(%arg9 : memref<20x80xi32, #tpu.memory_space<vmem>>) target_semaphore(%run_scoped3A : memref<!tpu.dma_semaphore, #tpu.memory_space<semaphore_mem>>)
      %dma_wait3A_52 = arith.constant 0 : i32
      %dma_wait3A_53 = arith.constant 0 : i32
      %dma_wait3A_54 = tpu.memref_slice %arg4[%add3A, %dma_wait3A_52, %dma_wait3A_53] : memref<32x20x80xi32, #tpu.memory_space<hbm>> -> memref<1x20x80xi32, #tpu.memory_space<hbm>>
      %dma_wait3A_55 = tpu.memref_squeeze %dma_wait3A_54 : memref<1x20x80xi32, #tpu.memory_space<hbm>> -> memref<20x80xi32, #tpu.memory_space<hbm>>
      %dma_wait3A_56 = arith.constant 0 : i32
      %dma_wait3A_57 = arith.constant 0 : i32
      %dma_wait3A_58 = tpu.memref_slice %arg4[%add3A, %dma_wait3A_56, %dma_wait3A_57] : memref<32x20x80xi32, #tpu.memory_space<hbm>> -> memref<1x20x80xi32, #tpu.memory_space<hbm>>
      %dma_wait3A_59 = tpu.memref_squeeze %dma_wait3A_58 : memref<1x20x80xi32, #tpu.memory_space<hbm>> -> memref<20x80xi32, #tpu.memory_space<hbm>>
      tpu.wait_dma2 semaphore(%run_scoped3A : memref<!tpu.dma_semaphore, #tpu.memory_space<semaphore_mem>>) src(%dma_wait3A_59 : memref<20x80xi32, #tpu.memory_space<hbm>>) dst(%arg9 : memref<20x80xi32, #tpu.memory_space<vmem>>)
      tpu.yield
    }) : () -> ()
    "tpu.region"() ({
      %run_scoped3A = tpu.sem_alloc : memref<!tpu.dma_semaphore, #tpu.memory_space<semaphore_mem>>
      %dma_start3A_44 = arith.constant 0 : i32
      %dma_start3A_45 = arith.constant 0 : i32
      %dma_start3A_46 = tpu.memref_slice %arg5[%add3A, %dma_start3A_44, %dma_start3A_45] : memref<32x20x80xi32, #tpu.memory_space<hbm>> -> memref<1x20x80xi32, #tpu.memory_space<hbm>>
      %dma_start3A_47 = tpu.memref_squeeze %dma_start3A_46 : memref<1x20x80xi32, #tpu.memory_space<hbm>> -> memref<20x80xi32, #tpu.memory_space<hbm>>
      %dma_start3A_48 = arith.constant 0 : i32
      %dma_start3A_49 = arith.constant 0 : i32
      %dma_start3A_50 = tpu.memref_slice %arg5[%add3A, %dma_start3A_48, %dma_start3A_49] : memref<32x20x80xi32, #tpu.memory_space<hbm>> -> memref<1x20x80xi32, #tpu.memory_space<hbm>>
      %dma_start3A_51 = tpu.memref_squeeze %dma_start3A_50 : memref<1x20x80xi32, #tpu.memory_space<hbm>> -> memref<20x80xi32, #tpu.memory_space<hbm>>
      tpu.enqueue_dma source(%dma_start3A_51 : memref<20x80xi32, #tpu.memory_space<hbm>>) target(%arg10 : memref<20x80xi32, #tpu.memory_space<vmem>>) target_semaphore(%run_scoped3A : memref<!tpu.dma_semaphore, #tpu.memory_space<semaphore_mem>>)
      %dma_wait3A_52 = arith.constant 0 : i32
      %dma_wait3A_53 = arith.constant 0 : i32
      %dma_wait3A_54 = tpu.memref_slice %arg5[%add3A, %dma_wait3A_52, %dma_wait3A_53] : memref<32x20x80xi32, #tpu.memory_space<hbm>> -> memref<1x20x80xi32, #tpu.memory_space<hbm>>
      %dma_wait3A_55 = tpu.memref_squeeze %dma_wait3A_54 : memref<1x20x80xi32, #tpu.memory_space<hbm>> -> memref<20x80xi32, #tpu.memory_space<hbm>>
      %dma_wait3A_56 = arith.constant 0 : i32
      %dma_wait3A_57 = arith.constant 0 : i32
      %dma_wait3A_58 = tpu.memref_slice %arg5[%add3A, %dma_wait3A_56, %dma_wait3A_57] : memref<32x20x80xi32, #tpu.memory_space<hbm>> -> memref<1x20x80xi32, #tpu.memory_space<hbm>>
      %dma_wait3A_59 = tpu.memref_squeeze %dma_wait3A_58 : memref<1x20x80xi32, #tpu.memory_space<hbm>> -> memref<20x80xi32, #tpu.memory_space<hbm>>
      tpu.wait_dma2 semaphore(%run_scoped3A : memref<!tpu.dma_semaphore, #tpu.memory_space<semaphore_mem>>) src(%dma_wait3A_59 : memref<20x80xi32, #tpu.memory_space<hbm>>) dst(%arg10 : memref<20x80xi32, #tpu.memory_space<vmem>>)
      tpu.yield
    }) : () -> ()
    %barrier3A = arith.constant 0 : index
    tpu.barrier barrier_id(%barrier3A)
    %dma_start3A = arith.constant 0 : i32
    %dma_start3A_5 = arith.constant 0 : i32
    %dma_start3A_6 = tpu.memref_slice %arg9[%dma_start3A, %dma_start3A_5] : memref<20x80xi32, #tpu.memory_space<vmem>> -> memref<1x80xi32, #tpu.memory_space<vmem>>
    %dma_start3A_7 = tpu.memref_squeeze %dma_start3A_6 : memref<1x80xi32, #tpu.memory_space<vmem>> -> memref<80xi32, #tpu.memory_space<vmem>>
    %dma_start3A_8 = arith.constant 0 : i32
    %dma_start3A_9 = arith.constant 0 : i32
    %dma_start3A_10 = tpu.memref_slice %arg7[%dma_start3A_8, %dma_start3A_9] : memref<512x128xf32, #tpu.memory_space<vmem_shared>> -> memref<512x128xf32, #tpu.memory_space<vmem_shared>>
    tpu.enqueue_indirect_dma source(%dma_start3A_10 : memref<512x128xf32, #tpu.memory_space<vmem_shared>>) target(%arg11 : memref<80x128xf32, #tpu.memory_space<vmem>>) offsets(%dma_start3A_7 : memref<80xi32, #tpu.memory_space<vmem>>) semaphore(%arg17 : memref<!tpu.dma_semaphore, #tpu.memory_space<semaphore_mem>>)
    %dma_start3A_11 = arith.constant 0 : i32
    %dma_start3A_12 = arith.constant 0 : i32
    %dma_start3A_13 = tpu.memref_slice %arg10[%dma_start3A_11, %dma_start3A_12] : memref<20x80xi32, #tpu.memory_space<vmem>> -> memref<1x80xi32, #tpu.memory_space<vmem>>
    %dma_start3A_14 = tpu.memref_squeeze %dma_start3A_13 : memref<1x80xi32, #tpu.memory_space<vmem>> -> memref<80xi32, #tpu.memory_space<vmem>>
    %dma_start3A_15 = arith.constant 0 : i32
    %dma_start3A_16 = arith.constant 0 : i32
    %dma_start3A_17 = tpu.memref_slice %arg8[%dma_start3A_15, %dma_start3A_16] : memref<512x128xf32, #tpu.memory_space<vmem_shared>> -> memref<512x128xf32, #tpu.memory_space<vmem_shared>>
    tpu.enqueue_indirect_dma source(%dma_start3A_17 : memref<512x128xf32, #tpu.memory_space<vmem_shared>>) target(%arg13 : memref<80x128xf32, #tpu.memory_space<vmem>>) offsets(%dma_start3A_14 : memref<80xi32, #tpu.memory_space<vmem>>) semaphore(%arg19 : memref<!tpu.dma_semaphore, #tpu.memory_space<semaphore_mem>>)
    %dma_start3A_18 = arith.constant 1 : i32
    %dma_start3A_19 = arith.constant 0 : i32
    %dma_start3A_20 = tpu.memref_slice %arg9[%dma_start3A_18, %dma_start3A_19] : memref<20x80xi32, #tpu.memory_space<vmem>> -> memref<1x80xi32, #tpu.memory_space<vmem>>
    %dma_start3A_21 = tpu.memref_squeeze %dma_start3A_20 : memref<1x80xi32, #tpu.memory_space<vmem>> -> memref<80xi32, #tpu.memory_space<vmem>>
    %dma_start3A_22 = arith.constant 0 : i32
    %dma_start3A_23 = arith.constant 0 : i32
    %dma_start3A_24 = tpu.memref_slice %arg7[%dma_start3A_22, %dma_start3A_23] : memref<512x128xf32, #tpu.memory_space<vmem_shared>> -> memref<512x128xf32, #tpu.memory_space<vmem_shared>>
    tpu.enqueue_indirect_dma source(%dma_start3A_24 : memref<512x128xf32, #tpu.memory_space<vmem_shared>>) target(%arg12 : memref<80x128xf32, #tpu.memory_space<vmem>>) offsets(%dma_start3A_21 : memref<80xi32, #tpu.memory_space<vmem>>) semaphore(%arg18 : memref<!tpu.dma_semaphore, #tpu.memory_space<semaphore_mem>>)
    %dma_start3A_25 = arith.constant 1 : i32
    %dma_start3A_26 = arith.constant 0 : i32
    %dma_start3A_27 = tpu.memref_slice %arg10[%dma_start3A_25, %dma_start3A_26] : memref<20x80xi32, #tpu.memory_space<vmem>> -> memref<1x80xi32, #tpu.memory_space<vmem>>
    %dma_start3A_28 = tpu.memref_squeeze %dma_start3A_27 : memref<1x80xi32, #tpu.memory_space<vmem>> -> memref<80xi32, #tpu.memory_space<vmem>>
    %dma_start3A_29 = arith.constant 0 : i32
    %dma_start3A_30 = arith.constant 0 : i32
    %dma_start3A_31 = tpu.memref_slice %arg8[%dma_start3A_29, %dma_start3A_30] : memref<512x128xf32, #tpu.memory_space<vmem_shared>> -> memref<512x128xf32, #tpu.memory_space<vmem_shared>>
    tpu.enqueue_indirect_dma source(%dma_start3A_31 : memref<512x128xf32, #tpu.memory_space<vmem_shared>>) target(%arg14 : memref<80x128xf32, #tpu.memory_space<vmem>>) offsets(%dma_start3A_28 : memref<80xi32, #tpu.memory_space<vmem>>) semaphore(%arg20 : memref<!tpu.dma_semaphore, #tpu.memory_space<semaphore_mem>>)
    %scan3A = arith.constant 0 : i32
    %scan3A_32 = arith.constant 0 : i32
    %scan3A_33 = arith.constant 10 : i32
    %scan3A_34 = arith.addi %scan3A_32, %scan3A_33 : i32
    %scan3A_35 = arith.constant 1 : i32
    scf.for %scan3A_44 = %scan3A_32 to %scan3A_34 step %scan3A_35  : i32 {
      %mul3A_45 = arith.constant 2 : i32
      %mul3A_46 = arith.muli %mul3A_45, %scan3A_44 : i32
      %add3A_47 = arith.constant 0 : i32
      %add3A_48 = arith.addi %mul3A_46, %add3A_47 : i32
      %mul3A_49 = arith.constant 80 : i32
      %mul3A_50 = arith.muli %add3A_48, %mul3A_49 : i32
      %add3A_51 = arith.addi %mul3A_2, %mul3A_50 : i32
      %dma_wait3A_52 = arith.constant 0 : i32
      %dma_wait3A_53 = tpu.memref_slice %arg9[%add3A_48, %dma_wait3A_52] : memref<20x80xi32, #tpu.memory_space<vmem>> -> memref<1x80xi32, #tpu.memory_space<vmem>>
      %dma_wait3A_54 = tpu.memref_squeeze %dma_wait3A_53 : memref<1x80xi32, #tpu.memory_space<vmem>> -> memref<80xi32, #tpu.memory_space<vmem>>
      %dma_wait3A_55 = arith.constant 0 : i32
      %dma_wait3A_56 = arith.constant 0 : i32
      %dma_wait3A_57 = tpu.memref_slice %arg7[%dma_wait3A_55, %dma_wait3A_56] : memref<512x128xf32, #tpu.memory_space<vmem_shared>> -> memref<512x128xf32, #tpu.memory_space<vmem_shared>>
      tpu.wait_indirect_dma semaphore(%arg17 : memref<!tpu.dma_semaphore, #tpu.memory_space<semaphore_mem>>) src(%dma_wait3A_57 : memref<512x128xf32, #tpu.memory_space<vmem_shared>>) dst(%arg11 : memref<80x128xf32, #tpu.memory_space<vmem>>)
      %dma_wait3A_58 = arith.constant 0 : i32
      %dma_wait3A_59 = tpu.memref_slice %arg10[%add3A_48, %dma_wait3A_58] : memref<20x80xi32, #tpu.memory_space<vmem>> -> memref<1x80xi32, #tpu.memory_space<vmem>>
      %dma_wait3A_60 = tpu.memref_squeeze %dma_wait3A_59 : memref<1x80xi32, #tpu.memory_space<vmem>> -> memref<80xi32, #tpu.memory_space<vmem>>
      %dma_wait3A_61 = arith.constant 0 : i32
      %dma_wait3A_62 = arith.constant 0 : i32
      %dma_wait3A_63 = tpu.memref_slice %arg8[%dma_wait3A_61, %dma_wait3A_62] : memref<512x128xf32, #tpu.memory_space<vmem_shared>> -> memref<512x128xf32, #tpu.memory_space<vmem_shared>>
      tpu.wait_indirect_dma semaphore(%arg19 : memref<!tpu.dma_semaphore, #tpu.memory_space<semaphore_mem>>) src(%dma_wait3A_63 : memref<512x128xf32, #tpu.memory_space<vmem_shared>>) dst(%arg13 : memref<80x128xf32, #tpu.memory_space<vmem>>)
      %gt3A = arith.constant 0 : i32
      %gt3A_64 = arith.cmpi sgt, %scan3A_44, %gt3A : i32
      %convert_element_type3A_65 = arith.extui %gt3A_64 : i1 to i32
      %cond3A_66 = arith.constant 0 : i32
      %cond3A_67 = arith.cmpi ne, %convert_element_type3A_65, %cond3A_66 : i32
      scf.if %cond3A_67 {
        %dma_wait3A_118 = arith.constant 0 : i32
        %dma_wait3A_119 = tpu.memref_slice %arg6[%mul3A_2, %dma_wait3A_118] : memref<51200x128xf32, #tpu.memory_space<hbm>> -> memref<80x128xf32, #tpu.memory_space<hbm>>
        %dma_wait3A_120 = arith.constant 0 : i32
        %dma_wait3A_121 = tpu.memref_slice %arg6[%mul3A_2, %dma_wait3A_120] : memref<51200x128xf32, #tpu.memory_space<hbm>> -> memref<80x128xf32, #tpu.memory_space<hbm>>
        tpu.wait_dma2 semaphore(%arg21 : memref<!tpu.dma_semaphore, #tpu.memory_space<semaphore_mem>>) src(%arg15 : memref<80x128xf32, #tpu.memory_space<vmem>>) dst(%dma_wait3A_121 : memref<80x128xf32, #tpu.memory_space<hbm>>)
      } else {
      }
      %parallel_loop3A = arith.constant 0 : i32
      %parallel_loop3A_68 = arith.constant 80 : i32
      %parallel_loop3A_69 = arith.constant 1 : i32
      scf.for %parallel_loop3A_118 = %parallel_loop3A to %parallel_loop3A_68 step %parallel_loop3A_69  : i32 {
        %parallel_loop3A_119 = arith.index_cast %parallel_loop3A_118 : i32 to index
        %parallel_loop3A_120 = arith.constant 0 : index
        %parallel_loop3A_121 = tpu.vector_load %arg11[%parallel_loop3A_119, %parallel_loop3A_120] {strides = array<i32>} : memref<80x128xf32, #tpu.memory_space<vmem>>, vector<1x16xf32>,
        %parallel_loop3A_122 = vector.shape_cast %parallel_loop3A_121 : vector<1x16xf32> to vector<16xf32>
        %parallel_loop3A_123 = arith.index_cast %parallel_loop3A_118 : i32 to index
        %parallel_loop3A_124 = arith.constant 0 : index
        %parallel_loop3A_125 = tpu.vector_load %arg13[%parallel_loop3A_123, %parallel_loop3A_124] {strides = array<i32>} : memref<80x128xf32, #tpu.memory_space<vmem>>, vector<1x16xf32>,
        %parallel_loop3A_126 = vector.shape_cast %parallel_loop3A_125 : vector<1x16xf32> to vector<16xf32>
        %parallel_loop3A_127 = arith.addf %parallel_loop3A_122, %parallel_loop3A_126 : vector<16xf32>
        %parallel_loop3A_128 = arith.index_cast %parallel_loop3A_118 : i32 to index
        %parallel_loop3A_129 = arith.constant 0 : index
        %parallel_loop3A_130 = tpu.vector_load %arg15[%parallel_loop3A_128, %parallel_loop3A_129] {strides = array<i32>} : memref<80x128xf32, #tpu.memory_space<vmem>>, vector<1x16xf32>,
        %parallel_loop3A_131 = vector.shape_cast %parallel_loop3A_130 : vector<1x16xf32> to vector<16xf32>
        %parallel_loop3A_132 = vector.shape_cast %parallel_loop3A_127 : vector<16xf32> to vector<1x16xf32>
        tpu.vector_store %arg15[%parallel_loop3A_128, %parallel_loop3A_129], %parallel_loop3A_132 {strides = array<i32>} : memref<80x128xf32, #tpu.memory_space<vmem>>, vector<1x16xf32>,
        %parallel_loop3A_133 = arith.index_cast %parallel_loop3A_118 : i32 to index
        %parallel_loop3A_134 = arith.constant 16 : index
        %parallel_loop3A_135 = tpu.vector_load %arg11[%parallel_loop3A_133, %parallel_loop3A_134] {strides = array<i32>} : memref<80x128xf32, #tpu.memory_space<vmem>>, vector<1x16xf32>,
        %parallel_loop3A_136 = vector.shape_cast %parallel_loop3A_135 : vector<1x16xf32> to vector<16xf32>
        %parallel_loop3A_137 = arith.index_cast %parallel_loop3A_118 : i32 to index
        %parallel_loop3A_138 = arith.constant 16 : index
        %parallel_loop3A_139 = tpu.vector_load %arg13[%parallel_loop3A_137, %parallel_loop3A_138] {strides = array<i32>} : memref<80x128xf32, #tpu.memory_space<vmem>>, vector<1x16xf32>,
        %parallel_loop3A_140 = vector.shape_cast %parallel_loop3A_139 : vector<1x16xf32> to vector<16xf32>
        %parallel_loop3A_141 = arith.addf %parallel_loop3A_136, %parallel_loop3A_140 : vector<16xf32>
        %parallel_loop3A_142 = arith.index_cast %parallel_loop3A_118 : i32 to index
        %parallel_loop3A_143 = arith.constant 16 : index
        %parallel_loop3A_144 = tpu.vector_load %arg15[%parallel_loop3A_142, %parallel_loop3A_143] {strides = array<i32>} : memref<80x128xf32, #tpu.memory_space<vmem>>, vector<1x16xf32>,
        %parallel_loop3A_145 = vector.shape_cast %parallel_loop3A_144 : vector<1x16xf32> to vector<16xf32>
        %parallel_loop3A_146 = vector.shape_cast %parallel_loop3A_141 : vector<16xf32> to vector<1x16xf32>
        tpu.vector_store %arg15[%parallel_loop3A_142, %parallel_loop3A_143], %parallel_loop3A_146 {strides = array<i32>} : memref<80x128xf32, #tpu.memory_space<vmem>>, vector<1x16xf32>,
        %parallel_loop3A_147 = arith.index_cast %parallel_loop3A_118 : i32 to index
        %parallel_loop3A_148 = arith.constant 32 : index
        %parallel_loop3A_149 = tpu.vector_load %arg11[%parallel_loop3A_147, %parallel_loop3A_148] {strides = array<i32>} : memref<80x128xf32, #tpu.memory_space<vmem>>, vector<1x16xf32>,
        %parallel_loop3A_150 = vector.shape_cast %parallel_loop3A_149 : vector<1x16xf32> to vector<16xf32>
        %parallel_loop3A_151 = arith.index_cast %parallel_loop3A_118 : i32 to index
        %parallel_loop3A_152 = arith.constant 32 : index
        %parallel_loop3A_153 = tpu.vector_load %arg13[%parallel_loop3A_151, %parallel_loop3A_152] {strides = array<i32>} : memref<80x128xf32, #tpu.memory_space<vmem>>, vector<1x16xf32>,
        %parallel_loop3A_154 = vector.shape_cast %parallel_loop3A_153 : vector<1x16xf32> to vector<16xf32>
        %parallel_loop3A_155 = arith.addf %parallel_loop3A_150, %parallel_loop3A_154 : vector<16xf32>
        %parallel_loop3A_156 = arith.index_cast %parallel_loop3A_118 : i32 to index
        %parallel_loop3A_157 = arith.constant 32 : index
        %parallel_loop3A_158 = tpu.vector_load %arg15[%parallel_loop3A_156, %parallel_loop3A_157] {strides = array<i32>} : memref<80x128xf32, #tpu.memory_space<vmem>>, vector<1x16xf32>,
        %parallel_loop3A_159 = vector.shape_cast %parallel_loop3A_158 : vector<1x16xf32> to vector<16xf32>
        %parallel_loop3A_160 = vector.shape_cast %parallel_loop3A_155 : vector<16xf32> to vector<1x16xf32>
        tpu.vector_store %arg15[%parallel_loop3A_156, %parallel_loop3A_157], %parallel_loop3A_160 {strides = array<i32>} : memref<80x128xf32, #tpu.memory_space<vmem>>, vector<1x16xf32>,
        %parallel_loop3A_161 = arith.index_cast %parallel_loop3A_118 : i32 to index
        %parallel_loop3A_162 = arith.constant 48 : index
        %parallel_loop3A_163 = tpu.vector_load %arg11[%parallel_loop3A_161, %parallel_loop3A_162] {strides = array<i32>} : memref<80x128xf32, #tpu.memory_space<vmem>>, vector<1x16xf32>,
        %parallel_loop3A_164 = vector.shape_cast %parallel_loop3A_163 : vector<1x16xf32> to vector<16xf32>
        %parallel_loop3A_165 = arith.index_cast %parallel_loop3A_118 : i32 to index
        %parallel_loop3A_166 = arith.constant 48 : index
        %parallel_loop3A_167 = tpu.vector_load %arg13[%parallel_loop3A_165, %parallel_loop3A_166] {strides = array<i32>} : memref<80x128xf32, #tpu.memory_space<vmem>>, vector<1x16xf32>,
        %parallel_loop3A_168 = vector.shape_cast %parallel_loop3A_167 : vector<1x16xf32> to vector<16xf32>
        %parallel_loop3A_169 = arith.addf %parallel_loop3A_164, %parallel_loop3A_168 : vector<16xf32>
        %parallel_loop3A_170 = arith.index_cast %parallel_loop3A_118 : i32 to index
        %parallel_loop3A_171 = arith.constant 48 : index
        %parallel_loop3A_172 = tpu.vector_load %arg15[%parallel_loop3A_170, %parallel_loop3A_171] {strides = array<i32>} : memref<80x128xf32, #tpu.memory_space<vmem>>, vector<1x16xf32>,
        %parallel_loop3A_173 = vector.shape_cast %parallel_loop3A_172 : vector<1x16xf32> to vector<16xf32>
        %parallel_loop3A_174 = vector.shape_cast %parallel_loop3A_169 : vector<16xf32> to vector<1x16xf32>
        tpu.vector_store %arg15[%parallel_loop3A_170, %parallel_loop3A_171], %parallel_loop3A_174 {strides = array<i32>} : memref<80x128xf32, #tpu.memory_space<vmem>>, vector<1x16xf32>,
        %parallel_loop3A_175 = arith.index_cast %parallel_loop3A_118 : i32 to index
        %parallel_loop3A_176 = arith.constant 64 : index
        %parallel_loop3A_177 = tpu.vector_load %arg11[%parallel_loop3A_175, %parallel_loop3A_176] {strides = array<i32>} : memref<80x128xf32, #tpu.memory_space<vmem>>, vector<1x16xf32>,
        %parallel_loop3A_178 = vector.shape_cast %parallel_loop3A_177 : vector<1x16xf32> to vector<16xf32>
        %parallel_loop3A_179 = arith.index_cast %parallel_loop3A_118 : i32 to index
        %parallel_loop3A_180 = arith.constant 64 : index
        %parallel_loop3A_181 = tpu.vector_load %arg13[%parallel_loop3A_179, %parallel_loop3A_180] {strides = array<i32>} : memref<80x128xf32, #tpu.memory_space<vmem>>, vector<1x16xf32>,
        %parallel_loop3A_182 = vector.shape_cast %parallel_loop3A_181 : vector<1x16xf32> to vector<16xf32>
        %parallel_loop3A_183 = arith.addf %parallel_loop3A_178, %parallel_loop3A_182 : vector<16xf32>
        %parallel_loop3A_184 = arith.index_cast %parallel_loop3A_118 : i32 to index
        %parallel_loop3A_185 = arith.constant 64 : index
        %parallel_loop3A_186 = tpu.vector_load %arg15[%parallel_loop3A_184, %parallel_loop3A_185] {strides = array<i32>} : memref<80x128xf32, #tpu.memory_space<vmem>>, vector<1x16xf32>,
        %parallel_loop3A_187 = vector.shape_cast %parallel_loop3A_186 : vector<1x16xf32> to vector<16xf32>
        %parallel_loop3A_188 = vector.shape_cast %parallel_loop3A_183 : vector<16xf32> to vector<1x16xf32>
        tpu.vector_store %arg15[%parallel_loop3A_184, %parallel_loop3A_185], %parallel_loop3A_188 {strides = array<i32>} : memref<80x128xf32, #tpu.memory_space<vmem>>, vector<1x16xf32>,
        %parallel_loop3A_189 = arith.index_cast %parallel_loop3A_118 : i32 to index
        %parallel_loop3A_190 = arith.constant 80 : index
        %parallel_loop3A_191 = tpu.vector_load %arg11[%parallel_loop3A_189, %parallel_loop3A_190] {strides = array<i32>} : memref<80x128xf32, #tpu.memory_space<vmem>>, vector<1x16xf32>,
        %parallel_loop3A_192 = vector.shape_cast %parallel_loop3A_191 : vector<1x16xf32> to vector<16xf32>
        %parallel_loop3A_193 = arith.index_cast %parallel_loop3A_118 : i32 to index
        %parallel_loop3A_194 = arith.constant 80 : index
        %parallel_loop3A_195 = tpu.vector_load %arg13[%parallel_loop3A_193, %parallel_loop3A_194] {strides = array<i32>} : memref<80x128xf32, #tpu.memory_space<vmem>>, vector<1x16xf32>,
        %parallel_loop3A_196 = vector.shape_cast %parallel_loop3A_195 : vector<1x16xf32> to vector<16xf32>
        %parallel_loop3A_197 = arith.addf %parallel_loop3A_192, %parallel_loop3A_196 : vector<16xf32>
        %parallel_loop3A_198 = arith.index_cast %parallel_loop3A_118 : i32 to index
        %parallel_loop3A_199 = arith.constant 80 : index
        %parallel_loop3A_200 = tpu.vector_load %arg15[%parallel_loop3A_198, %parallel_loop3A_199] {strides = array<i32>} : memref<80x128xf32, #tpu.memory_space<vmem>>, vector<1x16xf32>,
        %parallel_loop3A_201 = vector.shape_cast %parallel_loop3A_200 : vector<1x16xf32> to vector<16xf32>
        %parallel_loop3A_202 = vector.shape_cast %parallel_loop3A_197 : vector<16xf32> to vector<1x16xf32>
        tpu.vector_store %arg15[%parallel_loop3A_198, %parallel_loop3A_199], %parallel_loop3A_202 {strides = array<i32>} : memref<80x128xf32, #tpu.memory_space<vmem>>, vector<1x16xf32>,
        %parallel_loop3A_203 = arith.index_cast %parallel_loop3A_118 : i32 to index
        %parallel_loop3A_204 = arith.constant 96 : index
        %parallel_loop3A_205 = tpu.vector_load %arg11[%parallel_loop3A_203, %parallel_loop3A_204] {strides = array<i32>} : memref<80x128xf32, #tpu.memory_space<vmem>>, vector<1x16xf32>,
        %parallel_loop3A_206 = vector.shape_cast %parallel_loop3A_205 : vector<1x16xf32> to vector<16xf32>
        %parallel_loop3A_207 = arith.index_cast %parallel_loop3A_118 : i32 to index
        %parallel_loop3A_208 = arith.constant 96 : index
        %parallel_loop3A_209 = tpu.vector_load %arg13[%parallel_loop3A_207, %parallel_loop3A_208] {strides = array<i32>} : memref<80x128xf32, #tpu.memory_space<vmem>>, vector<1x16xf32>,
        %parallel_loop3A_210 = vector.shape_cast %parallel_loop3A_209 : vector<1x16xf32> to vector<16xf32>
        %parallel_loop3A_211 = arith.addf %parallel_loop3A_206, %parallel_loop3A_210 : vector<16xf32>
        %parallel_loop3A_212 = arith.index_cast %parallel_loop3A_118 : i32 to index
        %parallel_loop3A_213 = arith.constant 96 : index
        %parallel_loop3A_214 = tpu.vector_load %arg15[%parallel_loop3A_212, %parallel_loop3A_213] {strides = array<i32>} : memref<80x128xf32, #tpu.memory_space<vmem>>, vector<1x16xf32>,
        %parallel_loop3A_215 = vector.shape_cast %parallel_loop3A_214 : vector<1x16xf32> to vector<16xf32>
        %parallel_loop3A_216 = vector.shape_cast %parallel_loop3A_211 : vector<16xf32> to vector<1x16xf32>
        tpu.vector_store %arg15[%parallel_loop3A_212, %parallel_loop3A_213], %parallel_loop3A_216 {strides = array<i32>} : memref<80x128xf32, #tpu.memory_space<vmem>>, vector<1x16xf32>,
        %parallel_loop3A_217 = arith.index_cast %parallel_loop3A_118 : i32 to index
        %parallel_loop3A_218 = arith.constant 112 : index
        %parallel_loop3A_219 = tpu.vector_load %arg11[%parallel_loop3A_217, %parallel_loop3A_218] {strides = array<i32>} : memref<80x128xf32, #tpu.memory_space<vmem>>, vector<1x16xf32>,
        %parallel_loop3A_220 = vector.shape_cast %parallel_loop3A_219 : vector<1x16xf32> to vector<16xf32>
        %parallel_loop3A_221 = arith.index_cast %parallel_loop3A_118 : i32 to index
        %parallel_loop3A_222 = arith.constant 112 : index
        %parallel_loop3A_223 = tpu.vector_load %arg13[%parallel_loop3A_221, %parallel_loop3A_222] {strides = array<i32>} : memref<80x128xf32, #tpu.memory_space<vmem>>, vector<1x16xf32>,
        %parallel_loop3A_224 = vector.shape_cast %parallel_loop3A_223 : vector<1x16xf32> to vector<16xf32>
        %parallel_loop3A_225 = arith.addf %parallel_loop3A_220, %parallel_loop3A_224 : vector<16xf32>
        %parallel_loop3A_226 = arith.index_cast %parallel_loop3A_118 : i32 to index
        %parallel_loop3A_227 = arith.constant 112 : index
        %parallel_loop3A_228 = tpu.vector_load %arg15[%parallel_loop3A_226, %parallel_loop3A_227] {strides = array<i32>} : memref<80x128xf32, #tpu.memory_space<vmem>>, vector<1x16xf32>,
        %parallel_loop3A_229 = vector.shape_cast %parallel_loop3A_228 : vector<1x16xf32> to vector<16xf32>
        %parallel_loop3A_230 = vector.shape_cast %parallel_loop3A_225 : vector<16xf32> to vector<1x16xf32>
        tpu.vector_store %arg15[%parallel_loop3A_226, %parallel_loop3A_227], %parallel_loop3A_230 {strides = array<i32>} : memref<80x128xf32, #tpu.memory_space<vmem>>, vector<1x16xf32>,
      } {sc.loop_unroll_factor = 2 : i64, sc.parallel_access}
      %dma_start3A_70 = arith.constant 0 : i32
      %dma_start3A_71 = tpu.memref_slice %arg6[%add3A_51, %dma_start3A_70] : memref<51200x128xf32, #tpu.memory_space<hbm>> -> memref<80x128xf32, #tpu.memory_space<hbm>>
      %dma_start3A_72 = arith.constant 0 : i32
      %dma_start3A_73 = tpu.memref_slice %arg6[%add3A_51, %dma_start3A_72] : memref<51200x128xf32, #tpu.memory_space<hbm>> -> memref<80x128xf32, #tpu.memory_space<hbm>>
      tpu.enqueue_dma source(%arg15 : memref<80x128xf32, #tpu.memory_space<vmem>>) target(%dma_start3A_73 : memref<80x128xf32, #tpu.memory_space<hbm>>) target_semaphore(%arg21 : memref<!tpu.dma_semaphore, #tpu.memory_space<semaphore_mem>>)
      %add3A_74 = arith.constant 2 : i32
      %add3A_75 = arith.addi %add3A_48, %add3A_74 : i32
      %lt3A = arith.constant 20 : i32
      %lt3A_76 = arith.cmpi slt, %add3A_75, %lt3A : i32
      %convert_element_type3A_77 = arith.extui %lt3A_76 : i1 to i32
      %cond3A_78 = arith.constant 0 : i32
      %cond3A_79 = arith.cmpi ne, %convert_element_type3A_77, %cond3A_78 : i32
      scf.if %cond3A_79 {
        %add3A_118 = arith.constant 2 : i32
        %add3A_119 = arith.addi %add3A_48, %add3A_118 : i32
        %dma_start3A_120 = arith.constant 0 : i32
        %dma_start3A_121 = tpu.memref_slice %arg9[%add3A_119, %dma_start3A_120] : memref<20x80xi32, #tpu.memory_space<vmem>> -> memref<1x80xi32, #tpu.memory_space<vmem>>
        %dma_start3A_122 = tpu.memref_squeeze %dma_start3A_121 : memref<1x80xi32, #tpu.memory_space<vmem>> -> memref<80xi32, #tpu.memory_space<vmem>>
        %dma_start3A_123 = arith.constant 0 : i32
        %dma_start3A_124 = arith.constant 0 : i32
        %dma_start3A_125 = tpu.memref_slice %arg7[%dma_start3A_123, %dma_start3A_124] : memref<512x128xf32, #tpu.memory_space<vmem_shared>> -> memref<512x128xf32, #tpu.memory_space<vmem_shared>>
        tpu.enqueue_indirect_dma source(%dma_start3A_125 : memref<512x128xf32, #tpu.memory_space<vmem_shared>>) target(%arg11 : memref<80x128xf32, #tpu.memory_space<vmem>>) offsets(%dma_start3A_122 : memref<80xi32, #tpu.memory_space<vmem>>) semaphore(%arg17 : memref<!tpu.dma_semaphore, #tpu.memory_space<semaphore_mem>>)
        %dma_start3A_126 = arith.constant 0 : i32
        %dma_start3A_127 = tpu.memref_slice %arg10[%add3A_119, %dma_start3A_126] : memref<20x80xi32, #tpu.memory_space<vmem>> -> memref<1x80xi32, #tpu.memory_space<vmem>>
        %dma_start3A_128 = tpu.memref_squeeze %dma_start3A_127 : memref<1x80xi32, #tpu.memory_space<vmem>> -> memref<80xi32, #tpu.memory_space<vmem>>
        %dma_start3A_129 = arith.constant 0 : i32
        %dma_start3A_130 = arith.constant 0 : i32
        %dma_start3A_131 = tpu.memref_slice %arg8[%dma_start3A_129, %dma_start3A_130] : memref<512x128xf32, #tpu.memory_space<vmem_shared>> -> memref<512x128xf32, #tpu.memory_space<vmem_shared>>
        tpu.enqueue_indirect_dma source(%dma_start3A_131 : memref<512x128xf32, #tpu.memory_space<vmem_shared>>) target(%arg13 : memref<80x128xf32, #tpu.memory_space<vmem>>) offsets(%dma_start3A_128 : memref<80xi32, #tpu.memory_space<vmem>>) semaphore(%arg19 : memref<!tpu.dma_semaphore, #tpu.memory_space<semaphore_mem>>)
      } else {
      }
      %mul3A_80 = arith.constant 2 : i32
      %mul3A_81 = arith.muli %mul3A_80, %scan3A_44 : i32
      %add3A_82 = arith.constant 1 : i32
      %add3A_83 = arith.addi %mul3A_81, %add3A_82 : i32
      %mul3A_84 = arith.constant 80 : i32
      %mul3A_85 = arith.muli %add3A_83, %mul3A_84 : i32
      %add3A_86 = arith.addi %mul3A_2, %mul3A_85 : i32
      %dma_wait3A_87 = arith.constant 0 : i32
      %dma_wait3A_88 = tpu.memref_slice %arg9[%add3A_83, %dma_wait3A_87] : memref<20x80xi32, #tpu.memory_space<vmem>> -> memref<1x80xi32, #tpu.memory_space<vmem>>
      %dma_wait3A_89 = tpu.memref_squeeze %dma_wait3A_88 : memref<1x80xi32, #tpu.memory_space<vmem>> -> memref<80xi32, #tpu.memory_space<vmem>>
      %dma_wait3A_90 = arith.constant 0 : i32
      %dma_wait3A_91 = arith.constant 0 : i32
      %dma_wait3A_92 = tpu.memref_slice %arg7[%dma_wait3A_90, %dma_wait3A_91] : memref<512x128xf32, #tpu.memory_space<vmem_shared>> -> memref<512x128xf32, #tpu.memory_space<vmem_shared>>
      tpu.wait_indirect_dma semaphore(%arg18 : memref<!tpu.dma_semaphore, #tpu.memory_space<semaphore_mem>>) src(%dma_wait3A_92 : memref<512x128xf32, #tpu.memory_space<vmem_shared>>) dst(%arg12 : memref<80x128xf32, #tpu.memory_space<vmem>>)
      %dma_wait3A_93 = arith.constant 0 : i32
      %dma_wait3A_94 = tpu.memref_slice %arg10[%add3A_83, %dma_wait3A_93] : memref<20x80xi32, #tpu.memory_space<vmem>> -> memref<1x80xi32, #tpu.memory_space<vmem>>
      %dma_wait3A_95 = tpu.memref_squeeze %dma_wait3A_94 : memref<1x80xi32, #tpu.memory_space<vmem>> -> memref<80xi32, #tpu.memory_space<vmem>>
      %dma_wait3A_96 = arith.constant 0 : i32
      %dma_wait3A_97 = arith.constant 0 : i32
      %dma_wait3A_98 = tpu.memref_slice %arg8[%dma_wait3A_96, %dma_wait3A_97] : memref<512x128xf32, #tpu.memory_space<vmem_shared>> -> memref<512x128xf32, #tpu.memory_space<vmem_shared>>
      tpu.wait_indirect_dma semaphore(%arg20 : memref<!tpu.dma_semaphore, #tpu.memory_space<semaphore_mem>>) src(%dma_wait3A_98 : memref<512x128xf32, #tpu.memory_space<vmem_shared>>) dst(%arg14 : memref<80x128xf32, #tpu.memory_space<vmem>>)
      %gt3A_99 = arith.constant 0 : i32
      %gt3A_100 = arith.cmpi sgt, %scan3A_44, %gt3A_99 : i32
      %convert_element_type3A_101 = arith.extui %gt3A_100 : i1 to i32
      %cond3A_102 = arith.constant 0 : i32
      %cond3A_103 = arith.cmpi ne, %convert_element_type3A_101, %cond3A_102 : i32
      scf.if %cond3A_103 {
        %dma_wait3A_118 = arith.constant 0 : i32
        %dma_wait3A_119 = tpu.memref_slice %arg6[%mul3A_2, %dma_wait3A_118] : memref<51200x128xf32, #tpu.memory_space<hbm>> -> memref<80x128xf32, #tpu.memory_space<hbm>>
        %dma_wait3A_120 = arith.constant 0 : i32
        %dma_wait3A_121 = tpu.memref_slice %arg6[%mul3A_2, %dma_wait3A_120] : memref<51200x128xf32, #tpu.memory_space<hbm>> -> memref<80x128xf32, #tpu.memory_space<hbm>>
        tpu.wait_dma2 semaphore(%arg22 : memref<!tpu.dma_semaphore, #tpu.memory_space<semaphore_mem>>) src(%arg16 : memref<80x128xf32, #tpu.memory_space<vmem>>) dst(%dma_wait3A_121 : memref<80x128xf32, #tpu.memory_space<hbm>>)
      } else {
      }
      %parallel_loop3A_104 = arith.constant 0 : i32
      %parallel_loop3A_105 = arith.constant 80 : i32
      %parallel_loop3A_106 = arith.constant 1 : i32
      scf.for %parallel_loop3A_118 = %parallel_loop3A_104 to %parallel_loop3A_105 step %parallel_loop3A_106  : i32 {
        %parallel_loop3A_119 = arith.index_cast %parallel_loop3A_118 : i32 to index
        %parallel_loop3A_120 = arith.constant 0 : index
        %parallel_loop3A_121 = tpu.vector_load %arg12[%parallel_loop3A_119, %parallel_loop3A_120] {strides = array<i32>} : memref<80x128xf32, #tpu.memory_space<vmem>>, vector<1x16xf32>,
        %parallel_loop3A_122 = vector.shape_cast %parallel_loop3A_121 : vector<1x16xf32> to vector<16xf32>
        %parallel_loop3A_123 = arith.index_cast %parallel_loop3A_118 : i32 to index
        %parallel_loop3A_124 = arith.constant 0 : index
        %parallel_loop3A_125 = tpu.vector_load %arg14[%parallel_loop3A_123, %parallel_loop3A_124] {strides = array<i32>} : memref<80x128xf32, #tpu.memory_space<vmem>>, vector<1x16xf32>,
        %parallel_loop3A_126 = vector.shape_cast %parallel_loop3A_125 : vector<1x16xf32> to vector<16xf32>
        %parallel_loop3A_127 = arith.addf %parallel_loop3A_122, %parallel_loop3A_126 : vector<16xf32>
        %parallel_loop3A_128 = arith.index_cast %parallel_loop3A_118 : i32 to index
        %parallel_loop3A_129 = arith.constant 0 : index
        %parallel_loop3A_130 = tpu.vector_load %arg16[%parallel_loop3A_128, %parallel_loop3A_129] {strides = array<i32>} : memref<80x128xf32, #tpu.memory_space<vmem>>, vector<1x16xf32>,
        %parallel_loop3A_131 = vector.shape_cast %parallel_loop3A_130 : vector<1x16xf32> to vector<16xf32>
        %parallel_loop3A_132 = vector.shape_cast %parallel_loop3A_127 : vector<16xf32> to vector<1x16xf32>
        tpu.vector_store %arg16[%parallel_loop3A_128, %parallel_loop3A_129], %parallel_loop3A_132 {strides = array<i32>} : memref<80x128xf32, #tpu.memory_space<vmem>>, vector<1x16xf32>,
        %parallel_loop3A_133 = arith.index_cast %parallel_loop3A_118 : i32 to index
        %parallel_loop3A_134 = arith.constant 16 : index
        %parallel_loop3A_135 = tpu.vector_load %arg12[%parallel_loop3A_133, %parallel_loop3A_134] {strides = array<i32>} : memref<80x128xf32, #tpu.memory_space<vmem>>, vector<1x16xf32>,
        %parallel_loop3A_136 = vector.shape_cast %parallel_loop3A_135 : vector<1x16xf32> to vector<16xf32>
        %parallel_loop3A_137 = arith.index_cast %parallel_loop3A_118 : i32 to index
        %parallel_loop3A_138 = arith.constant 16 : index
        %parallel_loop3A_139 = tpu.vector_load %arg14[%parallel_loop3A_137, %parallel_loop3A_138] {strides = array<i32>} : memref<80x128xf32, #tpu.memory_space<vmem>>, vector<1x16xf32>,
        %parallel_loop3A_140 = vector.shape_cast %parallel_loop3A_139 : vector<1x16xf32> to vector<16xf32>
        %parallel_loop3A_141 = arith.addf %parallel_loop3A_136, %parallel_loop3A_140 : vector<16xf32>
        %parallel_loop3A_142 = arith.index_cast %parallel_loop3A_118 : i32 to index
        %parallel_loop3A_143 = arith.constant 16 : index
        %parallel_loop3A_144 = tpu.vector_load %arg16[%parallel_loop3A_142, %parallel_loop3A_143] {strides = array<i32>} : memref<80x128xf32, #tpu.memory_space<vmem>>, vector<1x16xf32>,
        %parallel_loop3A_145 = vector.shape_cast %parallel_loop3A_144 : vector<1x16xf32> to vector<16xf32>
        %parallel_loop3A_146 = vector.shape_cast %parallel_loop3A_141 : vector<16xf32> to vector<1x16xf32>
        tpu.vector_store %arg16[%parallel_loop3A_142, %parallel_loop3A_143], %parallel_loop3A_146 {strides = array<i32>} : memref<80x128xf32, #tpu.memory_space<vmem>>, vector<1x16xf32>,
        %parallel_loop3A_147 = arith.index_cast %parallel_loop3A_118 : i32 to index
        %parallel_loop3A_148 = arith.constant 32 : index
        %parallel_loop3A_149 = tpu.vector_load %arg12[%parallel_loop3A_147, %parallel_loop3A_148] {strides = array<i32>} : memref<80x128xf32, #tpu.memory_space<vmem>>, vector<1x16xf32>,
        %parallel_loop3A_150 = vector.shape_cast %parallel_loop3A_149 : vector<1x16xf32> to vector<16xf32>
        %parallel_loop3A_151 = arith.index_cast %parallel_loop3A_118 : i32 to index
        %parallel_loop3A_152 = arith.constant 32 : index
        %parallel_loop3A_153 = tpu.vector_load %arg14[%parallel_loop3A_151, %parallel_loop3A_152] {strides = array<i32>} : memref<80x128xf32, #tpu.memory_space<vmem>>, vector<1x16xf32>,
        %parallel_loop3A_154 = vector.shape_cast %parallel_loop3A_153 : vector<1x16xf32> to vector<16xf32>
        %parallel_loop3A_155 = arith.addf %parallel_loop3A_150, %parallel_loop3A_154 : vector<16xf32>
        %parallel_loop3A_156 = arith.index_cast %parallel_loop3A_118 : i32 to index
        %parallel_loop3A_157 = arith.constant 32 : index
        %parallel_loop3A_158 = tpu.vector_load %arg16[%parallel_loop3A_156, %parallel_loop3A_157] {strides = array<i32>} : memref<80x128xf32, #tpu.memory_space<vmem>>, vector<1x16xf32>,
        %parallel_loop3A_159 = vector.shape_cast %parallel_loop3A_158 : vector<1x16xf32> to vector<16xf32>
        %parallel_loop3A_160 = vector.shape_cast %parallel_loop3A_155 : vector<16xf32> to vector<1x16xf32>
        tpu.vector_store %arg16[%parallel_loop3A_156, %parallel_loop3A_157], %parallel_loop3A_160 {strides = array<i32>} : memref<80x128xf32, #tpu.memory_space<vmem>>, vector<1x16xf32>,
        %parallel_loop3A_161 = arith.index_cast %parallel_loop3A_118 : i32 to index
        %parallel_loop3A_162 = arith.constant 48 : index
        %parallel_loop3A_163 = tpu.vector_load %arg12[%parallel_loop3A_161, %parallel_loop3A_162] {strides = array<i32>} : memref<80x128xf32, #tpu.memory_space<vmem>>, vector<1x16xf32>,
        %parallel_loop3A_164 = vector.shape_cast %parallel_loop3A_163 : vector<1x16xf32> to vector<16xf32>
        %parallel_loop3A_165 = arith.index_cast %parallel_loop3A_118 : i32 to index
        %parallel_loop3A_166 = arith.constant 48 : index
        %parallel_loop3A_167 = tpu.vector_load %arg14[%parallel_loop3A_165, %parallel_loop3A_166] {strides = array<i32>} : memref<80x128xf32, #tpu.memory_space<vmem>>, vector<1x16xf32>,
        %parallel_loop3A_168 = vector.shape_cast %parallel_loop3A_167 : vector<1x16xf32> to vector<16xf32>
        %parallel_loop3A_169 = arith.addf %parallel_loop3A_164, %parallel_loop3A_168 : vector<16xf32>
        %parallel_loop3A_170 = arith.index_cast %parallel_loop3A_118 : i32 to index
        %parallel_loop3A_171 = arith.constant 48 : index
        %parallel_loop3A_172 = tpu.vector_load %arg16[%parallel_loop3A_170, %parallel_loop3A_171] {strides = array<i32>} : memref<80x128xf32, #tpu.memory_space<vmem>>, vector<1x16xf32>,
        %parallel_loop3A_173 = vector.shape_cast %parallel_loop3A_172 : vector<1x16xf32> to vector<16xf32>
        %parallel_loop3A_174 = vector.shape_cast %parallel_loop3A_169 : vector<16xf32> to vector<1x16xf32>
        tpu.vector_store %arg16[%parallel_loop3A_170, %parallel_loop3A_171], %parallel_loop3A_174 {strides = array<i32>} : memref<80x128xf32, #tpu.memory_space<vmem>>, vector<1x16xf32>,
        %parallel_loop3A_175 = arith.index_cast %parallel_loop3A_118 : i32 to index
        %parallel_loop3A_176 = arith.constant 64 : index
        %parallel_loop3A_177 = tpu.vector_load %arg12[%parallel_loop3A_175, %parallel_loop3A_176] {strides = array<i32>} : memref<80x128xf32, #tpu.memory_space<vmem>>, vector<1x16xf32>,
        %parallel_loop3A_178 = vector.shape_cast %parallel_loop3A_177 : vector<1x16xf32> to vector<16xf32>
        %parallel_loop3A_179 = arith.index_cast %parallel_loop3A_118 : i32 to index
        %parallel_loop3A_180 = arith.constant 64 : index
        %parallel_loop3A_181 = tpu.vector_load %arg14[%parallel_loop3A_179, %parallel_loop3A_180] {strides = array<i32>} : memref<80x128xf32, #tpu.memory_space<vmem>>, vector<1x16xf32>,
        %parallel_loop3A_182 = vector.shape_cast %parallel_loop3A_181 : vector<1x16xf32> to vector<16xf32>
        %parallel_loop3A_183 = arith.addf %parallel_loop3A_178, %parallel_loop3A_182 : vector<16xf32>
        %parallel_loop3A_184 = arith.index_cast %parallel_loop3A_118 : i32 to index
        %parallel_loop3A_185 = arith.constant 64 : index
        %parallel_loop3A_186 = tpu.vector_load %arg16[%parallel_loop3A_184, %parallel_loop3A_185] {strides = array<i32>} : memref<80x128xf32, #tpu.memory_space<vmem>>, vector<1x16xf32>,
        %parallel_loop3A_187 = vector.shape_cast %parallel_loop3A_186 : vector<1x16xf32> to vector<16xf32>
        %parallel_loop3A_188 = vector.shape_cast %parallel_loop3A_183 : vector<16xf32> to vector<1x16xf32>
        tpu.vector_store %arg16[%parallel_loop3A_184, %parallel_loop3A_185], %parallel_loop3A_188 {strides = array<i32>} : memref<80x128xf32, #tpu.memory_space<vmem>>, vector<1x16xf32>,
        %parallel_loop3A_189 = arith.index_cast %parallel_loop3A_118 : i32 to index
        %parallel_loop3A_190 = arith.constant 80 : index
        %parallel_loop3A_191 = tpu.vector_load %arg12[%parallel_loop3A_189, %parallel_loop3A_190] {strides = array<i32>} : memref<80x128xf32, #tpu.memory_space<vmem>>, vector<1x16xf32>,
        %parallel_loop3A_192 = vector.shape_cast %parallel_loop3A_191 : vector<1x16xf32> to vector<16xf32>
        %parallel_loop3A_193 = arith.index_cast %parallel_loop3A_118 : i32 to index
        %parallel_loop3A_194 = arith.constant 80 : index
        %parallel_loop3A_195 = tpu.vector_load %arg14[%parallel_loop3A_193, %parallel_loop3A_194] {strides = array<i32>} : memref<80x128xf32, #tpu.memory_space<vmem>>, vector<1x16xf32>,
        %parallel_loop3A_196 = vector.shape_cast %parallel_loop3A_195 : vector<1x16xf32> to vector<16xf32>
        %parallel_loop3A_197 = arith.addf %parallel_loop3A_192, %parallel_loop3A_196 : vector<16xf32>
        %parallel_loop3A_198 = arith.index_cast %parallel_loop3A_118 : i32 to index
        %parallel_loop3A_199 = arith.constant 80 : index
        %parallel_loop3A_200 = tpu.vector_load %arg16[%parallel_loop3A_198, %parallel_loop3A_199] {strides = array<i32>} : memref<80x128xf32, #tpu.memory_space<vmem>>, vector<1x16xf32>,
        %parallel_loop3A_201 = vector.shape_cast %parallel_loop3A_200 : vector<1x16xf32> to vector<16xf32>
        %parallel_loop3A_202 = vector.shape_cast %parallel_loop3A_197 : vector<16xf32> to vector<1x16xf32>
        tpu.vector_store %arg16[%parallel_loop3A_198, %parallel_loop3A_199], %parallel_loop3A_202 {strides = array<i32>} : memref<80x128xf32, #tpu.memory_space<vmem>>, vector<1x16xf32>,
        %parallel_loop3A_203 = arith.index_cast %parallel_loop3A_118 : i32 to index
        %parallel_loop3A_204 = arith.constant 96 : index
        %parallel_loop3A_205 = tpu.vector_load %arg12[%parallel_loop3A_203, %parallel_loop3A_204] {strides = array<i32>} : memref<80x128xf32, #tpu.memory_space<vmem>>, vector<1x16xf32>,
        %parallel_loop3A_206 = vector.shape_cast %parallel_loop3A_205 : vector<1x16xf32> to vector<16xf32>
        %parallel_loop3A_207 = arith.index_cast %parallel_loop3A_118 : i32 to index
        %parallel_loop3A_208 = arith.constant 96 : index
        %parallel_loop3A_209 = tpu.vector_load %arg14[%parallel_loop3A_207, %parallel_loop3A_208] {strides = array<i32>} : memref<80x128xf32, #tpu.memory_space<vmem>>, vector<1x16xf32>,
        %parallel_loop3A_210 = vector.shape_cast %parallel_loop3A_209 : vector<1x16xf32> to vector<16xf32>
        %parallel_loop3A_211 = arith.addf %parallel_loop3A_206, %parallel_loop3A_210 : vector<16xf32>
        %parallel_loop3A_212 = arith.index_cast %parallel_loop3A_118 : i32 to index
        %parallel_loop3A_213 = arith.constant 96 : index
        %parallel_loop3A_214 = tpu.vector_load %arg16[%parallel_loop3A_212, %parallel_loop3A_213] {strides = array<i32>} : memref<80x128xf32, #tpu.memory_space<vmem>>, vector<1x16xf32>,
        %parallel_loop3A_215 = vector.shape_cast %parallel_loop3A_214 : vector<1x16xf32> to vector<16xf32>
        %parallel_loop3A_216 = vector.shape_cast %parallel_loop3A_211 : vector<16xf32> to vector<1x16xf32>
        tpu.vector_store %arg16[%parallel_loop3A_212, %parallel_loop3A_213], %parallel_loop3A_216 {strides = array<i32>} : memref<80x128xf32, #tpu.memory_space<vmem>>, vector<1x16xf32>,
        %parallel_loop3A_217 = arith.index_cast %parallel_loop3A_118 : i32 to index
        %parallel_loop3A_218 = arith.constant 112 : index
        %parallel_loop3A_219 = tpu.vector_load %arg12[%parallel_loop3A_217, %parallel_loop3A_218] {strides = array<i32>} : memref<80x128xf32, #tpu.memory_space<vmem>>, vector<1x16xf32>,
        %parallel_loop3A_220 = vector.shape_cast %parallel_loop3A_219 : vector<1x16xf32> to vector<16xf32>
        %parallel_loop3A_221 = arith.index_cast %parallel_loop3A_118 : i32 to index
        %parallel_loop3A_222 = arith.constant 112 : index
        %parallel_loop3A_223 = tpu.vector_load %arg14[%parallel_loop3A_221, %parallel_loop3A_222] {strides = array<i32>} : memref<80x128xf32, #tpu.memory_space<vmem>>, vector<1x16xf32>,
        %parallel_loop3A_224 = vector.shape_cast %parallel_loop3A_223 : vector<1x16xf32> to vector<16xf32>
        %parallel_loop3A_225 = arith.addf %parallel_loop3A_220, %parallel_loop3A_224 : vector<16xf32>
        %parallel_loop3A_226 = arith.index_cast %parallel_loop3A_118 : i32 to index
        %parallel_loop3A_227 = arith.constant 112 : index
        %parallel_loop3A_228 = tpu.vector_load %arg16[%parallel_loop3A_226, %parallel_loop3A_227] {strides = array<i32>} : memref<80x128xf32, #tpu.memory_space<vmem>>, vector<1x16xf32>,
        %parallel_loop3A_229 = vector.shape_cast %parallel_loop3A_228 : vector<1x16xf32> to vector<16xf32>
        %parallel_loop3A_230 = vector.shape_cast %parallel_loop3A_225 : vector<16xf32> to vector<1x16xf32>
        tpu.vector_store %arg16[%parallel_loop3A_226, %parallel_loop3A_227], %parallel_loop3A_230 {strides = array<i32>} : memref<80x128xf32, #tpu.memory_space<vmem>>, vector<1x16xf32>,
      } {sc.loop_unroll_factor = 2 : i64, sc.parallel_access}
      %dma_start3A_107 = arith.constant 0 : i32
      %dma_start3A_108 = tpu.memref_slice %arg6[%add3A_86, %dma_start3A_107] : memref<51200x128xf32, #tpu.memory_space<hbm>> -> memref<80x128xf32, #tpu.memory_space<hbm>>
      %dma_start3A_109 = arith.constant 0 : i32
      %dma_start3A_110 = tpu.memref_slice %arg6[%add3A_86, %dma_start3A_109] : memref<51200x128xf32, #tpu.memory_space<hbm>> -> memref<80x128xf32, #tpu.memory_space<hbm>>
      tpu.enqueue_dma source(%arg16 : memref<80x128xf32, #tpu.memory_space<vmem>>) target(%dma_start3A_110 : memref<80x128xf32, #tpu.memory_space<hbm>>) target_semaphore(%arg22 : memref<!tpu.dma_semaphore, #tpu.memory_space<semaphore_mem>>)
      %add3A_111 = arith.constant 2 : i32
      %add3A_112 = arith.addi %add3A_83, %add3A_111 : i32
      %lt3A_113 = arith.constant 20 : i32
      %lt3A_114 = arith.cmpi slt, %add3A_112, %lt3A_113 : i32
      %convert_element_type3A_115 = arith.extui %lt3A_114 : i1 to i32
      %cond3A_116 = arith.constant 0 : i32
      %cond3A_117 = arith.cmpi ne, %convert_element_type3A_115, %cond3A_116 : i32
      scf.if %cond3A_117 {
        %add3A_118 = arith.constant 2 : i32
        %add3A_119 = arith.addi %add3A_83, %add3A_118 : i32
        %dma_start3A_120 = arith.constant 0 : i32
        %dma_start3A_121 = tpu.memref_slice %arg9[%add3A_119, %dma_start3A_120] : memref<20x80xi32, #tpu.memory_space<vmem>> -> memref<1x80xi32, #tpu.memory_space<vmem>>
        %dma_start3A_122 = tpu.memref_squeeze %dma_start3A_121 : memref<1x80xi32, #tpu.memory_space<vmem>> -> memref<80xi32, #tpu.memory_space<vmem>>
        %dma_start3A_123 = arith.constant 0 : i32
        %dma_start3A_124 = arith.constant 0 : i32
        %dma_start3A_125 = tpu.memref_slice %arg7[%dma_start3A_123, %dma_start3A_124] : memref<512x128xf32, #tpu.memory_space<vmem_shared>> -> memref<512x128xf32, #tpu.memory_space<vmem_shared>>
        tpu.enqueue_indirect_dma source(%dma_start3A_125 : memref<512x128xf32, #tpu.memory_space<vmem_shared>>) target(%arg12 : memref<80x128xf32, #tpu.memory_space<vmem>>) offsets(%dma_start3A_122 : memref<80xi32, #tpu.memory_space<vmem>>) semaphore(%arg18 : memref<!tpu.dma_semaphore, #tpu.memory_space<semaphore_mem>>)
        %dma_start3A_126 = arith.constant 0 : i32
        %dma_start3A_127 = tpu.memref_slice %arg10[%add3A_119, %dma_start3A_126] : memref<20x80xi32, #tpu.memory_space<vmem>> -> memref<1x80xi32, #tpu.memory_space<vmem>>
        %dma_start3A_128 = tpu.memref_squeeze %dma_start3A_127 : memref<1x80xi32, #tpu.memory_space<vmem>> -> memref<80xi32, #tpu.memory_space<vmem>>
        %dma_start3A_129 = arith.constant 0 : i32
        %dma_start3A_130 = arith.constant 0 : i32
        %dma_start3A_131 = tpu.memref_slice %arg8[%dma_start3A_129, %dma_start3A_130] : memref<512x128xf32, #tpu.memory_space<vmem_shared>> -> memref<512x128xf32, #tpu.memory_space<vmem_shared>>
        tpu.enqueue_indirect_dma source(%dma_start3A_131 : memref<512x128xf32, #tpu.memory_space<vmem_shared>>) target(%arg14 : memref<80x128xf32, #tpu.memory_space<vmem>>) offsets(%dma_start3A_128 : memref<80xi32, #tpu.memory_space<vmem>>) semaphore(%arg20 : memref<!tpu.dma_semaphore, #tpu.memory_space<semaphore_mem>>)
      } else {
      }
    }
    %scan3A_36 = arith.constant 10 : i32
    %dma_wait3A = arith.constant 0 : i32
    %dma_wait3A_37 = tpu.memref_slice %arg6[%mul3A_2, %dma_wait3A] : memref<51200x128xf32, #tpu.memory_space<hbm>> -> memref<80x128xf32, #tpu.memory_space<hbm>>
    %dma_wait3A_38 = arith.constant 0 : i32
    %dma_wait3A_39 = tpu.memref_slice %arg6[%mul3A_2, %dma_wait3A_38] : memref<51200x128xf32, #tpu.memory_space<hbm>> -> memref<80x128xf32, #tpu.memory_space<hbm>>
    tpu.wait_dma2 semaphore(%arg21 : memref<!tpu.dma_semaphore, #tpu.memory_space<semaphore_mem>>) src(%arg15 : memref<80x128xf32, #tpu.memory_space<vmem>>) dst(%dma_wait3A_39 : memref<80x128xf32, #tpu.memory_space<hbm>>)
    %dma_wait3A_40 = arith.constant 0 : i32
    %dma_wait3A_41 = tpu.memref_slice %arg6[%mul3A_2, %dma_wait3A_40] : memref<51200x128xf32, #tpu.memory_space<hbm>> -> memref<80x128xf32, #tpu.memory_space<hbm>>
    %dma_wait3A_42 = arith.constant 0 : i32
    %dma_wait3A_43 = tpu.memref_slice %arg6[%mul3A_2, %dma_wait3A_42] : memref<51200x128xf32, #tpu.memory_space<hbm>> -> memref<80x128xf32, #tpu.memory_space<hbm>>
    tpu.wait_dma2 semaphore(%arg22 : memref<!tpu.dma_semaphore, #tpu.memory_space<semaphore_mem>>) src(%arg16 : memref<80x128xf32, #tpu.memory_space<vmem>>) dst(%dma_wait3A_43 : memref<80x128xf32, #tpu.memory_space<hbm>>)
    return
  }
}

#map = affine_map<(d0, d1) -> (0, 0)>
#map1 = affine_map<(d0, d1) -> (0, 0, 0)>
module attributes {stable_mosaic.version = 14 : i64} {
  func.func @k(%arg0: i32, %arg1: i32, %arg2: memref<512x128xf32, #tpu.memory_space<hbm>>, %arg3: memref<512x128xf32, #tpu.memory_space<hbm>>, %arg4: memref<32x20x80xi32, #tpu.memory_space<hbm>>, %arg5: memref<32x20x80xi32, #tpu.memory_space<hbm>>, %arg6: memref<51200x128xf32, #tpu.memory_space<hbm>>, %arg7: memref<512x128xf32, #tpu.memory_space<vmem_shared>>, %arg8: memref<512x128xf32, #tpu.memory_space<vmem_shared>>, %arg9: memref<20x80xi32, #tpu.memory_space<vmem>>, %arg10: memref<20x80xi32, #tpu.memory_space<vmem>>, %arg11: memref<80x128xf32, #tpu.memory_space<vmem>>, %arg12: memref<80x128xf32, #tpu.memory_space<vmem>>, %arg13: memref<80x128xf32, #tpu.memory_space<vmem>>, %arg14: memref<80x128xf32, #tpu.memory_space<vmem>>, %arg15: memref<80x128xf32, #tpu.memory_space<vmem>>, %arg16: memref<80x128xf32, #tpu.memory_space<vmem>>, %arg17: memref<!tpu.dma_semaphore, #tpu.memory_space<semaphore_mem>>, %arg18: memref<!tpu.dma_semaphore, #tpu.memory_space<semaphore_mem>>, %arg19: memref<!tpu.dma_semaphore, #tpu.memory_space<semaphore_mem>>, %arg20: memref<!tpu.dma_semaphore, #tpu.memory_space<semaphore_mem>>, %arg21: memref<!tpu.dma_semaphore, #tpu.memory_space<semaphore_mem>>, %arg22: memref<!tpu.dma_semaphore, #tpu.memory_space<semaphore_mem>>) attributes {dimension_semantics = [#tpu.dimension_semantics<core_parallel>, #tpu.dimension_semantics<subcore_parallel>], iteration_bounds = array<i64: 2, 16>, scalar_prefetch = 0 : i64, scratch_operands = 16 : i64, tpu.core_type = #tpu.core_type<sc_vector_subcore>, window_params = [{transform_indices = #map}, {transform_indices = #map}, {transform_indices = #map1}, {transform_indices = #map1}, {transform_indices = #map}]} {
    %mul3A = arith.constant 2 : i32
    %mul3A_0 = arith.muli %arg1, %mul3A : i32
    %add3A = arith.addi %mul3A_0, %arg0 : i32
    %mul3A_1 = arith.constant 1600 : i32
    %mul3A_2 = arith.muli %add3A, %mul3A_1 : i32
    %eq3A = arith.constant 0 : i32
    %eq3A_3 = arith.cmpi eq, %arg1, %eq3A : i32
    %convert_element_type3A = arith.extui %eq3A_3 : i1 to i32
    %cond3A = arith.constant 0 : i32
    %cond3A_4 = arith.cmpi ne, %convert_element_type3A, %cond3A : i32
    scf.if %cond3A_4 {
      "tpu.region"() ({
        %run_scoped3A = tpu.sem_alloc : memref<!tpu.dma_semaphore, #tpu.memory_space<semaphore_mem>>
        tpu.enqueue_dma source(%arg2 : memref<512x128xf32, #tpu.memory_space<hbm>>) target(%arg7 : memref<512x128xf32, #tpu.memory_space<vmem_shared>>) target_semaphore(%run_scoped3A : memref<!tpu.dma_semaphore, #tpu.memory_space<semaphore_mem>>)
        tpu.wait_dma2 semaphore(%run_scoped3A : memref<!tpu.dma_semaphore, #tpu.memory_space<semaphore_mem>>) src(%arg2 : memref<512x128xf32, #tpu.memory_space<hbm>>) dst(%arg7 : memref<512x128xf32, #tpu.memory_space<vmem_shared>>)
        tpu.yield
      }) : () -> ()
      "tpu.region"() ({
        %run_scoped3A = tpu.sem_alloc : memref<!tpu.dma_semaphore, #tpu.memory_space<semaphore_mem>>
        tpu.enqueue_dma source(%arg3 : memref<512x128xf32, #tpu.memory_space<hbm>>) target(%arg8 : memref<512x128xf32, #tpu.memory_space<vmem_shared>>) target_semaphore(%run_scoped3A : memref<!tpu.dma_semaphore, #tpu.memory_space<semaphore_mem>>)
        tpu.wait_dma2 semaphore(%run_scoped3A : memref<!tpu.dma_semaphore, #tpu.memory_space<semaphore_mem>>) src(%arg3 : memref<512x128xf32, #tpu.memory_space<hbm>>) dst(%arg8 : memref<512x128xf32, #tpu.memory_space<vmem_shared>>)
        tpu.yield
      }) : () -> ()
    } else {
    }
    "tpu.region"() ({
      %run_scoped3A = tpu.sem_alloc : memref<!tpu.dma_semaphore, #tpu.memory_space<semaphore_mem>>
      %dma_start3A_44 = arith.constant 0 : i32
      %dma_start3A_45 = arith.constant 0 : i32
      %dma_start3A_46 = tpu.memref_slice %arg4[%add3A, %dma_start3A_44, %dma_start3A_45] : memref<32x20x80xi32, #tpu.memory_space<hbm>> -> memref<1x20x80xi32, #tpu.memory_space<hbm>>
      %dma_start3A_47 = tpu.memref_squeeze %dma_start3A_46 : memref<1x20x80xi32, #tpu.memory_space<hbm>> -> memref<20x80xi32, #tpu.memory_space<hbm>>
      %dma_start3A_48 = arith.constant 0 : i32
      %dma_start3A_49 = arith.constant 0 : i32
      %dma_start3A_50 = tpu.memref_slice %arg4[%add3A, %dma_start3A_48, %dma_start3A_49] : memref<32x20x80xi32, #tpu.memory_space<hbm>> -> memref<1x20x80xi32, #tpu.memory_space<hbm>>
      %dma_start3A_51 = tpu.memref_squeeze %dma_start3A_50 : memref<1x20x80xi32, #tpu.memory_space<hbm>> -> memref<20x80xi32, #tpu.memory_space<hbm>>
      tpu.enqueue_dma source(%dma_start3A_51 : memref<20x80xi32, #tpu.memory_space<hbm>>) target(%arg9 : memref<20x80xi32, #tpu.memory_space<vmem>>) target_semaphore(%run_scoped3A : memref<!tpu.dma_semaphore, #tpu.memory_space<semaphore_mem>>)
      %dma_wait3A_52 = arith.constant 0 : i32
      %dma_wait3A_53 = arith.constant 0 : i32
      %dma_wait3A_54 = tpu.memref_slice %arg4[%add3A, %dma_wait3A_52, %dma_wait3A_53] : memref<32x20x80xi32, #tpu.memory_space<hbm>> -> memref<1x20x80xi32, #tpu.memory_space<hbm>>
      %dma_wait3A_55 = tpu.memref_squeeze %dma_wait3A_54 : memref<1x20x80xi32, #tpu.memory_space<hbm>> -> memref<20x80xi32, #tpu.memory_space<hbm>>
      %dma_wait3A_56 = arith.constant 0 : i32
      %dma_wait3A_57 = arith.constant 0 : i32
      %dma_wait3A_58 = tpu.memref_slice %arg4[%add3A, %dma_wait3A_56, %dma_wait3A_57] : memref<32x20x80xi32, #tpu.memory_space<hbm>> -> memref<1x20x80xi32, #tpu.memory_space<hbm>>
      %dma_wait3A_59 = tpu.memref_squeeze %dma_wait3A_58 : memref<1x20x80xi32, #tpu.memory_space<hbm>> -> memref<20x80xi32, #tpu.memory_space<hbm>>
      tpu.wait_dma2 semaphore(%run_scoped3A : memref<!tpu.dma_semaphore, #tpu.memory_space<semaphore_mem>>) src(%dma_wait3A_59 : memref<20x80xi32, #tpu.memory_space<hbm>>) dst(%arg9 : memref<20x80xi32, #tpu.memory_space<vmem>>)
      tpu.yield
    }) : () -> ()
    "tpu.region"() ({
      %run_scoped3A = tpu.sem_alloc : memref<!tpu.dma_semaphore, #tpu.memory_space<semaphore_mem>>
      %dma_start3A_44 = arith.constant 0 : i32
      %dma_start3A_45 = arith.constant 0 : i32
      %dma_start3A_46 = tpu.memref_slice %arg5[%add3A, %dma_start3A_44, %dma_start3A_45] : memref<32x20x80xi32, #tpu.memory_space<hbm>> -> memref<1x20x80xi32, #tpu.memory_space<hbm>>
      %dma_start3A_47 = tpu.memref_squeeze %dma_start3A_46 : memref<1x20x80xi32, #tpu.memory_space<hbm>> -> memref<20x80xi32, #tpu.memory_space<hbm>>
      %dma_start3A_48 = arith.constant 0 : i32
      %dma_start3A_49 = arith.constant 0 : i32
      %dma_start3A_50 = tpu.memref_slice %arg5[%add3A, %dma_start3A_48, %dma_start3A_49] : memref<32x20x80xi32, #tpu.memory_space<hbm>> -> memref<1x20x80xi32, #tpu.memory_space<hbm>>
      %dma_start3A_51 = tpu.memref_squeeze %dma_start3A_50 : memref<1x20x80xi32, #tpu.memory_space<hbm>> -> memref<20x80xi32, #tpu.memory_space<hbm>>
      tpu.enqueue_dma source(%dma_start3A_51 : memref<20x80xi32, #tpu.memory_space<hbm>>) target(%arg10 : memref<20x80xi32, #tpu.memory_space<vmem>>) target_semaphore(%run_scoped3A : memref<!tpu.dma_semaphore, #tpu.memory_space<semaphore_mem>>)
      %dma_wait3A_52 = arith.constant 0 : i32
      %dma_wait3A_53 = arith.constant 0 : i32
      %dma_wait3A_54 = tpu.memref_slice %arg5[%add3A, %dma_wait3A_52, %dma_wait3A_53] : memref<32x20x80xi32, #tpu.memory_space<hbm>> -> memref<1x20x80xi32, #tpu.memory_space<hbm>>
      %dma_wait3A_55 = tpu.memref_squeeze %dma_wait3A_54 : memref<1x20x80xi32, #tpu.memory_space<hbm>> -> memref<20x80xi32, #tpu.memory_space<hbm>>
      %dma_wait3A_56 = arith.constant 0 : i32
      %dma_wait3A_57 = arith.constant 0 : i32
      %dma_wait3A_58 = tpu.memref_slice %arg5[%add3A, %dma_wait3A_56, %dma_wait3A_57] : memref<32x20x80xi32, #tpu.memory_space<hbm>> -> memref<1x20x80xi32, #tpu.memory_space<hbm>>
      %dma_wait3A_59 = tpu.memref_squeeze %dma_wait3A_58 : memref<1x20x80xi32, #tpu.memory_space<hbm>> -> memref<20x80xi32, #tpu.memory_space<hbm>>
      tpu.wait_dma2 semaphore(%run_scoped3A : memref<!tpu.dma_semaphore, #tpu.memory_space<semaphore_mem>>) src(%dma_wait3A_59 : memref<20x80xi32, #tpu.memory_space<hbm>>) dst(%arg10 : memref<20x80xi32, #tpu.memory_space<vmem>>)
      tpu.yield
    }) : () -> ()
    %barrier3A = arith.constant 0 : index
    tpu.barrier barrier_id(%barrier3A)
    %dma_start3A = arith.constant 0 : i32
    %dma_start3A_5 = arith.constant 0 : i32
    %dma_start3A_6 = tpu.memref_slice %arg9[%dma_start3A, %dma_start3A_5] : memref<20x80xi32, #tpu.memory_space<vmem>> -> memref<1x80xi32, #tpu.memory_space<vmem>>
    %dma_start3A_7 = tpu.memref_squeeze %dma_start3A_6 : memref<1x80xi32, #tpu.memory_space<vmem>> -> memref<80xi32, #tpu.memory_space<vmem>>
    %dma_start3A_8 = arith.constant 0 : i32
    %dma_start3A_9 = arith.constant 0 : i32
    %dma_start3A_10 = tpu.memref_slice %arg7[%dma_start3A_8, %dma_start3A_9] : memref<512x128xf32, #tpu.memory_space<vmem_shared>> -> memref<512x128xf32, #tpu.memory_space<vmem_shared>>
    tpu.enqueue_indirect_dma source(%dma_start3A_10 : memref<512x128xf32, #tpu.memory_space<vmem_shared>>) target(%arg11 : memref<80x128xf32, #tpu.memory_space<vmem>>) offsets(%dma_start3A_7 : memref<80xi32, #tpu.memory_space<vmem>>) semaphore(%arg17 : memref<!tpu.dma_semaphore, #tpu.memory_space<semaphore_mem>>)
    %dma_start3A_11 = arith.constant 0 : i32
    %dma_start3A_12 = arith.constant 0 : i32
    %dma_start3A_13 = tpu.memref_slice %arg10[%dma_start3A_11, %dma_start3A_12] : memref<20x80xi32, #tpu.memory_space<vmem>> -> memref<1x80xi32, #tpu.memory_space<vmem>>
    %dma_start3A_14 = tpu.memref_squeeze %dma_start3A_13 : memref<1x80xi32, #tpu.memory_space<vmem>> -> memref<80xi32, #tpu.memory_space<vmem>>
    %dma_start3A_15 = arith.constant 0 : i32
    %dma_start3A_16 = arith.constant 0 : i32
    %dma_start3A_17 = tpu.memref_slice %arg8[%dma_start3A_15, %dma_start3A_16] : memref<512x128xf32, #tpu.memory_space<vmem_shared>> -> memref<512x128xf32, #tpu.memory_space<vmem_shared>>
    tpu.enqueue_indirect_dma source(%dma_start3A_17 : memref<512x128xf32, #tpu.memory_space<vmem_shared>>) target(%arg13 : memref<80x128xf32, #tpu.memory_space<vmem>>) offsets(%dma_start3A_14 : memref<80xi32, #tpu.memory_space<vmem>>) semaphore(%arg19 : memref<!tpu.dma_semaphore, #tpu.memory_space<semaphore_mem>>)
    %dma_start3A_18 = arith.constant 1 : i32
    %dma_start3A_19 = arith.constant 0 : i32
    %dma_start3A_20 = tpu.memref_slice %arg9[%dma_start3A_18, %dma_start3A_19] : memref<20x80xi32, #tpu.memory_space<vmem>> -> memref<1x80xi32, #tpu.memory_space<vmem>>
    %dma_start3A_21 = tpu.memref_squeeze %dma_start3A_20 : memref<1x80xi32, #tpu.memory_space<vmem>> -> memref<80xi32, #tpu.memory_space<vmem>>
    %dma_start3A_22 = arith.constant 0 : i32
    %dma_start3A_23 = arith.constant 0 : i32
    %dma_start3A_24 = tpu.memref_slice %arg7[%dma_start3A_22, %dma_start3A_23] : memref<512x128xf32, #tpu.memory_space<vmem_shared>> -> memref<512x128xf32, #tpu.memory_space<vmem_shared>>
    tpu.enqueue_indirect_dma source(%dma_start3A_24 : memref<512x128xf32, #tpu.memory_space<vmem_shared>>) target(%arg12 : memref<80x128xf32, #tpu.memory_space<vmem>>) offsets(%dma_start3A_21 : memref<80xi32, #tpu.memory_space<vmem>>) semaphore(%arg18 : memref<!tpu.dma_semaphore, #tpu.memory_space<semaphore_mem>>)
    %dma_start3A_25 = arith.constant 1 : i32
    %dma_start3A_26 = arith.constant 0 : i32
    %dma_start3A_27 = tpu.memref_slice %arg10[%dma_start3A_25, %dma_start3A_26] : memref<20x80xi32, #tpu.memory_space<vmem>> -> memref<1x80xi32, #tpu.memory_space<vmem>>
    %dma_start3A_28 = tpu.memref_squeeze %dma_start3A_27 : memref<1x80xi32, #tpu.memory_space<vmem>> -> memref<80xi32, #tpu.memory_space<vmem>>
    %dma_start3A_29 = arith.constant 0 : i32
    %dma_start3A_30 = arith.constant 0 : i32
    %dma_start3A_31 = tpu.memref_slice %arg8[%dma_start3A_29, %dma_start3A_30] : memref<512x128xf32, #tpu.memory_space<vmem_shared>> -> memref<512x128xf32, #tpu.memory_space<vmem_shared>>
    tpu.enqueue_indirect_dma source(%dma_start3A_31 : memref<512x128xf32, #tpu.memory_space<vmem_shared>>) target(%arg14 : memref<80x128xf32, #tpu.memory_space<vmem>>) offsets(%dma_start3A_28 : memref<80xi32, #tpu.memory_space<vmem>>) semaphore(%arg20 : memref<!tpu.dma_semaphore, #tpu.memory_space<semaphore_mem>>)
    %scan3A = arith.constant 0 : i32
    %scan3A_32 = arith.constant 0 : i32
    %scan3A_33 = arith.constant 10 : i32
    %scan3A_34 = arith.addi %scan3A_32, %scan3A_33 : i32
    %scan3A_35 = arith.constant 1 : i32
    scf.for %scan3A_44 = %scan3A_32 to %scan3A_34 step %scan3A_35  : i32 {
      %mul3A_45 = arith.constant 2 : i32
      %mul3A_46 = arith.muli %mul3A_45, %scan3A_44 : i32
      %add3A_47 = arith.constant 0 : i32
      %add3A_48 = arith.addi %mul3A_46, %add3A_47 : i32
      %mul3A_49 = arith.constant 80 : i32
      %mul3A_50 = arith.muli %add3A_48, %mul3A_49 : i32
      %add3A_51 = arith.addi %mul3A_2, %mul3A_50 : i32
      %dma_wait3A_52 = arith.constant 0 : i32
      %dma_wait3A_53 = tpu.memref_slice %arg9[%add3A_48, %dma_wait3A_52] : memref<20x80xi32, #tpu.memory_space<vmem>> -> memref<1x80xi32, #tpu.memory_space<vmem>>
      %dma_wait3A_54 = tpu.memref_squeeze %dma_wait3A_53 : memref<1x80xi32, #tpu.memory_space<vmem>> -> memref<80xi32, #tpu.memory_space<vmem>>
      %dma_wait3A_55 = arith.constant 0 : i32
      %dma_wait3A_56 = arith.constant 0 : i32
      %dma_wait3A_57 = tpu.memref_slice %arg7[%dma_wait3A_55, %dma_wait3A_56] : memref<512x128xf32, #tpu.memory_space<vmem_shared>> -> memref<512x128xf32, #tpu.memory_space<vmem_shared>>
      tpu.wait_indirect_dma semaphore(%arg17 : memref<!tpu.dma_semaphore, #tpu.memory_space<semaphore_mem>>) src(%dma_wait3A_57 : memref<512x128xf32, #tpu.memory_space<vmem_shared>>) dst(%arg11 : memref<80x128xf32, #tpu.memory_space<vmem>>)
      %dma_wait3A_58 = arith.constant 0 : i32
      %dma_wait3A_59 = tpu.memref_slice %arg10[%add3A_48, %dma_wait3A_58] : memref<20x80xi32, #tpu.memory_space<vmem>> -> memref<1x80xi32, #tpu.memory_space<vmem>>
      %dma_wait3A_60 = tpu.memref_squeeze %dma_wait3A_59 : memref<1x80xi32, #tpu.memory_space<vmem>> -> memref<80xi32, #tpu.memory_space<vmem>>
      %dma_wait3A_61 = arith.constant 0 : i32
      %dma_wait3A_62 = arith.constant 0 : i32
      %dma_wait3A_63 = tpu.memref_slice %arg8[%dma_wait3A_61, %dma_wait3A_62] : memref<512x128xf32, #tpu.memory_space<vmem_shared>> -> memref<512x128xf32, #tpu.memory_space<vmem_shared>>
      tpu.wait_indirect_dma semaphore(%arg19 : memref<!tpu.dma_semaphore, #tpu.memory_space<semaphore_mem>>) src(%dma_wait3A_63 : memref<512x128xf32, #tpu.memory_space<vmem_shared>>) dst(%arg13 : memref<80x128xf32, #tpu.memory_space<vmem>>)
      %gt3A = arith.constant 0 : i32
      %gt3A_64 = arith.cmpi sgt, %scan3A_44, %gt3A : i32
      %convert_element_type3A_65 = arith.extui %gt3A_64 : i1 to i32
      %cond3A_66 = arith.constant 0 : i32
      %cond3A_67 = arith.cmpi ne, %convert_element_type3A_65, %cond3A_66 : i32
      scf.if %cond3A_67 {
        %dma_wait3A_118 = arith.constant 0 : i32
        %dma_wait3A_119 = tpu.memref_slice %arg6[%mul3A_2, %dma_wait3A_118] : memref<51200x128xf32, #tpu.memory_space<hbm>> -> memref<80x128xf32, #tpu.memory_space<hbm>>
        %dma_wait3A_120 = arith.constant 0 : i32
        %dma_wait3A_121 = tpu.memref_slice %arg6[%mul3A_2, %dma_wait3A_120] : memref<51200x128xf32, #tpu.memory_space<hbm>> -> memref<80x128xf32, #tpu.memory_space<hbm>>
        tpu.wait_dma2 semaphore(%arg21 : memref<!tpu.dma_semaphore, #tpu.memory_space<semaphore_mem>>) src(%arg15 : memref<80x128xf32, #tpu.memory_space<vmem>>) dst(%dma_wait3A_121 : memref<80x128xf32, #tpu.memory_space<hbm>>)
      } else {
      }
      %parallel_loop3A = arith.constant 0 : i32
      %parallel_loop3A_68 = arith.constant 80 : i32
      %parallel_loop3A_69 = arith.constant 1 : i32
      scf.for %parallel_loop3A_118 = %parallel_loop3A to %parallel_loop3A_68 step %parallel_loop3A_69  : i32 {
        %parallel_loop3A_119 = arith.index_cast %parallel_loop3A_118 : i32 to index
        %parallel_loop3A_120 = arith.constant 0 : index
        %parallel_loop3A_121 = tpu.vector_load %arg11[%parallel_loop3A_119, %parallel_loop3A_120] {strides = array<i32>} : memref<80x128xf32, #tpu.memory_space<vmem>>, vector<1x16xf32>,
        %parallel_loop3A_122 = vector.shape_cast %parallel_loop3A_121 : vector<1x16xf32> to vector<16xf32>
        %parallel_loop3A_123 = arith.index_cast %parallel_loop3A_118 : i32 to index
        %parallel_loop3A_124 = arith.constant 0 : index
        %parallel_loop3A_125 = tpu.vector_load %arg13[%parallel_loop3A_123, %parallel_loop3A_124] {strides = array<i32>} : memref<80x128xf32, #tpu.memory_space<vmem>>, vector<1x16xf32>,
        %parallel_loop3A_126 = vector.shape_cast %parallel_loop3A_125 : vector<1x16xf32> to vector<16xf32>
        %parallel_loop3A_127 = arith.addf %parallel_loop3A_122, %parallel_loop3A_126 : vector<16xf32>
        %parallel_loop3A_128 = arith.index_cast %parallel_loop3A_118 : i32 to index
        %parallel_loop3A_129 = arith.constant 0 : index
        %parallel_loop3A_130 = tpu.vector_load %arg15[%parallel_loop3A_128, %parallel_loop3A_129] {strides = array<i32>} : memref<80x128xf32, #tpu.memory_space<vmem>>, vector<1x16xf32>,
        %parallel_loop3A_131 = vector.shape_cast %parallel_loop3A_130 : vector<1x16xf32> to vector<16xf32>
        %parallel_loop3A_132 = vector.shape_cast %parallel_loop3A_127 : vector<16xf32> to vector<1x16xf32>
        tpu.vector_store %arg15[%parallel_loop3A_128, %parallel_loop3A_129], %parallel_loop3A_132 {strides = array<i32>} : memref<80x128xf32, #tpu.memory_space<vmem>>, vector<1x16xf32>,
        %parallel_loop3A_133 = arith.index_cast %parallel_loop3A_118 : i32 to index
        %parallel_loop3A_134 = arith.constant 16 : index
        %parallel_loop3A_135 = tpu.vector_load %arg11[%parallel_loop3A_133, %parallel_loop3A_134] {strides = array<i32>} : memref<80x128xf32, #tpu.memory_space<vmem>>, vector<1x16xf32>,
        %parallel_loop3A_136 = vector.shape_cast %parallel_loop3A_135 : vector<1x16xf32> to vector<16xf32>
        %parallel_loop3A_137 = arith.index_cast %parallel_loop3A_118 : i32 to index
        %parallel_loop3A_138 = arith.constant 16 : index
        %parallel_loop3A_139 = tpu.vector_load %arg13[%parallel_loop3A_137, %parallel_loop3A_138] {strides = array<i32>} : memref<80x128xf32, #tpu.memory_space<vmem>>, vector<1x16xf32>,
        %parallel_loop3A_140 = vector.shape_cast %parallel_loop3A_139 : vector<1x16xf32> to vector<16xf32>
        %parallel_loop3A_141 = arith.addf %parallel_loop3A_136, %parallel_loop3A_140 : vector<16xf32>
        %parallel_loop3A_142 = arith.index_cast %parallel_loop3A_118 : i32 to index
        %parallel_loop3A_143 = arith.constant 16 : index
        %parallel_loop3A_144 = tpu.vector_load %arg15[%parallel_loop3A_142, %parallel_loop3A_143] {strides = array<i32>} : memref<80x128xf32, #tpu.memory_space<vmem>>, vector<1x16xf32>,
        %parallel_loop3A_145 = vector.shape_cast %parallel_loop3A_144 : vector<1x16xf32> to vector<16xf32>
        %parallel_loop3A_146 = vector.shape_cast %parallel_loop3A_141 : vector<16xf32> to vector<1x16xf32>
        tpu.vector_store %arg15[%parallel_loop3A_142, %parallel_loop3A_143], %parallel_loop3A_146 {strides = array<i32>} : memref<80x128xf32, #tpu.memory_space<vmem>>, vector<1x16xf32>,
        %parallel_loop3A_147 = arith.index_cast %parallel_loop3A_118 : i32 to index
        %parallel_loop3A_148 = arith.constant 32 : index
        %parallel_loop3A_149 = tpu.vector_load %arg11[%parallel_loop3A_147, %parallel_loop3A_148] {strides = array<i32>} : memref<80x128xf32, #tpu.memory_space<vmem>>, vector<1x16xf32>,
        %parallel_loop3A_150 = vector.shape_cast %parallel_loop3A_149 : vector<1x16xf32> to vector<16xf32>
        %parallel_loop3A_151 = arith.index_cast %parallel_loop3A_118 : i32 to index
        %parallel_loop3A_152 = arith.constant 32 : index
        %parallel_loop3A_153 = tpu.vector_load %arg13[%parallel_loop3A_151, %parallel_loop3A_152] {strides = array<i32>} : memref<80x128xf32, #tpu.memory_space<vmem>>, vector<1x16xf32>,
        %parallel_loop3A_154 = vector.shape_cast %parallel_loop3A_153 : vector<1x16xf32> to vector<16xf32>
        %parallel_loop3A_155 = arith.addf %parallel_loop3A_150, %parallel_loop3A_154 : vector<16xf32>
        %parallel_loop3A_156 = arith.index_cast %parallel_loop3A_118 : i32 to index
        %parallel_loop3A_157 = arith.constant 32 : index
        %parallel_loop3A_158 = tpu.vector_load %arg15[%parallel_loop3A_156, %parallel_loop3A_157] {strides = array<i32>} : memref<80x128xf32, #tpu.memory_space<vmem>>, vector<1x16xf32>,
        %parallel_loop3A_159 = vector.shape_cast %parallel_loop3A_158 : vector<1x16xf32> to vector<16xf32>
        %parallel_loop3A_160 = vector.shape_cast %parallel_loop3A_155 : vector<16xf32> to vector<1x16xf32>
        tpu.vector_store %arg15[%parallel_loop3A_156, %parallel_loop3A_157], %parallel_loop3A_160 {strides = array<i32>} : memref<80x128xf32, #tpu.memory_space<vmem>>, vector<1x16xf32>,
        %parallel_loop3A_161 = arith.index_cast %parallel_loop3A_118 : i32 to index
        %parallel_loop3A_162 = arith.constant 48 : index
        %parallel_loop3A_163 = tpu.vector_load %arg11[%parallel_loop3A_161, %parallel_loop3A_162] {strides = array<i32>} : memref<80x128xf32, #tpu.memory_space<vmem>>, vector<1x16xf32>,
        %parallel_loop3A_164 = vector.shape_cast %parallel_loop3A_163 : vector<1x16xf32> to vector<16xf32>
        %parallel_loop3A_165 = arith.index_cast %parallel_loop3A_118 : i32 to index
        %parallel_loop3A_166 = arith.constant 48 : index
        %parallel_loop3A_167 = tpu.vector_load %arg13[%parallel_loop3A_165, %parallel_loop3A_166] {strides = array<i32>} : memref<80x128xf32, #tpu.memory_space<vmem>>, vector<1x16xf32>,
        %parallel_loop3A_168 = vector.shape_cast %parallel_loop3A_167 : vector<1x16xf32> to vector<16xf32>
        %parallel_loop3A_169 = arith.addf %parallel_loop3A_164, %parallel_loop3A_168 : vector<16xf32>
        %parallel_loop3A_170 = arith.index_cast %parallel_loop3A_118 : i32 to index
        %parallel_loop3A_171 = arith.constant 48 : index
        %parallel_loop3A_172 = tpu.vector_load %arg15[%parallel_loop3A_170, %parallel_loop3A_171] {strides = array<i32>} : memref<80x128xf32, #tpu.memory_space<vmem>>, vector<1x16xf32>,
        %parallel_loop3A_173 = vector.shape_cast %parallel_loop3A_172 : vector<1x16xf32> to vector<16xf32>
        %parallel_loop3A_174 = vector.shape_cast %parallel_loop3A_169 : vector<16xf32> to vector<1x16xf32>
        tpu.vector_store %arg15[%parallel_loop3A_170, %parallel_loop3A_171], %parallel_loop3A_174 {strides = array<i32>} : memref<80x128xf32, #tpu.memory_space<vmem>>, vector<1x16xf32>,
        %parallel_loop3A_175 = arith.index_cast %parallel_loop3A_118 : i32 to index
        %parallel_loop3A_176 = arith.constant 64 : index
        %parallel_loop3A_177 = tpu.vector_load %arg11[%parallel_loop3A_175, %parallel_loop3A_176] {strides = array<i32>} : memref<80x128xf32, #tpu.memory_space<vmem>>, vector<1x16xf32>,
        %parallel_loop3A_178 = vector.shape_cast %parallel_loop3A_177 : vector<1x16xf32> to vector<16xf32>
        %parallel_loop3A_179 = arith.index_cast %parallel_loop3A_118 : i32 to index
        %parallel_loop3A_180 = arith.constant 64 : index
        %parallel_loop3A_181 = tpu.vector_load %arg13[%parallel_loop3A_179, %parallel_loop3A_180] {strides = array<i32>} : memref<80x128xf32, #tpu.memory_space<vmem>>, vector<1x16xf32>,
        %parallel_loop3A_182 = vector.shape_cast %parallel_loop3A_181 : vector<1x16xf32> to vector<16xf32>
        %parallel_loop3A_183 = arith.addf %parallel_loop3A_178, %parallel_loop3A_182 : vector<16xf32>
        %parallel_loop3A_184 = arith.index_cast %parallel_loop3A_118 : i32 to index
        %parallel_loop3A_185 = arith.constant 64 : index
        %parallel_loop3A_186 = tpu.vector_load %arg15[%parallel_loop3A_184, %parallel_loop3A_185] {strides = array<i32>} : memref<80x128xf32, #tpu.memory_space<vmem>>, vector<1x16xf32>,
        %parallel_loop3A_187 = vector.shape_cast %parallel_loop3A_186 : vector<1x16xf32> to vector<16xf32>
        %parallel_loop3A_188 = vector.shape_cast %parallel_loop3A_183 : vector<16xf32> to vector<1x16xf32>
        tpu.vector_store %arg15[%parallel_loop3A_184, %parallel_loop3A_185], %parallel_loop3A_188 {strides = array<i32>} : memref<80x128xf32, #tpu.memory_space<vmem>>, vector<1x16xf32>,
        %parallel_loop3A_189 = arith.index_cast %parallel_loop3A_118 : i32 to index
        %parallel_loop3A_190 = arith.constant 80 : index
        %parallel_loop3A_191 = tpu.vector_load %arg11[%parallel_loop3A_189, %parallel_loop3A_190] {strides = array<i32>} : memref<80x128xf32, #tpu.memory_space<vmem>>, vector<1x16xf32>,
        %parallel_loop3A_192 = vector.shape_cast %parallel_loop3A_191 : vector<1x16xf32> to vector<16xf32>
        %parallel_loop3A_193 = arith.index_cast %parallel_loop3A_118 : i32 to index
        %parallel_loop3A_194 = arith.constant 80 : index
        %parallel_loop3A_195 = tpu.vector_load %arg13[%parallel_loop3A_193, %parallel_loop3A_194] {strides = array<i32>} : memref<80x128xf32, #tpu.memory_space<vmem>>, vector<1x16xf32>,
        %parallel_loop3A_196 = vector.shape_cast %parallel_loop3A_195 : vector<1x16xf32> to vector<16xf32>
        %parallel_loop3A_197 = arith.addf %parallel_loop3A_192, %parallel_loop3A_196 : vector<16xf32>
        %parallel_loop3A_198 = arith.index_cast %parallel_loop3A_118 : i32 to index
        %parallel_loop3A_199 = arith.constant 80 : index
        %parallel_loop3A_200 = tpu.vector_load %arg15[%parallel_loop3A_198, %parallel_loop3A_199] {strides = array<i32>} : memref<80x128xf32, #tpu.memory_space<vmem>>, vector<1x16xf32>,
        %parallel_loop3A_201 = vector.shape_cast %parallel_loop3A_200 : vector<1x16xf32> to vector<16xf32>
        %parallel_loop3A_202 = vector.shape_cast %parallel_loop3A_197 : vector<16xf32> to vector<1x16xf32>
        tpu.vector_store %arg15[%parallel_loop3A_198, %parallel_loop3A_199], %parallel_loop3A_202 {strides = array<i32>} : memref<80x128xf32, #tpu.memory_space<vmem>>, vector<1x16xf32>,
        %parallel_loop3A_203 = arith.index_cast %parallel_loop3A_118 : i32 to index
        %parallel_loop3A_204 = arith.constant 96 : index
        %parallel_loop3A_205 = tpu.vector_load %arg11[%parallel_loop3A_203, %parallel_loop3A_204] {strides = array<i32>} : memref<80x128xf32, #tpu.memory_space<vmem>>, vector<1x16xf32>,
        %parallel_loop3A_206 = vector.shape_cast %parallel_loop3A_205 : vector<1x16xf32> to vector<16xf32>
        %parallel_loop3A_207 = arith.index_cast %parallel_loop3A_118 : i32 to index
        %parallel_loop3A_208 = arith.constant 96 : index
        %parallel_loop3A_209 = tpu.vector_load %arg13[%parallel_loop3A_207, %parallel_loop3A_208] {strides = array<i32>} : memref<80x128xf32, #tpu.memory_space<vmem>>, vector<1x16xf32>,
        %parallel_loop3A_210 = vector.shape_cast %parallel_loop3A_209 : vector<1x16xf32> to vector<16xf32>
        %parallel_loop3A_211 = arith.addf %parallel_loop3A_206, %parallel_loop3A_210 : vector<16xf32>
        %parallel_loop3A_212 = arith.index_cast %parallel_loop3A_118 : i32 to index
        %parallel_loop3A_213 = arith.constant 96 : index
        %parallel_loop3A_214 = tpu.vector_load %arg15[%parallel_loop3A_212, %parallel_loop3A_213] {strides = array<i32>} : memref<80x128xf32, #tpu.memory_space<vmem>>, vector<1x16xf32>,
        %parallel_loop3A_215 = vector.shape_cast %parallel_loop3A_214 : vector<1x16xf32> to vector<16xf32>
        %parallel_loop3A_216 = vector.shape_cast %parallel_loop3A_211 : vector<16xf32> to vector<1x16xf32>
        tpu.vector_store %arg15[%parallel_loop3A_212, %parallel_loop3A_213], %parallel_loop3A_216 {strides = array<i32>} : memref<80x128xf32, #tpu.memory_space<vmem>>, vector<1x16xf32>,
        %parallel_loop3A_217 = arith.index_cast %parallel_loop3A_118 : i32 to index
        %parallel_loop3A_218 = arith.constant 112 : index
        %parallel_loop3A_219 = tpu.vector_load %arg11[%parallel_loop3A_217, %parallel_loop3A_218] {strides = array<i32>} : memref<80x128xf32, #tpu.memory_space<vmem>>, vector<1x16xf32>,
        %parallel_loop3A_220 = vector.shape_cast %parallel_loop3A_219 : vector<1x16xf32> to vector<16xf32>
        %parallel_loop3A_221 = arith.index_cast %parallel_loop3A_118 : i32 to index
        %parallel_loop3A_222 = arith.constant 112 : index
        %parallel_loop3A_223 = tpu.vector_load %arg13[%parallel_loop3A_221, %parallel_loop3A_222] {strides = array<i32>} : memref<80x128xf32, #tpu.memory_space<vmem>>, vector<1x16xf32>,
        %parallel_loop3A_224 = vector.shape_cast %parallel_loop3A_223 : vector<1x16xf32> to vector<16xf32>
        %parallel_loop3A_225 = arith.addf %parallel_loop3A_220, %parallel_loop3A_224 : vector<16xf32>
        %parallel_loop3A_226 = arith.index_cast %parallel_loop3A_118 : i32 to index
        %parallel_loop3A_227 = arith.constant 112 : index
        %parallel_loop3A_228 = tpu.vector_load %arg15[%parallel_loop3A_226, %parallel_loop3A_227] {strides = array<i32>} : memref<80x128xf32, #tpu.memory_space<vmem>>, vector<1x16xf32>,
        %parallel_loop3A_229 = vector.shape_cast %parallel_loop3A_228 : vector<1x16xf32> to vector<16xf32>
        %parallel_loop3A_230 = vector.shape_cast %parallel_loop3A_225 : vector<16xf32> to vector<1x16xf32>
        tpu.vector_store %arg15[%parallel_loop3A_226, %parallel_loop3A_227], %parallel_loop3A_230 {strides = array<i32>} : memref<80x128xf32, #tpu.memory_space<vmem>>, vector<1x16xf32>,
      } {sc.loop_unroll_factor = 2 : i64, sc.parallel_access}
      %dma_start3A_70 = arith.constant 0 : i32
      %dma_start3A_71 = tpu.memref_slice %arg6[%add3A_51, %dma_start3A_70] : memref<51200x128xf32, #tpu.memory_space<hbm>> -> memref<80x128xf32, #tpu.memory_space<hbm>>
      %dma_start3A_72 = arith.constant 0 : i32
      %dma_start3A_73 = tpu.memref_slice %arg6[%add3A_51, %dma_start3A_72] : memref<51200x128xf32, #tpu.memory_space<hbm>> -> memref<80x128xf32, #tpu.memory_space<hbm>>
      tpu.enqueue_dma source(%arg15 : memref<80x128xf32, #tpu.memory_space<vmem>>) target(%dma_start3A_73 : memref<80x128xf32, #tpu.memory_space<hbm>>) target_semaphore(%arg21 : memref<!tpu.dma_semaphore, #tpu.memory_space<semaphore_mem>>)
      %add3A_74 = arith.constant 2 : i32
      %add3A_75 = arith.addi %add3A_48, %add3A_74 : i32
      %lt3A = arith.constant 20 : i32
      %lt3A_76 = arith.cmpi slt, %add3A_75, %lt3A : i32
      %convert_element_type3A_77 = arith.extui %lt3A_76 : i1 to i32
      %cond3A_78 = arith.constant 0 : i32
      %cond3A_79 = arith.cmpi ne, %convert_element_type3A_77, %cond3A_78 : i32
      scf.if %cond3A_79 {
        %add3A_118 = arith.constant 2 : i32
        %add3A_119 = arith.addi %add3A_48, %add3A_118 : i32
        %dma_start3A_120 = arith.constant 0 : i32
        %dma_start3A_121 = tpu.memref_slice %arg9[%add3A_119, %dma_start3A_120] : memref<20x80xi32, #tpu.memory_space<vmem>> -> memref<1x80xi32, #tpu.memory_space<vmem>>
        %dma_start3A_122 = tpu.memref_squeeze %dma_start3A_121 : memref<1x80xi32, #tpu.memory_space<vmem>> -> memref<80xi32, #tpu.memory_space<vmem>>
        %dma_start3A_123 = arith.constant 0 : i32
        %dma_start3A_124 = arith.constant 0 : i32
        %dma_start3A_125 = tpu.memref_slice %arg7[%dma_start3A_123, %dma_start3A_124] : memref<512x128xf32, #tpu.memory_space<vmem_shared>> -> memref<512x128xf32, #tpu.memory_space<vmem_shared>>
        tpu.enqueue_indirect_dma source(%dma_start3A_125 : memref<512x128xf32, #tpu.memory_space<vmem_shared>>) target(%arg11 : memref<80x128xf32, #tpu.memory_space<vmem>>) offsets(%dma_start3A_122 : memref<80xi32, #tpu.memory_space<vmem>>) semaphore(%arg17 : memref<!tpu.dma_semaphore, #tpu.memory_space<semaphore_mem>>)
        %dma_start3A_126 = arith.constant 0 : i32
        %dma_start3A_127 = tpu.memref_slice %arg10[%add3A_119, %dma_start3A_126] : memref<20x80xi32, #tpu.memory_space<vmem>> -> memref<1x80xi32, #tpu.memory_space<vmem>>
        %dma_start3A_128 = tpu.memref_squeeze %dma_start3A_127 : memref<1x80xi32, #tpu.memory_space<vmem>> -> memref<80xi32, #tpu.memory_space<vmem>>
        %dma_start3A_129 = arith.constant 0 : i32
        %dma_start3A_130 = arith.constant 0 : i32
        %dma_start3A_131 = tpu.memref_slice %arg8[%dma_start3A_129, %dma_start3A_130] : memref<512x128xf32, #tpu.memory_space<vmem_shared>> -> memref<512x128xf32, #tpu.memory_space<vmem_shared>>
        tpu.enqueue_indirect_dma source(%dma_start3A_131 : memref<512x128xf32, #tpu.memory_space<vmem_shared>>) target(%arg13 : memref<80x128xf32, #tpu.memory_space<vmem>>) offsets(%dma_start3A_128 : memref<80xi32, #tpu.memory_space<vmem>>) semaphore(%arg19 : memref<!tpu.dma_semaphore, #tpu.memory_space<semaphore_mem>>)
      } else {
      }
      %mul3A_80 = arith.constant 2 : i32
      %mul3A_81 = arith.muli %mul3A_80, %scan3A_44 : i32
      %add3A_82 = arith.constant 1 : i32
      %add3A_83 = arith.addi %mul3A_81, %add3A_82 : i32
      %mul3A_84 = arith.constant 80 : i32
      %mul3A_85 = arith.muli %add3A_83, %mul3A_84 : i32
      %add3A_86 = arith.addi %mul3A_2, %mul3A_85 : i32
      %dma_wait3A_87 = arith.constant 0 : i32
      %dma_wait3A_88 = tpu.memref_slice %arg9[%add3A_83, %dma_wait3A_87] : memref<20x80xi32, #tpu.memory_space<vmem>> -> memref<1x80xi32, #tpu.memory_space<vmem>>
      %dma_wait3A_89 = tpu.memref_squeeze %dma_wait3A_88 : memref<1x80xi32, #tpu.memory_space<vmem>> -> memref<80xi32, #tpu.memory_space<vmem>>
      %dma_wait3A_90 = arith.constant 0 : i32
      %dma_wait3A_91 = arith.constant 0 : i32
      %dma_wait3A_92 = tpu.memref_slice %arg7[%dma_wait3A_90, %dma_wait3A_91] : memref<512x128xf32, #tpu.memory_space<vmem_shared>> -> memref<512x128xf32, #tpu.memory_space<vmem_shared>>
      tpu.wait_indirect_dma semaphore(%arg18 : memref<!tpu.dma_semaphore, #tpu.memory_space<semaphore_mem>>) src(%dma_wait3A_92 : memref<512x128xf32, #tpu.memory_space<vmem_shared>>) dst(%arg12 : memref<80x128xf32, #tpu.memory_space<vmem>>)
      %dma_wait3A_93 = arith.constant 0 : i32
      %dma_wait3A_94 = tpu.memref_slice %arg10[%add3A_83, %dma_wait3A_93] : memref<20x80xi32, #tpu.memory_space<vmem>> -> memref<1x80xi32, #tpu.memory_space<vmem>>
      %dma_wait3A_95 = tpu.memref_squeeze %dma_wait3A_94 : memref<1x80xi32, #tpu.memory_space<vmem>> -> memref<80xi32, #tpu.memory_space<vmem>>
      %dma_wait3A_96 = arith.constant 0 : i32
      %dma_wait3A_97 = arith.constant 0 : i32
      %dma_wait3A_98 = tpu.memref_slice %arg8[%dma_wait3A_96, %dma_wait3A_97] : memref<512x128xf32, #tpu.memory_space<vmem_shared>> -> memref<512x128xf32, #tpu.memory_space<vmem_shared>>
      tpu.wait_indirect_dma semaphore(%arg20 : memref<!tpu.dma_semaphore, #tpu.memory_space<semaphore_mem>>) src(%dma_wait3A_98 : memref<512x128xf32, #tpu.memory_space<vmem_shared>>) dst(%arg14 : memref<80x128xf32, #tpu.memory_space<vmem>>)
      %gt3A_99 = arith.constant 0 : i32
      %gt3A_100 = arith.cmpi sgt, %scan3A_44, %gt3A_99 : i32
      %convert_element_type3A_101 = arith.extui %gt3A_100 : i1 to i32
      %cond3A_102 = arith.constant 0 : i32
      %cond3A_103 = arith.cmpi ne, %convert_element_type3A_101, %cond3A_102 : i32
      scf.if %cond3A_103 {
        %dma_wait3A_118 = arith.constant 0 : i32
        %dma_wait3A_119 = tpu.memref_slice %arg6[%mul3A_2, %dma_wait3A_118] : memref<51200x128xf32, #tpu.memory_space<hbm>> -> memref<80x128xf32, #tpu.memory_space<hbm>>
        %dma_wait3A_120 = arith.constant 0 : i32
        %dma_wait3A_121 = tpu.memref_slice %arg6[%mul3A_2, %dma_wait3A_120] : memref<51200x128xf32, #tpu.memory_space<hbm>> -> memref<80x128xf32, #tpu.memory_space<hbm>>
        tpu.wait_dma2 semaphore(%arg22 : memref<!tpu.dma_semaphore, #tpu.memory_space<semaphore_mem>>) src(%arg16 : memref<80x128xf32, #tpu.memory_space<vmem>>) dst(%dma_wait3A_121 : memref<80x128xf32, #tpu.memory_space<hbm>>)
      } else {
      }
      %parallel_loop3A_104 = arith.constant 0 : i32
      %parallel_loop3A_105 = arith.constant 80 : i32
      %parallel_loop3A_106 = arith.constant 1 : i32
      scf.for %parallel_loop3A_118 = %parallel_loop3A_104 to %parallel_loop3A_105 step %parallel_loop3A_106  : i32 {
        %parallel_loop3A_119 = arith.index_cast %parallel_loop3A_118 : i32 to index
        %parallel_loop3A_120 = arith.constant 0 : index
        %parallel_loop3A_121 = tpu.vector_load %arg12[%parallel_loop3A_119, %parallel_loop3A_120] {strides = array<i32>} : memref<80x128xf32, #tpu.memory_space<vmem>>, vector<1x16xf32>,
        %parallel_loop3A_122 = vector.shape_cast %parallel_loop3A_121 : vector<1x16xf32> to vector<16xf32>
        %parallel_loop3A_123 = arith.index_cast %parallel_loop3A_118 : i32 to index
        %parallel_loop3A_124 = arith.constant 0 : index
        %parallel_loop3A_125 = tpu.vector_load %arg14[%parallel_loop3A_123, %parallel_loop3A_124] {strides = array<i32>} : memref<80x128xf32, #tpu.memory_space<vmem>>, vector<1x16xf32>,
        %parallel_loop3A_126 = vector.shape_cast %parallel_loop3A_125 : vector<1x16xf32> to vector<16xf32>
        %parallel_loop3A_127 = arith.addf %parallel_loop3A_122, %parallel_loop3A_126 : vector<16xf32>
        %parallel_loop3A_128 = arith.index_cast %parallel_loop3A_118 : i32 to index
        %parallel_loop3A_129 = arith.constant 0 : index
        %parallel_loop3A_130 = tpu.vector_load %arg16[%parallel_loop3A_128, %parallel_loop3A_129] {strides = array<i32>} : memref<80x128xf32, #tpu.memory_space<vmem>>, vector<1x16xf32>,
        %parallel_loop3A_131 = vector.shape_cast %parallel_loop3A_130 : vector<1x16xf32> to vector<16xf32>
        %parallel_loop3A_132 = vector.shape_cast %parallel_loop3A_127 : vector<16xf32> to vector<1x16xf32>
        tpu.vector_store %arg16[%parallel_loop3A_128, %parallel_loop3A_129], %parallel_loop3A_132 {strides = array<i32>} : memref<80x128xf32, #tpu.memory_space<vmem>>, vector<1x16xf32>,
        %parallel_loop3A_133 = arith.index_cast %parallel_loop3A_118 : i32 to index
        %parallel_loop3A_134 = arith.constant 16 : index
        %parallel_loop3A_135 = tpu.vector_load %arg12[%parallel_loop3A_133, %parallel_loop3A_134] {strides = array<i32>} : memref<80x128xf32, #tpu.memory_space<vmem>>, vector<1x16xf32>,
        %parallel_loop3A_136 = vector.shape_cast %parallel_loop3A_135 : vector<1x16xf32> to vector<16xf32>
        %parallel_loop3A_137 = arith.index_cast %parallel_loop3A_118 : i32 to index
        %parallel_loop3A_138 = arith.constant 16 : index
        %parallel_loop3A_139 = tpu.vector_load %arg14[%parallel_loop3A_137, %parallel_loop3A_138] {strides = array<i32>} : memref<80x128xf32, #tpu.memory_space<vmem>>, vector<1x16xf32>,
        %parallel_loop3A_140 = vector.shape_cast %parallel_loop3A_139 : vector<1x16xf32> to vector<16xf32>
        %parallel_loop3A_141 = arith.addf %parallel_loop3A_136, %parallel_loop3A_140 : vector<16xf32>
        %parallel_loop3A_142 = arith.index_cast %parallel_loop3A_118 : i32 to index
        %parallel_loop3A_143 = arith.constant 16 : index
        %parallel_loop3A_144 = tpu.vector_load %arg16[%parallel_loop3A_142, %parallel_loop3A_143] {strides = array<i32>} : memref<80x128xf32, #tpu.memory_space<vmem>>, vector<1x16xf32>,
        %parallel_loop3A_145 = vector.shape_cast %parallel_loop3A_144 : vector<1x16xf32> to vector<16xf32>
        %parallel_loop3A_146 = vector.shape_cast %parallel_loop3A_141 : vector<16xf32> to vector<1x16xf32>
        tpu.vector_store %arg16[%parallel_loop3A_142, %parallel_loop3A_143], %parallel_loop3A_146 {strides = array<i32>} : memref<80x128xf32, #tpu.memory_space<vmem>>, vector<1x16xf32>,
        %parallel_loop3A_147 = arith.index_cast %parallel_loop3A_118 : i32 to index
        %parallel_loop3A_148 = arith.constant 32 : index
        %parallel_loop3A_149 = tpu.vector_load %arg12[%parallel_loop3A_147, %parallel_loop3A_148] {strides = array<i32>} : memref<80x128xf32, #tpu.memory_space<vmem>>, vector<1x16xf32>,
        %parallel_loop3A_150 = vector.shape_cast %parallel_loop3A_149 : vector<1x16xf32> to vector<16xf32>
        %parallel_loop3A_151 = arith.index_cast %parallel_loop3A_118 : i32 to index
        %parallel_loop3A_152 = arith.constant 32 : index
        %parallel_loop3A_153 = tpu.vector_load %arg14[%parallel_loop3A_151, %parallel_loop3A_152] {strides = array<i32>} : memref<80x128xf32, #tpu.memory_space<vmem>>, vector<1x16xf32>,
        %parallel_loop3A_154 = vector.shape_cast %parallel_loop3A_153 : vector<1x16xf32> to vector<16xf32>
        %parallel_loop3A_155 = arith.addf %parallel_loop3A_150, %parallel_loop3A_154 : vector<16xf32>
        %parallel_loop3A_156 = arith.index_cast %parallel_loop3A_118 : i32 to index
        %parallel_loop3A_157 = arith.constant 32 : index
        %parallel_loop3A_158 = tpu.vector_load %arg16[%parallel_loop3A_156, %parallel_loop3A_157] {strides = array<i32>} : memref<80x128xf32, #tpu.memory_space<vmem>>, vector<1x16xf32>,
        %parallel_loop3A_159 = vector.shape_cast %parallel_loop3A_158 : vector<1x16xf32> to vector<16xf32>
        %parallel_loop3A_160 = vector.shape_cast %parallel_loop3A_155 : vector<16xf32> to vector<1x16xf32>
        tpu.vector_store %arg16[%parallel_loop3A_156, %parallel_loop3A_157], %parallel_loop3A_160 {strides = array<i32>} : memref<80x128xf32, #tpu.memory_space<vmem>>, vector<1x16xf32>,
        %parallel_loop3A_161 = arith.index_cast %parallel_loop3A_118 : i32 to index
        %parallel_loop3A_162 = arith.constant 48 : index
        %parallel_loop3A_163 = tpu.vector_load %arg12[%parallel_loop3A_161, %parallel_loop3A_162] {strides = array<i32>} : memref<80x128xf32, #tpu.memory_space<vmem>>, vector<1x16xf32>,
        %parallel_loop3A_164 = vector.shape_cast %parallel_loop3A_163 : vector<1x16xf32> to vector<16xf32>
        %parallel_loop3A_165 = arith.index_cast %parallel_loop3A_118 : i32 to index
        %parallel_loop3A_166 = arith.constant 48 : index
        %parallel_loop3A_167 = tpu.vector_load %arg14[%parallel_loop3A_165, %parallel_loop3A_166] {strides = array<i32>} : memref<80x128xf32, #tpu.memory_space<vmem>>, vector<1x16xf32>,
        %parallel_loop3A_168 = vector.shape_cast %parallel_loop3A_167 : vector<1x16xf32> to vector<16xf32>
        %parallel_loop3A_169 = arith.addf %parallel_loop3A_164, %parallel_loop3A_168 : vector<16xf32>
        %parallel_loop3A_170 = arith.index_cast %parallel_loop3A_118 : i32 to index
        %parallel_loop3A_171 = arith.constant 48 : index
        %parallel_loop3A_172 = tpu.vector_load %arg16[%parallel_loop3A_170, %parallel_loop3A_171] {strides = array<i32>} : memref<80x128xf32, #tpu.memory_space<vmem>>, vector<1x16xf32>,
        %parallel_loop3A_173 = vector.shape_cast %parallel_loop3A_172 : vector<1x16xf32> to vector<16xf32>
        %parallel_loop3A_174 = vector.shape_cast %parallel_loop3A_169 : vector<16xf32> to vector<1x16xf32>
        tpu.vector_store %arg16[%parallel_loop3A_170, %parallel_loop3A_171], %parallel_loop3A_174 {strides = array<i32>} : memref<80x128xf32, #tpu.memory_space<vmem>>, vector<1x16xf32>,
        %parallel_loop3A_175 = arith.index_cast %parallel_loop3A_118 : i32 to index
        %parallel_loop3A_176 = arith.constant 64 : index
        %parallel_loop3A_177 = tpu.vector_load %arg12[%parallel_loop3A_175, %parallel_loop3A_176] {strides = array<i32>} : memref<80x128xf32, #tpu.memory_space<vmem>>, vector<1x16xf32>,
        %parallel_loop3A_178 = vector.shape_cast %parallel_loop3A_177 : vector<1x16xf32> to vector<16xf32>
        %parallel_loop3A_179 = arith.index_cast %parallel_loop3A_118 : i32 to index
        %parallel_loop3A_180 = arith.constant 64 : index
        %parallel_loop3A_181 = tpu.vector_load %arg14[%parallel_loop3A_179, %parallel_loop3A_180] {strides = array<i32>} : memref<80x128xf32, #tpu.memory_space<vmem>>, vector<1x16xf32>,
        %parallel_loop3A_182 = vector.shape_cast %parallel_loop3A_181 : vector<1x16xf32> to vector<16xf32>
        %parallel_loop3A_183 = arith.addf %parallel_loop3A_178, %parallel_loop3A_182 : vector<16xf32>
        %parallel_loop3A_184 = arith.index_cast %parallel_loop3A_118 : i32 to index
        %parallel_loop3A_185 = arith.constant 64 : index
        %parallel_loop3A_186 = tpu.vector_load %arg16[%parallel_loop3A_184, %parallel_loop3A_185] {strides = array<i32>} : memref<80x128xf32, #tpu.memory_space<vmem>>, vector<1x16xf32>,
        %parallel_loop3A_187 = vector.shape_cast %parallel_loop3A_186 : vector<1x16xf32> to vector<16xf32>
        %parallel_loop3A_188 = vector.shape_cast %parallel_loop3A_183 : vector<16xf32> to vector<1x16xf32>
        tpu.vector_store %arg16[%parallel_loop3A_184, %parallel_loop3A_185], %parallel_loop3A_188 {strides = array<i32>} : memref<80x128xf32, #tpu.memory_space<vmem>>, vector<1x16xf32>,
        %parallel_loop3A_189 = arith.index_cast %parallel_loop3A_118 : i32 to index
        %parallel_loop3A_190 = arith.constant 80 : index
        %parallel_loop3A_191 = tpu.vector_load %arg12[%parallel_loop3A_189, %parallel_loop3A_190] {strides = array<i32>} : memref<80x128xf32, #tpu.memory_space<vmem>>, vector<1x16xf32>,
        %parallel_loop3A_192 = vector.shape_cast %parallel_loop3A_191 : vector<1x16xf32> to vector<16xf32>
        %parallel_loop3A_193 = arith.index_cast %parallel_loop3A_118 : i32 to index
        %parallel_loop3A_194 = arith.constant 80 : index
        %parallel_loop3A_195 = tpu.vector_load %arg14[%parallel_loop3A_193, %parallel_loop3A_194] {strides = array<i32>} : memref<80x128xf32, #tpu.memory_space<vmem>>, vector<1x16xf32>,
        %parallel_loop3A_196 = vector.shape_cast %parallel_loop3A_195 : vector<1x16xf32> to vector<16xf32>
        %parallel_loop3A_197 = arith.addf %parallel_loop3A_192, %parallel_loop3A_196 : vector<16xf32>
        %parallel_loop3A_198 = arith.index_cast %parallel_loop3A_118 : i32 to index
        %parallel_loop3A_199 = arith.constant 80 : index
        %parallel_loop3A_200 = tpu.vector_load %arg16[%parallel_loop3A_198, %parallel_loop3A_199] {strides = array<i32>} : memref<80x128xf32, #tpu.memory_space<vmem>>, vector<1x16xf32>,
        %parallel_loop3A_201 = vector.shape_cast %parallel_loop3A_200 : vector<1x16xf32> to vector<16xf32>
        %parallel_loop3A_202 = vector.shape_cast %parallel_loop3A_197 : vector<16xf32> to vector<1x16xf32>
        tpu.vector_store %arg16[%parallel_loop3A_198, %parallel_loop3A_199], %parallel_loop3A_202 {strides = array<i32>} : memref<80x128xf32, #tpu.memory_space<vmem>>, vector<1x16xf32>,
        %parallel_loop3A_203 = arith.index_cast %parallel_loop3A_118 : i32 to index
        %parallel_loop3A_204 = arith.constant 96 : index
        %parallel_loop3A_205 = tpu.vector_load %arg12[%parallel_loop3A_203, %parallel_loop3A_204] {strides = array<i32>} : memref<80x128xf32, #tpu.memory_space<vmem>>, vector<1x16xf32>,
        %parallel_loop3A_206 = vector.shape_cast %parallel_loop3A_205 : vector<1x16xf32> to vector<16xf32>
        %parallel_loop3A_207 = arith.index_cast %parallel_loop3A_118 : i32 to index
        %parallel_loop3A_208 = arith.constant 96 : index
        %parallel_loop3A_209 = tpu.vector_load %arg14[%parallel_loop3A_207, %parallel_loop3A_208] {strides = array<i32>} : memref<80x128xf32, #tpu.memory_space<vmem>>, vector<1x16xf32>,
        %parallel_loop3A_210 = vector.shape_cast %parallel_loop3A_209 : vector<1x16xf32> to vector<16xf32>
        %parallel_loop3A_211 = arith.addf %parallel_loop3A_206, %parallel_loop3A_210 : vector<16xf32>
        %parallel_loop3A_212 = arith.index_cast %parallel_loop3A_118 : i32 to index
        %parallel_loop3A_213 = arith.constant 96 : index
        %parallel_loop3A_214 = tpu.vector_load %arg16[%parallel_loop3A_212, %parallel_loop3A_213] {strides = array<i32>} : memref<80x128xf32, #tpu.memory_space<vmem>>, vector<1x16xf32>,
        %parallel_loop3A_215 = vector.shape_cast %parallel_loop3A_214 : vector<1x16xf32> to vector<16xf32>
        %parallel_loop3A_216 = vector.shape_cast %parallel_loop3A_211 : vector<16xf32> to vector<1x16xf32>
        tpu.vector_store %arg16[%parallel_loop3A_212, %parallel_loop3A_213], %parallel_loop3A_216 {strides = array<i32>} : memref<80x128xf32, #tpu.memory_space<vmem>>, vector<1x16xf32>,
        %parallel_loop3A_217 = arith.index_cast %parallel_loop3A_118 : i32 to index
        %parallel_loop3A_218 = arith.constant 112 : index
        %parallel_loop3A_219 = tpu.vector_load %arg12[%parallel_loop3A_217, %parallel_loop3A_218] {strides = array<i32>} : memref<80x128xf32, #tpu.memory_space<vmem>>, vector<1x16xf32>,
        %parallel_loop3A_220 = vector.shape_cast %parallel_loop3A_219 : vector<1x16xf32> to vector<16xf32>
        %parallel_loop3A_221 = arith.index_cast %parallel_loop3A_118 : i32 to index
        %parallel_loop3A_222 = arith.constant 112 : index
        %parallel_loop3A_223 = tpu.vector_load %arg14[%parallel_loop3A_221, %parallel_loop3A_222] {strides = array<i32>} : memref<80x128xf32, #tpu.memory_space<vmem>>, vector<1x16xf32>,
        %parallel_loop3A_224 = vector.shape_cast %parallel_loop3A_223 : vector<1x16xf32> to vector<16xf32>
        %parallel_loop3A_225 = arith.addf %parallel_loop3A_220, %parallel_loop3A_224 : vector<16xf32>
        %parallel_loop3A_226 = arith.index_cast %parallel_loop3A_118 : i32 to index
        %parallel_loop3A_227 = arith.constant 112 : index
        %parallel_loop3A_228 = tpu.vector_load %arg16[%parallel_loop3A_226, %parallel_loop3A_227] {strides = array<i32>} : memref<80x128xf32, #tpu.memory_space<vmem>>, vector<1x16xf32>,
        %parallel_loop3A_229 = vector.shape_cast %parallel_loop3A_228 : vector<1x16xf32> to vector<16xf32>
        %parallel_loop3A_230 = vector.shape_cast %parallel_loop3A_225 : vector<16xf32> to vector<1x16xf32>
        tpu.vector_store %arg16[%parallel_loop3A_226, %parallel_loop3A_227], %parallel_loop3A_230 {strides = array<i32>} : memref<80x128xf32, #tpu.memory_space<vmem>>, vector<1x16xf32>,
      } {sc.loop_unroll_factor = 2 : i64, sc.parallel_access}
      %dma_start3A_107 = arith.constant 0 : i32
      %dma_start3A_108 = tpu.memref_slice %arg6[%add3A_86, %dma_start3A_107] : memref<51200x128xf32, #tpu.memory_space<hbm>> -> memref<80x128xf32, #tpu.memory_space<hbm>>
      %dma_start3A_109 = arith.constant 0 : i32
      %dma_start3A_110 = tpu.memref_slice %arg6[%add3A_86, %dma_start3A_109] : memref<51200x128xf32, #tpu.memory_space<hbm>> -> memref<80x128xf32, #tpu.memory_space<hbm>>
      tpu.enqueue_dma source(%arg16 : memref<80x128xf32, #tpu.memory_space<vmem>>) target(%dma_start3A_110 : memref<80x128xf32, #tpu.memory_space<hbm>>) target_semaphore(%arg22 : memref<!tpu.dma_semaphore, #tpu.memory_space<semaphore_mem>>)
      %add3A_111 = arith.constant 2 : i32
      %add3A_112 = arith.addi %add3A_83, %add3A_111 : i32
      %lt3A_113 = arith.constant 20 : i32
      %lt3A_114 = arith.cmpi slt, %add3A_112, %lt3A_113 : i32
      %convert_element_type3A_115 = arith.extui %lt3A_114 : i1 to i32
      %cond3A_116 = arith.constant 0 : i32
      %cond3A_117 = arith.cmpi ne, %convert_element_type3A_115, %cond3A_116 : i32
      scf.if %cond3A_117 {
        %add3A_118 = arith.constant 2 : i32
        %add3A_119 = arith.addi %add3A_83, %add3A_118 : i32
        %dma_start3A_120 = arith.constant 0 : i32
        %dma_start3A_121 = tpu.memref_slice %arg9[%add3A_119, %dma_start3A_120] : memref<20x80xi32, #tpu.memory_space<vmem>> -> memref<1x80xi32, #tpu.memory_space<vmem>>
        %dma_start3A_122 = tpu.memref_squeeze %dma_start3A_121 : memref<1x80xi32, #tpu.memory_space<vmem>> -> memref<80xi32, #tpu.memory_space<vmem>>
        %dma_start3A_123 = arith.constant 0 : i32
        %dma_start3A_124 = arith.constant 0 : i32
        %dma_start3A_125 = tpu.memref_slice %arg7[%dma_start3A_123, %dma_start3A_124] : memref<512x128xf32, #tpu.memory_space<vmem_shared>> -> memref<512x128xf32, #tpu.memory_space<vmem_shared>>
        tpu.enqueue_indirect_dma source(%dma_start3A_125 : memref<512x128xf32, #tpu.memory_space<vmem_shared>>) target(%arg12 : memref<80x128xf32, #tpu.memory_space<vmem>>) offsets(%dma_start3A_122 : memref<80xi32, #tpu.memory_space<vmem>>) semaphore(%arg18 : memref<!tpu.dma_semaphore, #tpu.memory_space<semaphore_mem>>)
        %dma_start3A_126 = arith.constant 0 : i32
        %dma_start3A_127 = tpu.memref_slice %arg10[%add3A_119, %dma_start3A_126] : memref<20x80xi32, #tpu.memory_space<vmem>> -> memref<1x80xi32, #tpu.memory_space<vmem>>
        %dma_start3A_128 = tpu.memref_squeeze %dma_start3A_127 : memref<1x80xi32, #tpu.memory_space<vmem>> -> memref<80xi32, #tpu.memory_space<vmem>>
        %dma_start3A_129 = arith.constant 0 : i32
        %dma_start3A_130 = arith.constant 0 : i32
        %dma_start3A_131 = tpu.memref_slice %arg8[%dma_start3A_129, %dma_start3A_130] : memref<512x128xf32, #tpu.memory_space<vmem_shared>> -> memref<512x128xf32, #tpu.memory_space<vmem_shared>>
        tpu.enqueue_indirect_dma source(%dma_start3A_131 : memref<512x128xf32, #tpu.memory_space<vmem_shared>>) target(%arg14 : memref<80x128xf32, #tpu.memory_space<vmem>>) offsets(%dma_start3A_128 : memref<80xi32, #tpu.memory_space<vmem>>) semaphore(%arg20 : memref<!tpu.dma_semaphore, #tpu.memory_space<semaphore_mem>>)
      } else {
      }
    }
    %scan3A_36 = arith.constant 10 : i32
    %dma_wait3A = arith.constant 0 : i32
    %dma_wait3A_37 = tpu.memref_slice %arg6[%mul3A_2, %dma_wait3A] : memref<51200x128xf32, #tpu.memory_space<hbm>> -> memref<80x128xf32, #tpu.memory_space<hbm>>
    %dma_wait3A_38 = arith.constant 0 : i32
    %dma_wait3A_39 = tpu.memref_slice %arg6[%mul3A_2, %dma_wait3A_38] : memref<51200x128xf32, #tpu.memory_space<hbm>> -> memref<80x128xf32, #tpu.memory_space<hbm>>
    tpu.wait_dma2 semaphore(%arg21 : memref<!tpu.dma_semaphore, #tpu.memory_space<semaphore_mem>>) src(%arg15 : memref<80x128xf32, #tpu.memory_space<vmem>>) dst(%dma_wait3A_39 : memref<80x128xf32, #tpu.memory_space<hbm>>)
    %dma_wait3A_40 = arith.constant 0 : i32
    %dma_wait3A_41 = tpu.memref_slice %arg6[%mul3A_2, %dma_wait3A_40] : memref<51200x128xf32, #tpu.memory_space<hbm>> -> memref<80x128xf32, #tpu.memory_space<hbm>>
    %dma_wait3A_42 = arith.constant 0 : i32
    %dma_wait3A_43 = tpu.memref_slice %arg6[%mul3A_2, %dma_wait3A_42] : memref<51200x128xf32, #tpu.memory_space<hbm>> -> memref<80x128xf32, #tpu.memory_space<hbm>>
    tpu.wait_dma2 semaphore(%arg22 : memref<!tpu.dma_semaphore, #tpu.memory_space<semaphore_mem>>) src(%arg16 : memref<80x128xf32, #tpu.memory_space<vmem>>) dst(%dma_wait3A_43 : memref<80x128xf32, #tpu.memory_space<hbm>>)
    return
  }
}

#map = affine_map<(d0, d1) -> (0, 0)>
#map1 = affine_map<(d0, d1) -> (0, 0, 0)>
module attributes {stable_mosaic.version = 14 : i64} {
  func.func @k(%arg0: i32, %arg1: i32, %arg2: memref<512x128xf32, #tpu.memory_space<hbm>>, %arg3: memref<512x128xf32, #tpu.memory_space<hbm>>, %arg4: memref<32x10x80xi32, #tpu.memory_space<hbm>>, %arg5: memref<32x10x80xi32, #tpu.memory_space<hbm>>, %arg6: memref<25600x128xf32, #tpu.memory_space<hbm>>, %arg7: memref<512x128xf32, #tpu.memory_space<vmem_shared>>, %arg8: memref<512x128xf32, #tpu.memory_space<vmem_shared>>, %arg9: memref<10x80xi32, #tpu.memory_space<vmem>>, %arg10: memref<10x80xi32, #tpu.memory_space<vmem>>, %arg11: memref<80x128xf32, #tpu.memory_space<vmem>>, %arg12: memref<80x128xf32, #tpu.memory_space<vmem>>, %arg13: memref<80x128xf32, #tpu.memory_space<vmem>>, %arg14: memref<80x128xf32, #tpu.memory_space<vmem>>, %arg15: memref<80x128xf32, #tpu.memory_space<vmem>>, %arg16: memref<80x128xf32, #tpu.memory_space<vmem>>, %arg17: memref<!tpu.dma_semaphore, #tpu.memory_space<semaphore_mem>>, %arg18: memref<!tpu.dma_semaphore, #tpu.memory_space<semaphore_mem>>, %arg19: memref<!tpu.dma_semaphore, #tpu.memory_space<semaphore_mem>>, %arg20: memref<!tpu.dma_semaphore, #tpu.memory_space<semaphore_mem>>, %arg21: memref<!tpu.dma_semaphore, #tpu.memory_space<semaphore_mem>>, %arg22: memref<!tpu.dma_semaphore, #tpu.memory_space<semaphore_mem>>) attributes {dimension_semantics = [#tpu.dimension_semantics<core_parallel>, #tpu.dimension_semantics<subcore_parallel>], iteration_bounds = array<i64: 2, 16>, scalar_prefetch = 0 : i64, scratch_operands = 16 : i64, tpu.core_type = #tpu.core_type<sc_vector_subcore>, window_params = [{transform_indices = #map}, {transform_indices = #map}, {transform_indices = #map1}, {transform_indices = #map1}, {transform_indices = #map}]} {
    %mul3A = arith.constant 2 : i32
    %mul3A_0 = arith.muli %arg1, %mul3A : i32
    %add3A = arith.addi %mul3A_0, %arg0 : i32
    %mul3A_1 = arith.constant 800 : i32
    %mul3A_2 = arith.muli %add3A, %mul3A_1 : i32
    %eq3A = arith.constant 0 : i32
    %eq3A_3 = arith.cmpi eq, %arg1, %eq3A : i32
    %convert_element_type3A = arith.extui %eq3A_3 : i1 to i32
    %cond3A = arith.constant 0 : i32
    %cond3A_4 = arith.cmpi ne, %convert_element_type3A, %cond3A : i32
    scf.if %cond3A_4 {
      "tpu.region"() ({
        %run_scoped3A = tpu.sem_alloc : memref<!tpu.dma_semaphore, #tpu.memory_space<semaphore_mem>>
        tpu.enqueue_dma source(%arg2 : memref<512x128xf32, #tpu.memory_space<hbm>>) target(%arg7 : memref<512x128xf32, #tpu.memory_space<vmem_shared>>) target_semaphore(%run_scoped3A : memref<!tpu.dma_semaphore, #tpu.memory_space<semaphore_mem>>)
        tpu.wait_dma2 semaphore(%run_scoped3A : memref<!tpu.dma_semaphore, #tpu.memory_space<semaphore_mem>>) src(%arg2 : memref<512x128xf32, #tpu.memory_space<hbm>>) dst(%arg7 : memref<512x128xf32, #tpu.memory_space<vmem_shared>>)
        tpu.yield
      }) : () -> ()
      "tpu.region"() ({
        %run_scoped3A = tpu.sem_alloc : memref<!tpu.dma_semaphore, #tpu.memory_space<semaphore_mem>>
        tpu.enqueue_dma source(%arg3 : memref<512x128xf32, #tpu.memory_space<hbm>>) target(%arg8 : memref<512x128xf32, #tpu.memory_space<vmem_shared>>) target_semaphore(%run_scoped3A : memref<!tpu.dma_semaphore, #tpu.memory_space<semaphore_mem>>)
        tpu.wait_dma2 semaphore(%run_scoped3A : memref<!tpu.dma_semaphore, #tpu.memory_space<semaphore_mem>>) src(%arg3 : memref<512x128xf32, #tpu.memory_space<hbm>>) dst(%arg8 : memref<512x128xf32, #tpu.memory_space<vmem_shared>>)
        tpu.yield
      }) : () -> ()
    } else {
    }
    "tpu.region"() ({
      %run_scoped3A = tpu.sem_alloc : memref<!tpu.dma_semaphore, #tpu.memory_space<semaphore_mem>>
      %dma_start3A_44 = arith.constant 0 : i32
      %dma_start3A_45 = arith.constant 0 : i32
      %dma_start3A_46 = tpu.memref_slice %arg4[%add3A, %dma_start3A_44, %dma_start3A_45] : memref<32x10x80xi32, #tpu.memory_space<hbm>> -> memref<1x10x80xi32, #tpu.memory_space<hbm>>
      %dma_start3A_47 = tpu.memref_squeeze %dma_start3A_46 : memref<1x10x80xi32, #tpu.memory_space<hbm>> -> memref<10x80xi32, #tpu.memory_space<hbm>>
      %dma_start3A_48 = arith.constant 0 : i32
      %dma_start3A_49 = arith.constant 0 : i32
      %dma_start3A_50 = tpu.memref_slice %arg4[%add3A, %dma_start3A_48, %dma_start3A_49] : memref<32x10x80xi32, #tpu.memory_space<hbm>> -> memref<1x10x80xi32, #tpu.memory_space<hbm>>
      %dma_start3A_51 = tpu.memref_squeeze %dma_start3A_50 : memref<1x10x80xi32, #tpu.memory_space<hbm>> -> memref<10x80xi32, #tpu.memory_space<hbm>>
      tpu.enqueue_dma source(%dma_start3A_51 : memref<10x80xi32, #tpu.memory_space<hbm>>) target(%arg9 : memref<10x80xi32, #tpu.memory_space<vmem>>) target_semaphore(%run_scoped3A : memref<!tpu.dma_semaphore, #tpu.memory_space<semaphore_mem>>)
      %dma_wait3A_52 = arith.constant 0 : i32
      %dma_wait3A_53 = arith.constant 0 : i32
      %dma_wait3A_54 = tpu.memref_slice %arg4[%add3A, %dma_wait3A_52, %dma_wait3A_53] : memref<32x10x80xi32, #tpu.memory_space<hbm>> -> memref<1x10x80xi32, #tpu.memory_space<hbm>>
      %dma_wait3A_55 = tpu.memref_squeeze %dma_wait3A_54 : memref<1x10x80xi32, #tpu.memory_space<hbm>> -> memref<10x80xi32, #tpu.memory_space<hbm>>
      %dma_wait3A_56 = arith.constant 0 : i32
      %dma_wait3A_57 = arith.constant 0 : i32
      %dma_wait3A_58 = tpu.memref_slice %arg4[%add3A, %dma_wait3A_56, %dma_wait3A_57] : memref<32x10x80xi32, #tpu.memory_space<hbm>> -> memref<1x10x80xi32, #tpu.memory_space<hbm>>
      %dma_wait3A_59 = tpu.memref_squeeze %dma_wait3A_58 : memref<1x10x80xi32, #tpu.memory_space<hbm>> -> memref<10x80xi32, #tpu.memory_space<hbm>>
      tpu.wait_dma2 semaphore(%run_scoped3A : memref<!tpu.dma_semaphore, #tpu.memory_space<semaphore_mem>>) src(%dma_wait3A_59 : memref<10x80xi32, #tpu.memory_space<hbm>>) dst(%arg9 : memref<10x80xi32, #tpu.memory_space<vmem>>)
      tpu.yield
    }) : () -> ()
    "tpu.region"() ({
      %run_scoped3A = tpu.sem_alloc : memref<!tpu.dma_semaphore, #tpu.memory_space<semaphore_mem>>
      %dma_start3A_44 = arith.constant 0 : i32
      %dma_start3A_45 = arith.constant 0 : i32
      %dma_start3A_46 = tpu.memref_slice %arg5[%add3A, %dma_start3A_44, %dma_start3A_45] : memref<32x10x80xi32, #tpu.memory_space<hbm>> -> memref<1x10x80xi32, #tpu.memory_space<hbm>>
      %dma_start3A_47 = tpu.memref_squeeze %dma_start3A_46 : memref<1x10x80xi32, #tpu.memory_space<hbm>> -> memref<10x80xi32, #tpu.memory_space<hbm>>
      %dma_start3A_48 = arith.constant 0 : i32
      %dma_start3A_49 = arith.constant 0 : i32
      %dma_start3A_50 = tpu.memref_slice %arg5[%add3A, %dma_start3A_48, %dma_start3A_49] : memref<32x10x80xi32, #tpu.memory_space<hbm>> -> memref<1x10x80xi32, #tpu.memory_space<hbm>>
      %dma_start3A_51 = tpu.memref_squeeze %dma_start3A_50 : memref<1x10x80xi32, #tpu.memory_space<hbm>> -> memref<10x80xi32, #tpu.memory_space<hbm>>
      tpu.enqueue_dma source(%dma_start3A_51 : memref<10x80xi32, #tpu.memory_space<hbm>>) target(%arg10 : memref<10x80xi32, #tpu.memory_space<vmem>>) target_semaphore(%run_scoped3A : memref<!tpu.dma_semaphore, #tpu.memory_space<semaphore_mem>>)
      %dma_wait3A_52 = arith.constant 0 : i32
      %dma_wait3A_53 = arith.constant 0 : i32
      %dma_wait3A_54 = tpu.memref_slice %arg5[%add3A, %dma_wait3A_52, %dma_wait3A_53] : memref<32x10x80xi32, #tpu.memory_space<hbm>> -> memref<1x10x80xi32, #tpu.memory_space<hbm>>
      %dma_wait3A_55 = tpu.memref_squeeze %dma_wait3A_54 : memref<1x10x80xi32, #tpu.memory_space<hbm>> -> memref<10x80xi32, #tpu.memory_space<hbm>>
      %dma_wait3A_56 = arith.constant 0 : i32
      %dma_wait3A_57 = arith.constant 0 : i32
      %dma_wait3A_58 = tpu.memref_slice %arg5[%add3A, %dma_wait3A_56, %dma_wait3A_57] : memref<32x10x80xi32, #tpu.memory_space<hbm>> -> memref<1x10x80xi32, #tpu.memory_space<hbm>>
      %dma_wait3A_59 = tpu.memref_squeeze %dma_wait3A_58 : memref<1x10x80xi32, #tpu.memory_space<hbm>> -> memref<10x80xi32, #tpu.memory_space<hbm>>
      tpu.wait_dma2 semaphore(%run_scoped3A : memref<!tpu.dma_semaphore, #tpu.memory_space<semaphore_mem>>) src(%dma_wait3A_59 : memref<10x80xi32, #tpu.memory_space<hbm>>) dst(%arg10 : memref<10x80xi32, #tpu.memory_space<vmem>>)
      tpu.yield
    }) : () -> ()
    %barrier3A = arith.constant 0 : index
    tpu.barrier barrier_id(%barrier3A)
    %dma_start3A = arith.constant 0 : i32
    %dma_start3A_5 = arith.constant 0 : i32
    %dma_start3A_6 = tpu.memref_slice %arg9[%dma_start3A, %dma_start3A_5] : memref<10x80xi32, #tpu.memory_space<vmem>> -> memref<1x80xi32, #tpu.memory_space<vmem>>
    %dma_start3A_7 = tpu.memref_squeeze %dma_start3A_6 : memref<1x80xi32, #tpu.memory_space<vmem>> -> memref<80xi32, #tpu.memory_space<vmem>>
    %dma_start3A_8 = arith.constant 0 : i32
    %dma_start3A_9 = arith.constant 0 : i32
    %dma_start3A_10 = tpu.memref_slice %arg7[%dma_start3A_8, %dma_start3A_9] : memref<512x128xf32, #tpu.memory_space<vmem_shared>> -> memref<512x128xf32, #tpu.memory_space<vmem_shared>>
    tpu.enqueue_indirect_dma source(%dma_start3A_10 : memref<512x128xf32, #tpu.memory_space<vmem_shared>>) target(%arg11 : memref<80x128xf32, #tpu.memory_space<vmem>>) offsets(%dma_start3A_7 : memref<80xi32, #tpu.memory_space<vmem>>) semaphore(%arg17 : memref<!tpu.dma_semaphore, #tpu.memory_space<semaphore_mem>>)
    %dma_start3A_11 = arith.constant 0 : i32
    %dma_start3A_12 = arith.constant 0 : i32
    %dma_start3A_13 = tpu.memref_slice %arg10[%dma_start3A_11, %dma_start3A_12] : memref<10x80xi32, #tpu.memory_space<vmem>> -> memref<1x80xi32, #tpu.memory_space<vmem>>
    %dma_start3A_14 = tpu.memref_squeeze %dma_start3A_13 : memref<1x80xi32, #tpu.memory_space<vmem>> -> memref<80xi32, #tpu.memory_space<vmem>>
    %dma_start3A_15 = arith.constant 0 : i32
    %dma_start3A_16 = arith.constant 0 : i32
    %dma_start3A_17 = tpu.memref_slice %arg8[%dma_start3A_15, %dma_start3A_16] : memref<512x128xf32, #tpu.memory_space<vmem_shared>> -> memref<512x128xf32, #tpu.memory_space<vmem_shared>>
    tpu.enqueue_indirect_dma source(%dma_start3A_17 : memref<512x128xf32, #tpu.memory_space<vmem_shared>>) target(%arg13 : memref<80x128xf32, #tpu.memory_space<vmem>>) offsets(%dma_start3A_14 : memref<80xi32, #tpu.memory_space<vmem>>) semaphore(%arg19 : memref<!tpu.dma_semaphore, #tpu.memory_space<semaphore_mem>>)
    %dma_start3A_18 = arith.constant 1 : i32
    %dma_start3A_19 = arith.constant 0 : i32
    %dma_start3A_20 = tpu.memref_slice %arg9[%dma_start3A_18, %dma_start3A_19] : memref<10x80xi32, #tpu.memory_space<vmem>> -> memref<1x80xi32, #tpu.memory_space<vmem>>
    %dma_start3A_21 = tpu.memref_squeeze %dma_start3A_20 : memref<1x80xi32, #tpu.memory_space<vmem>> -> memref<80xi32, #tpu.memory_space<vmem>>
    %dma_start3A_22 = arith.constant 0 : i32
    %dma_start3A_23 = arith.constant 0 : i32
    %dma_start3A_24 = tpu.memref_slice %arg7[%dma_start3A_22, %dma_start3A_23] : memref<512x128xf32, #tpu.memory_space<vmem_shared>> -> memref<512x128xf32, #tpu.memory_space<vmem_shared>>
    tpu.enqueue_indirect_dma source(%dma_start3A_24 : memref<512x128xf32, #tpu.memory_space<vmem_shared>>) target(%arg12 : memref<80x128xf32, #tpu.memory_space<vmem>>) offsets(%dma_start3A_21 : memref<80xi32, #tpu.memory_space<vmem>>) semaphore(%arg18 : memref<!tpu.dma_semaphore, #tpu.memory_space<semaphore_mem>>)
    %dma_start3A_25 = arith.constant 1 : i32
    %dma_start3A_26 = arith.constant 0 : i32
    %dma_start3A_27 = tpu.memref_slice %arg10[%dma_start3A_25, %dma_start3A_26] : memref<10x80xi32, #tpu.memory_space<vmem>> -> memref<1x80xi32, #tpu.memory_space<vmem>>
    %dma_start3A_28 = tpu.memref_squeeze %dma_start3A_27 : memref<1x80xi32, #tpu.memory_space<vmem>> -> memref<80xi32, #tpu.memory_space<vmem>>
    %dma_start3A_29 = arith.constant 0 : i32
    %dma_start3A_30 = arith.constant 0 : i32
    %dma_start3A_31 = tpu.memref_slice %arg8[%dma_start3A_29, %dma_start3A_30] : memref<512x128xf32, #tpu.memory_space<vmem_shared>> -> memref<512x128xf32, #tpu.memory_space<vmem_shared>>
    tpu.enqueue_indirect_dma source(%dma_start3A_31 : memref<512x128xf32, #tpu.memory_space<vmem_shared>>) target(%arg14 : memref<80x128xf32, #tpu.memory_space<vmem>>) offsets(%dma_start3A_28 : memref<80xi32, #tpu.memory_space<vmem>>) semaphore(%arg20 : memref<!tpu.dma_semaphore, #tpu.memory_space<semaphore_mem>>)
    %scan3A = arith.constant 0 : i32
    %scan3A_32 = arith.constant 0 : i32
    %scan3A_33 = arith.constant 5 : i32
    %scan3A_34 = arith.addi %scan3A_32, %scan3A_33 : i32
    %scan3A_35 = arith.constant 1 : i32
    scf.for %scan3A_44 = %scan3A_32 to %scan3A_34 step %scan3A_35  : i32 {
      %mul3A_45 = arith.constant 2 : i32
      %mul3A_46 = arith.muli %mul3A_45, %scan3A_44 : i32
      %add3A_47 = arith.constant 0 : i32
      %add3A_48 = arith.addi %mul3A_46, %add3A_47 : i32
      %mul3A_49 = arith.constant 80 : i32
      %mul3A_50 = arith.muli %add3A_48, %mul3A_49 : i32
      %add3A_51 = arith.addi %mul3A_2, %mul3A_50 : i32
      %dma_wait3A_52 = arith.constant 0 : i32
      %dma_wait3A_53 = tpu.memref_slice %arg9[%add3A_48, %dma_wait3A_52] : memref<10x80xi32, #tpu.memory_space<vmem>> -> memref<1x80xi32, #tpu.memory_space<vmem>>
      %dma_wait3A_54 = tpu.memref_squeeze %dma_wait3A_53 : memref<1x80xi32, #tpu.memory_space<vmem>> -> memref<80xi32, #tpu.memory_space<vmem>>
      %dma_wait3A_55 = arith.constant 0 : i32
      %dma_wait3A_56 = arith.constant 0 : i32
      %dma_wait3A_57 = tpu.memref_slice %arg7[%dma_wait3A_55, %dma_wait3A_56] : memref<512x128xf32, #tpu.memory_space<vmem_shared>> -> memref<512x128xf32, #tpu.memory_space<vmem_shared>>
      tpu.wait_indirect_dma semaphore(%arg17 : memref<!tpu.dma_semaphore, #tpu.memory_space<semaphore_mem>>) src(%dma_wait3A_57 : memref<512x128xf32, #tpu.memory_space<vmem_shared>>) dst(%arg11 : memref<80x128xf32, #tpu.memory_space<vmem>>)
      %dma_wait3A_58 = arith.constant 0 : i32
      %dma_wait3A_59 = tpu.memref_slice %arg10[%add3A_48, %dma_wait3A_58] : memref<10x80xi32, #tpu.memory_space<vmem>> -> memref<1x80xi32, #tpu.memory_space<vmem>>
      %dma_wait3A_60 = tpu.memref_squeeze %dma_wait3A_59 : memref<1x80xi32, #tpu.memory_space<vmem>> -> memref<80xi32, #tpu.memory_space<vmem>>
      %dma_wait3A_61 = arith.constant 0 : i32
      %dma_wait3A_62 = arith.constant 0 : i32
      %dma_wait3A_63 = tpu.memref_slice %arg8[%dma_wait3A_61, %dma_wait3A_62] : memref<512x128xf32, #tpu.memory_space<vmem_shared>> -> memref<512x128xf32, #tpu.memory_space<vmem_shared>>
      tpu.wait_indirect_dma semaphore(%arg19 : memref<!tpu.dma_semaphore, #tpu.memory_space<semaphore_mem>>) src(%dma_wait3A_63 : memref<512x128xf32, #tpu.memory_space<vmem_shared>>) dst(%arg13 : memref<80x128xf32, #tpu.memory_space<vmem>>)
      %gt3A = arith.constant 0 : i32
      %gt3A_64 = arith.cmpi sgt, %scan3A_44, %gt3A : i32
      %convert_element_type3A_65 = arith.extui %gt3A_64 : i1 to i32
      %cond3A_66 = arith.constant 0 : i32
      %cond3A_67 = arith.cmpi ne, %convert_element_type3A_65, %cond3A_66 : i32
      scf.if %cond3A_67 {
        %dma_wait3A_118 = arith.constant 0 : i32
        %dma_wait3A_119 = tpu.memref_slice %arg6[%mul3A_2, %dma_wait3A_118] : memref<25600x128xf32, #tpu.memory_space<hbm>> -> memref<80x128xf32, #tpu.memory_space<hbm>>
        %dma_wait3A_120 = arith.constant 0 : i32
        %dma_wait3A_121 = tpu.memref_slice %arg6[%mul3A_2, %dma_wait3A_120] : memref<25600x128xf32, #tpu.memory_space<hbm>> -> memref<80x128xf32, #tpu.memory_space<hbm>>
        tpu.wait_dma2 semaphore(%arg21 : memref<!tpu.dma_semaphore, #tpu.memory_space<semaphore_mem>>) src(%arg15 : memref<80x128xf32, #tpu.memory_space<vmem>>) dst(%dma_wait3A_121 : memref<80x128xf32, #tpu.memory_space<hbm>>)
      } else {
      }
      %parallel_loop3A = arith.constant 0 : i32
      %parallel_loop3A_68 = arith.constant 80 : i32
      %parallel_loop3A_69 = arith.constant 1 : i32
      scf.for %parallel_loop3A_118 = %parallel_loop3A to %parallel_loop3A_68 step %parallel_loop3A_69  : i32 {
        %parallel_loop3A_119 = arith.index_cast %parallel_loop3A_118 : i32 to index
        %parallel_loop3A_120 = arith.constant 0 : index
        %parallel_loop3A_121 = tpu.vector_load %arg11[%parallel_loop3A_119, %parallel_loop3A_120] {strides = array<i32>} : memref<80x128xf32, #tpu.memory_space<vmem>>, vector<1x16xf32>,
        %parallel_loop3A_122 = vector.shape_cast %parallel_loop3A_121 : vector<1x16xf32> to vector<16xf32>
        %parallel_loop3A_123 = arith.index_cast %parallel_loop3A_118 : i32 to index
        %parallel_loop3A_124 = arith.constant 0 : index
        %parallel_loop3A_125 = tpu.vector_load %arg13[%parallel_loop3A_123, %parallel_loop3A_124] {strides = array<i32>} : memref<80x128xf32, #tpu.memory_space<vmem>>, vector<1x16xf32>,
        %parallel_loop3A_126 = vector.shape_cast %parallel_loop3A_125 : vector<1x16xf32> to vector<16xf32>
        %parallel_loop3A_127 = arith.addf %parallel_loop3A_122, %parallel_loop3A_126 : vector<16xf32>
        %parallel_loop3A_128 = arith.index_cast %parallel_loop3A_118 : i32 to index
        %parallel_loop3A_129 = arith.constant 0 : index
        %parallel_loop3A_130 = tpu.vector_load %arg15[%parallel_loop3A_128, %parallel_loop3A_129] {strides = array<i32>} : memref<80x128xf32, #tpu.memory_space<vmem>>, vector<1x16xf32>,
        %parallel_loop3A_131 = vector.shape_cast %parallel_loop3A_130 : vector<1x16xf32> to vector<16xf32>
        %parallel_loop3A_132 = vector.shape_cast %parallel_loop3A_127 : vector<16xf32> to vector<1x16xf32>
        tpu.vector_store %arg15[%parallel_loop3A_128, %parallel_loop3A_129], %parallel_loop3A_132 {strides = array<i32>} : memref<80x128xf32, #tpu.memory_space<vmem>>, vector<1x16xf32>,
        %parallel_loop3A_133 = arith.index_cast %parallel_loop3A_118 : i32 to index
        %parallel_loop3A_134 = arith.constant 16 : index
        %parallel_loop3A_135 = tpu.vector_load %arg11[%parallel_loop3A_133, %parallel_loop3A_134] {strides = array<i32>} : memref<80x128xf32, #tpu.memory_space<vmem>>, vector<1x16xf32>,
        %parallel_loop3A_136 = vector.shape_cast %parallel_loop3A_135 : vector<1x16xf32> to vector<16xf32>
        %parallel_loop3A_137 = arith.index_cast %parallel_loop3A_118 : i32 to index
        %parallel_loop3A_138 = arith.constant 16 : index
        %parallel_loop3A_139 = tpu.vector_load %arg13[%parallel_loop3A_137, %parallel_loop3A_138] {strides = array<i32>} : memref<80x128xf32, #tpu.memory_space<vmem>>, vector<1x16xf32>,
        %parallel_loop3A_140 = vector.shape_cast %parallel_loop3A_139 : vector<1x16xf32> to vector<16xf32>
        %parallel_loop3A_141 = arith.addf %parallel_loop3A_136, %parallel_loop3A_140 : vector<16xf32>
        %parallel_loop3A_142 = arith.index_cast %parallel_loop3A_118 : i32 to index
        %parallel_loop3A_143 = arith.constant 16 : index
        %parallel_loop3A_144 = tpu.vector_load %arg15[%parallel_loop3A_142, %parallel_loop3A_143] {strides = array<i32>} : memref<80x128xf32, #tpu.memory_space<vmem>>, vector<1x16xf32>,
        %parallel_loop3A_145 = vector.shape_cast %parallel_loop3A_144 : vector<1x16xf32> to vector<16xf32>
        %parallel_loop3A_146 = vector.shape_cast %parallel_loop3A_141 : vector<16xf32> to vector<1x16xf32>
        tpu.vector_store %arg15[%parallel_loop3A_142, %parallel_loop3A_143], %parallel_loop3A_146 {strides = array<i32>} : memref<80x128xf32, #tpu.memory_space<vmem>>, vector<1x16xf32>,
        %parallel_loop3A_147 = arith.index_cast %parallel_loop3A_118 : i32 to index
        %parallel_loop3A_148 = arith.constant 32 : index
        %parallel_loop3A_149 = tpu.vector_load %arg11[%parallel_loop3A_147, %parallel_loop3A_148] {strides = array<i32>} : memref<80x128xf32, #tpu.memory_space<vmem>>, vector<1x16xf32>,
        %parallel_loop3A_150 = vector.shape_cast %parallel_loop3A_149 : vector<1x16xf32> to vector<16xf32>
        %parallel_loop3A_151 = arith.index_cast %parallel_loop3A_118 : i32 to index
        %parallel_loop3A_152 = arith.constant 32 : index
        %parallel_loop3A_153 = tpu.vector_load %arg13[%parallel_loop3A_151, %parallel_loop3A_152] {strides = array<i32>} : memref<80x128xf32, #tpu.memory_space<vmem>>, vector<1x16xf32>,
        %parallel_loop3A_154 = vector.shape_cast %parallel_loop3A_153 : vector<1x16xf32> to vector<16xf32>
        %parallel_loop3A_155 = arith.addf %parallel_loop3A_150, %parallel_loop3A_154 : vector<16xf32>
        %parallel_loop3A_156 = arith.index_cast %parallel_loop3A_118 : i32 to index
        %parallel_loop3A_157 = arith.constant 32 : index
        %parallel_loop3A_158 = tpu.vector_load %arg15[%parallel_loop3A_156, %parallel_loop3A_157] {strides = array<i32>} : memref<80x128xf32, #tpu.memory_space<vmem>>, vector<1x16xf32>,
        %parallel_loop3A_159 = vector.shape_cast %parallel_loop3A_158 : vector<1x16xf32> to vector<16xf32>
        %parallel_loop3A_160 = vector.shape_cast %parallel_loop3A_155 : vector<16xf32> to vector<1x16xf32>
        tpu.vector_store %arg15[%parallel_loop3A_156, %parallel_loop3A_157], %parallel_loop3A_160 {strides = array<i32>} : memref<80x128xf32, #tpu.memory_space<vmem>>, vector<1x16xf32>,
        %parallel_loop3A_161 = arith.index_cast %parallel_loop3A_118 : i32 to index
        %parallel_loop3A_162 = arith.constant 48 : index
        %parallel_loop3A_163 = tpu.vector_load %arg11[%parallel_loop3A_161, %parallel_loop3A_162] {strides = array<i32>} : memref<80x128xf32, #tpu.memory_space<vmem>>, vector<1x16xf32>,
        %parallel_loop3A_164 = vector.shape_cast %parallel_loop3A_163 : vector<1x16xf32> to vector<16xf32>
        %parallel_loop3A_165 = arith.index_cast %parallel_loop3A_118 : i32 to index
        %parallel_loop3A_166 = arith.constant 48 : index
        %parallel_loop3A_167 = tpu.vector_load %arg13[%parallel_loop3A_165, %parallel_loop3A_166] {strides = array<i32>} : memref<80x128xf32, #tpu.memory_space<vmem>>, vector<1x16xf32>,
        %parallel_loop3A_168 = vector.shape_cast %parallel_loop3A_167 : vector<1x16xf32> to vector<16xf32>
        %parallel_loop3A_169 = arith.addf %parallel_loop3A_164, %parallel_loop3A_168 : vector<16xf32>
        %parallel_loop3A_170 = arith.index_cast %parallel_loop3A_118 : i32 to index
        %parallel_loop3A_171 = arith.constant 48 : index
        %parallel_loop3A_172 = tpu.vector_load %arg15[%parallel_loop3A_170, %parallel_loop3A_171] {strides = array<i32>} : memref<80x128xf32, #tpu.memory_space<vmem>>, vector<1x16xf32>,
        %parallel_loop3A_173 = vector.shape_cast %parallel_loop3A_172 : vector<1x16xf32> to vector<16xf32>
        %parallel_loop3A_174 = vector.shape_cast %parallel_loop3A_169 : vector<16xf32> to vector<1x16xf32>
        tpu.vector_store %arg15[%parallel_loop3A_170, %parallel_loop3A_171], %parallel_loop3A_174 {strides = array<i32>} : memref<80x128xf32, #tpu.memory_space<vmem>>, vector<1x16xf32>,
        %parallel_loop3A_175 = arith.index_cast %parallel_loop3A_118 : i32 to index
        %parallel_loop3A_176 = arith.constant 64 : index
        %parallel_loop3A_177 = tpu.vector_load %arg11[%parallel_loop3A_175, %parallel_loop3A_176] {strides = array<i32>} : memref<80x128xf32, #tpu.memory_space<vmem>>, vector<1x16xf32>,
        %parallel_loop3A_178 = vector.shape_cast %parallel_loop3A_177 : vector<1x16xf32> to vector<16xf32>
        %parallel_loop3A_179 = arith.index_cast %parallel_loop3A_118 : i32 to index
        %parallel_loop3A_180 = arith.constant 64 : index
        %parallel_loop3A_181 = tpu.vector_load %arg13[%parallel_loop3A_179, %parallel_loop3A_180] {strides = array<i32>} : memref<80x128xf32, #tpu.memory_space<vmem>>, vector<1x16xf32>,
        %parallel_loop3A_182 = vector.shape_cast %parallel_loop3A_181 : vector<1x16xf32> to vector<16xf32>
        %parallel_loop3A_183 = arith.addf %parallel_loop3A_178, %parallel_loop3A_182 : vector<16xf32>
        %parallel_loop3A_184 = arith.index_cast %parallel_loop3A_118 : i32 to index
        %parallel_loop3A_185 = arith.constant 64 : index
        %parallel_loop3A_186 = tpu.vector_load %arg15[%parallel_loop3A_184, %parallel_loop3A_185] {strides = array<i32>} : memref<80x128xf32, #tpu.memory_space<vmem>>, vector<1x16xf32>,
        %parallel_loop3A_187 = vector.shape_cast %parallel_loop3A_186 : vector<1x16xf32> to vector<16xf32>
        %parallel_loop3A_188 = vector.shape_cast %parallel_loop3A_183 : vector<16xf32> to vector<1x16xf32>
        tpu.vector_store %arg15[%parallel_loop3A_184, %parallel_loop3A_185], %parallel_loop3A_188 {strides = array<i32>} : memref<80x128xf32, #tpu.memory_space<vmem>>, vector<1x16xf32>,
        %parallel_loop3A_189 = arith.index_cast %parallel_loop3A_118 : i32 to index
        %parallel_loop3A_190 = arith.constant 80 : index
        %parallel_loop3A_191 = tpu.vector_load %arg11[%parallel_loop3A_189, %parallel_loop3A_190] {strides = array<i32>} : memref<80x128xf32, #tpu.memory_space<vmem>>, vector<1x16xf32>,
        %parallel_loop3A_192 = vector.shape_cast %parallel_loop3A_191 : vector<1x16xf32> to vector<16xf32>
        %parallel_loop3A_193 = arith.index_cast %parallel_loop3A_118 : i32 to index
        %parallel_loop3A_194 = arith.constant 80 : index
        %parallel_loop3A_195 = tpu.vector_load %arg13[%parallel_loop3A_193, %parallel_loop3A_194] {strides = array<i32>} : memref<80x128xf32, #tpu.memory_space<vmem>>, vector<1x16xf32>,
        %parallel_loop3A_196 = vector.shape_cast %parallel_loop3A_195 : vector<1x16xf32> to vector<16xf32>
        %parallel_loop3A_197 = arith.addf %parallel_loop3A_192, %parallel_loop3A_196 : vector<16xf32>
        %parallel_loop3A_198 = arith.index_cast %parallel_loop3A_118 : i32 to index
        %parallel_loop3A_199 = arith.constant 80 : index
        %parallel_loop3A_200 = tpu.vector_load %arg15[%parallel_loop3A_198, %parallel_loop3A_199] {strides = array<i32>} : memref<80x128xf32, #tpu.memory_space<vmem>>, vector<1x16xf32>,
        %parallel_loop3A_201 = vector.shape_cast %parallel_loop3A_200 : vector<1x16xf32> to vector<16xf32>
        %parallel_loop3A_202 = vector.shape_cast %parallel_loop3A_197 : vector<16xf32> to vector<1x16xf32>
        tpu.vector_store %arg15[%parallel_loop3A_198, %parallel_loop3A_199], %parallel_loop3A_202 {strides = array<i32>} : memref<80x128xf32, #tpu.memory_space<vmem>>, vector<1x16xf32>,
        %parallel_loop3A_203 = arith.index_cast %parallel_loop3A_118 : i32 to index
        %parallel_loop3A_204 = arith.constant 96 : index
        %parallel_loop3A_205 = tpu.vector_load %arg11[%parallel_loop3A_203, %parallel_loop3A_204] {strides = array<i32>} : memref<80x128xf32, #tpu.memory_space<vmem>>, vector<1x16xf32>,
        %parallel_loop3A_206 = vector.shape_cast %parallel_loop3A_205 : vector<1x16xf32> to vector<16xf32>
        %parallel_loop3A_207 = arith.index_cast %parallel_loop3A_118 : i32 to index
        %parallel_loop3A_208 = arith.constant 96 : index
        %parallel_loop3A_209 = tpu.vector_load %arg13[%parallel_loop3A_207, %parallel_loop3A_208] {strides = array<i32>} : memref<80x128xf32, #tpu.memory_space<vmem>>, vector<1x16xf32>,
        %parallel_loop3A_210 = vector.shape_cast %parallel_loop3A_209 : vector<1x16xf32> to vector<16xf32>
        %parallel_loop3A_211 = arith.addf %parallel_loop3A_206, %parallel_loop3A_210 : vector<16xf32>
        %parallel_loop3A_212 = arith.index_cast %parallel_loop3A_118 : i32 to index
        %parallel_loop3A_213 = arith.constant 96 : index
        %parallel_loop3A_214 = tpu.vector_load %arg15[%parallel_loop3A_212, %parallel_loop3A_213] {strides = array<i32>} : memref<80x128xf32, #tpu.memory_space<vmem>>, vector<1x16xf32>,
        %parallel_loop3A_215 = vector.shape_cast %parallel_loop3A_214 : vector<1x16xf32> to vector<16xf32>
        %parallel_loop3A_216 = vector.shape_cast %parallel_loop3A_211 : vector<16xf32> to vector<1x16xf32>
        tpu.vector_store %arg15[%parallel_loop3A_212, %parallel_loop3A_213], %parallel_loop3A_216 {strides = array<i32>} : memref<80x128xf32, #tpu.memory_space<vmem>>, vector<1x16xf32>,
        %parallel_loop3A_217 = arith.index_cast %parallel_loop3A_118 : i32 to index
        %parallel_loop3A_218 = arith.constant 112 : index
        %parallel_loop3A_219 = tpu.vector_load %arg11[%parallel_loop3A_217, %parallel_loop3A_218] {strides = array<i32>} : memref<80x128xf32, #tpu.memory_space<vmem>>, vector<1x16xf32>,
        %parallel_loop3A_220 = vector.shape_cast %parallel_loop3A_219 : vector<1x16xf32> to vector<16xf32>
        %parallel_loop3A_221 = arith.index_cast %parallel_loop3A_118 : i32 to index
        %parallel_loop3A_222 = arith.constant 112 : index
        %parallel_loop3A_223 = tpu.vector_load %arg13[%parallel_loop3A_221, %parallel_loop3A_222] {strides = array<i32>} : memref<80x128xf32, #tpu.memory_space<vmem>>, vector<1x16xf32>,
        %parallel_loop3A_224 = vector.shape_cast %parallel_loop3A_223 : vector<1x16xf32> to vector<16xf32>
        %parallel_loop3A_225 = arith.addf %parallel_loop3A_220, %parallel_loop3A_224 : vector<16xf32>
        %parallel_loop3A_226 = arith.index_cast %parallel_loop3A_118 : i32 to index
        %parallel_loop3A_227 = arith.constant 112 : index
        %parallel_loop3A_228 = tpu.vector_load %arg15[%parallel_loop3A_226, %parallel_loop3A_227] {strides = array<i32>} : memref<80x128xf32, #tpu.memory_space<vmem>>, vector<1x16xf32>,
        %parallel_loop3A_229 = vector.shape_cast %parallel_loop3A_228 : vector<1x16xf32> to vector<16xf32>
        %parallel_loop3A_230 = vector.shape_cast %parallel_loop3A_225 : vector<16xf32> to vector<1x16xf32>
        tpu.vector_store %arg15[%parallel_loop3A_226, %parallel_loop3A_227], %parallel_loop3A_230 {strides = array<i32>} : memref<80x128xf32, #tpu.memory_space<vmem>>, vector<1x16xf32>,
      } {sc.loop_unroll_factor = 2 : i64, sc.parallel_access}
      %dma_start3A_70 = arith.constant 0 : i32
      %dma_start3A_71 = tpu.memref_slice %arg6[%add3A_51, %dma_start3A_70] : memref<25600x128xf32, #tpu.memory_space<hbm>> -> memref<80x128xf32, #tpu.memory_space<hbm>>
      %dma_start3A_72 = arith.constant 0 : i32
      %dma_start3A_73 = tpu.memref_slice %arg6[%add3A_51, %dma_start3A_72] : memref<25600x128xf32, #tpu.memory_space<hbm>> -> memref<80x128xf32, #tpu.memory_space<hbm>>
      tpu.enqueue_dma source(%arg15 : memref<80x128xf32, #tpu.memory_space<vmem>>) target(%dma_start3A_73 : memref<80x128xf32, #tpu.memory_space<hbm>>) target_semaphore(%arg21 : memref<!tpu.dma_semaphore, #tpu.memory_space<semaphore_mem>>)
      %add3A_74 = arith.constant 2 : i32
      %add3A_75 = arith.addi %add3A_48, %add3A_74 : i32
      %lt3A = arith.constant 10 : i32
      %lt3A_76 = arith.cmpi slt, %add3A_75, %lt3A : i32
      %convert_element_type3A_77 = arith.extui %lt3A_76 : i1 to i32
      %cond3A_78 = arith.constant 0 : i32
      %cond3A_79 = arith.cmpi ne, %convert_element_type3A_77, %cond3A_78 : i32
      scf.if %cond3A_79 {
        %add3A_118 = arith.constant 2 : i32
        %add3A_119 = arith.addi %add3A_48, %add3A_118 : i32
        %dma_start3A_120 = arith.constant 0 : i32
        %dma_start3A_121 = tpu.memref_slice %arg9[%add3A_119, %dma_start3A_120] : memref<10x80xi32, #tpu.memory_space<vmem>> -> memref<1x80xi32, #tpu.memory_space<vmem>>
        %dma_start3A_122 = tpu.memref_squeeze %dma_start3A_121 : memref<1x80xi32, #tpu.memory_space<vmem>> -> memref<80xi32, #tpu.memory_space<vmem>>
        %dma_start3A_123 = arith.constant 0 : i32
        %dma_start3A_124 = arith.constant 0 : i32
        %dma_start3A_125 = tpu.memref_slice %arg7[%dma_start3A_123, %dma_start3A_124] : memref<512x128xf32, #tpu.memory_space<vmem_shared>> -> memref<512x128xf32, #tpu.memory_space<vmem_shared>>
        tpu.enqueue_indirect_dma source(%dma_start3A_125 : memref<512x128xf32, #tpu.memory_space<vmem_shared>>) target(%arg11 : memref<80x128xf32, #tpu.memory_space<vmem>>) offsets(%dma_start3A_122 : memref<80xi32, #tpu.memory_space<vmem>>) semaphore(%arg17 : memref<!tpu.dma_semaphore, #tpu.memory_space<semaphore_mem>>)
        %dma_start3A_126 = arith.constant 0 : i32
        %dma_start3A_127 = tpu.memref_slice %arg10[%add3A_119, %dma_start3A_126] : memref<10x80xi32, #tpu.memory_space<vmem>> -> memref<1x80xi32, #tpu.memory_space<vmem>>
        %dma_start3A_128 = tpu.memref_squeeze %dma_start3A_127 : memref<1x80xi32, #tpu.memory_space<vmem>> -> memref<80xi32, #tpu.memory_space<vmem>>
        %dma_start3A_129 = arith.constant 0 : i32
        %dma_start3A_130 = arith.constant 0 : i32
        %dma_start3A_131 = tpu.memref_slice %arg8[%dma_start3A_129, %dma_start3A_130] : memref<512x128xf32, #tpu.memory_space<vmem_shared>> -> memref<512x128xf32, #tpu.memory_space<vmem_shared>>
        tpu.enqueue_indirect_dma source(%dma_start3A_131 : memref<512x128xf32, #tpu.memory_space<vmem_shared>>) target(%arg13 : memref<80x128xf32, #tpu.memory_space<vmem>>) offsets(%dma_start3A_128 : memref<80xi32, #tpu.memory_space<vmem>>) semaphore(%arg19 : memref<!tpu.dma_semaphore, #tpu.memory_space<semaphore_mem>>)
      } else {
      }
      %mul3A_80 = arith.constant 2 : i32
      %mul3A_81 = arith.muli %mul3A_80, %scan3A_44 : i32
      %add3A_82 = arith.constant 1 : i32
      %add3A_83 = arith.addi %mul3A_81, %add3A_82 : i32
      %mul3A_84 = arith.constant 80 : i32
      %mul3A_85 = arith.muli %add3A_83, %mul3A_84 : i32
      %add3A_86 = arith.addi %mul3A_2, %mul3A_85 : i32
      %dma_wait3A_87 = arith.constant 0 : i32
      %dma_wait3A_88 = tpu.memref_slice %arg9[%add3A_83, %dma_wait3A_87] : memref<10x80xi32, #tpu.memory_space<vmem>> -> memref<1x80xi32, #tpu.memory_space<vmem>>
      %dma_wait3A_89 = tpu.memref_squeeze %dma_wait3A_88 : memref<1x80xi32, #tpu.memory_space<vmem>> -> memref<80xi32, #tpu.memory_space<vmem>>
      %dma_wait3A_90 = arith.constant 0 : i32
      %dma_wait3A_91 = arith.constant 0 : i32
      %dma_wait3A_92 = tpu.memref_slice %arg7[%dma_wait3A_90, %dma_wait3A_91] : memref<512x128xf32, #tpu.memory_space<vmem_shared>> -> memref<512x128xf32, #tpu.memory_space<vmem_shared>>
      tpu.wait_indirect_dma semaphore(%arg18 : memref<!tpu.dma_semaphore, #tpu.memory_space<semaphore_mem>>) src(%dma_wait3A_92 : memref<512x128xf32, #tpu.memory_space<vmem_shared>>) dst(%arg12 : memref<80x128xf32, #tpu.memory_space<vmem>>)
      %dma_wait3A_93 = arith.constant 0 : i32
      %dma_wait3A_94 = tpu.memref_slice %arg10[%add3A_83, %dma_wait3A_93] : memref<10x80xi32, #tpu.memory_space<vmem>> -> memref<1x80xi32, #tpu.memory_space<vmem>>
      %dma_wait3A_95 = tpu.memref_squeeze %dma_wait3A_94 : memref<1x80xi32, #tpu.memory_space<vmem>> -> memref<80xi32, #tpu.memory_space<vmem>>
      %dma_wait3A_96 = arith.constant 0 : i32
      %dma_wait3A_97 = arith.constant 0 : i32
      %dma_wait3A_98 = tpu.memref_slice %arg8[%dma_wait3A_96, %dma_wait3A_97] : memref<512x128xf32, #tpu.memory_space<vmem_shared>> -> memref<512x128xf32, #tpu.memory_space<vmem_shared>>
      tpu.wait_indirect_dma semaphore(%arg20 : memref<!tpu.dma_semaphore, #tpu.memory_space<semaphore_mem>>) src(%dma_wait3A_98 : memref<512x128xf32, #tpu.memory_space<vmem_shared>>) dst(%arg14 : memref<80x128xf32, #tpu.memory_space<vmem>>)
      %gt3A_99 = arith.constant 0 : i32
      %gt3A_100 = arith.cmpi sgt, %scan3A_44, %gt3A_99 : i32
      %convert_element_type3A_101 = arith.extui %gt3A_100 : i1 to i32
      %cond3A_102 = arith.constant 0 : i32
      %cond3A_103 = arith.cmpi ne, %convert_element_type3A_101, %cond3A_102 : i32
      scf.if %cond3A_103 {
        %dma_wait3A_118 = arith.constant 0 : i32
        %dma_wait3A_119 = tpu.memref_slice %arg6[%mul3A_2, %dma_wait3A_118] : memref<25600x128xf32, #tpu.memory_space<hbm>> -> memref<80x128xf32, #tpu.memory_space<hbm>>
        %dma_wait3A_120 = arith.constant 0 : i32
        %dma_wait3A_121 = tpu.memref_slice %arg6[%mul3A_2, %dma_wait3A_120] : memref<25600x128xf32, #tpu.memory_space<hbm>> -> memref<80x128xf32, #tpu.memory_space<hbm>>
        tpu.wait_dma2 semaphore(%arg22 : memref<!tpu.dma_semaphore, #tpu.memory_space<semaphore_mem>>) src(%arg16 : memref<80x128xf32, #tpu.memory_space<vmem>>) dst(%dma_wait3A_121 : memref<80x128xf32, #tpu.memory_space<hbm>>)
      } else {
      }
      %parallel_loop3A_104 = arith.constant 0 : i32
      %parallel_loop3A_105 = arith.constant 80 : i32
      %parallel_loop3A_106 = arith.constant 1 : i32
      scf.for %parallel_loop3A_118 = %parallel_loop3A_104 to %parallel_loop3A_105 step %parallel_loop3A_106  : i32 {
        %parallel_loop3A_119 = arith.index_cast %parallel_loop3A_118 : i32 to index
        %parallel_loop3A_120 = arith.constant 0 : index
        %parallel_loop3A_121 = tpu.vector_load %arg12[%parallel_loop3A_119, %parallel_loop3A_120] {strides = array<i32>} : memref<80x128xf32, #tpu.memory_space<vmem>>, vector<1x16xf32>,
        %parallel_loop3A_122 = vector.shape_cast %parallel_loop3A_121 : vector<1x16xf32> to vector<16xf32>
        %parallel_loop3A_123 = arith.index_cast %parallel_loop3A_118 : i32 to index
        %parallel_loop3A_124 = arith.constant 0 : index
        %parallel_loop3A_125 = tpu.vector_load %arg14[%parallel_loop3A_123, %parallel_loop3A_124] {strides = array<i32>} : memref<80x128xf32, #tpu.memory_space<vmem>>, vector<1x16xf32>,
        %parallel_loop3A_126 = vector.shape_cast %parallel_loop3A_125 : vector<1x16xf32> to vector<16xf32>
        %parallel_loop3A_127 = arith.addf %parallel_loop3A_122, %parallel_loop3A_126 : vector<16xf32>
        %parallel_loop3A_128 = arith.index_cast %parallel_loop3A_118 : i32 to index
        %parallel_loop3A_129 = arith.constant 0 : index
        %parallel_loop3A_130 = tpu.vector_load %arg16[%parallel_loop3A_128, %parallel_loop3A_129] {strides = array<i32>} : memref<80x128xf32, #tpu.memory_space<vmem>>, vector<1x16xf32>,
        %parallel_loop3A_131 = vector.shape_cast %parallel_loop3A_130 : vector<1x16xf32> to vector<16xf32>
        %parallel_loop3A_132 = vector.shape_cast %parallel_loop3A_127 : vector<16xf32> to vector<1x16xf32>
        tpu.vector_store %arg16[%parallel_loop3A_128, %parallel_loop3A_129], %parallel_loop3A_132 {strides = array<i32>} : memref<80x128xf32, #tpu.memory_space<vmem>>, vector<1x16xf32>,
        %parallel_loop3A_133 = arith.index_cast %parallel_loop3A_118 : i32 to index
        %parallel_loop3A_134 = arith.constant 16 : index
        %parallel_loop3A_135 = tpu.vector_load %arg12[%parallel_loop3A_133, %parallel_loop3A_134] {strides = array<i32>} : memref<80x128xf32, #tpu.memory_space<vmem>>, vector<1x16xf32>,
        %parallel_loop3A_136 = vector.shape_cast %parallel_loop3A_135 : vector<1x16xf32> to vector<16xf32>
        %parallel_loop3A_137 = arith.index_cast %parallel_loop3A_118 : i32 to index
        %parallel_loop3A_138 = arith.constant 16 : index
        %parallel_loop3A_139 = tpu.vector_load %arg14[%parallel_loop3A_137, %parallel_loop3A_138] {strides = array<i32>} : memref<80x128xf32, #tpu.memory_space<vmem>>, vector<1x16xf32>,
        %parallel_loop3A_140 = vector.shape_cast %parallel_loop3A_139 : vector<1x16xf32> to vector<16xf32>
        %parallel_loop3A_141 = arith.addf %parallel_loop3A_136, %parallel_loop3A_140 : vector<16xf32>
        %parallel_loop3A_142 = arith.index_cast %parallel_loop3A_118 : i32 to index
        %parallel_loop3A_143 = arith.constant 16 : index
        %parallel_loop3A_144 = tpu.vector_load %arg16[%parallel_loop3A_142, %parallel_loop3A_143] {strides = array<i32>} : memref<80x128xf32, #tpu.memory_space<vmem>>, vector<1x16xf32>,
        %parallel_loop3A_145 = vector.shape_cast %parallel_loop3A_144 : vector<1x16xf32> to vector<16xf32>
        %parallel_loop3A_146 = vector.shape_cast %parallel_loop3A_141 : vector<16xf32> to vector<1x16xf32>
        tpu.vector_store %arg16[%parallel_loop3A_142, %parallel_loop3A_143], %parallel_loop3A_146 {strides = array<i32>} : memref<80x128xf32, #tpu.memory_space<vmem>>, vector<1x16xf32>,
        %parallel_loop3A_147 = arith.index_cast %parallel_loop3A_118 : i32 to index
        %parallel_loop3A_148 = arith.constant 32 : index
        %parallel_loop3A_149 = tpu.vector_load %arg12[%parallel_loop3A_147, %parallel_loop3A_148] {strides = array<i32>} : memref<80x128xf32, #tpu.memory_space<vmem>>, vector<1x16xf32>,
        %parallel_loop3A_150 = vector.shape_cast %parallel_loop3A_149 : vector<1x16xf32> to vector<16xf32>
        %parallel_loop3A_151 = arith.index_cast %parallel_loop3A_118 : i32 to index
        %parallel_loop3A_152 = arith.constant 32 : index
        %parallel_loop3A_153 = tpu.vector_load %arg14[%parallel_loop3A_151, %parallel_loop3A_152] {strides = array<i32>} : memref<80x128xf32, #tpu.memory_space<vmem>>, vector<1x16xf32>,
        %parallel_loop3A_154 = vector.shape_cast %parallel_loop3A_153 : vector<1x16xf32> to vector<16xf32>
        %parallel_loop3A_155 = arith.addf %parallel_loop3A_150, %parallel_loop3A_154 : vector<16xf32>
        %parallel_loop3A_156 = arith.index_cast %parallel_loop3A_118 : i32 to index
        %parallel_loop3A_157 = arith.constant 32 : index
        %parallel_loop3A_158 = tpu.vector_load %arg16[%parallel_loop3A_156, %parallel_loop3A_157] {strides = array<i32>} : memref<80x128xf32, #tpu.memory_space<vmem>>, vector<1x16xf32>,
        %parallel_loop3A_159 = vector.shape_cast %parallel_loop3A_158 : vector<1x16xf32> to vector<16xf32>
        %parallel_loop3A_160 = vector.shape_cast %parallel_loop3A_155 : vector<16xf32> to vector<1x16xf32>
        tpu.vector_store %arg16[%parallel_loop3A_156, %parallel_loop3A_157], %parallel_loop3A_160 {strides = array<i32>} : memref<80x128xf32, #tpu.memory_space<vmem>>, vector<1x16xf32>,
        %parallel_loop3A_161 = arith.index_cast %parallel_loop3A_118 : i32 to index
        %parallel_loop3A_162 = arith.constant 48 : index
        %parallel_loop3A_163 = tpu.vector_load %arg12[%parallel_loop3A_161, %parallel_loop3A_162] {strides = array<i32>} : memref<80x128xf32, #tpu.memory_space<vmem>>, vector<1x16xf32>,
        %parallel_loop3A_164 = vector.shape_cast %parallel_loop3A_163 : vector<1x16xf32> to vector<16xf32>
        %parallel_loop3A_165 = arith.index_cast %parallel_loop3A_118 : i32 to index
        %parallel_loop3A_166 = arith.constant 48 : index
        %parallel_loop3A_167 = tpu.vector_load %arg14[%parallel_loop3A_165, %parallel_loop3A_166] {strides = array<i32>} : memref<80x128xf32, #tpu.memory_space<vmem>>, vector<1x16xf32>,
        %parallel_loop3A_168 = vector.shape_cast %parallel_loop3A_167 : vector<1x16xf32> to vector<16xf32>
        %parallel_loop3A_169 = arith.addf %parallel_loop3A_164, %parallel_loop3A_168 : vector<16xf32>
        %parallel_loop3A_170 = arith.index_cast %parallel_loop3A_118 : i32 to index
        %parallel_loop3A_171 = arith.constant 48 : index
        %parallel_loop3A_172 = tpu.vector_load %arg16[%parallel_loop3A_170, %parallel_loop3A_171] {strides = array<i32>} : memref<80x128xf32, #tpu.memory_space<vmem>>, vector<1x16xf32>,
        %parallel_loop3A_173 = vector.shape_cast %parallel_loop3A_172 : vector<1x16xf32> to vector<16xf32>
        %parallel_loop3A_174 = vector.shape_cast %parallel_loop3A_169 : vector<16xf32> to vector<1x16xf32>
        tpu.vector_store %arg16[%parallel_loop3A_170, %parallel_loop3A_171], %parallel_loop3A_174 {strides = array<i32>} : memref<80x128xf32, #tpu.memory_space<vmem>>, vector<1x16xf32>,
        %parallel_loop3A_175 = arith.index_cast %parallel_loop3A_118 : i32 to index
        %parallel_loop3A_176 = arith.constant 64 : index
        %parallel_loop3A_177 = tpu.vector_load %arg12[%parallel_loop3A_175, %parallel_loop3A_176] {strides = array<i32>} : memref<80x128xf32, #tpu.memory_space<vmem>>, vector<1x16xf32>,
        %parallel_loop3A_178 = vector.shape_cast %parallel_loop3A_177 : vector<1x16xf32> to vector<16xf32>
        %parallel_loop3A_179 = arith.index_cast %parallel_loop3A_118 : i32 to index
        %parallel_loop3A_180 = arith.constant 64 : index
        %parallel_loop3A_181 = tpu.vector_load %arg14[%parallel_loop3A_179, %parallel_loop3A_180] {strides = array<i32>} : memref<80x128xf32, #tpu.memory_space<vmem>>, vector<1x16xf32>,
        %parallel_loop3A_182 = vector.shape_cast %parallel_loop3A_181 : vector<1x16xf32> to vector<16xf32>
        %parallel_loop3A_183 = arith.addf %parallel_loop3A_178, %parallel_loop3A_182 : vector<16xf32>
        %parallel_loop3A_184 = arith.index_cast %parallel_loop3A_118 : i32 to index
        %parallel_loop3A_185 = arith.constant 64 : index
        %parallel_loop3A_186 = tpu.vector_load %arg16[%parallel_loop3A_184, %parallel_loop3A_185] {strides = array<i32>} : memref<80x128xf32, #tpu.memory_space<vmem>>, vector<1x16xf32>,
        %parallel_loop3A_187 = vector.shape_cast %parallel_loop3A_186 : vector<1x16xf32> to vector<16xf32>
        %parallel_loop3A_188 = vector.shape_cast %parallel_loop3A_183 : vector<16xf32> to vector<1x16xf32>
        tpu.vector_store %arg16[%parallel_loop3A_184, %parallel_loop3A_185], %parallel_loop3A_188 {strides = array<i32>} : memref<80x128xf32, #tpu.memory_space<vmem>>, vector<1x16xf32>,
        %parallel_loop3A_189 = arith.index_cast %parallel_loop3A_118 : i32 to index
        %parallel_loop3A_190 = arith.constant 80 : index
        %parallel_loop3A_191 = tpu.vector_load %arg12[%parallel_loop3A_189, %parallel_loop3A_190] {strides = array<i32>} : memref<80x128xf32, #tpu.memory_space<vmem>>, vector<1x16xf32>,
        %parallel_loop3A_192 = vector.shape_cast %parallel_loop3A_191 : vector<1x16xf32> to vector<16xf32>
        %parallel_loop3A_193 = arith.index_cast %parallel_loop3A_118 : i32 to index
        %parallel_loop3A_194 = arith.constant 80 : index
        %parallel_loop3A_195 = tpu.vector_load %arg14[%parallel_loop3A_193, %parallel_loop3A_194] {strides = array<i32>} : memref<80x128xf32, #tpu.memory_space<vmem>>, vector<1x16xf32>,
        %parallel_loop3A_196 = vector.shape_cast %parallel_loop3A_195 : vector<1x16xf32> to vector<16xf32>
        %parallel_loop3A_197 = arith.addf %parallel_loop3A_192, %parallel_loop3A_196 : vector<16xf32>
        %parallel_loop3A_198 = arith.index_cast %parallel_loop3A_118 : i32 to index
        %parallel_loop3A_199 = arith.constant 80 : index
        %parallel_loop3A_200 = tpu.vector_load %arg16[%parallel_loop3A_198, %parallel_loop3A_199] {strides = array<i32>} : memref<80x128xf32, #tpu.memory_space<vmem>>, vector<1x16xf32>,
        %parallel_loop3A_201 = vector.shape_cast %parallel_loop3A_200 : vector<1x16xf32> to vector<16xf32>
        %parallel_loop3A_202 = vector.shape_cast %parallel_loop3A_197 : vector<16xf32> to vector<1x16xf32>
        tpu.vector_store %arg16[%parallel_loop3A_198, %parallel_loop3A_199], %parallel_loop3A_202 {strides = array<i32>} : memref<80x128xf32, #tpu.memory_space<vmem>>, vector<1x16xf32>,
        %parallel_loop3A_203 = arith.index_cast %parallel_loop3A_118 : i32 to index
        %parallel_loop3A_204 = arith.constant 96 : index
        %parallel_loop3A_205 = tpu.vector_load %arg12[%parallel_loop3A_203, %parallel_loop3A_204] {strides = array<i32>} : memref<80x128xf32, #tpu.memory_space<vmem>>, vector<1x16xf32>,
        %parallel_loop3A_206 = vector.shape_cast %parallel_loop3A_205 : vector<1x16xf32> to vector<16xf32>
        %parallel_loop3A_207 = arith.index_cast %parallel_loop3A_118 : i32 to index
        %parallel_loop3A_208 = arith.constant 96 : index
        %parallel_loop3A_209 = tpu.vector_load %arg14[%parallel_loop3A_207, %parallel_loop3A_208] {strides = array<i32>} : memref<80x128xf32, #tpu.memory_space<vmem>>, vector<1x16xf32>,
        %parallel_loop3A_210 = vector.shape_cast %parallel_loop3A_209 : vector<1x16xf32> to vector<16xf32>
        %parallel_loop3A_211 = arith.addf %parallel_loop3A_206, %parallel_loop3A_210 : vector<16xf32>
        %parallel_loop3A_212 = arith.index_cast %parallel_loop3A_118 : i32 to index
        %parallel_loop3A_213 = arith.constant 96 : index
        %parallel_loop3A_214 = tpu.vector_load %arg16[%parallel_loop3A_212, %parallel_loop3A_213] {strides = array<i32>} : memref<80x128xf32, #tpu.memory_space<vmem>>, vector<1x16xf32>,
        %parallel_loop3A_215 = vector.shape_cast %parallel_loop3A_214 : vector<1x16xf32> to vector<16xf32>
        %parallel_loop3A_216 = vector.shape_cast %parallel_loop3A_211 : vector<16xf32> to vector<1x16xf32>
        tpu.vector_store %arg16[%parallel_loop3A_212, %parallel_loop3A_213], %parallel_loop3A_216 {strides = array<i32>} : memref<80x128xf32, #tpu.memory_space<vmem>>, vector<1x16xf32>,
        %parallel_loop3A_217 = arith.index_cast %parallel_loop3A_118 : i32 to index
        %parallel_loop3A_218 = arith.constant 112 : index
        %parallel_loop3A_219 = tpu.vector_load %arg12[%parallel_loop3A_217, %parallel_loop3A_218] {strides = array<i32>} : memref<80x128xf32, #tpu.memory_space<vmem>>, vector<1x16xf32>,
        %parallel_loop3A_220 = vector.shape_cast %parallel_loop3A_219 : vector<1x16xf32> to vector<16xf32>
        %parallel_loop3A_221 = arith.index_cast %parallel_loop3A_118 : i32 to index
        %parallel_loop3A_222 = arith.constant 112 : index
        %parallel_loop3A_223 = tpu.vector_load %arg14[%parallel_loop3A_221, %parallel_loop3A_222] {strides = array<i32>} : memref<80x128xf32, #tpu.memory_space<vmem>>, vector<1x16xf32>,
        %parallel_loop3A_224 = vector.shape_cast %parallel_loop3A_223 : vector<1x16xf32> to vector<16xf32>
        %parallel_loop3A_225 = arith.addf %parallel_loop3A_220, %parallel_loop3A_224 : vector<16xf32>
        %parallel_loop3A_226 = arith.index_cast %parallel_loop3A_118 : i32 to index
        %parallel_loop3A_227 = arith.constant 112 : index
        %parallel_loop3A_228 = tpu.vector_load %arg16[%parallel_loop3A_226, %parallel_loop3A_227] {strides = array<i32>} : memref<80x128xf32, #tpu.memory_space<vmem>>, vector<1x16xf32>,
        %parallel_loop3A_229 = vector.shape_cast %parallel_loop3A_228 : vector<1x16xf32> to vector<16xf32>
        %parallel_loop3A_230 = vector.shape_cast %parallel_loop3A_225 : vector<16xf32> to vector<1x16xf32>
        tpu.vector_store %arg16[%parallel_loop3A_226, %parallel_loop3A_227], %parallel_loop3A_230 {strides = array<i32>} : memref<80x128xf32, #tpu.memory_space<vmem>>, vector<1x16xf32>,
      } {sc.loop_unroll_factor = 2 : i64, sc.parallel_access}
      %dma_start3A_107 = arith.constant 0 : i32
      %dma_start3A_108 = tpu.memref_slice %arg6[%add3A_86, %dma_start3A_107] : memref<25600x128xf32, #tpu.memory_space<hbm>> -> memref<80x128xf32, #tpu.memory_space<hbm>>
      %dma_start3A_109 = arith.constant 0 : i32
      %dma_start3A_110 = tpu.memref_slice %arg6[%add3A_86, %dma_start3A_109] : memref<25600x128xf32, #tpu.memory_space<hbm>> -> memref<80x128xf32, #tpu.memory_space<hbm>>
      tpu.enqueue_dma source(%arg16 : memref<80x128xf32, #tpu.memory_space<vmem>>) target(%dma_start3A_110 : memref<80x128xf32, #tpu.memory_space<hbm>>) target_semaphore(%arg22 : memref<!tpu.dma_semaphore, #tpu.memory_space<semaphore_mem>>)
      %add3A_111 = arith.constant 2 : i32
      %add3A_112 = arith.addi %add3A_83, %add3A_111 : i32
      %lt3A_113 = arith.constant 10 : i32
      %lt3A_114 = arith.cmpi slt, %add3A_112, %lt3A_113 : i32
      %convert_element_type3A_115 = arith.extui %lt3A_114 : i1 to i32
      %cond3A_116 = arith.constant 0 : i32
      %cond3A_117 = arith.cmpi ne, %convert_element_type3A_115, %cond3A_116 : i32
      scf.if %cond3A_117 {
        %add3A_118 = arith.constant 2 : i32
        %add3A_119 = arith.addi %add3A_83, %add3A_118 : i32
        %dma_start3A_120 = arith.constant 0 : i32
        %dma_start3A_121 = tpu.memref_slice %arg9[%add3A_119, %dma_start3A_120] : memref<10x80xi32, #tpu.memory_space<vmem>> -> memref<1x80xi32, #tpu.memory_space<vmem>>
        %dma_start3A_122 = tpu.memref_squeeze %dma_start3A_121 : memref<1x80xi32, #tpu.memory_space<vmem>> -> memref<80xi32, #tpu.memory_space<vmem>>
        %dma_start3A_123 = arith.constant 0 : i32
        %dma_start3A_124 = arith.constant 0 : i32
        %dma_start3A_125 = tpu.memref_slice %arg7[%dma_start3A_123, %dma_start3A_124] : memref<512x128xf32, #tpu.memory_space<vmem_shared>> -> memref<512x128xf32, #tpu.memory_space<vmem_shared>>
        tpu.enqueue_indirect_dma source(%dma_start3A_125 : memref<512x128xf32, #tpu.memory_space<vmem_shared>>) target(%arg12 : memref<80x128xf32, #tpu.memory_space<vmem>>) offsets(%dma_start3A_122 : memref<80xi32, #tpu.memory_space<vmem>>) semaphore(%arg18 : memref<!tpu.dma_semaphore, #tpu.memory_space<semaphore_mem>>)
        %dma_start3A_126 = arith.constant 0 : i32
        %dma_start3A_127 = tpu.memref_slice %arg10[%add3A_119, %dma_start3A_126] : memref<10x80xi32, #tpu.memory_space<vmem>> -> memref<1x80xi32, #tpu.memory_space<vmem>>
        %dma_start3A_128 = tpu.memref_squeeze %dma_start3A_127 : memref<1x80xi32, #tpu.memory_space<vmem>> -> memref<80xi32, #tpu.memory_space<vmem>>
        %dma_start3A_129 = arith.constant 0 : i32
        %dma_start3A_130 = arith.constant 0 : i32
        %dma_start3A_131 = tpu.memref_slice %arg8[%dma_start3A_129, %dma_start3A_130] : memref<512x128xf32, #tpu.memory_space<vmem_shared>> -> memref<512x128xf32, #tpu.memory_space<vmem_shared>>
        tpu.enqueue_indirect_dma source(%dma_start3A_131 : memref<512x128xf32, #tpu.memory_space<vmem_shared>>) target(%arg14 : memref<80x128xf32, #tpu.memory_space<vmem>>) offsets(%dma_start3A_128 : memref<80xi32, #tpu.memory_space<vmem>>) semaphore(%arg20 : memref<!tpu.dma_semaphore, #tpu.memory_space<semaphore_mem>>)
      } else {
      }
    }
    %scan3A_36 = arith.constant 5 : i32
    %dma_wait3A = arith.constant 0 : i32
    %dma_wait3A_37 = tpu.memref_slice %arg6[%mul3A_2, %dma_wait3A] : memref<25600x128xf32, #tpu.memory_space<hbm>> -> memref<80x128xf32, #tpu.memory_space<hbm>>
    %dma_wait3A_38 = arith.constant 0 : i32
    %dma_wait3A_39 = tpu.memref_slice %arg6[%mul3A_2, %dma_wait3A_38] : memref<25600x128xf32, #tpu.memory_space<hbm>> -> memref<80x128xf32, #tpu.memory_space<hbm>>
    tpu.wait_dma2 semaphore(%arg21 : memref<!tpu.dma_semaphore, #tpu.memory_space<semaphore_mem>>) src(%arg15 : memref<80x128xf32, #tpu.memory_space<vmem>>) dst(%dma_wait3A_39 : memref<80x128xf32, #tpu.memory_space<hbm>>)
    %dma_wait3A_40 = arith.constant 0 : i32
    %dma_wait3A_41 = tpu.memref_slice %arg6[%mul3A_2, %dma_wait3A_40] : memref<25600x128xf32, #tpu.memory_space<hbm>> -> memref<80x128xf32, #tpu.memory_space<hbm>>
    %dma_wait3A_42 = arith.constant 0 : i32
    %dma_wait3A_43 = tpu.memref_slice %arg6[%mul3A_2, %dma_wait3A_42] : memref<25600x128xf32, #tpu.memory_space<hbm>> -> memref<80x128xf32, #tpu.memory_space<hbm>>
    tpu.wait_dma2 semaphore(%arg22 : memref<!tpu.dma_semaphore, #tpu.memory_space<semaphore_mem>>) src(%arg16 : memref<80x128xf32, #tpu.memory_space<vmem>>) dst(%dma_wait3A_43 : memref<80x128xf32, #tpu.memory_space<hbm>>)
    return
  }
}

#map = affine_map<(d0, d1) -> (0, 0)>
#map1 = affine_map<(d0, d1) -> (0, 0, 0)>
module attributes {stable_mosaic.version = 14 : i64} {
  func.func @k(%arg0: i32, %arg1: i32, %arg2: memref<512x128xf32, #tpu.memory_space<hbm>>, %arg3: memref<512x128xf32, #tpu.memory_space<hbm>>, %arg4: memref<32x30x80xi32, #tpu.memory_space<hbm>>, %arg5: memref<32x30x80xi32, #tpu.memory_space<hbm>>, %arg6: memref<76800x128xf32, #tpu.memory_space<hbm>>, %arg7: memref<512x128xf32, #tpu.memory_space<vmem_shared>>, %arg8: memref<512x128xf32, #tpu.memory_space<vmem_shared>>, %arg9: memref<30x80xi32, #tpu.memory_space<vmem>>, %arg10: memref<30x80xi32, #tpu.memory_space<vmem>>, %arg11: memref<80x128xf32, #tpu.memory_space<vmem>>, %arg12: memref<80x128xf32, #tpu.memory_space<vmem>>, %arg13: memref<80x128xf32, #tpu.memory_space<vmem>>, %arg14: memref<80x128xf32, #tpu.memory_space<vmem>>, %arg15: memref<80x128xf32, #tpu.memory_space<vmem>>, %arg16: memref<80x128xf32, #tpu.memory_space<vmem>>, %arg17: memref<!tpu.dma_semaphore, #tpu.memory_space<semaphore_mem>>, %arg18: memref<!tpu.dma_semaphore, #tpu.memory_space<semaphore_mem>>, %arg19: memref<!tpu.dma_semaphore, #tpu.memory_space<semaphore_mem>>, %arg20: memref<!tpu.dma_semaphore, #tpu.memory_space<semaphore_mem>>, %arg21: memref<!tpu.dma_semaphore, #tpu.memory_space<semaphore_mem>>, %arg22: memref<!tpu.dma_semaphore, #tpu.memory_space<semaphore_mem>>) attributes {dimension_semantics = [#tpu.dimension_semantics<core_parallel>, #tpu.dimension_semantics<subcore_parallel>], iteration_bounds = array<i64: 2, 16>, scalar_prefetch = 0 : i64, scratch_operands = 16 : i64, tpu.core_type = #tpu.core_type<sc_vector_subcore>, window_params = [{transform_indices = #map}, {transform_indices = #map}, {transform_indices = #map1}, {transform_indices = #map1}, {transform_indices = #map}]} {
    %mul3A = arith.constant 2 : i32
    %mul3A_0 = arith.muli %arg1, %mul3A : i32
    %add3A = arith.addi %mul3A_0, %arg0 : i32
    %mul3A_1 = arith.constant 2400 : i32
    %mul3A_2 = arith.muli %add3A, %mul3A_1 : i32
    %eq3A = arith.constant 0 : i32
    %eq3A_3 = arith.cmpi eq, %arg1, %eq3A : i32
    %convert_element_type3A = arith.extui %eq3A_3 : i1 to i32
    %cond3A = arith.constant 0 : i32
    %cond3A_4 = arith.cmpi ne, %convert_element_type3A, %cond3A : i32
    scf.if %cond3A_4 {
      "tpu.region"() ({
        %run_scoped3A = tpu.sem_alloc : memref<!tpu.dma_semaphore, #tpu.memory_space<semaphore_mem>>
        tpu.enqueue_dma source(%arg2 : memref<512x128xf32, #tpu.memory_space<hbm>>) target(%arg7 : memref<512x128xf32, #tpu.memory_space<vmem_shared>>) target_semaphore(%run_scoped3A : memref<!tpu.dma_semaphore, #tpu.memory_space<semaphore_mem>>)
        tpu.wait_dma2 semaphore(%run_scoped3A : memref<!tpu.dma_semaphore, #tpu.memory_space<semaphore_mem>>) src(%arg2 : memref<512x128xf32, #tpu.memory_space<hbm>>) dst(%arg7 : memref<512x128xf32, #tpu.memory_space<vmem_shared>>)
        tpu.yield
      }) : () -> ()
      "tpu.region"() ({
        %run_scoped3A = tpu.sem_alloc : memref<!tpu.dma_semaphore, #tpu.memory_space<semaphore_mem>>
        tpu.enqueue_dma source(%arg3 : memref<512x128xf32, #tpu.memory_space<hbm>>) target(%arg8 : memref<512x128xf32, #tpu.memory_space<vmem_shared>>) target_semaphore(%run_scoped3A : memref<!tpu.dma_semaphore, #tpu.memory_space<semaphore_mem>>)
        tpu.wait_dma2 semaphore(%run_scoped3A : memref<!tpu.dma_semaphore, #tpu.memory_space<semaphore_mem>>) src(%arg3 : memref<512x128xf32, #tpu.memory_space<hbm>>) dst(%arg8 : memref<512x128xf32, #tpu.memory_space<vmem_shared>>)
        tpu.yield
      }) : () -> ()
    } else {
    }
    "tpu.region"() ({
      %run_scoped3A = tpu.sem_alloc : memref<!tpu.dma_semaphore, #tpu.memory_space<semaphore_mem>>
      %dma_start3A_44 = arith.constant 0 : i32
      %dma_start3A_45 = arith.constant 0 : i32
      %dma_start3A_46 = tpu.memref_slice %arg4[%add3A, %dma_start3A_44, %dma_start3A_45] : memref<32x30x80xi32, #tpu.memory_space<hbm>> -> memref<1x30x80xi32, #tpu.memory_space<hbm>>
      %dma_start3A_47 = tpu.memref_squeeze %dma_start3A_46 : memref<1x30x80xi32, #tpu.memory_space<hbm>> -> memref<30x80xi32, #tpu.memory_space<hbm>>
      %dma_start3A_48 = arith.constant 0 : i32
      %dma_start3A_49 = arith.constant 0 : i32
      %dma_start3A_50 = tpu.memref_slice %arg4[%add3A, %dma_start3A_48, %dma_start3A_49] : memref<32x30x80xi32, #tpu.memory_space<hbm>> -> memref<1x30x80xi32, #tpu.memory_space<hbm>>
      %dma_start3A_51 = tpu.memref_squeeze %dma_start3A_50 : memref<1x30x80xi32, #tpu.memory_space<hbm>> -> memref<30x80xi32, #tpu.memory_space<hbm>>
      tpu.enqueue_dma source(%dma_start3A_51 : memref<30x80xi32, #tpu.memory_space<hbm>>) target(%arg9 : memref<30x80xi32, #tpu.memory_space<vmem>>) target_semaphore(%run_scoped3A : memref<!tpu.dma_semaphore, #tpu.memory_space<semaphore_mem>>)
      %dma_wait3A_52 = arith.constant 0 : i32
      %dma_wait3A_53 = arith.constant 0 : i32
      %dma_wait3A_54 = tpu.memref_slice %arg4[%add3A, %dma_wait3A_52, %dma_wait3A_53] : memref<32x30x80xi32, #tpu.memory_space<hbm>> -> memref<1x30x80xi32, #tpu.memory_space<hbm>>
      %dma_wait3A_55 = tpu.memref_squeeze %dma_wait3A_54 : memref<1x30x80xi32, #tpu.memory_space<hbm>> -> memref<30x80xi32, #tpu.memory_space<hbm>>
      %dma_wait3A_56 = arith.constant 0 : i32
      %dma_wait3A_57 = arith.constant 0 : i32
      %dma_wait3A_58 = tpu.memref_slice %arg4[%add3A, %dma_wait3A_56, %dma_wait3A_57] : memref<32x30x80xi32, #tpu.memory_space<hbm>> -> memref<1x30x80xi32, #tpu.memory_space<hbm>>
      %dma_wait3A_59 = tpu.memref_squeeze %dma_wait3A_58 : memref<1x30x80xi32, #tpu.memory_space<hbm>> -> memref<30x80xi32, #tpu.memory_space<hbm>>
      tpu.wait_dma2 semaphore(%run_scoped3A : memref<!tpu.dma_semaphore, #tpu.memory_space<semaphore_mem>>) src(%dma_wait3A_59 : memref<30x80xi32, #tpu.memory_space<hbm>>) dst(%arg9 : memref<30x80xi32, #tpu.memory_space<vmem>>)
      tpu.yield
    }) : () -> ()
    "tpu.region"() ({
      %run_scoped3A = tpu.sem_alloc : memref<!tpu.dma_semaphore, #tpu.memory_space<semaphore_mem>>
      %dma_start3A_44 = arith.constant 0 : i32
      %dma_start3A_45 = arith.constant 0 : i32
      %dma_start3A_46 = tpu.memref_slice %arg5[%add3A, %dma_start3A_44, %dma_start3A_45] : memref<32x30x80xi32, #tpu.memory_space<hbm>> -> memref<1x30x80xi32, #tpu.memory_space<hbm>>
      %dma_start3A_47 = tpu.memref_squeeze %dma_start3A_46 : memref<1x30x80xi32, #tpu.memory_space<hbm>> -> memref<30x80xi32, #tpu.memory_space<hbm>>
      %dma_start3A_48 = arith.constant 0 : i32
      %dma_start3A_49 = arith.constant 0 : i32
      %dma_start3A_50 = tpu.memref_slice %arg5[%add3A, %dma_start3A_48, %dma_start3A_49] : memref<32x30x80xi32, #tpu.memory_space<hbm>> -> memref<1x30x80xi32, #tpu.memory_space<hbm>>
      %dma_start3A_51 = tpu.memref_squeeze %dma_start3A_50 : memref<1x30x80xi32, #tpu.memory_space<hbm>> -> memref<30x80xi32, #tpu.memory_space<hbm>>
      tpu.enqueue_dma source(%dma_start3A_51 : memref<30x80xi32, #tpu.memory_space<hbm>>) target(%arg10 : memref<30x80xi32, #tpu.memory_space<vmem>>) target_semaphore(%run_scoped3A : memref<!tpu.dma_semaphore, #tpu.memory_space<semaphore_mem>>)
      %dma_wait3A_52 = arith.constant 0 : i32
      %dma_wait3A_53 = arith.constant 0 : i32
      %dma_wait3A_54 = tpu.memref_slice %arg5[%add3A, %dma_wait3A_52, %dma_wait3A_53] : memref<32x30x80xi32, #tpu.memory_space<hbm>> -> memref<1x30x80xi32, #tpu.memory_space<hbm>>
      %dma_wait3A_55 = tpu.memref_squeeze %dma_wait3A_54 : memref<1x30x80xi32, #tpu.memory_space<hbm>> -> memref<30x80xi32, #tpu.memory_space<hbm>>
      %dma_wait3A_56 = arith.constant 0 : i32
      %dma_wait3A_57 = arith.constant 0 : i32
      %dma_wait3A_58 = tpu.memref_slice %arg5[%add3A, %dma_wait3A_56, %dma_wait3A_57] : memref<32x30x80xi32, #tpu.memory_space<hbm>> -> memref<1x30x80xi32, #tpu.memory_space<hbm>>
      %dma_wait3A_59 = tpu.memref_squeeze %dma_wait3A_58 : memref<1x30x80xi32, #tpu.memory_space<hbm>> -> memref<30x80xi32, #tpu.memory_space<hbm>>
      tpu.wait_dma2 semaphore(%run_scoped3A : memref<!tpu.dma_semaphore, #tpu.memory_space<semaphore_mem>>) src(%dma_wait3A_59 : memref<30x80xi32, #tpu.memory_space<hbm>>) dst(%arg10 : memref<30x80xi32, #tpu.memory_space<vmem>>)
      tpu.yield
    }) : () -> ()
    %barrier3A = arith.constant 0 : index
    tpu.barrier barrier_id(%barrier3A)
    %dma_start3A = arith.constant 0 : i32
    %dma_start3A_5 = arith.constant 0 : i32
    %dma_start3A_6 = tpu.memref_slice %arg9[%dma_start3A, %dma_start3A_5] : memref<30x80xi32, #tpu.memory_space<vmem>> -> memref<1x80xi32, #tpu.memory_space<vmem>>
    %dma_start3A_7 = tpu.memref_squeeze %dma_start3A_6 : memref<1x80xi32, #tpu.memory_space<vmem>> -> memref<80xi32, #tpu.memory_space<vmem>>
    %dma_start3A_8 = arith.constant 0 : i32
    %dma_start3A_9 = arith.constant 0 : i32
    %dma_start3A_10 = tpu.memref_slice %arg7[%dma_start3A_8, %dma_start3A_9] : memref<512x128xf32, #tpu.memory_space<vmem_shared>> -> memref<512x128xf32, #tpu.memory_space<vmem_shared>>
    tpu.enqueue_indirect_dma source(%dma_start3A_10 : memref<512x128xf32, #tpu.memory_space<vmem_shared>>) target(%arg11 : memref<80x128xf32, #tpu.memory_space<vmem>>) offsets(%dma_start3A_7 : memref<80xi32, #tpu.memory_space<vmem>>) semaphore(%arg17 : memref<!tpu.dma_semaphore, #tpu.memory_space<semaphore_mem>>)
    %dma_start3A_11 = arith.constant 0 : i32
    %dma_start3A_12 = arith.constant 0 : i32
    %dma_start3A_13 = tpu.memref_slice %arg10[%dma_start3A_11, %dma_start3A_12] : memref<30x80xi32, #tpu.memory_space<vmem>> -> memref<1x80xi32, #tpu.memory_space<vmem>>
    %dma_start3A_14 = tpu.memref_squeeze %dma_start3A_13 : memref<1x80xi32, #tpu.memory_space<vmem>> -> memref<80xi32, #tpu.memory_space<vmem>>
    %dma_start3A_15 = arith.constant 0 : i32
    %dma_start3A_16 = arith.constant 0 : i32
    %dma_start3A_17 = tpu.memref_slice %arg8[%dma_start3A_15, %dma_start3A_16] : memref<512x128xf32, #tpu.memory_space<vmem_shared>> -> memref<512x128xf32, #tpu.memory_space<vmem_shared>>
    tpu.enqueue_indirect_dma source(%dma_start3A_17 : memref<512x128xf32, #tpu.memory_space<vmem_shared>>) target(%arg13 : memref<80x128xf32, #tpu.memory_space<vmem>>) offsets(%dma_start3A_14 : memref<80xi32, #tpu.memory_space<vmem>>) semaphore(%arg19 : memref<!tpu.dma_semaphore, #tpu.memory_space<semaphore_mem>>)
    %dma_start3A_18 = arith.constant 1 : i32
    %dma_start3A_19 = arith.constant 0 : i32
    %dma_start3A_20 = tpu.memref_slice %arg9[%dma_start3A_18, %dma_start3A_19] : memref<30x80xi32, #tpu.memory_space<vmem>> -> memref<1x80xi32, #tpu.memory_space<vmem>>
    %dma_start3A_21 = tpu.memref_squeeze %dma_start3A_20 : memref<1x80xi32, #tpu.memory_space<vmem>> -> memref<80xi32, #tpu.memory_space<vmem>>
    %dma_start3A_22 = arith.constant 0 : i32
    %dma_start3A_23 = arith.constant 0 : i32
    %dma_start3A_24 = tpu.memref_slice %arg7[%dma_start3A_22, %dma_start3A_23] : memref<512x128xf32, #tpu.memory_space<vmem_shared>> -> memref<512x128xf32, #tpu.memory_space<vmem_shared>>
    tpu.enqueue_indirect_dma source(%dma_start3A_24 : memref<512x128xf32, #tpu.memory_space<vmem_shared>>) target(%arg12 : memref<80x128xf32, #tpu.memory_space<vmem>>) offsets(%dma_start3A_21 : memref<80xi32, #tpu.memory_space<vmem>>) semaphore(%arg18 : memref<!tpu.dma_semaphore, #tpu.memory_space<semaphore_mem>>)
    %dma_start3A_25 = arith.constant 1 : i32
    %dma_start3A_26 = arith.constant 0 : i32
    %dma_start3A_27 = tpu.memref_slice %arg10[%dma_start3A_25, %dma_start3A_26] : memref<30x80xi32, #tpu.memory_space<vmem>> -> memref<1x80xi32, #tpu.memory_space<vmem>>
    %dma_start3A_28 = tpu.memref_squeeze %dma_start3A_27 : memref<1x80xi32, #tpu.memory_space<vmem>> -> memref<80xi32, #tpu.memory_space<vmem>>
    %dma_start3A_29 = arith.constant 0 : i32
    %dma_start3A_30 = arith.constant 0 : i32
    %dma_start3A_31 = tpu.memref_slice %arg8[%dma_start3A_29, %dma_start3A_30] : memref<512x128xf32, #tpu.memory_space<vmem_shared>> -> memref<512x128xf32, #tpu.memory_space<vmem_shared>>
    tpu.enqueue_indirect_dma source(%dma_start3A_31 : memref<512x128xf32, #tpu.memory_space<vmem_shared>>) target(%arg14 : memref<80x128xf32, #tpu.memory_space<vmem>>) offsets(%dma_start3A_28 : memref<80xi32, #tpu.memory_space<vmem>>) semaphore(%arg20 : memref<!tpu.dma_semaphore, #tpu.memory_space<semaphore_mem>>)
    %scan3A = arith.constant 0 : i32
    %scan3A_32 = arith.constant 0 : i32
    %scan3A_33 = arith.constant 15 : i32
    %scan3A_34 = arith.addi %scan3A_32, %scan3A_33 : i32
    %scan3A_35 = arith.constant 1 : i32
    scf.for %scan3A_44 = %scan3A_32 to %scan3A_34 step %scan3A_35  : i32 {
      %mul3A_45 = arith.constant 2 : i32
      %mul3A_46 = arith.muli %mul3A_45, %scan3A_44 : i32
      %add3A_47 = arith.constant 0 : i32
      %add3A_48 = arith.addi %mul3A_46, %add3A_47 : i32
      %mul3A_49 = arith.constant 80 : i32
      %mul3A_50 = arith.muli %add3A_48, %mul3A_49 : i32
      %add3A_51 = arith.addi %mul3A_2, %mul3A_50 : i32
      %dma_wait3A_52 = arith.constant 0 : i32
      %dma_wait3A_53 = tpu.memref_slice %arg9[%add3A_48, %dma_wait3A_52] : memref<30x80xi32, #tpu.memory_space<vmem>> -> memref<1x80xi32, #tpu.memory_space<vmem>>
      %dma_wait3A_54 = tpu.memref_squeeze %dma_wait3A_53 : memref<1x80xi32, #tpu.memory_space<vmem>> -> memref<80xi32, #tpu.memory_space<vmem>>
      %dma_wait3A_55 = arith.constant 0 : i32
      %dma_wait3A_56 = arith.constant 0 : i32
      %dma_wait3A_57 = tpu.memref_slice %arg7[%dma_wait3A_55, %dma_wait3A_56] : memref<512x128xf32, #tpu.memory_space<vmem_shared>> -> memref<512x128xf32, #tpu.memory_space<vmem_shared>>
      tpu.wait_indirect_dma semaphore(%arg17 : memref<!tpu.dma_semaphore, #tpu.memory_space<semaphore_mem>>) src(%dma_wait3A_57 : memref<512x128xf32, #tpu.memory_space<vmem_shared>>) dst(%arg11 : memref<80x128xf32, #tpu.memory_space<vmem>>)
      %dma_wait3A_58 = arith.constant 0 : i32
      %dma_wait3A_59 = tpu.memref_slice %arg10[%add3A_48, %dma_wait3A_58] : memref<30x80xi32, #tpu.memory_space<vmem>> -> memref<1x80xi32, #tpu.memory_space<vmem>>
      %dma_wait3A_60 = tpu.memref_squeeze %dma_wait3A_59 : memref<1x80xi32, #tpu.memory_space<vmem>> -> memref<80xi32, #tpu.memory_space<vmem>>
      %dma_wait3A_61 = arith.constant 0 : i32
      %dma_wait3A_62 = arith.constant 0 : i32
      %dma_wait3A_63 = tpu.memref_slice %arg8[%dma_wait3A_61, %dma_wait3A_62] : memref<512x128xf32, #tpu.memory_space<vmem_shared>> -> memref<512x128xf32, #tpu.memory_space<vmem_shared>>
      tpu.wait_indirect_dma semaphore(%arg19 : memref<!tpu.dma_semaphore, #tpu.memory_space<semaphore_mem>>) src(%dma_wait3A_63 : memref<512x128xf32, #tpu.memory_space<vmem_shared>>) dst(%arg13 : memref<80x128xf32, #tpu.memory_space<vmem>>)
      %gt3A = arith.constant 0 : i32
      %gt3A_64 = arith.cmpi sgt, %scan3A_44, %gt3A : i32
      %convert_element_type3A_65 = arith.extui %gt3A_64 : i1 to i32
      %cond3A_66 = arith.constant 0 : i32
      %cond3A_67 = arith.cmpi ne, %convert_element_type3A_65, %cond3A_66 : i32
      scf.if %cond3A_67 {
        %dma_wait3A_118 = arith.constant 0 : i32
        %dma_wait3A_119 = tpu.memref_slice %arg6[%mul3A_2, %dma_wait3A_118] : memref<76800x128xf32, #tpu.memory_space<hbm>> -> memref<80x128xf32, #tpu.memory_space<hbm>>
        %dma_wait3A_120 = arith.constant 0 : i32
        %dma_wait3A_121 = tpu.memref_slice %arg6[%mul3A_2, %dma_wait3A_120] : memref<76800x128xf32, #tpu.memory_space<hbm>> -> memref<80x128xf32, #tpu.memory_space<hbm>>
        tpu.wait_dma2 semaphore(%arg21 : memref<!tpu.dma_semaphore, #tpu.memory_space<semaphore_mem>>) src(%arg15 : memref<80x128xf32, #tpu.memory_space<vmem>>) dst(%dma_wait3A_121 : memref<80x128xf32, #tpu.memory_space<hbm>>)
      } else {
      }
      %parallel_loop3A = arith.constant 0 : i32
      %parallel_loop3A_68 = arith.constant 80 : i32
      %parallel_loop3A_69 = arith.constant 1 : i32
      scf.for %parallel_loop3A_118 = %parallel_loop3A to %parallel_loop3A_68 step %parallel_loop3A_69  : i32 {
        %parallel_loop3A_119 = arith.index_cast %parallel_loop3A_118 : i32 to index
        %parallel_loop3A_120 = arith.constant 0 : index
        %parallel_loop3A_121 = tpu.vector_load %arg11[%parallel_loop3A_119, %parallel_loop3A_120] {strides = array<i32>} : memref<80x128xf32, #tpu.memory_space<vmem>>, vector<1x16xf32>,
        %parallel_loop3A_122 = vector.shape_cast %parallel_loop3A_121 : vector<1x16xf32> to vector<16xf32>
        %parallel_loop3A_123 = arith.index_cast %parallel_loop3A_118 : i32 to index
        %parallel_loop3A_124 = arith.constant 0 : index
        %parallel_loop3A_125 = tpu.vector_load %arg13[%parallel_loop3A_123, %parallel_loop3A_124] {strides = array<i32>} : memref<80x128xf32, #tpu.memory_space<vmem>>, vector<1x16xf32>,
        %parallel_loop3A_126 = vector.shape_cast %parallel_loop3A_125 : vector<1x16xf32> to vector<16xf32>
        %parallel_loop3A_127 = arith.addf %parallel_loop3A_122, %parallel_loop3A_126 : vector<16xf32>
        %parallel_loop3A_128 = arith.index_cast %parallel_loop3A_118 : i32 to index
        %parallel_loop3A_129 = arith.constant 0 : index
        %parallel_loop3A_130 = tpu.vector_load %arg15[%parallel_loop3A_128, %parallel_loop3A_129] {strides = array<i32>} : memref<80x128xf32, #tpu.memory_space<vmem>>, vector<1x16xf32>,
        %parallel_loop3A_131 = vector.shape_cast %parallel_loop3A_130 : vector<1x16xf32> to vector<16xf32>
        %parallel_loop3A_132 = vector.shape_cast %parallel_loop3A_127 : vector<16xf32> to vector<1x16xf32>
        tpu.vector_store %arg15[%parallel_loop3A_128, %parallel_loop3A_129], %parallel_loop3A_132 {strides = array<i32>} : memref<80x128xf32, #tpu.memory_space<vmem>>, vector<1x16xf32>,
        %parallel_loop3A_133 = arith.index_cast %parallel_loop3A_118 : i32 to index
        %parallel_loop3A_134 = arith.constant 16 : index
        %parallel_loop3A_135 = tpu.vector_load %arg11[%parallel_loop3A_133, %parallel_loop3A_134] {strides = array<i32>} : memref<80x128xf32, #tpu.memory_space<vmem>>, vector<1x16xf32>,
        %parallel_loop3A_136 = vector.shape_cast %parallel_loop3A_135 : vector<1x16xf32> to vector<16xf32>
        %parallel_loop3A_137 = arith.index_cast %parallel_loop3A_118 : i32 to index
        %parallel_loop3A_138 = arith.constant 16 : index
        %parallel_loop3A_139 = tpu.vector_load %arg13[%parallel_loop3A_137, %parallel_loop3A_138] {strides = array<i32>} : memref<80x128xf32, #tpu.memory_space<vmem>>, vector<1x16xf32>,
        %parallel_loop3A_140 = vector.shape_cast %parallel_loop3A_139 : vector<1x16xf32> to vector<16xf32>
        %parallel_loop3A_141 = arith.addf %parallel_loop3A_136, %parallel_loop3A_140 : vector<16xf32>
        %parallel_loop3A_142 = arith.index_cast %parallel_loop3A_118 : i32 to index
        %parallel_loop3A_143 = arith.constant 16 : index
        %parallel_loop3A_144 = tpu.vector_load %arg15[%parallel_loop3A_142, %parallel_loop3A_143] {strides = array<i32>} : memref<80x128xf32, #tpu.memory_space<vmem>>, vector<1x16xf32>,
        %parallel_loop3A_145 = vector.shape_cast %parallel_loop3A_144 : vector<1x16xf32> to vector<16xf32>
        %parallel_loop3A_146 = vector.shape_cast %parallel_loop3A_141 : vector<16xf32> to vector<1x16xf32>
        tpu.vector_store %arg15[%parallel_loop3A_142, %parallel_loop3A_143], %parallel_loop3A_146 {strides = array<i32>} : memref<80x128xf32, #tpu.memory_space<vmem>>, vector<1x16xf32>,
        %parallel_loop3A_147 = arith.index_cast %parallel_loop3A_118 : i32 to index
        %parallel_loop3A_148 = arith.constant 32 : index
        %parallel_loop3A_149 = tpu.vector_load %arg11[%parallel_loop3A_147, %parallel_loop3A_148] {strides = array<i32>} : memref<80x128xf32, #tpu.memory_space<vmem>>, vector<1x16xf32>,
        %parallel_loop3A_150 = vector.shape_cast %parallel_loop3A_149 : vector<1x16xf32> to vector<16xf32>
        %parallel_loop3A_151 = arith.index_cast %parallel_loop3A_118 : i32 to index
        %parallel_loop3A_152 = arith.constant 32 : index
        %parallel_loop3A_153 = tpu.vector_load %arg13[%parallel_loop3A_151, %parallel_loop3A_152] {strides = array<i32>} : memref<80x128xf32, #tpu.memory_space<vmem>>, vector<1x16xf32>,
        %parallel_loop3A_154 = vector.shape_cast %parallel_loop3A_153 : vector<1x16xf32> to vector<16xf32>
        %parallel_loop3A_155 = arith.addf %parallel_loop3A_150, %parallel_loop3A_154 : vector<16xf32>
        %parallel_loop3A_156 = arith.index_cast %parallel_loop3A_118 : i32 to index
        %parallel_loop3A_157 = arith.constant 32 : index
        %parallel_loop3A_158 = tpu.vector_load %arg15[%parallel_loop3A_156, %parallel_loop3A_157] {strides = array<i32>} : memref<80x128xf32, #tpu.memory_space<vmem>>, vector<1x16xf32>,
        %parallel_loop3A_159 = vector.shape_cast %parallel_loop3A_158 : vector<1x16xf32> to vector<16xf32>
        %parallel_loop3A_160 = vector.shape_cast %parallel_loop3A_155 : vector<16xf32> to vector<1x16xf32>
        tpu.vector_store %arg15[%parallel_loop3A_156, %parallel_loop3A_157], %parallel_loop3A_160 {strides = array<i32>} : memref<80x128xf32, #tpu.memory_space<vmem>>, vector<1x16xf32>,
        %parallel_loop3A_161 = arith.index_cast %parallel_loop3A_118 : i32 to index
        %parallel_loop3A_162 = arith.constant 48 : index
        %parallel_loop3A_163 = tpu.vector_load %arg11[%parallel_loop3A_161, %parallel_loop3A_162] {strides = array<i32>} : memref<80x128xf32, #tpu.memory_space<vmem>>, vector<1x16xf32>,
        %parallel_loop3A_164 = vector.shape_cast %parallel_loop3A_163 : vector<1x16xf32> to vector<16xf32>
        %parallel_loop3A_165 = arith.index_cast %parallel_loop3A_118 : i32 to index
        %parallel_loop3A_166 = arith.constant 48 : index
        %parallel_loop3A_167 = tpu.vector_load %arg13[%parallel_loop3A_165, %parallel_loop3A_166] {strides = array<i32>} : memref<80x128xf32, #tpu.memory_space<vmem>>, vector<1x16xf32>,
        %parallel_loop3A_168 = vector.shape_cast %parallel_loop3A_167 : vector<1x16xf32> to vector<16xf32>
        %parallel_loop3A_169 = arith.addf %parallel_loop3A_164, %parallel_loop3A_168 : vector<16xf32>
        %parallel_loop3A_170 = arith.index_cast %parallel_loop3A_118 : i32 to index
        %parallel_loop3A_171 = arith.constant 48 : index
        %parallel_loop3A_172 = tpu.vector_load %arg15[%parallel_loop3A_170, %parallel_loop3A_171] {strides = array<i32>} : memref<80x128xf32, #tpu.memory_space<vmem>>, vector<1x16xf32>,
        %parallel_loop3A_173 = vector.shape_cast %parallel_loop3A_172 : vector<1x16xf32> to vector<16xf32>
        %parallel_loop3A_174 = vector.shape_cast %parallel_loop3A_169 : vector<16xf32> to vector<1x16xf32>
        tpu.vector_store %arg15[%parallel_loop3A_170, %parallel_loop3A_171], %parallel_loop3A_174 {strides = array<i32>} : memref<80x128xf32, #tpu.memory_space<vmem>>, vector<1x16xf32>,
        %parallel_loop3A_175 = arith.index_cast %parallel_loop3A_118 : i32 to index
        %parallel_loop3A_176 = arith.constant 64 : index
        %parallel_loop3A_177 = tpu.vector_load %arg11[%parallel_loop3A_175, %parallel_loop3A_176] {strides = array<i32>} : memref<80x128xf32, #tpu.memory_space<vmem>>, vector<1x16xf32>,
        %parallel_loop3A_178 = vector.shape_cast %parallel_loop3A_177 : vector<1x16xf32> to vector<16xf32>
        %parallel_loop3A_179 = arith.index_cast %parallel_loop3A_118 : i32 to index
        %parallel_loop3A_180 = arith.constant 64 : index
        %parallel_loop3A_181 = tpu.vector_load %arg13[%parallel_loop3A_179, %parallel_loop3A_180] {strides = array<i32>} : memref<80x128xf32, #tpu.memory_space<vmem>>, vector<1x16xf32>,
        %parallel_loop3A_182 = vector.shape_cast %parallel_loop3A_181 : vector<1x16xf32> to vector<16xf32>
        %parallel_loop3A_183 = arith.addf %parallel_loop3A_178, %parallel_loop3A_182 : vector<16xf32>
        %parallel_loop3A_184 = arith.index_cast %parallel_loop3A_118 : i32 to index
        %parallel_loop3A_185 = arith.constant 64 : index
        %parallel_loop3A_186 = tpu.vector_load %arg15[%parallel_loop3A_184, %parallel_loop3A_185] {strides = array<i32>} : memref<80x128xf32, #tpu.memory_space<vmem>>, vector<1x16xf32>,
        %parallel_loop3A_187 = vector.shape_cast %parallel_loop3A_186 : vector<1x16xf32> to vector<16xf32>
        %parallel_loop3A_188 = vector.shape_cast %parallel_loop3A_183 : vector<16xf32> to vector<1x16xf32>
        tpu.vector_store %arg15[%parallel_loop3A_184, %parallel_loop3A_185], %parallel_loop3A_188 {strides = array<i32>} : memref<80x128xf32, #tpu.memory_space<vmem>>, vector<1x16xf32>,
        %parallel_loop3A_189 = arith.index_cast %parallel_loop3A_118 : i32 to index
        %parallel_loop3A_190 = arith.constant 80 : index
        %parallel_loop3A_191 = tpu.vector_load %arg11[%parallel_loop3A_189, %parallel_loop3A_190] {strides = array<i32>} : memref<80x128xf32, #tpu.memory_space<vmem>>, vector<1x16xf32>,
        %parallel_loop3A_192 = vector.shape_cast %parallel_loop3A_191 : vector<1x16xf32> to vector<16xf32>
        %parallel_loop3A_193 = arith.index_cast %parallel_loop3A_118 : i32 to index
        %parallel_loop3A_194 = arith.constant 80 : index
        %parallel_loop3A_195 = tpu.vector_load %arg13[%parallel_loop3A_193, %parallel_loop3A_194] {strides = array<i32>} : memref<80x128xf32, #tpu.memory_space<vmem>>, vector<1x16xf32>,
        %parallel_loop3A_196 = vector.shape_cast %parallel_loop3A_195 : vector<1x16xf32> to vector<16xf32>
        %parallel_loop3A_197 = arith.addf %parallel_loop3A_192, %parallel_loop3A_196 : vector<16xf32>
        %parallel_loop3A_198 = arith.index_cast %parallel_loop3A_118 : i32 to index
        %parallel_loop3A_199 = arith.constant 80 : index
        %parallel_loop3A_200 = tpu.vector_load %arg15[%parallel_loop3A_198, %parallel_loop3A_199] {strides = array<i32>} : memref<80x128xf32, #tpu.memory_space<vmem>>, vector<1x16xf32>,
        %parallel_loop3A_201 = vector.shape_cast %parallel_loop3A_200 : vector<1x16xf32> to vector<16xf32>
        %parallel_loop3A_202 = vector.shape_cast %parallel_loop3A_197 : vector<16xf32> to vector<1x16xf32>
        tpu.vector_store %arg15[%parallel_loop3A_198, %parallel_loop3A_199], %parallel_loop3A_202 {strides = array<i32>} : memref<80x128xf32, #tpu.memory_space<vmem>>, vector<1x16xf32>,
        %parallel_loop3A_203 = arith.index_cast %parallel_loop3A_118 : i32 to index
        %parallel_loop3A_204 = arith.constant 96 : index
        %parallel_loop3A_205 = tpu.vector_load %arg11[%parallel_loop3A_203, %parallel_loop3A_204] {strides = array<i32>} : memref<80x128xf32, #tpu.memory_space<vmem>>, vector<1x16xf32>,
        %parallel_loop3A_206 = vector.shape_cast %parallel_loop3A_205 : vector<1x16xf32> to vector<16xf32>
        %parallel_loop3A_207 = arith.index_cast %parallel_loop3A_118 : i32 to index
        %parallel_loop3A_208 = arith.constant 96 : index
        %parallel_loop3A_209 = tpu.vector_load %arg13[%parallel_loop3A_207, %parallel_loop3A_208] {strides = array<i32>} : memref<80x128xf32, #tpu.memory_space<vmem>>, vector<1x16xf32>,
        %parallel_loop3A_210 = vector.shape_cast %parallel_loop3A_209 : vector<1x16xf32> to vector<16xf32>
        %parallel_loop3A_211 = arith.addf %parallel_loop3A_206, %parallel_loop3A_210 : vector<16xf32>
        %parallel_loop3A_212 = arith.index_cast %parallel_loop3A_118 : i32 to index
        %parallel_loop3A_213 = arith.constant 96 : index
        %parallel_loop3A_214 = tpu.vector_load %arg15[%parallel_loop3A_212, %parallel_loop3A_213] {strides = array<i32>} : memref<80x128xf32, #tpu.memory_space<vmem>>, vector<1x16xf32>,
        %parallel_loop3A_215 = vector.shape_cast %parallel_loop3A_214 : vector<1x16xf32> to vector<16xf32>
        %parallel_loop3A_216 = vector.shape_cast %parallel_loop3A_211 : vector<16xf32> to vector<1x16xf32>
        tpu.vector_store %arg15[%parallel_loop3A_212, %parallel_loop3A_213], %parallel_loop3A_216 {strides = array<i32>} : memref<80x128xf32, #tpu.memory_space<vmem>>, vector<1x16xf32>,
        %parallel_loop3A_217 = arith.index_cast %parallel_loop3A_118 : i32 to index
        %parallel_loop3A_218 = arith.constant 112 : index
        %parallel_loop3A_219 = tpu.vector_load %arg11[%parallel_loop3A_217, %parallel_loop3A_218] {strides = array<i32>} : memref<80x128xf32, #tpu.memory_space<vmem>>, vector<1x16xf32>,
        %parallel_loop3A_220 = vector.shape_cast %parallel_loop3A_219 : vector<1x16xf32> to vector<16xf32>
        %parallel_loop3A_221 = arith.index_cast %parallel_loop3A_118 : i32 to index
        %parallel_loop3A_222 = arith.constant 112 : index
        %parallel_loop3A_223 = tpu.vector_load %arg13[%parallel_loop3A_221, %parallel_loop3A_222] {strides = array<i32>} : memref<80x128xf32, #tpu.memory_space<vmem>>, vector<1x16xf32>,
        %parallel_loop3A_224 = vector.shape_cast %parallel_loop3A_223 : vector<1x16xf32> to vector<16xf32>
        %parallel_loop3A_225 = arith.addf %parallel_loop3A_220, %parallel_loop3A_224 : vector<16xf32>
        %parallel_loop3A_226 = arith.index_cast %parallel_loop3A_118 : i32 to index
        %parallel_loop3A_227 = arith.constant 112 : index
        %parallel_loop3A_228 = tpu.vector_load %arg15[%parallel_loop3A_226, %parallel_loop3A_227] {strides = array<i32>} : memref<80x128xf32, #tpu.memory_space<vmem>>, vector<1x16xf32>,
        %parallel_loop3A_229 = vector.shape_cast %parallel_loop3A_228 : vector<1x16xf32> to vector<16xf32>
        %parallel_loop3A_230 = vector.shape_cast %parallel_loop3A_225 : vector<16xf32> to vector<1x16xf32>
        tpu.vector_store %arg15[%parallel_loop3A_226, %parallel_loop3A_227], %parallel_loop3A_230 {strides = array<i32>} : memref<80x128xf32, #tpu.memory_space<vmem>>, vector<1x16xf32>,
      } {sc.loop_unroll_factor = 2 : i64, sc.parallel_access}
      %dma_start3A_70 = arith.constant 0 : i32
      %dma_start3A_71 = tpu.memref_slice %arg6[%add3A_51, %dma_start3A_70] : memref<76800x128xf32, #tpu.memory_space<hbm>> -> memref<80x128xf32, #tpu.memory_space<hbm>>
      %dma_start3A_72 = arith.constant 0 : i32
      %dma_start3A_73 = tpu.memref_slice %arg6[%add3A_51, %dma_start3A_72] : memref<76800x128xf32, #tpu.memory_space<hbm>> -> memref<80x128xf32, #tpu.memory_space<hbm>>
      tpu.enqueue_dma source(%arg15 : memref<80x128xf32, #tpu.memory_space<vmem>>) target(%dma_start3A_73 : memref<80x128xf32, #tpu.memory_space<hbm>>) target_semaphore(%arg21 : memref<!tpu.dma_semaphore, #tpu.memory_space<semaphore_mem>>)
      %add3A_74 = arith.constant 2 : i32
      %add3A_75 = arith.addi %add3A_48, %add3A_74 : i32
      %lt3A = arith.constant 30 : i32
      %lt3A_76 = arith.cmpi slt, %add3A_75, %lt3A : i32
      %convert_element_type3A_77 = arith.extui %lt3A_76 : i1 to i32
      %cond3A_78 = arith.constant 0 : i32
      %cond3A_79 = arith.cmpi ne, %convert_element_type3A_77, %cond3A_78 : i32
      scf.if %cond3A_79 {
        %add3A_118 = arith.constant 2 : i32
        %add3A_119 = arith.addi %add3A_48, %add3A_118 : i32
        %dma_start3A_120 = arith.constant 0 : i32
        %dma_start3A_121 = tpu.memref_slice %arg9[%add3A_119, %dma_start3A_120] : memref<30x80xi32, #tpu.memory_space<vmem>> -> memref<1x80xi32, #tpu.memory_space<vmem>>
        %dma_start3A_122 = tpu.memref_squeeze %dma_start3A_121 : memref<1x80xi32, #tpu.memory_space<vmem>> -> memref<80xi32, #tpu.memory_space<vmem>>
        %dma_start3A_123 = arith.constant 0 : i32
        %dma_start3A_124 = arith.constant 0 : i32
        %dma_start3A_125 = tpu.memref_slice %arg7[%dma_start3A_123, %dma_start3A_124] : memref<512x128xf32, #tpu.memory_space<vmem_shared>> -> memref<512x128xf32, #tpu.memory_space<vmem_shared>>
        tpu.enqueue_indirect_dma source(%dma_start3A_125 : memref<512x128xf32, #tpu.memory_space<vmem_shared>>) target(%arg11 : memref<80x128xf32, #tpu.memory_space<vmem>>) offsets(%dma_start3A_122 : memref<80xi32, #tpu.memory_space<vmem>>) semaphore(%arg17 : memref<!tpu.dma_semaphore, #tpu.memory_space<semaphore_mem>>)
        %dma_start3A_126 = arith.constant 0 : i32
        %dma_start3A_127 = tpu.memref_slice %arg10[%add3A_119, %dma_start3A_126] : memref<30x80xi32, #tpu.memory_space<vmem>> -> memref<1x80xi32, #tpu.memory_space<vmem>>
        %dma_start3A_128 = tpu.memref_squeeze %dma_start3A_127 : memref<1x80xi32, #tpu.memory_space<vmem>> -> memref<80xi32, #tpu.memory_space<vmem>>
        %dma_start3A_129 = arith.constant 0 : i32
        %dma_start3A_130 = arith.constant 0 : i32
        %dma_start3A_131 = tpu.memref_slice %arg8[%dma_start3A_129, %dma_start3A_130] : memref<512x128xf32, #tpu.memory_space<vmem_shared>> -> memref<512x128xf32, #tpu.memory_space<vmem_shared>>
        tpu.enqueue_indirect_dma source(%dma_start3A_131 : memref<512x128xf32, #tpu.memory_space<vmem_shared>>) target(%arg13 : memref<80x128xf32, #tpu.memory_space<vmem>>) offsets(%dma_start3A_128 : memref<80xi32, #tpu.memory_space<vmem>>) semaphore(%arg19 : memref<!tpu.dma_semaphore, #tpu.memory_space<semaphore_mem>>)
      } else {
      }
      %mul3A_80 = arith.constant 2 : i32
      %mul3A_81 = arith.muli %mul3A_80, %scan3A_44 : i32
      %add3A_82 = arith.constant 1 : i32
      %add3A_83 = arith.addi %mul3A_81, %add3A_82 : i32
      %mul3A_84 = arith.constant 80 : i32
      %mul3A_85 = arith.muli %add3A_83, %mul3A_84 : i32
      %add3A_86 = arith.addi %mul3A_2, %mul3A_85 : i32
      %dma_wait3A_87 = arith.constant 0 : i32
      %dma_wait3A_88 = tpu.memref_slice %arg9[%add3A_83, %dma_wait3A_87] : memref<30x80xi32, #tpu.memory_space<vmem>> -> memref<1x80xi32, #tpu.memory_space<vmem>>
      %dma_wait3A_89 = tpu.memref_squeeze %dma_wait3A_88 : memref<1x80xi32, #tpu.memory_space<vmem>> -> memref<80xi32, #tpu.memory_space<vmem>>
      %dma_wait3A_90 = arith.constant 0 : i32
      %dma_wait3A_91 = arith.constant 0 : i32
      %dma_wait3A_92 = tpu.memref_slice %arg7[%dma_wait3A_90, %dma_wait3A_91] : memref<512x128xf32, #tpu.memory_space<vmem_shared>> -> memref<512x128xf32, #tpu.memory_space<vmem_shared>>
      tpu.wait_indirect_dma semaphore(%arg18 : memref<!tpu.dma_semaphore, #tpu.memory_space<semaphore_mem>>) src(%dma_wait3A_92 : memref<512x128xf32, #tpu.memory_space<vmem_shared>>) dst(%arg12 : memref<80x128xf32, #tpu.memory_space<vmem>>)
      %dma_wait3A_93 = arith.constant 0 : i32
      %dma_wait3A_94 = tpu.memref_slice %arg10[%add3A_83, %dma_wait3A_93] : memref<30x80xi32, #tpu.memory_space<vmem>> -> memref<1x80xi32, #tpu.memory_space<vmem>>
      %dma_wait3A_95 = tpu.memref_squeeze %dma_wait3A_94 : memref<1x80xi32, #tpu.memory_space<vmem>> -> memref<80xi32, #tpu.memory_space<vmem>>
      %dma_wait3A_96 = arith.constant 0 : i32
      %dma_wait3A_97 = arith.constant 0 : i32
      %dma_wait3A_98 = tpu.memref_slice %arg8[%dma_wait3A_96, %dma_wait3A_97] : memref<512x128xf32, #tpu.memory_space<vmem_shared>> -> memref<512x128xf32, #tpu.memory_space<vmem_shared>>
      tpu.wait_indirect_dma semaphore(%arg20 : memref<!tpu.dma_semaphore, #tpu.memory_space<semaphore_mem>>) src(%dma_wait3A_98 : memref<512x128xf32, #tpu.memory_space<vmem_shared>>) dst(%arg14 : memref<80x128xf32, #tpu.memory_space<vmem>>)
      %gt3A_99 = arith.constant 0 : i32
      %gt3A_100 = arith.cmpi sgt, %scan3A_44, %gt3A_99 : i32
      %convert_element_type3A_101 = arith.extui %gt3A_100 : i1 to i32
      %cond3A_102 = arith.constant 0 : i32
      %cond3A_103 = arith.cmpi ne, %convert_element_type3A_101, %cond3A_102 : i32
      scf.if %cond3A_103 {
        %dma_wait3A_118 = arith.constant 0 : i32
        %dma_wait3A_119 = tpu.memref_slice %arg6[%mul3A_2, %dma_wait3A_118] : memref<76800x128xf32, #tpu.memory_space<hbm>> -> memref<80x128xf32, #tpu.memory_space<hbm>>
        %dma_wait3A_120 = arith.constant 0 : i32
        %dma_wait3A_121 = tpu.memref_slice %arg6[%mul3A_2, %dma_wait3A_120] : memref<76800x128xf32, #tpu.memory_space<hbm>> -> memref<80x128xf32, #tpu.memory_space<hbm>>
        tpu.wait_dma2 semaphore(%arg22 : memref<!tpu.dma_semaphore, #tpu.memory_space<semaphore_mem>>) src(%arg16 : memref<80x128xf32, #tpu.memory_space<vmem>>) dst(%dma_wait3A_121 : memref<80x128xf32, #tpu.memory_space<hbm>>)
      } else {
      }
      %parallel_loop3A_104 = arith.constant 0 : i32
      %parallel_loop3A_105 = arith.constant 80 : i32
      %parallel_loop3A_106 = arith.constant 1 : i32
      scf.for %parallel_loop3A_118 = %parallel_loop3A_104 to %parallel_loop3A_105 step %parallel_loop3A_106  : i32 {
        %parallel_loop3A_119 = arith.index_cast %parallel_loop3A_118 : i32 to index
        %parallel_loop3A_120 = arith.constant 0 : index
        %parallel_loop3A_121 = tpu.vector_load %arg12[%parallel_loop3A_119, %parallel_loop3A_120] {strides = array<i32>} : memref<80x128xf32, #tpu.memory_space<vmem>>, vector<1x16xf32>,
        %parallel_loop3A_122 = vector.shape_cast %parallel_loop3A_121 : vector<1x16xf32> to vector<16xf32>
        %parallel_loop3A_123 = arith.index_cast %parallel_loop3A_118 : i32 to index
        %parallel_loop3A_124 = arith.constant 0 : index
        %parallel_loop3A_125 = tpu.vector_load %arg14[%parallel_loop3A_123, %parallel_loop3A_124] {strides = array<i32>} : memref<80x128xf32, #tpu.memory_space<vmem>>, vector<1x16xf32>,
        %parallel_loop3A_126 = vector.shape_cast %parallel_loop3A_125 : vector<1x16xf32> to vector<16xf32>
        %parallel_loop3A_127 = arith.addf %parallel_loop3A_122, %parallel_loop3A_126 : vector<16xf32>
        %parallel_loop3A_128 = arith.index_cast %parallel_loop3A_118 : i32 to index
        %parallel_loop3A_129 = arith.constant 0 : index
        %parallel_loop3A_130 = tpu.vector_load %arg16[%parallel_loop3A_128, %parallel_loop3A_129] {strides = array<i32>} : memref<80x128xf32, #tpu.memory_space<vmem>>, vector<1x16xf32>,
        %parallel_loop3A_131 = vector.shape_cast %parallel_loop3A_130 : vector<1x16xf32> to vector<16xf32>
        %parallel_loop3A_132 = vector.shape_cast %parallel_loop3A_127 : vector<16xf32> to vector<1x16xf32>
        tpu.vector_store %arg16[%parallel_loop3A_128, %parallel_loop3A_129], %parallel_loop3A_132 {strides = array<i32>} : memref<80x128xf32, #tpu.memory_space<vmem>>, vector<1x16xf32>,
        %parallel_loop3A_133 = arith.index_cast %parallel_loop3A_118 : i32 to index
        %parallel_loop3A_134 = arith.constant 16 : index
        %parallel_loop3A_135 = tpu.vector_load %arg12[%parallel_loop3A_133, %parallel_loop3A_134] {strides = array<i32>} : memref<80x128xf32, #tpu.memory_space<vmem>>, vector<1x16xf32>,
        %parallel_loop3A_136 = vector.shape_cast %parallel_loop3A_135 : vector<1x16xf32> to vector<16xf32>
        %parallel_loop3A_137 = arith.index_cast %parallel_loop3A_118 : i32 to index
        %parallel_loop3A_138 = arith.constant 16 : index
        %parallel_loop3A_139 = tpu.vector_load %arg14[%parallel_loop3A_137, %parallel_loop3A_138] {strides = array<i32>} : memref<80x128xf32, #tpu.memory_space<vmem>>, vector<1x16xf32>,
        %parallel_loop3A_140 = vector.shape_cast %parallel_loop3A_139 : vector<1x16xf32> to vector<16xf32>
        %parallel_loop3A_141 = arith.addf %parallel_loop3A_136, %parallel_loop3A_140 : vector<16xf32>
        %parallel_loop3A_142 = arith.index_cast %parallel_loop3A_118 : i32 to index
        %parallel_loop3A_143 = arith.constant 16 : index
        %parallel_loop3A_144 = tpu.vector_load %arg16[%parallel_loop3A_142, %parallel_loop3A_143] {strides = array<i32>} : memref<80x128xf32, #tpu.memory_space<vmem>>, vector<1x16xf32>,
        %parallel_loop3A_145 = vector.shape_cast %parallel_loop3A_144 : vector<1x16xf32> to vector<16xf32>
        %parallel_loop3A_146 = vector.shape_cast %parallel_loop3A_141 : vector<16xf32> to vector<1x16xf32>
        tpu.vector_store %arg16[%parallel_loop3A_142, %parallel_loop3A_143], %parallel_loop3A_146 {strides = array<i32>} : memref<80x128xf32, #tpu.memory_space<vmem>>, vector<1x16xf32>,
        %parallel_loop3A_147 = arith.index_cast %parallel_loop3A_118 : i32 to index
        %parallel_loop3A_148 = arith.constant 32 : index
        %parallel_loop3A_149 = tpu.vector_load %arg12[%parallel_loop3A_147, %parallel_loop3A_148] {strides = array<i32>} : memref<80x128xf32, #tpu.memory_space<vmem>>, vector<1x16xf32>,
        %parallel_loop3A_150 = vector.shape_cast %parallel_loop3A_149 : vector<1x16xf32> to vector<16xf32>
        %parallel_loop3A_151 = arith.index_cast %parallel_loop3A_118 : i32 to index
        %parallel_loop3A_152 = arith.constant 32 : index
        %parallel_loop3A_153 = tpu.vector_load %arg14[%parallel_loop3A_151, %parallel_loop3A_152] {strides = array<i32>} : memref<80x128xf32, #tpu.memory_space<vmem>>, vector<1x16xf32>,
        %parallel_loop3A_154 = vector.shape_cast %parallel_loop3A_153 : vector<1x16xf32> to vector<16xf32>
        %parallel_loop3A_155 = arith.addf %parallel_loop3A_150, %parallel_loop3A_154 : vector<16xf32>
        %parallel_loop3A_156 = arith.index_cast %parallel_loop3A_118 : i32 to index
        %parallel_loop3A_157 = arith.constant 32 : index
        %parallel_loop3A_158 = tpu.vector_load %arg16[%parallel_loop3A_156, %parallel_loop3A_157] {strides = array<i32>} : memref<80x128xf32, #tpu.memory_space<vmem>>, vector<1x16xf32>,
        %parallel_loop3A_159 = vector.shape_cast %parallel_loop3A_158 : vector<1x16xf32> to vector<16xf32>
        %parallel_loop3A_160 = vector.shape_cast %parallel_loop3A_155 : vector<16xf32> to vector<1x16xf32>
        tpu.vector_store %arg16[%parallel_loop3A_156, %parallel_loop3A_157], %parallel_loop3A_160 {strides = array<i32>} : memref<80x128xf32, #tpu.memory_space<vmem>>, vector<1x16xf32>,
        %parallel_loop3A_161 = arith.index_cast %parallel_loop3A_118 : i32 to index
        %parallel_loop3A_162 = arith.constant 48 : index
        %parallel_loop3A_163 = tpu.vector_load %arg12[%parallel_loop3A_161, %parallel_loop3A_162] {strides = array<i32>} : memref<80x128xf32, #tpu.memory_space<vmem>>, vector<1x16xf32>,
        %parallel_loop3A_164 = vector.shape_cast %parallel_loop3A_163 : vector<1x16xf32> to vector<16xf32>
        %parallel_loop3A_165 = arith.index_cast %parallel_loop3A_118 : i32 to index
        %parallel_loop3A_166 = arith.constant 48 : index
        %parallel_loop3A_167 = tpu.vector_load %arg14[%parallel_loop3A_165, %parallel_loop3A_166] {strides = array<i32>} : memref<80x128xf32, #tpu.memory_space<vmem>>, vector<1x16xf32>,
        %parallel_loop3A_168 = vector.shape_cast %parallel_loop3A_167 : vector<1x16xf32> to vector<16xf32>
        %parallel_loop3A_169 = arith.addf %parallel_loop3A_164, %parallel_loop3A_168 : vector<16xf32>
        %parallel_loop3A_170 = arith.index_cast %parallel_loop3A_118 : i32 to index
        %parallel_loop3A_171 = arith.constant 48 : index
        %parallel_loop3A_172 = tpu.vector_load %arg16[%parallel_loop3A_170, %parallel_loop3A_171] {strides = array<i32>} : memref<80x128xf32, #tpu.memory_space<vmem>>, vector<1x16xf32>,
        %parallel_loop3A_173 = vector.shape_cast %parallel_loop3A_172 : vector<1x16xf32> to vector<16xf32>
        %parallel_loop3A_174 = vector.shape_cast %parallel_loop3A_169 : vector<16xf32> to vector<1x16xf32>
        tpu.vector_store %arg16[%parallel_loop3A_170, %parallel_loop3A_171], %parallel_loop3A_174 {strides = array<i32>} : memref<80x128xf32, #tpu.memory_space<vmem>>, vector<1x16xf32>,
        %parallel_loop3A_175 = arith.index_cast %parallel_loop3A_118 : i32 to index
        %parallel_loop3A_176 = arith.constant 64 : index
        %parallel_loop3A_177 = tpu.vector_load %arg12[%parallel_loop3A_175, %parallel_loop3A_176] {strides = array<i32>} : memref<80x128xf32, #tpu.memory_space<vmem>>, vector<1x16xf32>,
        %parallel_loop3A_178 = vector.shape_cast %parallel_loop3A_177 : vector<1x16xf32> to vector<16xf32>
        %parallel_loop3A_179 = arith.index_cast %parallel_loop3A_118 : i32 to index
        %parallel_loop3A_180 = arith.constant 64 : index
        %parallel_loop3A_181 = tpu.vector_load %arg14[%parallel_loop3A_179, %parallel_loop3A_180] {strides = array<i32>} : memref<80x128xf32, #tpu.memory_space<vmem>>, vector<1x16xf32>,
        %parallel_loop3A_182 = vector.shape_cast %parallel_loop3A_181 : vector<1x16xf32> to vector<16xf32>
        %parallel_loop3A_183 = arith.addf %parallel_loop3A_178, %parallel_loop3A_182 : vector<16xf32>
        %parallel_loop3A_184 = arith.index_cast %parallel_loop3A_118 : i32 to index
        %parallel_loop3A_185 = arith.constant 64 : index
        %parallel_loop3A_186 = tpu.vector_load %arg16[%parallel_loop3A_184, %parallel_loop3A_185] {strides = array<i32>} : memref<80x128xf32, #tpu.memory_space<vmem>>, vector<1x16xf32>,
        %parallel_loop3A_187 = vector.shape_cast %parallel_loop3A_186 : vector<1x16xf32> to vector<16xf32>
        %parallel_loop3A_188 = vector.shape_cast %parallel_loop3A_183 : vector<16xf32> to vector<1x16xf32>
        tpu.vector_store %arg16[%parallel_loop3A_184, %parallel_loop3A_185], %parallel_loop3A_188 {strides = array<i32>} : memref<80x128xf32, #tpu.memory_space<vmem>>, vector<1x16xf32>,
        %parallel_loop3A_189 = arith.index_cast %parallel_loop3A_118 : i32 to index
        %parallel_loop3A_190 = arith.constant 80 : index
        %parallel_loop3A_191 = tpu.vector_load %arg12[%parallel_loop3A_189, %parallel_loop3A_190] {strides = array<i32>} : memref<80x128xf32, #tpu.memory_space<vmem>>, vector<1x16xf32>,
        %parallel_loop3A_192 = vector.shape_cast %parallel_loop3A_191 : vector<1x16xf32> to vector<16xf32>
        %parallel_loop3A_193 = arith.index_cast %parallel_loop3A_118 : i32 to index
        %parallel_loop3A_194 = arith.constant 80 : index
        %parallel_loop3A_195 = tpu.vector_load %arg14[%parallel_loop3A_193, %parallel_loop3A_194] {strides = array<i32>} : memref<80x128xf32, #tpu.memory_space<vmem>>, vector<1x16xf32>,
        %parallel_loop3A_196 = vector.shape_cast %parallel_loop3A_195 : vector<1x16xf32> to vector<16xf32>
        %parallel_loop3A_197 = arith.addf %parallel_loop3A_192, %parallel_loop3A_196 : vector<16xf32>
        %parallel_loop3A_198 = arith.index_cast %parallel_loop3A_118 : i32 to index
        %parallel_loop3A_199 = arith.constant 80 : index
        %parallel_loop3A_200 = tpu.vector_load %arg16[%parallel_loop3A_198, %parallel_loop3A_199] {strides = array<i32>} : memref<80x128xf32, #tpu.memory_space<vmem>>, vector<1x16xf32>,
        %parallel_loop3A_201 = vector.shape_cast %parallel_loop3A_200 : vector<1x16xf32> to vector<16xf32>
        %parallel_loop3A_202 = vector.shape_cast %parallel_loop3A_197 : vector<16xf32> to vector<1x16xf32>
        tpu.vector_store %arg16[%parallel_loop3A_198, %parallel_loop3A_199], %parallel_loop3A_202 {strides = array<i32>} : memref<80x128xf32, #tpu.memory_space<vmem>>, vector<1x16xf32>,
        %parallel_loop3A_203 = arith.index_cast %parallel_loop3A_118 : i32 to index
        %parallel_loop3A_204 = arith.constant 96 : index
        %parallel_loop3A_205 = tpu.vector_load %arg12[%parallel_loop3A_203, %parallel_loop3A_204] {strides = array<i32>} : memref<80x128xf32, #tpu.memory_space<vmem>>, vector<1x16xf32>,
        %parallel_loop3A_206 = vector.shape_cast %parallel_loop3A_205 : vector<1x16xf32> to vector<16xf32>
        %parallel_loop3A_207 = arith.index_cast %parallel_loop3A_118 : i32 to index
        %parallel_loop3A_208 = arith.constant 96 : index
        %parallel_loop3A_209 = tpu.vector_load %arg14[%parallel_loop3A_207, %parallel_loop3A_208] {strides = array<i32>} : memref<80x128xf32, #tpu.memory_space<vmem>>, vector<1x16xf32>,
        %parallel_loop3A_210 = vector.shape_cast %parallel_loop3A_209 : vector<1x16xf32> to vector<16xf32>
        %parallel_loop3A_211 = arith.addf %parallel_loop3A_206, %parallel_loop3A_210 : vector<16xf32>
        %parallel_loop3A_212 = arith.index_cast %parallel_loop3A_118 : i32 to index
        %parallel_loop3A_213 = arith.constant 96 : index
        %parallel_loop3A_214 = tpu.vector_load %arg16[%parallel_loop3A_212, %parallel_loop3A_213] {strides = array<i32>} : memref<80x128xf32, #tpu.memory_space<vmem>>, vector<1x16xf32>,
        %parallel_loop3A_215 = vector.shape_cast %parallel_loop3A_214 : vector<1x16xf32> to vector<16xf32>
        %parallel_loop3A_216 = vector.shape_cast %parallel_loop3A_211 : vector<16xf32> to vector<1x16xf32>
        tpu.vector_store %arg16[%parallel_loop3A_212, %parallel_loop3A_213], %parallel_loop3A_216 {strides = array<i32>} : memref<80x128xf32, #tpu.memory_space<vmem>>, vector<1x16xf32>,
        %parallel_loop3A_217 = arith.index_cast %parallel_loop3A_118 : i32 to index
        %parallel_loop3A_218 = arith.constant 112 : index
        %parallel_loop3A_219 = tpu.vector_load %arg12[%parallel_loop3A_217, %parallel_loop3A_218] {strides = array<i32>} : memref<80x128xf32, #tpu.memory_space<vmem>>, vector<1x16xf32>,
        %parallel_loop3A_220 = vector.shape_cast %parallel_loop3A_219 : vector<1x16xf32> to vector<16xf32>
        %parallel_loop3A_221 = arith.index_cast %parallel_loop3A_118 : i32 to index
        %parallel_loop3A_222 = arith.constant 112 : index
        %parallel_loop3A_223 = tpu.vector_load %arg14[%parallel_loop3A_221, %parallel_loop3A_222] {strides = array<i32>} : memref<80x128xf32, #tpu.memory_space<vmem>>, vector<1x16xf32>,
        %parallel_loop3A_224 = vector.shape_cast %parallel_loop3A_223 : vector<1x16xf32> to vector<16xf32>
        %parallel_loop3A_225 = arith.addf %parallel_loop3A_220, %parallel_loop3A_224 : vector<16xf32>
        %parallel_loop3A_226 = arith.index_cast %parallel_loop3A_118 : i32 to index
        %parallel_loop3A_227 = arith.constant 112 : index
        %parallel_loop3A_228 = tpu.vector_load %arg16[%parallel_loop3A_226, %parallel_loop3A_227] {strides = array<i32>} : memref<80x128xf32, #tpu.memory_space<vmem>>, vector<1x16xf32>,
        %parallel_loop3A_229 = vector.shape_cast %parallel_loop3A_228 : vector<1x16xf32> to vector<16xf32>
        %parallel_loop3A_230 = vector.shape_cast %parallel_loop3A_225 : vector<16xf32> to vector<1x16xf32>
        tpu.vector_store %arg16[%parallel_loop3A_226, %parallel_loop3A_227], %parallel_loop3A_230 {strides = array<i32>} : memref<80x128xf32, #tpu.memory_space<vmem>>, vector<1x16xf32>,
      } {sc.loop_unroll_factor = 2 : i64, sc.parallel_access}
      %dma_start3A_107 = arith.constant 0 : i32
      %dma_start3A_108 = tpu.memref_slice %arg6[%add3A_86, %dma_start3A_107] : memref<76800x128xf32, #tpu.memory_space<hbm>> -> memref<80x128xf32, #tpu.memory_space<hbm>>
      %dma_start3A_109 = arith.constant 0 : i32
      %dma_start3A_110 = tpu.memref_slice %arg6[%add3A_86, %dma_start3A_109] : memref<76800x128xf32, #tpu.memory_space<hbm>> -> memref<80x128xf32, #tpu.memory_space<hbm>>
      tpu.enqueue_dma source(%arg16 : memref<80x128xf32, #tpu.memory_space<vmem>>) target(%dma_start3A_110 : memref<80x128xf32, #tpu.memory_space<hbm>>) target_semaphore(%arg22 : memref<!tpu.dma_semaphore, #tpu.memory_space<semaphore_mem>>)
      %add3A_111 = arith.constant 2 : i32
      %add3A_112 = arith.addi %add3A_83, %add3A_111 : i32
      %lt3A_113 = arith.constant 30 : i32
      %lt3A_114 = arith.cmpi slt, %add3A_112, %lt3A_113 : i32
      %convert_element_type3A_115 = arith.extui %lt3A_114 : i1 to i32
      %cond3A_116 = arith.constant 0 : i32
      %cond3A_117 = arith.cmpi ne, %convert_element_type3A_115, %cond3A_116 : i32
      scf.if %cond3A_117 {
        %add3A_118 = arith.constant 2 : i32
        %add3A_119 = arith.addi %add3A_83, %add3A_118 : i32
        %dma_start3A_120 = arith.constant 0 : i32
        %dma_start3A_121 = tpu.memref_slice %arg9[%add3A_119, %dma_start3A_120] : memref<30x80xi32, #tpu.memory_space<vmem>> -> memref<1x80xi32, #tpu.memory_space<vmem>>
        %dma_start3A_122 = tpu.memref_squeeze %dma_start3A_121 : memref<1x80xi32, #tpu.memory_space<vmem>> -> memref<80xi32, #tpu.memory_space<vmem>>
        %dma_start3A_123 = arith.constant 0 : i32
        %dma_start3A_124 = arith.constant 0 : i32
        %dma_start3A_125 = tpu.memref_slice %arg7[%dma_start3A_123, %dma_start3A_124] : memref<512x128xf32, #tpu.memory_space<vmem_shared>> -> memref<512x128xf32, #tpu.memory_space<vmem_shared>>
        tpu.enqueue_indirect_dma source(%dma_start3A_125 : memref<512x128xf32, #tpu.memory_space<vmem_shared>>) target(%arg12 : memref<80x128xf32, #tpu.memory_space<vmem>>) offsets(%dma_start3A_122 : memref<80xi32, #tpu.memory_space<vmem>>) semaphore(%arg18 : memref<!tpu.dma_semaphore, #tpu.memory_space<semaphore_mem>>)
        %dma_start3A_126 = arith.constant 0 : i32
        %dma_start3A_127 = tpu.memref_slice %arg10[%add3A_119, %dma_start3A_126] : memref<30x80xi32, #tpu.memory_space<vmem>> -> memref<1x80xi32, #tpu.memory_space<vmem>>
        %dma_start3A_128 = tpu.memref_squeeze %dma_start3A_127 : memref<1x80xi32, #tpu.memory_space<vmem>> -> memref<80xi32, #tpu.memory_space<vmem>>
        %dma_start3A_129 = arith.constant 0 : i32
        %dma_start3A_130 = arith.constant 0 : i32
        %dma_start3A_131 = tpu.memref_slice %arg8[%dma_start3A_129, %dma_start3A_130] : memref<512x128xf32, #tpu.memory_space<vmem_shared>> -> memref<512x128xf32, #tpu.memory_space<vmem_shared>>
        tpu.enqueue_indirect_dma source(%dma_start3A_131 : memref<512x128xf32, #tpu.memory_space<vmem_shared>>) target(%arg14 : memref<80x128xf32, #tpu.memory_space<vmem>>) offsets(%dma_start3A_128 : memref<80xi32, #tpu.memory_space<vmem>>) semaphore(%arg20 : memref<!tpu.dma_semaphore, #tpu.memory_space<semaphore_mem>>)
      } else {
      }
    }
    %scan3A_36 = arith.constant 15 : i32
    %dma_wait3A = arith.constant 0 : i32
    %dma_wait3A_37 = tpu.memref_slice %arg6[%mul3A_2, %dma_wait3A] : memref<76800x128xf32, #tpu.memory_space<hbm>> -> memref<80x128xf32, #tpu.memory_space<hbm>>
    %dma_wait3A_38 = arith.constant 0 : i32
    %dma_wait3A_39 = tpu.memref_slice %arg6[%mul3A_2, %dma_wait3A_38] : memref<76800x128xf32, #tpu.memory_space<hbm>> -> memref<80x128xf32, #tpu.memory_space<hbm>>
    tpu.wait_dma2 semaphore(%arg21 : memref<!tpu.dma_semaphore, #tpu.memory_space<semaphore_mem>>) src(%arg15 : memref<80x128xf32, #tpu.memory_space<vmem>>) dst(%dma_wait3A_39 : memref<80x128xf32, #tpu.memory_space<hbm>>)
    %dma_wait3A_40 = arith.constant 0 : i32
    %dma_wait3A_41 = tpu.memref_slice %arg6[%mul3A_2, %dma_wait3A_40] : memref<76800x128xf32, #tpu.memory_space<hbm>> -> memref<80x128xf32, #tpu.memory_space<hbm>>
    %dma_wait3A_42 = arith.constant 0 : i32
    %dma_wait3A_43 = tpu.memref_slice %arg6[%mul3A_2, %dma_wait3A_42] : memref<76800x128xf32, #tpu.memory_space<hbm>> -> memref<80x128xf32, #tpu.memory_space<hbm>>
    tpu.wait_dma2 semaphore(%arg22 : memref<!tpu.dma_semaphore, #tpu.memory_space<semaphore_mem>>) src(%arg16 : memref<80x128xf32, #tpu.memory_space<vmem>>) dst(%dma_wait3A_43 : memref<80x128xf32, #tpu.memory_space<hbm>>)
    return
  }
}

module attributes {stable_mosaic.version = 14 : i64} {
  func.func @body(%arg0: i32, %arg1: memref<1x8x128xf32, #tpu.memory_space<vmem>>, %arg2: memref<50x64x128xf32, #tpu.memory_space<vmem>>, %arg3: memref<50x64x128xf32, #tpu.memory_space<vmem>>, %arg4: memref<128x128xf32, #tpu.memory_space<vmem>>, %arg5: memref<1x128xf32, #tpu.memory_space<vmem>>, %arg6: memref<1x128xf32, #tpu.memory_space<vmem>>, %arg7: memref<51x64x128xf32, #tpu.memory_space<vmem>>) attributes {dimension_semantics = [#tpu.dimension_semantics<arbitrary>], iteration_bounds = array<i64: 16>, scalar_prefetch = 0 : i64, scratch_operands = 0 : i64, tpu.core_type = #tpu.core_type<tc>, window_params = [{transform_indices = @transform_0, window_bounds = array<i64: 1, 8, 128>}, {transform_indices = @transform_1, window_bounds = array<i64: 50, 64, 128>}, {transform_indices = @transform_2, window_bounds = array<i64: 50, 64, 128>}, {pipeline_mode = #tpu.pipeline_mode<synchronous>, transform_indices = @transform_3, window_bounds = array<i64: 128, 128>}, {pipeline_mode = #tpu.pipeline_mode<synchronous>, transform_indices = @transform_4, window_bounds = array<i64: 1, 128>}, {pipeline_mode = #tpu.pipeline_mode<synchronous>, transform_indices = @transform_5, window_bounds = array<i64: 1, 128>}, {transform_indices = @transform_6, window_bounds = array<i64: 51, 64, 128>}]} {
    %get3A = arith.constant 0 : index
    %get3A_0 = arith.constant 0 : index
    %get3A_1 = arith.constant 0 : index
    %get3A_2 = vector.load %arg2[%get3A, %get3A_0, %get3A_1] : memref<50x64x128xf32, #tpu.memory_space<vmem>>, vector<50x64x128xf32>
    %reshape3A = vector.shape_cast %get3A_2 : vector<50x64x128xf32> to vector<3200x128xf32>
    %get3A_3 = arith.constant 0 : index
    %get3A_4 = arith.constant 0 : index
    %get3A_5 = vector.load %arg4[%get3A_3, %get3A_4] : memref<128x128xf32, #tpu.memory_space<vmem>>, vector<128x128xf32>
    %dot_general3A = arith.constant dense<0.000000e+00> : vector<3200x128xf32>
    %dot_general3A_6 = tpu.matmul %reshape3A, %get3A_5, %dot_general3A {dimension_numbers = #tpu.dot_dimension_numbers<[1], [1], [0], [0], [0, 0, 1, 0], [], []>, transpose_lhs_hint = false} : vector<3200x128xf32>, vector<128x128xf32>, vector<3200x128xf32> -> vector<3200x128xf32>
    %get3A_7 = arith.constant 0 : index
    %get3A_8 = arith.constant 0 : index
    %get3A_9 = arith.constant 0 : index
    %get3A_10 = vector.load %arg3[%get3A_7, %get3A_8, %get3A_9] : memref<50x64x128xf32, #tpu.memory_space<vmem>>, vector<50x64x128xf32>
    %reshape3A_11 = vector.shape_cast %get3A_10 : vector<50x64x128xf32> to vector<3200x128xf32>
    %add3A = arith.addf %dot_general3A_6, %reshape3A_11 : vector<3200x128xf32>
    %get3A_12 = arith.constant 0 : index
    %get3A_13 = arith.constant 0 : index
    %get3A_14 = vector.load %arg5[%get3A_12, %get3A_13] : memref<1x128xf32, #tpu.memory_space<vmem>>, vector<1x128xf32>
    %add3A_15 = vector.broadcast %get3A_14 : vector<1x128xf32> to vector<3200x128xf32>
    %add3A_16 = arith.addf %add3A, %add3A_15 : vector<3200x128xf32>
    %reshape3A_17 = vector.shape_cast %add3A_16 : vector<3200x128xf32> to vector<50x64x128xf32>
    %swap3A = arith.constant 1 : index
    %swap3A_18 = arith.constant 0 : index
    %swap3A_19 = arith.constant 0 : index
    %swap3A_20 = vector.load %arg7[%swap3A, %swap3A_18, %swap3A_19] : memref<51x64x128xf32, #tpu.memory_space<vmem>>, vector<50x64x128xf32>
    tpu.vector_store %arg7[%swap3A, %swap3A_18, %swap3A_19], %reshape3A_17 {strides = array<i32>} : memref<51x64x128xf32, #tpu.memory_space<vmem>>, vector<50x64x128xf32>,
    %get3A_21 = arith.constant 0 : index
    %get3A_22 = arith.constant 0 : index
    %get3A_23 = vector.load %arg6[%get3A_21, %get3A_22] : memref<1x128xf32, #tpu.memory_space<vmem>>, vector<1x128xf32>
    %broadcast_in_dim3A = vector.shape_cast %get3A_23 : vector<1x128xf32> to vector<1x1x128xf32>
    %broadcast_in_dim3A_24 = vector.shape_cast %broadcast_in_dim3A : vector<1x1x128xf32> to vector<1x1x128xf32>
    %broadcast_in_dim3A_25 = vector.broadcast %broadcast_in_dim3A_24 : vector<1x1x128xf32> to vector<1x64x128xf32>
    %swap3A_26 = arith.constant 0 : index
    %swap3A_27 = arith.constant 0 : index
    %swap3A_28 = arith.constant 0 : index
    %swap3A_29 = vector.load %arg7[%swap3A_26, %swap3A_27, %swap3A_28] : memref<51x64x128xf32, #tpu.memory_space<vmem>>, vector<1x64x128xf32>
    tpu.vector_store %arg7[%swap3A_26, %swap3A_27, %swap3A_28], %broadcast_in_dim3A_25 {strides = array<i32>} : memref<51x64x128xf32, #tpu.memory_space<vmem>>, vector<1x64x128xf32>,
    return
  }
  func.func @transform_0(%arg0: i32) -> (i32, i32, i32) {
    %c0_i32 = arith.constant 0 : i32
    %c0_i32_0 = arith.constant 0 : i32
    %c0_i32_1 = arith.constant 0 : i32
    %c0_i32_2 = arith.constant 0 : i32
    return %c0_i32, %c0_i32_0, %c0_i32_1 : i32, i32, i32
  }
  func.func @transform_1(%arg0: i32) -> (i32, i32, i32) {
    %add3A = arith.constant 8 : i32
    %add3A_0 = arith.addi %arg0, %add3A : i32
    %c0_i32 = arith.constant 0 : i32
    %c0_i32_1 = arith.constant 0 : i32
    %c0_i32_2 = arith.constant 0 : i32
    return %c0_i32, %add3A_0, %c0_i32_1 : i32, i32, i32
  }
  func.func @transform_2(%arg0: i32) -> (i32, i32, i32) {
    %c0_i32 = arith.constant 0 : i32
    %c0_i32_0 = arith.constant 0 : i32
    %c0_i32_1 = arith.constant 0 : i32
    return %c0_i32, %arg0, %c0_i32_0 : i32, i32, i32
  }
  func.func @transform_3(%arg0: i32) -> (i32, i32) {
    %c0_i32 = arith.constant 0 : i32
    %c0_i32_0 = arith.constant 0 : i32
    %c0_i32_1 = arith.constant 0 : i32
    return %c0_i32, %c0_i32_0 : i32, i32
  }
  func.func @transform_4(%arg0: i32) -> (i32, i32) {
    %c0_i32 = arith.constant 0 : i32
    %c0_i32_0 = arith.constant 0 : i32
    %c0_i32_1 = arith.constant 0 : i32
    return %c0_i32, %c0_i32_0 : i32, i32
  }
  func.func @transform_5(%arg0: i32) -> (i32, i32) {
    %c0_i32 = arith.constant 0 : i32
    %c0_i32_0 = arith.constant 0 : i32
    %c0_i32_1 = arith.constant 0 : i32
    return %c0_i32, %c0_i32_0 : i32, i32
  }
  func.func @transform_6(%arg0: i32) -> (i32, i32, i32) {
    %add3A = arith.constant 8 : i32
    %add3A_0 = arith.addi %arg0, %add3A : i32
    %c0_i32 = arith.constant 0 : i32
    %c0_i32_1 = arith.constant 0 : i32
    %c0_i32_2 = arith.constant 0 : i32
    return %c0_i32, %add3A_0, %c0_i32_1 : i32, i32, i32
  }
}

module attributes {stable_mosaic.version = 14 : i64} {
  func.func @_tc_body(%arg0: i32, %arg1: memref<50x64x128xf32, #tpu.memory_space<vmem>>, %arg2: memref<50x64x128xf32, #tpu.memory_space<vmem>>, %arg3: memref<128x128xf32, #tpu.memory_space<vmem>>, %arg4: memref<1x128xf32, #tpu.memory_space<vmem>>, %arg5: memref<1x128xf32, #tpu.memory_space<vmem>>, %arg6: memref<51x64x128xf32, #tpu.memory_space<vmem>>) attributes {dimension_semantics = [#tpu.dimension_semantics<arbitrary>], iteration_bounds = array<i64: 8>, scalar_prefetch = 0 : i64, scratch_operands = 0 : i64, tpu.core_type = #tpu.core_type<tc>, window_params = [{transform_indices = @transform_0, window_bounds = array<i64: 50, 64, 128>}, {transform_indices = @transform_1, window_bounds = array<i64: 50, 64, 128>}, {pipeline_mode = #tpu.pipeline_mode<synchronous>, transform_indices = @transform_2, window_bounds = array<i64: 128, 128>}, {pipeline_mode = #tpu.pipeline_mode<synchronous>, transform_indices = @transform_3, window_bounds = array<i64: 1, 128>}, {pipeline_mode = #tpu.pipeline_mode<synchronous>, transform_indices = @transform_4, window_bounds = array<i64: 1, 128>}, {transform_indices = @transform_5, window_bounds = array<i64: 51, 64, 128>}]} {
    %get3A = arith.constant 0 : index
    %get3A_0 = arith.constant 0 : index
    %get3A_1 = arith.constant 0 : index
    %get3A_2 = vector.load %arg1[%get3A, %get3A_0, %get3A_1] : memref<50x64x128xf32, #tpu.memory_space<vmem>>, vector<50x64x128xf32>
    %reshape3A = vector.shape_cast %get3A_2 : vector<50x64x128xf32> to vector<3200x128xf32>
    %get3A_3 = arith.constant 0 : index
    %get3A_4 = arith.constant 0 : index
    %get3A_5 = vector.load %arg3[%get3A_3, %get3A_4] : memref<128x128xf32, #tpu.memory_space<vmem>>, vector<128x128xf32>
    %dot_general3A = arith.constant dense<0.000000e+00> : vector<3200x128xf32>
    %dot_general3A_6 = tpu.matmul %reshape3A, %get3A_5, %dot_general3A {dimension_numbers = #tpu.dot_dimension_numbers<[1], [1], [0], [0], [0, 0, 1, 0], [], []>, transpose_lhs_hint = false} : vector<3200x128xf32>, vector<128x128xf32>, vector<3200x128xf32> -> vector<3200x128xf32>
    %get3A_7 = arith.constant 0 : index
    %get3A_8 = arith.constant 0 : index
    %get3A_9 = arith.constant 0 : index
    %get3A_10 = vector.load %arg2[%get3A_7, %get3A_8, %get3A_9] : memref<50x64x128xf32, #tpu.memory_space<vmem>>, vector<50x64x128xf32>
    %reshape3A_11 = vector.shape_cast %get3A_10 : vector<50x64x128xf32> to vector<3200x128xf32>
    %add3A = arith.addf %dot_general3A_6, %reshape3A_11 : vector<3200x128xf32>
    %get3A_12 = arith.constant 0 : index
    %get3A_13 = arith.constant 0 : index
    %get3A_14 = vector.load %arg4[%get3A_12, %get3A_13] : memref<1x128xf32, #tpu.memory_space<vmem>>, vector<1x128xf32>
    %add3A_15 = vector.broadcast %get3A_14 : vector<1x128xf32> to vector<3200x128xf32>
    %add3A_16 = arith.addf %add3A, %add3A_15 : vector<3200x128xf32>
    %reshape3A_17 = vector.shape_cast %add3A_16 : vector<3200x128xf32> to vector<50x64x128xf32>
    %swap3A = arith.constant 1 : index
    %swap3A_18 = arith.constant 0 : index
    %swap3A_19 = arith.constant 0 : index
    %swap3A_20 = vector.load %arg6[%swap3A, %swap3A_18, %swap3A_19] : memref<51x64x128xf32, #tpu.memory_space<vmem>>, vector<50x64x128xf32>
    tpu.vector_store %arg6[%swap3A, %swap3A_18, %swap3A_19], %reshape3A_17 {strides = array<i32>} : memref<51x64x128xf32, #tpu.memory_space<vmem>>, vector<50x64x128xf32>,
    %get3A_21 = arith.constant 0 : index
    %get3A_22 = arith.constant 0 : index
    %get3A_23 = vector.load %arg5[%get3A_21, %get3A_22] : memref<1x128xf32, #tpu.memory_space<vmem>>, vector<1x128xf32>
    %broadcast_in_dim3A = vector.shape_cast %get3A_23 : vector<1x128xf32> to vector<1x1x128xf32>
    %broadcast_in_dim3A_24 = vector.shape_cast %broadcast_in_dim3A : vector<1x1x128xf32> to vector<1x1x128xf32>
    %broadcast_in_dim3A_25 = vector.broadcast %broadcast_in_dim3A_24 : vector<1x1x128xf32> to vector<1x64x128xf32>
    %swap3A_26 = arith.constant 0 : index
    %swap3A_27 = arith.constant 0 : index
    %swap3A_28 = arith.constant 0 : index
    %swap3A_29 = vector.load %arg6[%swap3A_26, %swap3A_27, %swap3A_28] : memref<51x64x128xf32, #tpu.memory_space<vmem>>, vector<1x64x128xf32>
    tpu.vector_store %arg6[%swap3A_26, %swap3A_27, %swap3A_28], %broadcast_in_dim3A_25 {strides = array<i32>} : memref<51x64x128xf32, #tpu.memory_space<vmem>>, vector<1x64x128xf32>,
    return
  }
  func.func @transform_0(%arg0: i32) -> (i32, i32, i32) {
    %add3A = arith.constant 0 : i32
    %add3A_0 = arith.addi %arg0, %add3A : i32
    %c0_i32 = arith.constant 0 : i32
    %c0_i32_1 = arith.constant 0 : i32
    %c0_i32_2 = arith.constant 0 : i32
    return %c0_i32, %add3A_0, %c0_i32_1 : i32, i32, i32
  }
  func.func @transform_1(%arg0: i32) -> (i32, i32, i32) {
    %c0_i32 = arith.constant 0 : i32
    %c0_i32_0 = arith.constant 0 : i32
    %c0_i32_1 = arith.constant 0 : i32
    return %c0_i32, %arg0, %c0_i32_0 : i32, i32, i32
  }
  func.func @transform_2(%arg0: i32) -> (i32, i32) {
    %c0_i32 = arith.constant 0 : i32
    %c0_i32_0 = arith.constant 0 : i32
    %c0_i32_1 = arith.constant 0 : i32
    return %c0_i32, %c0_i32_0 : i32, i32
  }
  func.func @transform_3(%arg0: i32) -> (i32, i32) {
    %c0_i32 = arith.constant 0 : i32
    %c0_i32_0 = arith.constant 0 : i32
    %c0_i32_1 = arith.constant 0 : i32
    return %c0_i32, %c0_i32_0 : i32, i32
  }
  func.func @transform_4(%arg0: i32) -> (i32, i32) {
    %c0_i32 = arith.constant 0 : i32
    %c0_i32_0 = arith.constant 0 : i32
    %c0_i32_1 = arith.constant 0 : i32
    return %c0_i32, %c0_i32_0 : i32, i32
  }
  func.func @transform_5(%arg0: i32) -> (i32, i32, i32) {
    %add3A = arith.constant 0 : i32
    %add3A_0 = arith.addi %arg0, %add3A : i32
    %c0_i32 = arith.constant 0 : i32
    %c0_i32_1 = arith.constant 0 : i32
    %c0_i32_2 = arith.constant 0 : i32
    return %c0_i32, %add3A_0, %c0_i32_1 : i32, i32, i32
  }
}

module attributes {stable_mosaic.version = 14 : i64} {
  func.func @body(%arg0: i32, %arg1: memref<1x8x128xf32, #tpu.memory_space<vmem>>, %arg2: memref<50x64x128xf32, #tpu.memory_space<vmem>>, %arg3: memref<50x64x128xf32, #tpu.memory_space<vmem>>, %arg4: memref<128x128xf32, #tpu.memory_space<vmem>>, %arg5: memref<1x128xf32, #tpu.memory_space<vmem>>, %arg6: memref<1x128xf32, #tpu.memory_space<vmem>>, %arg7: memref<51x64x128xf32, #tpu.memory_space<vmem>>) attributes {dimension_semantics = [#tpu.dimension_semantics<arbitrary>], iteration_bounds = array<i64: 16>, scalar_prefetch = 0 : i64, scratch_operands = 0 : i64, tpu.core_type = #tpu.core_type<tc>, window_params = [{transform_indices = @transform_0, window_bounds = array<i64: 1, 8, 128>}, {transform_indices = @transform_1, window_bounds = array<i64: 50, 64, 128>}, {transform_indices = @transform_2, window_bounds = array<i64: 50, 64, 128>}, {pipeline_mode = #tpu.pipeline_mode<synchronous>, transform_indices = @transform_3, window_bounds = array<i64: 128, 128>}, {pipeline_mode = #tpu.pipeline_mode<synchronous>, transform_indices = @transform_4, window_bounds = array<i64: 1, 128>}, {pipeline_mode = #tpu.pipeline_mode<synchronous>, transform_indices = @transform_5, window_bounds = array<i64: 1, 128>}, {transform_indices = @transform_6, window_bounds = array<i64: 51, 64, 128>}]} {
    %get3A = arith.constant 0 : index
    %get3A_0 = arith.constant 0 : index
    %get3A_1 = arith.constant 0 : index
    %get3A_2 = vector.load %arg2[%get3A, %get3A_0, %get3A_1] : memref<50x64x128xf32, #tpu.memory_space<vmem>>, vector<50x64x128xf32>
    %reshape3A = vector.shape_cast %get3A_2 : vector<50x64x128xf32> to vector<3200x128xf32>
    %get3A_3 = arith.constant 0 : index
    %get3A_4 = arith.constant 0 : index
    %get3A_5 = vector.load %arg4[%get3A_3, %get3A_4] : memref<128x128xf32, #tpu.memory_space<vmem>>, vector<128x128xf32>
    %dot_general3A = arith.constant dense<0.000000e+00> : vector<3200x128xf32>
    %dot_general3A_6 = tpu.matmul %reshape3A, %get3A_5, %dot_general3A {dimension_numbers = #tpu.dot_dimension_numbers<[1], [1], [0], [0], [0, 0, 1, 0], [], []>, transpose_lhs_hint = false} : vector<3200x128xf32>, vector<128x128xf32>, vector<3200x128xf32> -> vector<3200x128xf32>
    %get3A_7 = arith.constant 0 : index
    %get3A_8 = arith.constant 0 : index
    %get3A_9 = arith.constant 0 : index
    %get3A_10 = vector.load %arg3[%get3A_7, %get3A_8, %get3A_9] : memref<50x64x128xf32, #tpu.memory_space<vmem>>, vector<50x64x128xf32>
    %reshape3A_11 = vector.shape_cast %get3A_10 : vector<50x64x128xf32> to vector<3200x128xf32>
    %add3A = arith.addf %dot_general3A_6, %reshape3A_11 : vector<3200x128xf32>
    %get3A_12 = arith.constant 0 : index
    %get3A_13 = arith.constant 0 : index
    %get3A_14 = vector.load %arg5[%get3A_12, %get3A_13] : memref<1x128xf32, #tpu.memory_space<vmem>>, vector<1x128xf32>
    %add3A_15 = vector.broadcast %get3A_14 : vector<1x128xf32> to vector<3200x128xf32>
    %add3A_16 = arith.addf %add3A, %add3A_15 : vector<3200x128xf32>
    %reshape3A_17 = vector.shape_cast %add3A_16 : vector<3200x128xf32> to vector<50x64x128xf32>
    %swap3A = arith.constant 1 : index
    %swap3A_18 = arith.constant 0 : index
    %swap3A_19 = arith.constant 0 : index
    %swap3A_20 = vector.load %arg7[%swap3A, %swap3A_18, %swap3A_19] : memref<51x64x128xf32, #tpu.memory_space<vmem>>, vector<50x64x128xf32>
    tpu.vector_store %arg7[%swap3A, %swap3A_18, %swap3A_19], %reshape3A_17 {strides = array<i32>} : memref<51x64x128xf32, #tpu.memory_space<vmem>>, vector<50x64x128xf32>,
    %get3A_21 = arith.constant 0 : index
    %get3A_22 = arith.constant 0 : index
    %get3A_23 = vector.load %arg6[%get3A_21, %get3A_22] : memref<1x128xf32, #tpu.memory_space<vmem>>, vector<1x128xf32>
    %broadcast_in_dim3A = vector.shape_cast %get3A_23 : vector<1x128xf32> to vector<1x1x128xf32>
    %broadcast_in_dim3A_24 = vector.shape_cast %broadcast_in_dim3A : vector<1x1x128xf32> to vector<1x1x128xf32>
    %broadcast_in_dim3A_25 = vector.broadcast %broadcast_in_dim3A_24 : vector<1x1x128xf32> to vector<1x64x128xf32>
    %swap3A_26 = arith.constant 0 : index
    %swap3A_27 = arith.constant 0 : index
    %swap3A_28 = arith.constant 0 : index
    %swap3A_29 = vector.load %arg7[%swap3A_26, %swap3A_27, %swap3A_28] : memref<51x64x128xf32, #tpu.memory_space<vmem>>, vector<1x64x128xf32>
    tpu.vector_store %arg7[%swap3A_26, %swap3A_27, %swap3A_28], %broadcast_in_dim3A_25 {strides = array<i32>} : memref<51x64x128xf32, #tpu.memory_space<vmem>>, vector<1x64x128xf32>,
    return
  }
  func.func @transform_0(%arg0: i32) -> (i32, i32, i32) {
    %c0_i32 = arith.constant 0 : i32
    %c0_i32_0 = arith.constant 0 : i32
    %c0_i32_1 = arith.constant 0 : i32
    %c0_i32_2 = arith.constant 0 : i32
    return %c0_i32, %c0_i32_0, %c0_i32_1 : i32, i32, i32
  }
  func.func @transform_1(%arg0: i32) -> (i32, i32, i32) {
    %add3A = arith.constant 24 : i32
    %add3A_0 = arith.addi %arg0, %add3A : i32
    %c0_i32 = arith.constant 0 : i32
    %c0_i32_1 = arith.constant 0 : i32
    %c0_i32_2 = arith.constant 0 : i32
    return %c0_i32, %add3A_0, %c0_i32_1 : i32, i32, i32
  }
  func.func @transform_2(%arg0: i32) -> (i32, i32, i32) {
    %c0_i32 = arith.constant 0 : i32
    %c0_i32_0 = arith.constant 0 : i32
    %c0_i32_1 = arith.constant 0 : i32
    return %c0_i32, %arg0, %c0_i32_0 : i32, i32, i32
  }
  func.func @transform_3(%arg0: i32) -> (i32, i32) {
    %c0_i32 = arith.constant 0 : i32
    %c0_i32_0 = arith.constant 0 : i32
    %c0_i32_1 = arith.constant 0 : i32
    return %c0_i32, %c0_i32_0 : i32, i32
  }
  func.func @transform_4(%arg0: i32) -> (i32, i32) {
    %c0_i32 = arith.constant 0 : i32
    %c0_i32_0 = arith.constant 0 : i32
    %c0_i32_1 = arith.constant 0 : i32
    return %c0_i32, %c0_i32_0 : i32, i32
  }
  func.func @transform_5(%arg0: i32) -> (i32, i32) {
    %c0_i32 = arith.constant 0 : i32
    %c0_i32_0 = arith.constant 0 : i32
    %c0_i32_1 = arith.constant 0 : i32
    return %c0_i32, %c0_i32_0 : i32, i32
  }
  func.func @transform_6(%arg0: i32) -> (i32, i32, i32) {
    %add3A = arith.constant 24 : i32
    %add3A_0 = arith.addi %arg0, %add3A : i32
    %c0_i32 = arith.constant 0 : i32
    %c0_i32_1 = arith.constant 0 : i32
    %c0_i32_2 = arith.constant 0 : i32
    return %c0_i32, %add3A_0, %c0_i32_1 : i32, i32, i32
  }
}

module attributes {stable_mosaic.version = 14 : i64} {
  func.func @body(%arg0: i32, %arg1: memref<1x8x128xf32, #tpu.memory_space<vmem>>, %arg2: memref<50x64x128xf32, #tpu.memory_space<vmem>>, %arg3: memref<50x64x128xf32, #tpu.memory_space<vmem>>, %arg4: memref<128x128xf32, #tpu.memory_space<vmem>>, %arg5: memref<1x128xf32, #tpu.memory_space<vmem>>, %arg6: memref<1x128xf32, #tpu.memory_space<vmem>>, %arg7: memref<51x64x128xf32, #tpu.memory_space<vmem>>) attributes {dimension_semantics = [#tpu.dimension_semantics<arbitrary>], iteration_bounds = array<i64: 24>, scalar_prefetch = 0 : i64, scratch_operands = 0 : i64, tpu.core_type = #tpu.core_type<tc>, window_params = [{transform_indices = @transform_0, window_bounds = array<i64: 1, 8, 128>}, {transform_indices = @transform_1, window_bounds = array<i64: 50, 64, 128>}, {transform_indices = @transform_2, window_bounds = array<i64: 50, 64, 128>}, {pipeline_mode = #tpu.pipeline_mode<synchronous>, transform_indices = @transform_3, window_bounds = array<i64: 128, 128>}, {pipeline_mode = #tpu.pipeline_mode<synchronous>, transform_indices = @transform_4, window_bounds = array<i64: 1, 128>}, {pipeline_mode = #tpu.pipeline_mode<synchronous>, transform_indices = @transform_5, window_bounds = array<i64: 1, 128>}, {transform_indices = @transform_6, window_bounds = array<i64: 51, 64, 128>}]} {
    %get3A = arith.constant 0 : index
    %get3A_0 = arith.constant 0 : index
    %get3A_1 = arith.constant 0 : index
    %get3A_2 = vector.load %arg2[%get3A, %get3A_0, %get3A_1] : memref<50x64x128xf32, #tpu.memory_space<vmem>>, vector<50x64x128xf32>
    %reshape3A = vector.shape_cast %get3A_2 : vector<50x64x128xf32> to vector<3200x128xf32>
    %get3A_3 = arith.constant 0 : index
    %get3A_4 = arith.constant 0 : index
    %get3A_5 = vector.load %arg4[%get3A_3, %get3A_4] : memref<128x128xf32, #tpu.memory_space<vmem>>, vector<128x128xf32>
    %dot_general3A = arith.constant dense<0.000000e+00> : vector<3200x128xf32>
    %dot_general3A_6 = tpu.matmul %reshape3A, %get3A_5, %dot_general3A {dimension_numbers = #tpu.dot_dimension_numbers<[1], [1], [0], [0], [0, 0, 1, 0], [], []>, transpose_lhs_hint = false} : vector<3200x128xf32>, vector<128x128xf32>, vector<3200x128xf32> -> vector<3200x128xf32>
    %get3A_7 = arith.constant 0 : index
    %get3A_8 = arith.constant 0 : index
    %get3A_9 = arith.constant 0 : index
    %get3A_10 = vector.load %arg3[%get3A_7, %get3A_8, %get3A_9] : memref<50x64x128xf32, #tpu.memory_space<vmem>>, vector<50x64x128xf32>
    %reshape3A_11 = vector.shape_cast %get3A_10 : vector<50x64x128xf32> to vector<3200x128xf32>
    %add3A = arith.addf %dot_general3A_6, %reshape3A_11 : vector<3200x128xf32>
    %get3A_12 = arith.constant 0 : index
    %get3A_13 = arith.constant 0 : index
    %get3A_14 = vector.load %arg5[%get3A_12, %get3A_13] : memref<1x128xf32, #tpu.memory_space<vmem>>, vector<1x128xf32>
    %add3A_15 = vector.broadcast %get3A_14 : vector<1x128xf32> to vector<3200x128xf32>
    %add3A_16 = arith.addf %add3A, %add3A_15 : vector<3200x128xf32>
    %reshape3A_17 = vector.shape_cast %add3A_16 : vector<3200x128xf32> to vector<50x64x128xf32>
    %swap3A = arith.constant 1 : index
    %swap3A_18 = arith.constant 0 : index
    %swap3A_19 = arith.constant 0 : index
    %swap3A_20 = vector.load %arg7[%swap3A, %swap3A_18, %swap3A_19] : memref<51x64x128xf32, #tpu.memory_space<vmem>>, vector<50x64x128xf32>
    tpu.vector_store %arg7[%swap3A, %swap3A_18, %swap3A_19], %reshape3A_17 {strides = array<i32>} : memref<51x64x128xf32, #tpu.memory_space<vmem>>, vector<50x64x128xf32>,
    %get3A_21 = arith.constant 0 : index
    %get3A_22 = arith.constant 0 : index
    %get3A_23 = vector.load %arg6[%get3A_21, %get3A_22] : memref<1x128xf32, #tpu.memory_space<vmem>>, vector<1x128xf32>
    %broadcast_in_dim3A = vector.shape_cast %get3A_23 : vector<1x128xf32> to vector<1x1x128xf32>
    %broadcast_in_dim3A_24 = vector.shape_cast %broadcast_in_dim3A : vector<1x1x128xf32> to vector<1x1x128xf32>
    %broadcast_in_dim3A_25 = vector.broadcast %broadcast_in_dim3A_24 : vector<1x1x128xf32> to vector<1x64x128xf32>
    %swap3A_26 = arith.constant 0 : index
    %swap3A_27 = arith.constant 0 : index
    %swap3A_28 = arith.constant 0 : index
    %swap3A_29 = vector.load %arg7[%swap3A_26, %swap3A_27, %swap3A_28] : memref<51x64x128xf32, #tpu.memory_space<vmem>>, vector<1x64x128xf32>
    tpu.vector_store %arg7[%swap3A_26, %swap3A_27, %swap3A_28], %broadcast_in_dim3A_25 {strides = array<i32>} : memref<51x64x128xf32, #tpu.memory_space<vmem>>, vector<1x64x128xf32>,
    return
  }
  func.func @transform_0(%arg0: i32) -> (i32, i32, i32) {
    %c0_i32 = arith.constant 0 : i32
    %c0_i32_0 = arith.constant 0 : i32
    %c0_i32_1 = arith.constant 0 : i32
    %c0_i32_2 = arith.constant 0 : i32
    return %c0_i32, %c0_i32_0, %c0_i32_1 : i32, i32, i32
  }
  func.func @transform_1(%arg0: i32) -> (i32, i32, i32) {
    %add3A = arith.constant 40 : i32
    %add3A_0 = arith.addi %arg0, %add3A : i32
    %c0_i32 = arith.constant 0 : i32
    %c0_i32_1 = arith.constant 0 : i32
    %c0_i32_2 = arith.constant 0 : i32
    return %c0_i32, %add3A_0, %c0_i32_1 : i32, i32, i32
  }
  func.func @transform_2(%arg0: i32) -> (i32, i32, i32) {
    %c0_i32 = arith.constant 0 : i32
    %c0_i32_0 = arith.constant 0 : i32
    %c0_i32_1 = arith.constant 0 : i32
    return %c0_i32, %arg0, %c0_i32_0 : i32, i32, i32
  }
  func.func @transform_3(%arg0: i32) -> (i32, i32) {
    %c0_i32 = arith.constant 0 : i32
    %c0_i32_0 = arith.constant 0 : i32
    %c0_i32_1 = arith.constant 0 : i32
    return %c0_i32, %c0_i32_0 : i32, i32
  }
  func.func @transform_4(%arg0: i32) -> (i32, i32) {
    %c0_i32 = arith.constant 0 : i32
    %c0_i32_0 = arith.constant 0 : i32
    %c0_i32_1 = arith.constant 0 : i32
    return %c0_i32, %c0_i32_0 : i32, i32
  }
  func.func @transform_5(%arg0: i32) -> (i32, i32) {
    %c0_i32 = arith.constant 0 : i32
    %c0_i32_0 = arith.constant 0 : i32
    %c0_i32_1 = arith.constant 0 : i32
    return %c0_i32, %c0_i32_0 : i32, i32
  }
  func.func @transform_6(%arg0: i32) -> (i32, i32, i32) {
    %add3A = arith.constant 40 : i32
    %add3A_0 = arith.addi %arg0, %add3A : i32
    %c0_i32 = arith.constant 0 : i32
    %c0_i32_1 = arith.constant 0 : i32
    %c0_i32_2 = arith.constant 0 : i32
    return %c0_i32, %add3A_0, %c0_i32_1 : i32, i32, i32
  }
}

</mosaic_0001>

<sc_bundles>
// kernel: kernel.10.cloned.1.call-start
scs
__scs_entry_jumppad:
0x0: {  	(pc) =	sbr.rel $0x88, $3  }
0x1: {  	(tag) =	ssettag $0x0;
	lr =	simm.s32 $0x1  }
0x2: {  	[smem:$0x3F99] =	sst lr;
	_ =	strace $0xD0000000  }
0x3: {  	_ = 	snop  }
0x4: {  	_ = 	snop  }
0x5: {  	_ = 	snop  }
0x6: {  	_ = 	snop  }
0x7: {  	_ = 	snop  }
__scs_overlays_trampoline_lowered:
0x8: {  	[smem:$0x3FA8] =	sst s0  }
0x9: {  	[smem:$0x3FA9] =	sst s1  }
0xa: {  	[smem:$0x3FAA] =	sst s2  }
0xb: {  	[smem:$0x3FAB] =	sst s3  }
0xc: {  	[smem:$0x3FAC] =	sst s4  }
0xd: {  	[smem:$0x3FAD] =	sst s5  }
0xe: {  	[smem:$0x3FAE] =	sst s6  }
0xf: {  	[smem:$0x3FAF] =	sst s7  }
0x10: {  	[smem:$0x3FB0] =	sst s8  }
0x11: {  	[smem:$0x3FB1] =	sst s9;
	s0 =	simm.s32 @!p0 $0x0  }
0x12: {  	s1 =	sld [smem:$0x3F97];
	s0 =	simm.s32 @p0 $0x1  }
0x13: {  	[smem:$0x3FB2] =	sst s0;
	s0 =	simm.s32 @!p1 $0x0  }
0x14: {  	s2 =	sld [smem:$0x3F96];
	s0 =	simm.s32 @p1 $0x1  }
0x15: {  	[smem:$0x3FB3] =	sst s0;
	s0 =	simm.s32 @!p2 $0x0  }
0x16: {  	s3 =	sld [smem:$0x3FDB];
	s0 =	simm.s32 @p2 $0x1  }
0x17: {  	s4 =	simm.s32 $0x1BF5;
	[smem:$0x3FB5] =	sst s0  }
0x18: {  	s0 =	sld [smem:$0x3F98];
	_ =	swait.ge [sflag:s4], $0x0  }
0x19: {  	s7 =	sld [smem:$0x3F99]  }
0x1a: {  	s8 =	sadd.s32 $0xFFFFE003, lr  }
0x1b: {  	s9 =	sadd.s32 $0xFFFFFEF7, lr;
	s5 =	simm.s32 $0xFFFFFFFF;
	p2 =	slt.u32 s8, $0xFFFFF086  }
0x1c: {  	p1 =	slt.u32 s9, $0xF7A;
	s5 =	simm.s32 @!p2 $0x0  }
0x1d: {  	s5 =	simm.s32 @p1 $0x1;
	p0 =	seq.s32 s7, s2  }
0x1e: {  	s7 =	smul.u32 @!p0 $0xF7A, s2;
	p2 =	seq.s32 @!p0 s5, $0x0  }
0x1f: {  	s9 =	smul.u32 $0xF7A, s1;
	s8 =	simm.s32 @!p0 $0x1BF5;
	p2 =	por !p2, p0  }
0x20: {  	[sflag:s8] =	ssyncset.s32 @!p0 $0xFFFFF086;
	s6 =	sadd.s32 @!p0 s3, s7;
	s7 =	simm.s32 @!p0 $0x108  }
0x21: {  	s3 =	sadd.s32 s3, s9;
	s6 =	sadd.s32 @!p0 $0x88, s6;
	s7 =	simm.s32 @p2 $0x1082  }
0x22: {  	[simem:s7], [sflag:s8] =	dma.local @!p0 [hbm:s6], $0xF7A  }
0x23: {  	s9 =	sor.u32 $0xD0000000, s2;
	s6 =	simm.s32 $0x108;
	_ =	swait.ge @!p0 [sflag:s8], $0x0  }
0x24: {  	s3 =	sadd.s32 $0x88, s3;
	s6 =	simm.s32 @!p1 $0x1082;
	[sflag:s4] =	ssyncset.s32 $0xFFFFF086  }
0x25: {  	[simem:s6], [sflag:s4] =	dma.local [hbm:s3], $0xF7A  }
0x26: {  	[smem:$0x3F99] =	sst s1;
	(tag) =	ssettag s2;
	_ =	strace s9  }
0x27: {  	s1 =	sld [smem:$0x3FA9]  }
0x28: {  	s2 =	sld [smem:$0x3FAA]  }
0x29: {  	s4 =	sld [smem:$0x3FAC]  }
0x2a: {  	p0 =	seq.s32 s5, $0x0;
	s5 =	sld [smem:$0x3FAD]  }
0x2b: {  	s6 =	sld [smem:$0x3FAE]  }
0x2c: {  	s7 =	sld [smem:$0x3FAF]  }
0x2d: {  	s3 =	simm.s32 $0x108;
	s8 =	sld [smem:$0x3FB0]  }
0x2e: {  	s3 =	simm.s32 @!p0 $0x1082;
	s9 =	sld [smem:$0x3FB1]  }
0x2f: {  	lr =	sadd.s32 s0, s3;
	s0 =	sld [smem:$0x3FA8]  }
0x30: {  	s3 =	sld [smem:$0x3FAB]  }
0x31: {  	[smem:$0x3FB4] =	sst s10  }
0x32: {  	s10 =	sld [smem:$0x3FB2];
	_ =	sdelay $0x3  }
0x33: {  	p0 =	seq.s32 s10, $0x1;
	s10 =	sld [smem:$0x3FB4];
	_ =	sdelay $0x3  }
0x34: {  	[smem:$0x3FB4] =	sst s10  }
0x35: {  	s10 =	sld [smem:$0x3FB3];
	_ =	sdelay $0x3  }
0x36: {  	p1 =	seq.s32 s10, $0x1;
	s10 =	sld [smem:$0x3FB4];
	_ =	sdelay $0x3  }
0x37: {  	[smem:$0x3FB4] =	sst s10  }
0x38: {  	s10 =	sld [smem:$0x3FB5]  }
0x39: {  	_ = 	snop;
	(pc) =	sbr.ind lr, $3  }
0x3a: {  	_ = 	snop  }
0x3b: {  	_ = 	snop  }
0x3c: {  	p2 =	seq.s32 s10, $0x1;
	s10 =	sld [smem:$0x3FB4]  }
0x3d: {  	_ =	shalt  }
0x3e: {  	_ =	shalt  }
0x3f: {  	_ =	shalt  }
0x40: {  	_ =	shalt  }
0x41: {  	_ =	shalt  }
0x42: {  	_ =	shalt  }
0x43: {  	_ =	shalt  }
0x44: {  	_ =	shalt  }
0x45: {  	_ =	shalt  }
0x46: {  	_ =	shalt  }
0x47: {  	_ =	shalt  }
0x48: {  	_ =	shalt  }
0x49: {  	_ =	shalt  }
0x4a: {  	_ =	shalt  }
0x4b: {  	_ =	shalt  }
0x4c: {  	_ =	shalt  }
0x4d: {  	_ =	shalt  }
0x4e: {  	_ =	shalt  }
0x4f: {  	_ =	shalt  }
0x50: {  	_ =	shalt  }
0x51: {  	_ =	shalt  }
0x52: {  	_ =	shalt  }
0x53: {  	_ =	shalt  }
0x54: {  	_ =	shalt  }
0x55: {  	_ =	shalt  }
0x56: {  	_ =	shalt  }
0x57: {  	_ =	shalt  }
0x58: {  	_ =	shalt  }
0x59: {  	_ =	shalt  }
0x5a: {  	_ =	shalt  }
0x5b: {  	_ =	shalt  }
0x5c: {  	_ =	shalt  }
0x5d: {  	_ =	shalt  }
0x5e: {  	_ =	shalt  }
0x5f: {  	_ =	shalt  }
0x60: {  	_ =	shalt  }
0x61: {  	_ =	shalt  }
0x62: {  	_ =	shalt  }
0x63: {  	_ =	shalt  }
0x64: {  	_ =	shalt  }
0x65: {  	_ =	shalt  }
0x66: {  	_ =	shalt  }
0x67: {  	_ =	shalt  }
0x68: {  	_ =	shalt  }
0x69: {  	_ =	shalt  }
0x6a: {  	_ =	shalt  }
0x6b: {  	_ =	shalt  }
0x6c: {  	_ =	shalt  }
0x6d: {  	_ =	shalt  }
0x6e: {  	_ =	shalt  }
0x6f: {  	_ =	shalt  }
0x70: {  	_ =	shalt  }
0x71: {  	_ =	shalt  }
0x72: {  	_ =	shalt  }
0x73: {  	_ =	shalt  }
0x74: {  	_ =	shalt  }
0x75: {  	_ =	shalt  }
0x76: {  	_ =	shalt  }
0x77: {  	_ =	shalt  }
0x78: {  	_ =	shalt  }
0x79: {  	_ =	shalt  }
0x7a: {  	_ =	shalt  }
0x7b: {  	_ =	shalt  }
0x7c: {  	_ =	shalt  }
0x7d: {  	_ =	shalt  }
0x7e: {  	_ =	shalt  }
0x7f: {  	_ =	shalt  }
0x80: {  	_ =	shalt  }
0x81: {  	_ =	shalt  }
0x82: {  	_ =	shalt  }
0x83: {  	_ =	shalt  }
0x84: {  	_ =	shalt  }
0x85: {  	_ =	shalt  }
0x86: {  	_ =	shalt  }
0x87: {  	_ =	shalt  }
.Lfunc_end0:
.L_simem_size_0:
called_computation_lowered:
.L_overlay_start_0:
0x88: {  	s2 =	sld [smem:$0x3FD9]  }
0x89: {  	s3 =	sld [smem:$0x3FFE];
	_ =	sdelay $0x1  }
0x8a: {  	s1 =	srdreg.scid  }
0x8b: {  	s0 =	sand.u32 $0x1, s1  }
0x8c: {  	s17 =	sshll.u32 s0, $0xA;
	s2 =	sadd.s32 s3, s2  }
0x8d: {  	s2 =	sadd.s32 s2, s17  }
0x8e: {  	[smem:$0x3FC0] =	sst s2  }
0x8f: {  	_ = 	snop  }
0x90: {  	s2 =	sld [smem:$0x3FC4]  }
0x91: {  	s18 =	sld [smem:$0x3FC3]  }
0x92: {  	s4 =	sld [smem:$0x3FD0];
	(tm) =	ssettm $0x1  }
0x93: {  	s5 =	sld [smem:$0x3FFB];
	_ =	sdelay $0x3  }
0x94: {  	_ =	strace s5  }
0x95: {  	s5 =	sld [smem:$0x3FFC];
	_ =	sdelay $0x3  }
0x96: {  	_ =	strace s5  }
0x97: {  	s5 =	sld [smem:$0x3FFD];
	_ =	sdelay $0x3  }
0x98: {  	_ =	strace s5  }
0x99: {  	_ =	strace $0x8FFFFFFF  }
0x9a: {  	s19 =	sld [smem:$0x3FDB];
	_ =	sdelay $0x1  }
0x9b: {  	s6 =	simm.s32 $_scs_section_size  }
0x9c: {  	s7 =	simm.s32 $_size__tile_overlayer_lowered;
	s8 =	simm.s32 $_tile_overlayer_lowered  }
0x9d: {  	s22 =	simm.s32 $0x1BFF;
	s21 =	sshll.u32 s8, $0x1;
	s5 =	sadd.s32 s6, s19  }
0x9e: {  	s9 =	simm.s32 $0x0;
	s20 =	sshll.u32 s7, $0x1;
	s7 =	sadd.s32 s21, s5  }
0x9f: {  	[timem:s9], [sflag:s22] =	dma.local [hbm:s7], s20  }
0xa0: {  	_ =	swait.ge [sflag:s22], s20  }
0xa1: {  	s6 =	ssub.s32 $0x0, s20;
	[sflag:s22] =	ssyncset.done $0x0  }
0xa2: {  	[sflag:s22] =	ssyncadd.s32 s6;
	_ =	sdelay $0x1  }
0xa3: {  	s23 =	simm.s32 $0x1B8B  }
0xa4: {  	_ =	swait.ge [sflag:s23], $0x1  }
0xa5: {  	[sflag:s23] =	ssyncset.done $0x0  }
0xa6: {  	s25 =	simm.s32 $0x1B8E;
	s24 =	sld [smem:$0x3FFE];
	[sflag:s23] =	ssyncadd.s32 $0xFFFFFFFF  }
0xa7: {  	s26 =	simm.s32 $execute0_lowered;
	[smem:$0x3FD2] =	sst s25  }
0xa8: {  	s7 =	sshll.u32 s26, $0x1;
	_ =	strace $0x80000046;
	[dreg:$0x1] =	wrdreg $0xFFFFFFFF  }
0xa9: {  	s28 =	simm.s32 $_size_execute0_lowered;
	s5 =	sadd.s32 s5, s7;
	[dreg:$0x0] =	wrdreg $0x0  }
0xaa: {  	s7 =	sshll.u32 s28, $0x1;
	[dreg:$0x2] =	wrdreg s5  }
0xab: {  	[dreg:$0x3] =	wrdreg s7  }
0xac: {  	[dreg:$0x4] =	wrdreg $0xC0  }
0xad: {  	_ =	task [dreg:s9], $0x5FFFF  }
0xae: {  	[dreg:$0x1] =	wrdreg $0xFFFFFFFF  }
0xaf: {  	[dreg:$0x0] =	wrdreg $0x60  }
0xb0: {  	[dreg:$0x2] =	wrdreg s2  }
0xb1: {  	[dreg:$0x3] =	wrdreg s18  }
0xb2: {  	[dreg:$0x4] =	wrdreg s24  }
0xb3: {  	[dreg:$0x5] =	wrdreg s4  }
0xb4: {  	[dreg:$0x6] =	wrdreg $0x0  }
0xb5: {  	[dreg:$0x7] =	wrdreg $0x10000  }
0xb6: {  	[dreg:$0x8] =	wrdreg $0x9  }
0xb7: {  	_ =	task.clear_ibuf [dreg:s9], $0x9FFFF;
	_ =	strace $0x90000046  }
0xb8: {  	s29 =	simm.s32 $0x9;
	_ =	strace $0x80000048  }
0xb9: {  	_ =	swait.ge [sflag:s29], $0x1  }
0xba: {  	[sflag:s29] =	ssyncadd.s32 $0xFFFFFFFF  }
0xbb: {  	_ =	strace $0x90000048  }
0xbc: {  	_ =	sfence  }
0xbd: {  	s30 =	sld [smem:$0x0];
	_ =	sdelay $0x2  }
0xbe: {  	s31 =	sshll.u32 s1, $0xD;
	s1 =	sshrl.u32 s1, $0x2  }
0xbf: {  	s3 =	sand.u32 $0x4000, s31;
	s1 =	sadd.s32 s1, s30  }
0xc0: {  	s0 =	sor.u32 s3, s0;
	s1 =	sshll.u32 s1, $0x11  }
0xc1: {  	s0 =	sor.u32 s1, s0  }
0xc2: {  	s0 =	sadd.s32 $0x8F2B, s0  }
0xc3: {  	[sflag:s0] =	ssyncadd.remote.s32 $0x1  }
0xc4: {  	_ =	sfence.sel $0xFFFF  }
0xc5: {  	[dreg:$0x0] =	wrdreg $0xFFFFFFFF;
	(pc) =	sbr.abs _section_cstart, $3  }
0xc6: {  	[dreg:$0x1] =	wrdreg $0xFFFFFFFF  }
0xc7: {  	_ =	task.clear_ibuf [dreg:s9], $0x2FFFF;
	_ =	strace $0x9FFFFFFF  }
0xc8: {  	(tm) =	ssettm $0x7FFFFFFF  }
0xc9: {  	_ =	shalt  }
tec
execute0_lowered:
.L_overlay_start_1:
0x0: {  	(tag) =	ssettag $0x1  }
0x1: {  	s0 =	rddreg [dreg:$0x2]  }
0x2: {  	s3 =	rddreg [dreg:$0x3]  }
0x3: {  	s4 =	rddreg [dreg:$0x4]  }
0x4: {  	s5 =	rddreg [dreg:$0x5]  }
0x5: {  	s1 =	srdreg.scid;
	s2 =	stileid.u32  }
0x6: {  	s6 =	simm.s32 $0x0;
	s15 =	simm.s32 $0x7;
	s17 =	simm.s32 $0x50  }
0x7: {  	s21 =	simm.s32 $0x5800;
	s23 =	simm.s32 $0xA800;
	s24 =	simm.s32 $0x1  }
0x8: {  	s28 =	simm.s32 $0x2;
	s1 =	sand.u32 $0x1, s1;
	s7 =	sshll.u32 s2, $0x1  }
0x9: {  	s29 =	simm.s32 $0x4;
	s30 =	simm.s32 $0xF800;
	s7 =	sor.u32 s1, s7  }
0xa: {  	[smem:$0x7FF] =	sst s6;
	s1 =	ssub.s32 $0x2, s1;
	s8 =	sshll.u32 s7, $0x8  }
0xb: {  	p0 =	sne.s32 s2, $0x0;
	s25 =	sshrl.u32 s1, $0x1;
	s0 =	sadd.s32 s8, s0  }
0xc: {  	_ =	strace $0x80000047;
	s1 =	ssub.s32 s1, s25;
	s26 =	sadd.s32 $0x1C00, s0  }
.Ltmp0:
0xd: {  	s0 =	sadd.s32 $0x3C00, s0;
	[dreg:$0x7] =	wrdreg s26;
	(pc) =	sbr.rel .LBB2_1-.Ltmp0, $4  }
0xe: {  	s7 =	smul.u32 $0x320, s7;
	s31 =	smax.u32 s1, $0x1;
	[dreg:$0x8] =	wrdreg s0  }
0xf: {  	s25 =	simm.s32 $0x3;
	[dreg:$0x9] =	wrdreg s31;
	s0 =	sshrl.u32 @!p0 s4, $0x3  }
0x10: {  	s10 =	sadd.s32 $0x50, s7;
	[dreg:$0xa] =	wrdreg s0;
	s0 =	sshrl.u32 @!p0 s5, $0x3  }
0x11: {  	s26 =	simm.s32 $0xD000;
	[dreg:$0xb] =	wrdreg s0;
	s0 =	simm.s32 $0x0  }
.LBB2_8:
0x12: {  	s1 =	simm.s32 $0x5  }
0x13: {  	_ =	swait.ge [sflag:s1], $0x2800  }
0x14: {  	[sflag:s1] =	ssyncset.done $0x0  }
0x15: {  	s2 =	simm.s32 $0x6;
	[sflag:s1] =	ssyncadd.s32 $0xFFFFD800  }
0x16: {  	_ =	swait.ge [sflag:s2], $0x2800  }
0x17: {  	s0 =	sadd.s32 $0x1, s0;
	s31 =	rddreg [dreg:$0x9]  }
0x18: {  	p1 =	sne.s32 s0, s31  }
.Ltmp1:
0x19: {  	_ = 	snop;
	(pc) =	sbr.rel @!p1 .LBB2_9-.Ltmp1, $3  }
0x1a: {  	_ =	sdelay $0x1  }
0x1b: {  	[sflag:s2] =	ssyncset.done $0x0  }
0x1c: {  	[sflag:s2] =	ssyncadd.s32 $0xFFFFD800  }
.LBB2_1:
0x1d: {  	s2 =	rddreg [dreg:$0x0]  }
0x1e: {  	s1 =	simm.s32 @!p0 $0x1C07;
	s8 =	rddreg [dreg:$0xa]  }
0x1f: {  	[spmem:s8], [sflag:s1] =	dma.local @!p0 [hbm:s2], $0x2000  }
0x20: {  	s2 =	simm.s32 @!p0 $0x7  }
0x21: {  	_ =	swait.ge @!p0 [sflag:s2], $0x2000  }
0x22: {  	[sflag:s2] =	ssyncset.done @!p0 $0x0  }
0x23: {  	s9 =	rddreg [dreg:$0xb];
	[sflag:s2] =	ssyncadd.s32 @!p0 $0xFFFFE000  }
0x24: {  	s8 =	rddreg [dreg:$0x1]  }
0x25: {  	[spmem:s9], [sflag:s1] =	dma.local @!p0 [hbm:s8], $0x2000  }
0x26: {  	_ =	swait.ge @!p0 [sflag:s2], $0x2000  }
0x27: {  	[sflag:s2] =	ssyncset.done @!p0 $0x0  }
0x28: {  	s14 =	simm.s32 $0x2000;
	s13 =	rddreg [dreg:$0x7];
	[sflag:s2] =	ssyncadd.s32 @!p0 $0xFFFFE000  }
0x29: {  	[tilespmem:s14], [sflag:$0x7] =	stream.linear.gather [hbm4b:s13+s6], $0x500, $0x38;
	[tilespmem:$0x12000] =	vst v63  }
0x2a: {  	_ =	swait.ge [sflag:s15], $0x500  }
0x2b: {  	[sflag:s15] =	ssyncset.done $0x0  }
0x2c: {  	s18 =	simm.s32 $0x2800;
	s16 =	rddreg [dreg:$0x8];
	[sflag:s15] =	ssyncadd.s32 $0xFFFFFB00  }
0x2d: {  	[tilespmem:s18], [sflag:$0x7] =	stream.linear.gather [hbm4b:s16+s6], $0x500, $0x38;
	[tilespmem:$0x12000] =	vst v63  }
0x2e: {  	_ =	swait.ge [sflag:s15], $0x500  }
0x2f: {  	[sflag:s15] =	ssyncset.done $0x0  }
0x30: {  	[sflag:s15] =	ssyncadd.s32 $0xFFFFFB00  }
0x31: {  	s19 =	simm.s32 $0x3000;
	[bflag:$0x0] =	sbarrier.arrive $0xFFFF  }
0x32: {  	[tilespmem:s19], [sflag:$0x1] =	stream.indirect.gather [spmem:s4], $0x80, s14, s17, $0xb8;
	[tilespmem:$0x12000] =	vst v63  }
0x33: {  	s20 =	simm.s32 $0x8000  }
0x34: {  	[tilespmem:s20], [sflag:$0x3] =	stream.indirect.gather [spmem:s5], $0x80, s18, s17, $0xb8;
	[tilespmem:$0x12000] =	vst v63  }
0x35: {  	s22 =	simm.s32 $0x2080  }
0x36: {  	[tilespmem:s21], [sflag:$0x2] =	stream.indirect.gather [spmem:s4], $0x80, s22, s17, $0xb8;
	[tilespmem:$0x12000] =	vst v63  }
0x37: {  	s31 =	simm.s32 $0x2880;
	s2 =	simm.s32 $0x0  }
0x38: {  	[tilespmem:s23], [sflag:$0x4] =	stream.indirect.gather [spmem:s5], $0x80, s31, s17, $0xb8;
	[tilespmem:$0x12000] =	vst v63  }
.LBB2_2:
0x39: {  	_ =	swait.ge [sflag:s24], $0x2800  }
0x3a: {  	[sflag:s24] =	ssyncset.done $0x0  }
0x3b: {  	[sflag:s24] =	ssyncadd.s32 $0xFFFFD800  }
0x3c: {  	_ =	swait.ge [sflag:s25], $0x2800  }
0x3d: {  	p1 =	seq.s32 s2, $0x0;
	[sflag:s25] =	ssyncset.done $0x0  }
0x3e: {  	s1 =	simm.s32 @!p1 $0x5;
	[sflag:s25] =	ssyncadd.s32 $0xFFFFD800  }
0x3f: {  	_ =	swait.ge @!p1 [sflag:s1], $0x2800  }
0x40: {  	[sflag:s1] =	ssyncset.done @!p1 $0x0  }
0x41: {  	s13 =	simm.s32 $0x3080;
	[sflag:s1] =	ssyncadd.s32 @!p1 $0xFFFFD800  }
0x42: {  	s12 =	simm.s32 $0x8080;
	v0 =	vld [tilespmem:s13+$0x0]  }
0x43: {  	v1 =	vld [tilespmem:s12+$0x0];
	_ =	sdelay $0x4  }
0x44: {  	v0 =	vadd.f32 v1, v0  }
0x45: {  	s20 =	simm.s32 $0xD080  }
0x46: {  	[tilespmem:s20+$0x0] =	vst v0  }
0x47: {  	v0 =	vld [tilespmem:s13+$0x10]  }
0x48: {  	v1 =	vld [tilespmem:s12+$0x10]  }
0x49: {  	v2 =	vld [tilespmem:s12+$0xFFFFFF80]  }
0x4a: {  	v3 =	vld [tilespmem:s13+$0xFFFFFF80];
	_ =	sdelay $0x2  }
0x4b: {  	v0 =	vadd.f32 v1, v0;
	_ =	sdelay $0x1  }
0x4c: {  	[tilespmem:s20+$0x10] =	vst v0;
	v0 =	vadd.f32 v2, v3  }
0x4d: {  	v1 =	vld [tilespmem:s13+$0x20]  }
0x4e: {  	v2 =	vld [tilespmem:s12+$0x20];
	[tilespmem:s20+$0xFFFFFF80] =	vst v0  }
0x4f: {  	v0 =	vld [tilespmem:s13+$0xFFFFFF90]  }
0x50: {  	v3 =	vld [tilespmem:s12+$0xFFFFFF90];
	_ =	sdelay $0x2  }
0x51: {  	v1 =	vadd.f32 v2, v1;
	_ =	sdelay $0x1  }
0x52: {  	[tilespmem:s20+$0x20] =	vst v1;
	v0 =	vadd.f32 v3, v0  }
0x53: {  	v1 =	vld [tilespmem:s13+$0x30]  }
0x54: {  	v2 =	vld [tilespmem:s12+$0x30];
	[tilespmem:s20+$0xFFFFFF90] =	vst v0  }
0x55: {  	v0 =	vld [tilespmem:s13+$0xFFFFFFA0]  }
0x56: {  	s14 =	simm.s32 $0x3180;
	v3 =	vld [tilespmem:s12+$0xFFFFFFA0]  }
0x57: {  	s16 =	simm.s32 $0x8180;
	v4 =	vld [tilespmem:s14+$0x0]  }
0x58: {  	v5 =	vld [tilespmem:s16+$0x0]  }
0x59: {  	v6 =	vld [tilespmem:s14+$0xFFFFFF80];
	v1 =	vadd.f32 v2, v1  }
0x5a: {  	v2 =	vld [tilespmem:s16+$0xFFFFFF80]  }
0x5b: {  	[tilespmem:s20+$0x30] =	vst v1;
	v0 =	vadd.f32 v3, v0  }
0x5c: {  	v1 =	vld [tilespmem:s13+$0x40]  }
0x5d: {  	v3 =	vld [tilespmem:s12+$0x40];
	[tilespmem:s20+$0xFFFFFFA0] =	vst v0;
	v0 =	vadd.f32 v5, v4  }
0x5e: {  	s22 =	simm.s32 $0xD180;
	v4 =	vld [tilespmem:s13+$0xFFFFFFB0]  }
0x5f: {  	v5 =	vld [tilespmem:s12+$0xFFFFFFB0];
	v2 =	vadd.f32 v2, v6;
	[tilespmem:s22+$0x0] =	vst v0  }
0x60: {  	v0 =	vld [tilespmem:s14+$0x10]  }
0x61: {  	[tilespmem:s22+$0xFFFFFF80] =	vst v2;
	v2 =	vld [tilespmem:s16+$0x10]  }
0x62: {  	v1 =	vadd.f32 v3, v1;
	v3 =	vld [tilespmem:s14+$0xFFFFFF90]  }
0x63: {  	v6 =	vld [tilespmem:s16+$0xFFFFFF90]  }
0x64: {  	[tilespmem:s20+$0x40] =	vst v1;
	v1 =	vadd.f32 v5, v4  }
0x65: {  	v4 =	vld [tilespmem:s13+$0x50]  }
0x66: {  	v5 =	vld [tilespmem:s12+$0x50];
	[tilespmem:s20+$0xFFFFFFB0] =	vst v1;
	v0 =	vadd.f32 v2, v0  }
0x67: {  	v1 =	vld [tilespmem:s13+$0xFFFFFFC0]  }
0x68: {  	v2 =	vld [tilespmem:s12+$0xFFFFFFC0];
	v3 =	vadd.f32 v6, v3;
	[tilespmem:s22+$0x10] =	vst v0  }
0x69: {  	v0 =	vld [tilespmem:s14+$0x20]  }
0x6a: {  	[tilespmem:s22+$0xFFFFFF90] =	vst v3;
	v3 =	vld [tilespmem:s16+$0x20]  }
0x6b: {  	v4 =	vadd.f32 v5, v4;
	v5 =	vld [tilespmem:s14+$0xFFFFFFA0]  }
0x6c: {  	v6 =	vld [tilespmem:s16+$0xFFFFFFA0]  }
0x6d: {  	s11 =	simm.s32 $0x8280  }
0x6e: {  	v8 =	vld [tilespmem:s11+$0x0];
	[tilespmem:s20+$0x50] =	vst v4  }
0x6f: {  	v1 =	vadd.f32 v2, v1;
	v2 =	vld [tilespmem:s13+$0x60];
	v0 =	vadd.f32 v3, v0  }
0x70: {  	s8 =	simm.s32 $0x3280;
	v4 =	vld [tilespmem:s12+$0x60]  }
0x71: {  	v9 =	vld [tilespmem:s8+$0xFFFFFF80];
	v5 =	vadd.f32 v6, v5;
	[tilespmem:s22+$0x20] =	vst v0  }
0x72: {  	[tilespmem:s20+$0xFFFFFFC0] =	vst v1;
	v0 =	vld [tilespmem:s14+$0x30]  }
0x73: {  	[tilespmem:s22+$0xFFFFFFA0] =	vst v5;
	v5 =	vld [tilespmem:s16+$0x30]  }
0x74: {  	v1 =	vld [tilespmem:s13+$0xFFFFFFD0]  }
0x75: {  	v3 =	vld [tilespmem:s12+$0xFFFFFFD0];
	v2 =	vadd.f32 v4, v2  }
0x76: {  	v6 =	vld [tilespmem:s8+$0x0]  }
0x77: {  	v4 =	vld [tilespmem:s14+$0xFFFFFFB0];
	[tilespmem:s20+$0x60] =	vst v2  }
0x78: {  	v2 =	vld [tilespmem:s13+$0x70];
	v0 =	vadd.f32 v5, v0  }
0x79: {  	v7 =	vld [tilespmem:s12+$0x70]  }
0x7a: {  	v5 =	vld [tilespmem:s11+$0xFFFFFF80];
	[tilespmem:s22+$0x30] =	vst v0  }
0x7b: {  	v0 =	vadd.f32 v3, v1;
	v1 =	vld [tilespmem:s14+$0x40]  }
0x7c: {  	v3 =	vld [tilespmem:s16+$0x40]  }
0x7d: {  	[tilespmem:s20+$0xFFFFFFD0] =	vst v0;
	v0 =	vadd.f32 v8, v6;
	v6 =	vld [tilespmem:s16+$0xFFFFFFB0]  }
0x7e: {  	s9 =	simm.s32 $0xD280;
	v8 =	vld [tilespmem:s13+$0xFFFFFFE0]  }
0x7f: {  	v5 =	vadd.f32 v5, v9;
	[tilespmem:s9+$0x0] =	vst v0;
	v0 =	vld [tilespmem:s12+$0xFFFFFFE0]  }
0x80: {  	v61 =	vld [tilespmem:s8+$0x10]  }
0x81: {  	[tilespmem:s9+$0xFFFFFF80] =	vst v5;
	v5 =	vld [tilespmem:s11+$0x10];
	v1 =	vadd.f32 v3, v1  }
0x82: {  	v3 =	vld [tilespmem:s8+$0xFFFFFF90]  }
0x83: {  	v4 =	vadd.f32 v6, v4;
	v6 =	vld [tilespmem:s11+$0xFFFFFF90];
	[tilespmem:s22+$0x40] =	vst v1  }
0x84: {  	v1 =	vld [tilespmem:s14+$0x50]  }
0x85: {  	[tilespmem:s22+$0xFFFFFFB0] =	vst v4;
	v0 =	vadd.f32 v0, v8;
	v4 =	vld [tilespmem:s16+$0x50]  }
0x86: {  	v5 =	vadd.f32 v5, v61;
	v8 =	vld [tilespmem:s14+$0xFFFFFFC0]  }
0x87: {  	v62 =	vld [tilespmem:s16+$0xFFFFFFC0];
	[tilespmem:s20+$0xFFFFFFE0] =	vst v0  }
0x88: {  	v3 =	vadd.f32 v6, v3;
	[tilespmem:s9+$0x10] =	vst v5;
	v0 =	vld [tilespmem:s13+$0xFFFFFFF0]  }
0x89: {  	v5 =	vld [tilespmem:s8+$0x20]  }
0x8a: {  	[tilespmem:s9+$0xFFFFFF90] =	vst v3;
	v3 =	vld [tilespmem:s11+$0x20];
	v1 =	vadd.f32 v4, v1  }
0x8b: {  	v6 =	vld [tilespmem:s8+$0xFFFFFFA0]  }
0x8c: {  	v10 =	vld [tilespmem:s11+$0xFFFFFFA0];
	v4 =	vadd.f32 v62, v8;
	[tilespmem:s22+$0x50] =	vst v1  }
0x8d: {  	v8 =	vld [tilespmem:s14+$0x60]  }
0x8e: {  	[tilespmem:s22+$0xFFFFFFC0] =	vst v4;
	v63 =	vld [tilespmem:s16+$0x60]  }
0x8f: {  	v4 =	vld [tilespmem:s16+$0xFFFFFFD0];
	v1 =	vadd.f32 v3, v5  }
0x90: {  	v3 =	vld [tilespmem:s14+$0xFFFFFFD0]  }
0x91: {  	v5 =	vadd.f32 v10, v6;
	[tilespmem:s9+$0x20] =	vst v1;
	v1 =	vld [tilespmem:s12+$0xFFFFFFF0]  }
0x92: {  	s19 =	smul.u32 $0xA0, s2;
	v2 =	vadd.f32 v7, v2;
	v6 =	vld [tilespmem:s8+$0x30]  }
0x93: {  	s18 =	sshll.u32 s2, $0x8;
	s31 =	simm.s32 $0x4;
	[tilespmem:s9+$0xFFFFFFA0] =	vst v5;
	v7 =	vld [tilespmem:s11+$0x30];
	v5 =	vadd.f32 v63, v8  }
0x94: {  	s1 =	simm.s32 $0x3380;
	[tilespmem:s20+$0x70] =	vst v2;
	s13 =	simm.s32 $0x8280;
	s12 =	sadd.s32 s7, s19;
	v2 =	vld [tilespmem:s8+$0xFFFFFFB0]  }
.LBB2_3:
0x95: {  	v8 =	vld [tilespmem:s1+$0x0];
	v3 =	vadd.f32 v4, v3;
	[tilespmem:s22+$0x60] =	vst v5  }
0x96: {  	v4 =	vld [tilespmem:s14+$0x70];
	v0 =	vadd.f32 v1, v0  }
0x97: {  	s11 =	sadd.s32 $0x100, s11;
	[tilespmem:s22+$0xFFFFFFD0] =	vst v3;
	v1 =	vld [tilespmem:s16+$0x70]  }
0x98: {  	v3 =	vld [tilespmem:s11+$0x0];
	v5 =	vadd.f32 v7, v6;
	[tilespmem:s20+$0xFFFFFFF0] =	vst v0;
	s20 =	smov.u32 s22;
	s22 =	smov.u32 s9  }
0x99: {  	v0 =	vld [tilespmem:s11+$0xFFFFFF80]  }
0x9a: {  	v6 =	vld [tilespmem:s1+$0xFFFFFF80];
	[tilespmem:s9+$0x30] =	vst v5  }
0x9b: {  	v5 =	vld [tilespmem:s8+$0x40]  }
0x9c: {  	v7 =	vld [tilespmem:s13+$0x40];
	v1 =	vadd.f32 v1, v4  }
0x9d: {  	v3 =	vadd.f32 v3, v8;
	v4 =	vld [tilespmem:s13+$0xFFFFFFB0]  }
0x9e: {  	s9 =	sadd.s32 $0x100, s9;
	v8 =	vld [tilespmem:s14+$0xFFFFFFE0];
	[tilespmem:s20+$0x70] =	vst v1  }
0x9f: {  	s31 =	sadd.s32 $0x2, s31;
	v0 =	vadd.f32 v0, v6;
	[tilespmem:s9+$0x0] =	vst v3;
	v1 =	vld [tilespmem:s16+$0xFFFFFFE0]  }
0xa0: {  	p2 =	slt.u32 s31, $0x4E;
	v3 =	vld [tilespmem:s1+$0x10]  }
0xa1: {  	[tilespmem:s9+$0xFFFFFF80] =	vst v0;
	v0 =	vld [tilespmem:s11+$0x10];
	v5 =	vadd.f32 v7, v5  }
0xa2: {  	v6 =	vld [tilespmem:s1+$0xFFFFFF90];
	v2 =	vadd.f32 v4, v2  }
0xa3: {  	v4 =	vld [tilespmem:s11+$0xFFFFFF90];
	[tilespmem:s22+$0x40] =	vst v5  }
0xa4: {  	[tilespmem:s22+$0xFFFFFFB0] =	vst v2;
	v2 =	vld [tilespmem:s8+$0x50];
	v1 =	vadd.f32 v1, v8  }
0xa5: {  	v5 =	vld [tilespmem:s13+$0x50]  }
0xa6: {  	v0 =	vadd.f32 v0, v3;
	v3 =	vld [tilespmem:s8+$0xFFFFFFC0];
	[tilespmem:s20+$0xFFFFFFE0] =	vst v1  }
0xa7: {  	v1 =	vld [tilespmem:s13+$0xFFFFFFC0]  }
0xa8: {  	v4 =	vadd.f32 v4, v6;
	[tilespmem:s9+$0x10] =	vst v0;
	v0 =	vld [tilespmem:s14+$0xFFFFFFF0];
	s14 =	smov.u32 s8;
	s8 =	smov.u32 s1  }
0xa9: {  	v6 =	vld [tilespmem:s1+$0x20]  }
0xaa: {  	[tilespmem:s9+$0xFFFFFF90] =	vst v4;
	v4 =	vld [tilespmem:s11+$0x20];
	v2 =	vadd.f32 v5, v2  }
0xab: {  	v5 =	vld [tilespmem:s1+$0xFFFFFFA0]  }
0xac: {  	v7 =	vld [tilespmem:s11+$0xFFFFFFA0];
	v1 =	vadd.f32 v1, v3;
	[tilespmem:s22+$0x50] =	vst v2  }
0xad: {  	v2 =	vld [tilespmem:s14+$0x60]  }
0xae: {  	[tilespmem:s22+$0xFFFFFFC0] =	vst v1;
	v8 =	vld [tilespmem:s13+$0x60]  }
0xaf: {  	v1 =	vadd.f32 v4, v6;
	v3 =	vld [tilespmem:s14+$0xFFFFFFD0]  }
.Ltmp2:
0xb0: {  	v4 =	vld [tilespmem:s13+$0xFFFFFFD0];
	(pc) =	sbr.rel @p2 .LBB2_3-.Ltmp2, $4  }
0xb1: {  	v5 =	vadd.f32 v7, v5;
	[tilespmem:s9+$0x20] =	vst v1;
	v1 =	vld [tilespmem:s16+$0xFFFFFFF0];
	s16 =	smov.u32 s13;
	s13 =	smov.u32 s11  }
0xb2: {  	v6 =	vld [tilespmem:s1+$0x30]  }
0xb3: {  	[tilespmem:s9+$0xFFFFFFA0] =	vst v5;
	v7 =	vld [tilespmem:s11+$0x30];
	v5 =	vadd.f32 v8, v2  }
0xb4: {  	s1 =	sadd.s32 $0x100, s1;
	v2 =	vld [tilespmem:s8+$0xFFFFFFB0]  }
0xb5: {  	v8 =	vld [tilespmem:s13+$0xFFFFFFB0];
	_ =	sdelay $0x2  }
0xb6: {  	v6 =	vadd.f32 v7, v6;
	_ =	sdelay $0x1  }
0xb7: {  	[tilespmem:s9+$0x30] =	vst v6;
	v2 =	vadd.f32 v8, v2  }
0xb8: {  	v6 =	vld [tilespmem:s8+$0x40]  }
0xb9: {  	v7 =	vld [tilespmem:s13+$0x40];
	[tilespmem:s9+$0xFFFFFFB0] =	vst v2  }
0xba: {  	v2 =	vld [tilespmem:s8+$0xFFFFFFC0]  }
0xbb: {  	v8 =	vld [tilespmem:s13+$0xFFFFFFC0];
	_ =	sdelay $0x2  }
0xbc: {  	v6 =	vadd.f32 v7, v6;
	_ =	sdelay $0x1  }
0xbd: {  	[tilespmem:s9+$0x40] =	vst v6;
	v2 =	vadd.f32 v8, v2  }
0xbe: {  	v6 =	vld [tilespmem:s8+$0x50]  }
0xbf: {  	v7 =	vld [tilespmem:s13+$0x50];
	[tilespmem:s9+$0xFFFFFFC0] =	vst v2  }
0xc0: {  	v2 =	vld [tilespmem:s8+$0xFFFFFFD0]  }
0xc1: {  	v8 =	vld [tilespmem:s13+$0xFFFFFFD0]  }
0xc2: {  	v3 =	vadd.f32 v4, v3;
	_ =	sdelay $0x1  }
0xc3: {  	[tilespmem:s22+$0xFFFFFFD0] =	vst v3;
	v3 =	vadd.f32 v7, v6  }
0xc4: {  	v4 =	vld [tilespmem:s14+$0xFFFFFFE0]  }
0xc5: {  	v6 =	vld [tilespmem:s16+$0xFFFFFFE0];
	[tilespmem:s9+$0x50] =	vst v3;
	v2 =	vadd.f32 v8, v2  }
0xc6: {  	v3 =	vld [tilespmem:s8+$0x60]  }
0xc7: {  	v7 =	vld [tilespmem:s13+$0x60];
	[tilespmem:s9+$0xFFFFFFD0] =	vst v2  }
0xc8: {  	v2 =	vld [tilespmem:s8+$0xFFFFFFE0]  }
0xc9: {  	v8 =	vld [tilespmem:s13+$0xFFFFFFE0]  }
0xca: {  	[tilespmem:s22+$0x60] =	vst v5;
	v4 =	vadd.f32 v6, v4  }
0xcb: {  	v5 =	vld [tilespmem:s14+$0x70]  }
0xcc: {  	v6 =	vld [tilespmem:s16+$0x70];
	[tilespmem:s22+$0xFFFFFFE0] =	vst v4;
	v3 =	vadd.f32 v7, v3  }
0xcd: {  	v4 =	vld [tilespmem:s14+$0xFFFFFFF0]  }
0xce: {  	v7 =	vld [tilespmem:s16+$0xFFFFFFF0];
	[tilespmem:s9+$0x60] =	vst v3;
	v2 =	vadd.f32 v8, v2  }
0xcf: {  	v3 =	vld [tilespmem:s8+$0x70]  }
0xd0: {  	v8 =	vld [tilespmem:s13+$0x70];
	[tilespmem:s9+$0xFFFFFFE0] =	vst v2  }
0xd1: {  	v2 =	vld [tilespmem:s8+$0xFFFFFFF0]  }
0xd2: {  	v9 =	vld [tilespmem:s13+$0xFFFFFFF0]  }
0xd3: {  	v0 =	vadd.f32 v1, v0  }
0xd4: {  	v1 =	vadd.f32 v6, v5  }
0xd5: {  	[tilespmem:s20+$0xFFFFFFF0] =	vst v0;
	v0 =	vadd.f32 v7, v4  }
0xd6: {  	[tilespmem:s22+$0x70] =	vst v1;
	v1 =	vadd.f32 v8, v3  }
0xd7: {  	[tilespmem:s22+$0xFFFFFFF0] =	vst v0;
	v0 =	vadd.f32 v9, v2  }
0xd8: {  	s1 =	sshll.u32 s12, $0x4;
	[tilespmem:s9+$0x70] =	vst v1  }
0xd9: {  	p2 =	seq.s32 s2, $0x4;
	s1 =	sadd.s32 s3, s1;
	[tilespmem:s9+$0xFFFFFFF0] =	vst v0  }
0xda: {  	[hbm4b:s1+s6] =	stream.linear.scatter [tilespmem:s26], [sflag:$0x5], $0x2800, $0x38;
	[tilespmem:$0x12000] =	vst v63  }
0xdb: {  	s8 =	simm.s32 @!p2 $0x50;
	s9 =	simm.s32 @!p2 $0x3000;
	s1 =	sadd.s32 @!p2 $0x2100, s18  }
0xdc: {  	[tilespmem:s9], [sflag:$0x1] =	stream.indirect.gather @!p2 [spmem:s4], $0x80, s1, s8, $0xb8;
	[tilespmem:$0x12000] =	vst v63  }
0xdd: {  	s1 =	sadd.s32 @!p2 $0x2900, s18;
	s9 =	simm.s32 @!p2 $0x8000  }
0xde: {  	[tilespmem:s9], [sflag:$0x3] =	stream.indirect.gather @!p2 [spmem:s5], $0x80, s1, s8, $0xb8;
	[tilespmem:$0x12000] =	vst v63  }
0xdf: {  	_ =	swait.ge [sflag:s28], $0x2800  }
0xe0: {  	[sflag:s28] =	ssyncset.done $0x0  }
0xe1: {  	[sflag:s28] =	ssyncadd.s32 $0xFFFFD800  }
0xe2: {  	_ =	swait.ge [sflag:s29], $0x2800  }
0xe3: {  	[sflag:s29] =	ssyncset.done $0x0  }
0xe4: {  	s1 =	simm.s32 @!p1 $0x6;
	[sflag:s29] =	ssyncadd.s32 $0xFFFFD800  }
0xe5: {  	_ =	swait.ge @!p1 [sflag:s1], $0x2800  }
0xe6: {  	[sflag:s1] =	ssyncset.done @!p1 $0x0  }
0xe7: {  	s12 =	simm.s32 $0x5880;
	[sflag:s1] =	ssyncadd.s32 @!p1 $0xFFFFD800  }
0xe8: {  	s31 =	simm.s32 $0xA880;
	v0 =	vld [tilespmem:s12+$0x0]  }
0xe9: {  	v1 =	vld [tilespmem:s31+$0x0];
	_ =	sdelay $0x4  }
0xea: {  	v0 =	vadd.f32 v1, v0  }
0xeb: {  	s20 =	simm.s32 $0xF880  }
0xec: {  	[tilespmem:s20+$0x0] =	vst v0  }
0xed: {  	v0 =	vld [tilespmem:s12+$0x10]  }
0xee: {  	v1 =	vld [tilespmem:s31+$0x10]  }
0xef: {  	v2 =	vld [tilespmem:s31+$0xFFFFFF80]  }
0xf0: {  	v3 =	vld [tilespmem:s12+$0xFFFFFF80];
	_ =	sdelay $0x2  }
0xf1: {  	v0 =	vadd.f32 v1, v0;
	_ =	sdelay $0x1  }
0xf2: {  	[tilespmem:s20+$0x10] =	vst v0;
	v0 =	vadd.f32 v2, v3  }
0xf3: {  	v1 =	vld [tilespmem:s12+$0x20]  }
0xf4: {  	v2 =	vld [tilespmem:s31+$0x20];
	[tilespmem:s20+$0xFFFFFF80] =	vst v0  }
0xf5: {  	v0 =	vld [tilespmem:s12+$0xFFFFFF90]  }
0xf6: {  	v3 =	vld [tilespmem:s31+$0xFFFFFF90];
	_ =	sdelay $0x2  }
0xf7: {  	v1 =	vadd.f32 v2, v1;
	_ =	sdelay $0x1  }
0xf8: {  	[tilespmem:s20+$0x20] =	vst v1;
	v0 =	vadd.f32 v3, v0  }
0xf9: {  	v1 =	vld [tilespmem:s12+$0x30]  }
0xfa: {  	v2 =	vld [tilespmem:s31+$0x30];
	[tilespmem:s20+$0xFFFFFF90] =	vst v0  }
0xfb: {  	v0 =	vld [tilespmem:s12+$0xFFFFFFA0]  }
0xfc: {  	s16 =	simm.s32 $0x5980;
	v3 =	vld [tilespmem:s31+$0xFFFFFFA0]  }
0xfd: {  	s22 =	simm.s32 $0xA980;
	v4 =	vld [tilespmem:s16+$0x0]  }
0xfe: {  	v5 =	vld [tilespmem:s22+$0x0]  }
0xff: {  	v6 =	vld [tilespmem:s16+$0xFFFFFF80];
	v1 =	vadd.f32 v2, v1  }
0x100: {  	v2 =	vld [tilespmem:s22+$0xFFFFFF80]  }
0x101: {  	[tilespmem:s20+$0x30] =	vst v1;
	v0 =	vadd.f32 v3, v0  }
0x102: {  	v1 =	vld [tilespmem:s12+$0x40]  }
0x103: {  	v3 =	vld [tilespmem:s31+$0x40];
	[tilespmem:s20+$0xFFFFFFA0] =	vst v0;
	v0 =	vadd.f32 v5, v4  }
0x104: {  	s14 =	simm.s32 $0xF980;
	v4 =	vld [tilespmem:s12+$0xFFFFFFB0]  }
0x105: {  	v5 =	vld [tilespmem:s31+$0xFFFFFFB0];
	v2 =	vadd.f32 v2, v6;
	[tilespmem:s14+$0x0] =	vst v0  }
0x106: {  	v0 =	vld [tilespmem:s16+$0x10]  }
0x107: {  	[tilespmem:s14+$0xFFFFFF80] =	vst v2;
	v2 =	vld [tilespmem:s22+$0x10]  }
0x108: {  	v1 =	vadd.f32 v3, v1;
	v3 =	vld [tilespmem:s16+$0xFFFFFF90]  }
0x109: {  	v6 =	vld [tilespmem:s22+$0xFFFFFF90]  }
0x10a: {  	[tilespmem:s20+$0x40] =	vst v1;
	v1 =	vadd.f32 v5, v4  }
0x10b: {  	v4 =	vld [tilespmem:s12+$0x50]  }
0x10c: {  	v5 =	vld [tilespmem:s31+$0x50];
	[tilespmem:s20+$0xFFFFFFB0] =	vst v1;
	v0 =	vadd.f32 v2, v0  }
0x10d: {  	v1 =	vld [tilespmem:s12+$0xFFFFFFC0]  }
0x10e: {  	v2 =	vld [tilespmem:s31+$0xFFFFFFC0];
	v3 =	vadd.f32 v6, v3;
	[tilespmem:s14+$0x10] =	vst v0  }
0x10f: {  	v0 =	vld [tilespmem:s16+$0x20]  }
0x110: {  	[tilespmem:s14+$0xFFFFFF90] =	vst v3;
	v3 =	vld [tilespmem:s22+$0x20]  }
0x111: {  	v4 =	vadd.f32 v5, v4;
	v5 =	vld [tilespmem:s16+$0xFFFFFFA0]  }
0x112: {  	v6 =	vld [tilespmem:s22+$0xFFFFFFA0]  }
0x113: {  	s11 =	simm.s32 $0xAA80  }
0x114: {  	v8 =	vld [tilespmem:s11+$0x0];
	[tilespmem:s20+$0x50] =	vst v4  }
0x115: {  	v1 =	vadd.f32 v2, v1;
	v2 =	vld [tilespmem:s12+$0x60];
	v0 =	vadd.f32 v3, v0  }
0x116: {  	s8 =	simm.s32 $0x5A80;
	v4 =	vld [tilespmem:s31+$0x60]  }
0x117: {  	v60 =	vld [tilespmem:s8+$0xFFFFFF80];
	v5 =	vadd.f32 v6, v5;
	[tilespmem:s14+$0x20] =	vst v0  }
0x118: {  	[tilespmem:s20+$0xFFFFFFC0] =	vst v1;
	v0 =	vld [tilespmem:s16+$0x30]  }
0x119: {  	[tilespmem:s14+$0xFFFFFFA0] =	vst v5;
	v5 =	vld [tilespmem:s22+$0x30]  }
0x11a: {  	v1 =	vld [tilespmem:s12+$0xFFFFFFD0]  }
0x11b: {  	v3 =	vld [tilespmem:s31+$0xFFFFFFD0];
	v2 =	vadd.f32 v4, v2  }
0x11c: {  	v6 =	vld [tilespmem:s8+$0x0]  }
0x11d: {  	v4 =	vld [tilespmem:s16+$0xFFFFFFB0];
	[tilespmem:s20+$0x60] =	vst v2  }
0x11e: {  	v2 =	vld [tilespmem:s12+$0x70];
	v0 =	vadd.f32 v5, v0  }
0x11f: {  	v7 =	vld [tilespmem:s31+$0x70]  }
0x120: {  	v5 =	vld [tilespmem:s11+$0xFFFFFF80];
	[tilespmem:s14+$0x30] =	vst v0  }
0x121: {  	v0 =	vadd.f32 v3, v1;
	v1 =	vld [tilespmem:s16+$0x40]  }
0x122: {  	v3 =	vld [tilespmem:s22+$0x40]  }
0x123: {  	[tilespmem:s20+$0xFFFFFFD0] =	vst v0;
	v0 =	vadd.f32 v8, v6;
	v6 =	vld [tilespmem:s22+$0xFFFFFFB0]  }
0x124: {  	s9 =	simm.s32 $0xFA80;
	v8 =	vld [tilespmem:s12+$0xFFFFFFE0]  }
0x125: {  	v5 =	vadd.f32 v5, v60;
	[tilespmem:s9+$0x0] =	vst v0;
	v0 =	vld [tilespmem:s31+$0xFFFFFFE0]  }
0x126: {  	v61 =	vld [tilespmem:s8+$0x10]  }
0x127: {  	[tilespmem:s9+$0xFFFFFF80] =	vst v5;
	v5 =	vld [tilespmem:s11+$0x10];
	v1 =	vadd.f32 v3, v1  }
0x128: {  	v3 =	vld [tilespmem:s8+$0xFFFFFF90]  }
0x129: {  	v4 =	vadd.f32 v6, v4;
	v6 =	vld [tilespmem:s11+$0xFFFFFF90];
	[tilespmem:s14+$0x40] =	vst v1  }
0x12a: {  	v1 =	vld [tilespmem:s16+$0x50]  }
0x12b: {  	[tilespmem:s14+$0xFFFFFFB0] =	vst v4;
	v0 =	vadd.f32 v0, v8;
	v4 =	vld [tilespmem:s22+$0x50]  }
0x12c: {  	v5 =	vadd.f32 v5, v61;
	v8 =	vld [tilespmem:s16+$0xFFFFFFC0]  }
0x12d: {  	v62 =	vld [tilespmem:s22+$0xFFFFFFC0];
	[tilespmem:s20+$0xFFFFFFE0] =	vst v0  }
0x12e: {  	v3 =	vadd.f32 v6, v3;
	[tilespmem:s9+$0x10] =	vst v5;
	v0 =	vld [tilespmem:s12+$0xFFFFFFF0]  }
0x12f: {  	v5 =	vld [tilespmem:s8+$0x20]  }
0x130: {  	[tilespmem:s9+$0xFFFFFF90] =	vst v3;
	v3 =	vld [tilespmem:s11+$0x20];
	v1 =	vadd.f32 v4, v1  }
0x131: {  	v6 =	vld [tilespmem:s8+$0xFFFFFFA0]  }
0x132: {  	v10 =	vld [tilespmem:s11+$0xFFFFFFA0];
	v4 =	vadd.f32 v62, v8;
	[tilespmem:s14+$0x50] =	vst v1  }
0x133: {  	v8 =	vld [tilespmem:s16+$0x60]  }
0x134: {  	[tilespmem:s14+$0xFFFFFFC0] =	vst v4;
	v63 =	vld [tilespmem:s22+$0x60]  }
0x135: {  	v4 =	vld [tilespmem:s22+$0xFFFFFFD0];
	v1 =	vadd.f32 v3, v5  }
0x136: {  	v3 =	vld [tilespmem:s16+$0xFFFFFFD0]  }
0x137: {  	v5 =	vadd.f32 v10, v6;
	[tilespmem:s9+$0x20] =	vst v1;
	v1 =	vld [tilespmem:s31+$0xFFFFFFF0]  }
0x138: {  	v2 =	vadd.f32 v7, v2;
	v6 =	vld [tilespmem:s8+$0x30]  }
0x139: {  	s13 =	simm.s32 $0xAA80;
	[tilespmem:s9+$0xFFFFFFA0] =	vst v5;
	v7 =	vld [tilespmem:s11+$0x30];
	v5 =	vadd.f32 v63, v8  }
0x13a: {  	s1 =	simm.s32 $0x5B80;
	[tilespmem:s20+$0x70] =	vst v2;
	s12 =	sadd.s32 s19, s10;
	s19 =	simm.s32 $0x4;
	v2 =	vld [tilespmem:s8+$0xFFFFFFB0]  }
.LBB2_5:
0x13b: {  	v8 =	vld [tilespmem:s1+$0x0];
	v3 =	vadd.f32 v4, v3;
	[tilespmem:s14+$0x60] =	vst v5  }
0x13c: {  	v4 =	vld [tilespmem:s16+$0x70];
	v0 =	vadd.f32 v1, v0  }
0x13d: {  	s11 =	sadd.s32 $0x100, s11;
	[tilespmem:s14+$0xFFFFFFD0] =	vst v3;
	v1 =	vld [tilespmem:s22+$0x70]  }
0x13e: {  	v3 =	vld [tilespmem:s11+$0x0];
	v5 =	vadd.f32 v7, v6;
	[tilespmem:s20+$0xFFFFFFF0] =	vst v0;
	s20 =	smov.u32 s14;
	s14 =	smov.u32 s9  }
0x13f: {  	v0 =	vld [tilespmem:s11+$0xFFFFFF80]  }
0x140: {  	v6 =	vld [tilespmem:s1+$0xFFFFFF80];
	[tilespmem:s9+$0x30] =	vst v5  }
0x141: {  	v5 =	vld [tilespmem:s8+$0x40]  }
0x142: {  	v7 =	vld [tilespmem:s13+$0x40];
	v1 =	vadd.f32 v1, v4  }
0x143: {  	v3 =	vadd.f32 v3, v8;
	v4 =	vld [tilespmem:s13+$0xFFFFFFB0]  }
0x144: {  	s9 =	sadd.s32 $0x100, s9;
	v8 =	vld [tilespmem:s16+$0xFFFFFFE0];
	[tilespmem:s20+$0x70] =	vst v1  }
0x145: {  	s19 =	sadd.s32 $0x2, s19;
	v0 =	vadd.f32 v0, v6;
	[tilespmem:s9+$0x0] =	vst v3;
	v1 =	vld [tilespmem:s22+$0xFFFFFFE0]  }
0x146: {  	p1 =	slt.u32 s19, $0x4E;
	v3 =	vld [tilespmem:s1+$0x10]  }
0x147: {  	[tilespmem:s9+$0xFFFFFF80] =	vst v0;
	v0 =	vld [tilespmem:s11+$0x10];
	v5 =	vadd.f32 v7, v5  }
0x148: {  	v6 =	vld [tilespmem:s1+$0xFFFFFF90];
	v2 =	vadd.f32 v4, v2  }
0x149: {  	v4 =	vld [tilespmem:s11+$0xFFFFFF90];
	[tilespmem:s14+$0x40] =	vst v5  }
0x14a: {  	[tilespmem:s14+$0xFFFFFFB0] =	vst v2;
	v2 =	vld [tilespmem:s8+$0x50];
	v1 =	vadd.f32 v1, v8  }
0x14b: {  	v5 =	vld [tilespmem:s13+$0x50]  }
0x14c: {  	v0 =	vadd.f32 v0, v3;
	v3 =	vld [tilespmem:s8+$0xFFFFFFC0];
	[tilespmem:s20+$0xFFFFFFE0] =	vst v1  }
0x14d: {  	v1 =	vld [tilespmem:s13+$0xFFFFFFC0]  }
0x14e: {  	v4 =	vadd.f32 v4, v6;
	[tilespmem:s9+$0x10] =	vst v0;
	v0 =	vld [tilespmem:s16+$0xFFFFFFF0];
	s16 =	smov.u32 s8;
	s8 =	smov.u32 s1  }
0x14f: {  	v6 =	vld [tilespmem:s1+$0x20]  }
0x150: {  	[tilespmem:s9+$0xFFFFFF90] =	vst v4;
	v4 =	vld [tilespmem:s11+$0x20];
	v2 =	vadd.f32 v5, v2  }
0x151: {  	v5 =	vld [tilespmem:s1+$0xFFFFFFA0]  }
0x152: {  	v7 =	vld [tilespmem:s11+$0xFFFFFFA0];
	v1 =	vadd.f32 v1, v3;
	[tilespmem:s14+$0x50] =	vst v2  }
0x153: {  	v2 =	vld [tilespmem:s16+$0x60]  }
0x154: {  	[tilespmem:s14+$0xFFFFFFC0] =	vst v1;
	v8 =	vld [tilespmem:s13+$0x60]  }
0x155: {  	v1 =	vadd.f32 v4, v6;
	v3 =	vld [tilespmem:s16+$0xFFFFFFD0]  }
.Ltmp3:
0x156: {  	v4 =	vld [tilespmem:s13+$0xFFFFFFD0];
	(pc) =	sbr.rel @p1 .LBB2_5-.Ltmp3, $4  }
0x157: {  	v5 =	vadd.f32 v7, v5;
	[tilespmem:s9+$0x20] =	vst v1;
	v1 =	vld [tilespmem:s22+$0xFFFFFFF0];
	s22 =	smov.u32 s13;
	s13 =	smov.u32 s11  }
0x158: {  	v6 =	vld [tilespmem:s1+$0x30]  }
0x159: {  	[tilespmem:s9+$0xFFFFFFA0] =	vst v5;
	v7 =	vld [tilespmem:s11+$0x30];
	v5 =	vadd.f32 v8, v2  }
0x15a: {  	s1 =	sadd.s32 $0x100, s1;
	v2 =	vld [tilespmem:s8+$0xFFFFFFB0]  }
0x15b: {  	v8 =	vld [tilespmem:s13+$0xFFFFFFB0];
	_ =	sdelay $0x2  }
0x15c: {  	v6 =	vadd.f32 v7, v6;
	_ =	sdelay $0x1  }
0x15d: {  	[tilespmem:s9+$0x30] =	vst v6;
	v2 =	vadd.f32 v8, v2  }
0x15e: {  	v6 =	vld [tilespmem:s8+$0x40]  }
0x15f: {  	v48 =	vld [tilespmem:s13+$0x40];
	[tilespmem:s9+$0xFFFFFFB0] =	vst v2  }
0x160: {  	v2 =	vld [tilespmem:s8+$0xFFFFFFC0]  }
0x161: {  	v49 =	vld [tilespmem:s13+$0xFFFFFFC0];
	_ =	sdelay $0x2  }
0x162: {  	v6 =	vadd.f32 v48, v6;
	_ =	sdelay $0x1  }
0x163: {  	[tilespmem:s9+$0x40] =	vst v6;
	v2 =	vadd.f32 v49, v2  }
0x164: {  	v6 =	vld [tilespmem:s8+$0x50]  }
0x165: {  	v50 =	vld [tilespmem:s13+$0x50];
	[tilespmem:s9+$0xFFFFFFC0] =	vst v2  }
0x166: {  	v2 =	vld [tilespmem:s8+$0xFFFFFFD0]  }
0x167: {  	v51 =	vld [tilespmem:s13+$0xFFFFFFD0]  }
0x168: {  	v3 =	vadd.f32 v4, v3;
	_ =	sdelay $0x1  }
0x169: {  	[tilespmem:s14+$0xFFFFFFD0] =	vst v3;
	v52 =	vadd.f32 v50, v6  }
0x16a: {  	v53 =	vld [tilespmem:s16+$0xFFFFFFE0]  }
0x16b: {  	v54 =	vld [tilespmem:s22+$0xFFFFFFE0];
	[tilespmem:s9+$0x50] =	vst v52;
	v2 =	vadd.f32 v51, v2  }
0x16c: {  	v3 =	vld [tilespmem:s8+$0x60]  }
0x16d: {  	v55 =	vld [tilespmem:s13+$0x60];
	[tilespmem:s9+$0xFFFFFFD0] =	vst v2  }
0x16e: {  	v2 =	vld [tilespmem:s8+$0xFFFFFFE0]  }
0x16f: {  	v56 =	vld [tilespmem:s13+$0xFFFFFFE0]  }
0x170: {  	[tilespmem:s14+$0x60] =	vst v5;
	v4 =	vadd.f32 v54, v53  }
0x171: {  	v5 =	vld [tilespmem:s16+$0x70]  }
0x172: {  	v57 =	vld [tilespmem:s22+$0x70];
	[tilespmem:s14+$0xFFFFFFE0] =	vst v4;
	v3 =	vadd.f32 v55, v3  }
0x173: {  	v4 =	vld [tilespmem:s16+$0xFFFFFFF0]  }
0x174: {  	v58 =	vld [tilespmem:s22+$0xFFFFFFF0];
	[tilespmem:s9+$0x60] =	vst v3;
	v2 =	vadd.f32 v56, v2  }
0x175: {  	v3 =	vld [tilespmem:s8+$0x70]  }
0x176: {  	v59 =	vld [tilespmem:s13+$0x70];
	[tilespmem:s9+$0xFFFFFFE0] =	vst v2  }
0x177: {  	v2 =	vld [tilespmem:s8+$0xFFFFFFF0]  }
0x178: {  	v9 =	vld [tilespmem:s13+$0xFFFFFFF0]  }
0x179: {  	v0 =	vadd.f32 v1, v0  }
0x17a: {  	v60 =	vadd.f32 v57, v5  }
0x17b: {  	[tilespmem:s20+$0xFFFFFFF0] =	vst v0;
	v61 =	vadd.f32 v58, v4  }
.Ltmp4:
0x17c: {  	[tilespmem:s14+$0x70] =	vst v60;
	v62 =	vadd.f32 v59, v3;
	(pc) =	sbr.rel @p2 .LBB2_8-.Ltmp4, $4  }
0x17d: {  	[tilespmem:s14+$0xFFFFFFF0] =	vst v61;
	v63 =	vadd.f32 v9, v2  }
0x17e: {  	s1 =	sshll.u32 s12, $0x4;
	[tilespmem:s9+$0x70] =	vst v62  }
0x17f: {  	s1 =	sadd.s32 s3, s1;
	[tilespmem:s9+$0xFFFFFFF0] =	vst v63  }
0x180: {  	[hbm4b:s1+s6] =	stream.linear.scatter [tilespmem:s30], [sflag:$0x6], $0x2800, $0x38;
	[tilespmem:$0x12000] =	vst v63  }
.Ltmp5:
0x181: {  	(pc) =	sbr.rel .LBB2_2-.Ltmp5, $4  }
0x182: {  	s1 =	sadd.s32 $0x2180, s18  }
0x183: {  	[tilespmem:s21], [sflag:$0x2] =	stream.indirect.gather [spmem:s4], $0x80, s1, s17, $0xb8;
	[tilespmem:$0x12000] =	vst v63  }
0x184: {  	s31 =	sadd.s32 $0x2980, s18;
	s2 =	sadd.s32 $0x1, s2  }
0x185: {  	[tilespmem:s23], [sflag:$0x4] =	stream.indirect.gather [spmem:s5], $0x80, s31, s17, $0xb8;
	[tilespmem:$0x12000] =	vst v63  }
.LBB2_9:
0x186: {  	_ =	sfence.sel $0x180000  }
0x187: {  	[bflag:$0x0] =	sbarrier.arrive $0xFFFF  }
0x188: {  	_ =	strace $0x90000047  }
0x189: {  	[bflag:$0x2] =	sbarrier.arrive $0xFFFF  }
0x18a: {  	s0 =	rddreg [dreg:$0x6]  }
0x18b: {  	s0 =	sadd.s32 @!p0 $0x100000, s0  }
0x18c: {  	[sflag:s0] =	ssyncadd.tile.s32 @!p0 $0x1;
	_ =	shalt  }
.Lfunc_end2:
_tile_overlayer_lowered:
.L_overlay_start_2:
0x18d: {  	(tag) =	ssettag $0x2  }
0x18e: {  	s0 =	rddreg [dreg:$0x0];
	s2 =	stileid.u32  }
0x18f: {  	s1 =	rddreg [dreg:$0x1];
	p0 =	sne.s32 s2, $0x0  }
0x190: {  	s3 =	rddreg [dreg:$0x2];
	[bflag:$0x3] =	sbarrier.arrive $0xFFFF;
	s2 =	simm.s32 @!p0 $0x1C07  }
0x191: {  	[timem:s3], [sflag:s2] =	dma.local @!p0 [hbm:s0], s1  }
0x192: {  	s0 =	simm.s32 @!p0 $0x7  }
0x193: {  	_ =	swait.ge @!p0 [sflag:s0], s1  }
0x194: {  	s1 =	ssub.s32 @!p0 $0x0, s1;
	[sflag:s0] =	ssyncset.done @!p0 $0x0  }
0x195: {  	[sflag:s0] =	ssyncadd.s32 @!p0 s1  }
0x196: {  	[bflag:$0x3] =	sbarrier.arrive $0xFFFF  }
0x197: {  	_ =	shalt  }

// kernel: kernel.13.cloned.1.call-start
scs
__scs_entry_jumppad:
0x0: {  	(pc) =	sbr.rel $0x88, $3  }
0x1: {  	(tag) =	ssettag $0x0;
	lr =	simm.s32 $0x1  }
0x2: {  	[smem:$0x3F99] =	sst lr;
	_ =	strace $0xD0000000  }
0x3: {  	_ = 	snop  }
0x4: {  	_ = 	snop  }
0x5: {  	_ = 	snop  }
0x6: {  	_ = 	snop  }
0x7: {  	_ = 	snop  }
__scs_overlays_trampoline_lowered:
0x8: {  	[smem:$0x3FA8] =	sst s0  }
0x9: {  	[smem:$0x3FA9] =	sst s1  }
0xa: {  	[smem:$0x3FAA] =	sst s2  }
0xb: {  	[smem:$0x3FAB] =	sst s3  }
0xc: {  	[smem:$0x3FAC] =	sst s4  }
0xd: {  	[smem:$0x3FAD] =	sst s5  }
0xe: {  	[smem:$0x3FAE] =	sst s6  }
0xf: {  	[smem:$0x3FAF] =	sst s7  }
0x10: {  	[smem:$0x3FB0] =	sst s8  }
0x11: {  	[smem:$0x3FB1] =	sst s9;
	s0 =	simm.s32 @!p0 $0x0  }
0x12: {  	s1 =	sld [smem:$0x3F97];
	s0 =	simm.s32 @p0 $0x1  }
0x13: {  	[smem:$0x3FB2] =	sst s0;
	s0 =	simm.s32 @!p1 $0x0  }
0x14: {  	s2 =	sld [smem:$0x3F96];
	s0 =	simm.s32 @p1 $0x1  }
0x15: {  	[smem:$0x3FB3] =	sst s0;
	s0 =	simm.s32 @!p2 $0x0  }
0x16: {  	s3 =	sld [smem:$0x3FDB];
	s0 =	simm.s32 @p2 $0x1  }
0x17: {  	s4 =	simm.s32 $0x1BF5;
	[smem:$0x3FB5] =	sst s0  }
0x18: {  	s0 =	sld [smem:$0x3F98];
	_ =	swait.ge [sflag:s4], $0x0  }
0x19: {  	s7 =	sld [smem:$0x3F99]  }
0x1a: {  	s8 =	sadd.s32 $0xFFFFE003, lr  }
0x1b: {  	s9 =	sadd.s32 $0xFFFFFEF7, lr;
	s5 =	simm.s32 $0xFFFFFFFF;
	p2 =	slt.u32 s8, $0xFFFFF086  }
0x1c: {  	p1 =	slt.u32 s9, $0xF7A;
	s5 =	simm.s32 @!p2 $0x0  }
0x1d: {  	s5 =	simm.s32 @p1 $0x1;
	p0 =	seq.s32 s7, s2  }
0x1e: {  	s7 =	smul.u32 @!p0 $0xF7A, s2;
	p2 =	seq.s32 @!p0 s5, $0x0  }
0x1f: {  	s9 =	smul.u32 $0xF7A, s1;
	s8 =	simm.s32 @!p0 $0x1BF5;
	p2 =	por !p2, p0  }
0x20: {  	[sflag:s8] =	ssyncset.s32 @!p0 $0xFFFFF086;
	s6 =	sadd.s32 @!p0 s3, s7;
	s7 =	simm.s32 @!p0 $0x108  }
0x21: {  	s3 =	sadd.s32 s3, s9;
	s6 =	sadd.s32 @!p0 $0x88, s6;
	s7 =	simm.s32 @p2 $0x1082  }
0x22: {  	[simem:s7], [sflag:s8] =	dma.local @!p0 [hbm:s6], $0xF7A  }
0x23: {  	s9 =	sor.u32 $0xD0000000, s2;
	s6 =	simm.s32 $0x108;
	_ =	swait.ge @!p0 [sflag:s8], $0x0  }
0x24: {  	s3 =	sadd.s32 $0x88, s3;
	s6 =	simm.s32 @!p1 $0x1082;
	[sflag:s4] =	ssyncset.s32 $0xFFFFF086  }
0x25: {  	[simem:s6], [sflag:s4] =	dma.local [hbm:s3], $0xF7A  }
0x26: {  	[smem:$0x3F99] =	sst s1;
	(tag) =	ssettag s2;
	_ =	strace s9  }
0x27: {  	s1 =	sld [smem:$0x3FA9]  }
0x28: {  	s2 =	sld [smem:$0x3FAA]  }
0x29: {  	s4 =	sld [smem:$0x3FAC]  }
0x2a: {  	p0 =	seq.s32 s5, $0x0;
	s5 =	sld [smem:$0x3FAD]  }
0x2b: {  	s6 =	sld [smem:$0x3FAE]  }
0x2c: {  	s7 =	sld [smem:$0x3FAF]  }
0x2d: {  	s3 =	simm.s32 $0x108;
	s8 =	sld [smem:$0x3FB0]  }
0x2e: {  	s3 =	simm.s32 @!p0 $0x1082;
	s9 =	sld [smem:$0x3FB1]  }
0x2f: {  	lr =	sadd.s32 s0, s3;
	s0 =	sld [smem:$0x3FA8]  }
0x30: {  	s3 =	sld [smem:$0x3FAB]  }
0x31: {  	[smem:$0x3FB4] =	sst s10  }
0x32: {  	s10 =	sld [smem:$0x3FB2];
	_ =	sdelay $0x3  }
0x33: {  	p0 =	seq.s32 s10, $0x1;
	s10 =	sld [smem:$0x3FB4];
	_ =	sdelay $0x3  }
0x34: {  	[smem:$0x3FB4] =	sst s10  }
0x35: {  	s10 =	sld [smem:$0x3FB3];
	_ =	sdelay $0x3  }
0x36: {  	p1 =	seq.s32 s10, $0x1;
	s10 =	sld [smem:$0x3FB4];
	_ =	sdelay $0x3  }
0x37: {  	[smem:$0x3FB4] =	sst s10  }
0x38: {  	s10 =	sld [smem:$0x3FB5]  }
0x39: {  	_ = 	snop;
	(pc) =	sbr.ind lr, $3  }
0x3a: {  	_ = 	snop  }
0x3b: {  	_ = 	snop  }
0x3c: {  	p2 =	seq.s32 s10, $0x1;
	s10 =	sld [smem:$0x3FB4]  }
0x3d: {  	_ =	shalt  }
0x3e: {  	_ =	shalt  }
0x3f: {  	_ =	shalt  }
0x40: {  	_ =	shalt  }
0x41: {  	_ =	shalt  }
0x42: {  	_ =	shalt  }
0x43: {  	_ =	shalt  }
0x44: {  	_ =	shalt  }
0x45: {  	_ =	shalt  }
0x46: {  	_ =	shalt  }
0x47: {  	_ =	shalt  }
0x48: {  	_ =	shalt  }
0x49: {  	_ =	shalt  }
0x4a: {  	_ =	shalt  }
0x4b: {  	_ =	shalt  }
0x4c: {  	_ =	shalt  }
0x4d: {  	_ =	shalt  }
0x4e: {  	_ =	shalt  }
0x4f: {  	_ =	shalt  }
0x50: {  	_ =	shalt  }
0x51: {  	_ =	shalt  }
0x52: {  	_ =	shalt  }
0x53: {  	_ =	shalt  }
0x54: {  	_ =	shalt  }
0x55: {  	_ =	shalt  }
0x56: {  	_ =	shalt  }
0x57: {  	_ =	shalt  }
0x58: {  	_ =	shalt  }
0x59: {  	_ =	shalt  }
0x5a: {  	_ =	shalt  }
0x5b: {  	_ =	shalt  }
0x5c: {  	_ =	shalt  }
0x5d: {  	_ =	shalt  }
0x5e: {  	_ =	shalt  }
0x5f: {  	_ =	shalt  }
0x60: {  	_ =	shalt  }
0x61: {  	_ =	shalt  }
0x62: {  	_ =	shalt  }
0x63: {  	_ =	shalt  }
0x64: {  	_ =	shalt  }
0x65: {  	_ =	shalt  }
0x66: {  	_ =	shalt  }
0x67: {  	_ =	shalt  }
0x68: {  	_ =	shalt  }
0x69: {  	_ =	shalt  }
0x6a: {  	_ =	shalt  }
0x6b: {  	_ =	shalt  }
0x6c: {  	_ =	shalt  }
0x6d: {  	_ =	shalt  }
0x6e: {  	_ =	shalt  }
0x6f: {  	_ =	shalt  }
0x70: {  	_ =	shalt  }
0x71: {  	_ =	shalt  }
0x72: {  	_ =	shalt  }
0x73: {  	_ =	shalt  }
0x74: {  	_ =	shalt  }
0x75: {  	_ =	shalt  }
0x76: {  	_ =	shalt  }
0x77: {  	_ =	shalt  }
0x78: {  	_ =	shalt  }
0x79: {  	_ =	shalt  }
0x7a: {  	_ =	shalt  }
0x7b: {  	_ =	shalt  }
0x7c: {  	_ =	shalt  }
0x7d: {  	_ =	shalt  }
0x7e: {  	_ =	shalt  }
0x7f: {  	_ =	shalt  }
0x80: {  	_ =	shalt  }
0x81: {  	_ =	shalt  }
0x82: {  	_ =	shalt  }
0x83: {  	_ =	shalt  }
0x84: {  	_ =	shalt  }
0x85: {  	_ =	shalt  }
0x86: {  	_ =	shalt  }
0x87: {  	_ =	shalt  }
.Lfunc_end0:
.L_simem_size_0:
called_computation.1_lowered:
.L_overlay_start_0:
0x88: {  	s2 =	sld [smem:$0x3FD9]  }
0x89: {  	s3 =	sld [smem:$0x3FFE];
	_ =	sdelay $0x1  }
0x8a: {  	s1 =	srdreg.scid  }
0x8b: {  	s0 =	sand.u32 $0x1, s1  }
0x8c: {  	s17 =	sshll.u32 s0, $0xA;
	s2 =	sadd.s32 s3, s2  }
0x8d: {  	s2 =	sadd.s32 s2, s17  }
0x8e: {  	[smem:$0x3FC0] =	sst s2  }
0x8f: {  	_ = 	snop  }
0x90: {  	s18 =	sld [smem:$0x3FC4]  }
0x91: {  	s4 =	sld [smem:$0x3FC3];
	(tm) =	ssettm $0x1  }
0x92: {  	s19 =	sld [smem:$0x3FFB];
	_ =	sdelay $0x3  }
0x93: {  	_ =	strace s19  }
0x94: {  	s2 =	sld [smem:$0x3FFC];
	_ =	sdelay $0x3  }
0x95: {  	_ =	strace s2  }
0x96: {  	s2 =	sld [smem:$0x3FFD];
	_ =	sdelay $0x3  }
0x97: {  	_ =	strace s2  }
0x98: {  	_ =	strace $0x8FFFFFFF  }
0x99: {  	s20 =	sld [smem:$0x3FDB];
	_ =	sdelay $0x1  }
0x9a: {  	s5 =	simm.s32 $_scs_section_size  }
0x9b: {  	s6 =	simm.s32 $_size__tile_overlayer_lowered;
	s7 =	simm.s32 $_tile_overlayer_lowered  }
0x9c: {  	s8 =	simm.s32 $0x1BFF;
	s21 =	sshll.u32 s7, $0x1;
	s5 =	sadd.s32 s5, s20  }
0x9d: {  	s22 =	simm.s32 $0x0;
	s6 =	sshll.u32 s6, $0x1;
	s7 =	sadd.s32 s21, s5  }
0x9e: {  	[timem:s22], [sflag:s8] =	dma.local [hbm:s7], s6  }
0x9f: {  	_ =	swait.ge [sflag:s8], s6  }
0xa0: {  	s6 =	ssub.s32 $0x0, s6;
	[sflag:s8] =	ssyncset.done $0x0  }
0xa1: {  	[sflag:s8] =	ssyncadd.s32 s6;
	_ =	sdelay $0x1  }
0xa2: {  	s23 =	simm.s32 $0x1B8B  }
0xa3: {  	_ =	swait.ge [sflag:s23], $0x1  }
0xa4: {  	[sflag:s23] =	ssyncset.done $0x0  }
0xa5: {  	[sflag:s23] =	ssyncadd.s32 $0xFFFFFFFF  }
0xa6: {  	s6 =	sld [smem:$0x0]  }
0xa7: {  	s7 =	sand.u32 $0xFFFFFFFE, s1  }
0xa8: {  	p0 =	sne.s32 s1, s7  }
0xa9: {  	s7 =	sshll.u32 @p0 s7, $0xE  }
0xaa: {  	s7 =	sadd.s32 @p0 $0x11B8D, s7;
	s8 =	sshll.u32 @p0 s6, $0x11  }
0xab: {  	s7 =	sor.u32 @p0 s8, s7  }
0xac: {  	[sflag:s7] =	ssyncadd.remote.s32 @p0 $0x1;
	_ =	sdelay $0x1  }
0xad: {  	s7 =	simm.s32 @p0 $0x1B8D  }
0xae: {  	_ =	swait.eq @p0 [sflag:s7], $0x1  }
0xaf: {  	[sflag:s7] =	ssyncadd.s32 @p0 $0xFFFFFFFF  }
0xb0: {  	s8 =	sshll.u32 @!p0 s1, $0xE  }
0xb1: {  	s8 =	sor.u32 @!p0 $0x4000, s8;
	s7 =	simm.s32 @!p0 $0x1B8D  }
0xb2: {  	s6 =	sshll.u32 @!p0 s6, $0x11;
	s8 =	sadd.s32 @!p0 $0x11B8D, s8;
	_ =	swait.eq @!p0 [sflag:s7], $0x1  }
0xb3: {  	s6 =	sor.u32 @!p0 s6, s8;
	[sflag:s7] =	ssyncadd.s32 @!p0 $0xFFFFFFFF  }
0xb4: {  	s25 =	simm.s32 $0x1B8E;
	s24 =	sld [smem:$0x3FFE];
	[sflag:s6] =	ssyncadd.remote.s32 @!p0 $0x1  }
0xb5: {  	s26 =	simm.s32 $execute0_lowered;
	[smem:$0x3FD2] =	sst s25  }
0xb6: {  	s7 =	sshll.u32 s26, $0x1;
	_ =	strace $0x80000049;
	[dreg:$0x1] =	wrdreg $0xFFFFFFFF  }
0xb7: {  	s28 =	simm.s32 $_size_execute0_lowered;
	s5 =	sadd.s32 s5, s7;
	[dreg:$0x0] =	wrdreg $0x0  }
0xb8: {  	s7 =	sshll.u32 s28, $0x1;
	[dreg:$0x2] =	wrdreg s5  }
0xb9: {  	[dreg:$0x3] =	wrdreg s7  }
0xba: {  	[dreg:$0x4] =	wrdreg $0xC0  }
0xbb: {  	_ =	task [dreg:s22], $0x5FFFF  }
0xbc: {  	[dreg:$0x1] =	wrdreg $0xFFFFFFFF  }
0xbd: {  	[dreg:$0x0] =	wrdreg $0x60  }
0xbe: {  	[dreg:$0x2] =	wrdreg s18  }
0xbf: {  	[dreg:$0x3] =	wrdreg s4  }
0xc0: {  	[dreg:$0x4] =	wrdreg s24  }
0xc1: {  	[dreg:$0x5] =	wrdreg $0x0  }
0xc2: {  	[dreg:$0x6] =	wrdreg $0x10000  }
0xc3: {  	[dreg:$0x7] =	wrdreg $0xA  }
0xc4: {  	_ =	task.clear_ibuf [dreg:s22], $0x8FFFF;
	_ =	strace $0x90000049  }
0xc5: {  	s29 =	simm.s32 $0xA;
	_ =	strace $0x8000004B  }
0xc6: {  	_ =	swait.ge [sflag:s29], $0x1  }
0xc7: {  	[sflag:s29] =	ssyncadd.s32 $0xFFFFFFFF  }
0xc8: {  	_ =	strace $0x9000004B  }
0xc9: {  	_ =	sfence  }
0xca: {  	s30 =	sld [smem:$0x0];
	_ =	sdelay $0x2  }
0xcb: {  	s31 =	sshll.u32 s1, $0xD;
	s1 =	sshrl.u32 s1, $0x2  }
0xcc: {  	s4 =	sand.u32 $0x4000, s31;
	s1 =	sadd.s32 s1, s30  }
0xcd: {  	s0 =	sor.u32 s4, s0;
	s1 =	sshll.u32 s1, $0x11  }
0xce: {  	s0 =	sor.u32 s1, s0  }
0xcf: {  	s0 =	sadd.s32 $0x8F2B, s0  }
0xd0: {  	[sflag:s0] =	ssyncadd.remote.s32 $0x1  }
0xd1: {  	_ =	sfence.sel $0xFFFF  }
0xd2: {  	[dreg:$0x0] =	wrdreg $0xFFFFFFFF;
	(pc) =	sbr.abs _section_cstart, $3  }
0xd3: {  	[dreg:$0x1] =	wrdreg $0xFFFFFFFF  }
0xd4: {  	_ =	task.clear_ibuf [dreg:s22], $0x2FFFF;
	_ =	strace $0x9FFFFFFF  }
0xd5: {  	(tm) =	ssettm $0x7FFFFFFF  }
tec
execute0_lowered:
.L_overlay_start_1:
0x0: {  	(tag) =	ssettag $0x1  }
0x1: {  	s0 =	rddreg [dreg:$0x2]  }
0x2: {  	s1 =	srdreg.scid;
	s3 =	rddreg [dreg:$0x3]  }
0x3: {  	s2 =	stileid.u32;
	s4 =	rddreg [dreg:$0x4];
	s15 =	simm.s32 $0x7  }
0x4: {  	s17 =	simm.s32 $0x50;
	s21 =	simm.s32 $0x6000;
	s23 =	simm.s32 $0xB000  }
0x5: {  	s24 =	simm.s32 $0x1;
	s1 =	sand.u32 $0x1, s1;
	s5 =	sshll.u32 s2, $0x1  }
0x6: {  	s28 =	simm.s32 $0x2;
	s29 =	simm.s32 $0x4;
	s7 =	sor.u32 s1, s5  }
0x7: {  	s5 =	simm.s32 $0x0;
	s1 =	ssub.s32 $0x2, s1;
	s6 =	smul.u32 $0x180, s7  }
0x8: {  	s30 =	simm.s32 $0x10000;
	[smem:$0x7FF] =	sst s5;
	s25 =	sshrl.u32 s1, $0x1  }
0x9: {  	s7 =	smul.u32 $0x640, s7;
	_ =	strace $0x8000004A;
	s8 =	sadd.s32 s6, s0  }
0xa: {  	s6 =	sadd.s32 $0xBC00, s0;
	s0 =	ssub.s32 s1, s25;
	s26 =	sadd.s32 $0x5C00, s8  }
.Ltmp0:
0xb: {  	s31 =	sadd.s32 $0x8C00, s8;
	[dreg:$0x6] =	wrdreg s26;
	(pc) =	sbr.rel .LBB2_1-.Ltmp0, $4  }
0xc: {  	p0 =	sne.s32 s2, $0x0;
	s0 =	smax.u32 s0, $0x1;
	[dreg:$0x7] =	wrdreg s31  }
0xd: {  	s10 =	sadd.s32 $0x50, s7;
	[dreg:$0x8] =	wrdreg s0;
	s0 =	sshrl.u32 @!p0 s3, $0x3  }
0xe: {  	s25 =	simm.s32 $0x3;
	[dreg:$0x9] =	wrdreg s0;
	s0 =	sshrl.u32 @!p0 s4, $0x3  }
0xf: {  	s26 =	simm.s32 $0xD800;
	[dreg:$0xa] =	wrdreg s0;
	s0 =	simm.s32 $0x0  }
.LBB2_8:
0x10: {  	s1 =	simm.s32 $0x5  }
0x11: {  	_ =	swait.ge [sflag:s1], $0x2800  }
0x12: {  	[sflag:s1] =	ssyncset.done $0x0  }
0x13: {  	s2 =	simm.s32 $0x6;
	[sflag:s1] =	ssyncadd.s32 $0xFFFFD800  }
0x14: {  	_ =	swait.ge [sflag:s2], $0x2800  }
0x15: {  	s0 =	sadd.s32 $0x1, s0;
	s31 =	rddreg [dreg:$0x8]  }
0x16: {  	p1 =	sne.s32 s0, s31  }
.Ltmp1:
0x17: {  	_ = 	snop;
	(pc) =	sbr.rel @!p1 .LBB2_9-.Ltmp1, $3  }
0x18: {  	_ =	sdelay $0x1  }
0x19: {  	[sflag:s2] =	ssyncset.done $0x0  }
0x1a: {  	[sflag:s2] =	ssyncadd.s32 $0xFFFFD800  }
.LBB2_1:
0x1b: {  	s2 =	rddreg [dreg:$0x0]  }
0x1c: {  	s1 =	simm.s32 @!p0 $0x1C07;
	s8 =	rddreg [dreg:$0x9]  }
0x1d: {  	[spmem:s8], [sflag:s1] =	dma.local @!p0 [hbm:s2], $0x2000  }
0x1e: {  	s2 =	simm.s32 @!p0 $0x7  }
0x1f: {  	_ =	swait.ge @!p0 [sflag:s2], $0x2000  }
0x20: {  	[sflag:s2] =	ssyncset.done @!p0 $0x0  }
0x21: {  	s9 =	rddreg [dreg:$0xa];
	[sflag:s2] =	ssyncadd.s32 @!p0 $0xFFFFE000  }
0x22: {  	s8 =	rddreg [dreg:$0x1]  }
0x23: {  	[spmem:s9], [sflag:s1] =	dma.local @!p0 [hbm:s8], $0x2000  }
0x24: {  	_ =	swait.ge @!p0 [sflag:s2], $0x2000  }
0x25: {  	[sflag:s2] =	ssyncset.done @!p0 $0x0  }
0x26: {  	s14 =	simm.s32 $0x2000;
	s13 =	rddreg [dreg:$0x6];
	[sflag:s2] =	ssyncadd.s32 @!p0 $0xFFFFE000  }
0x27: {  	[tilespmem:s14], [sflag:$0x7] =	stream.linear.gather [hbm4b:s13+s5], $0xA00, $0x38;
	[tilespmem:$0x12800] =	vst v63  }
0x28: {  	_ =	swait.ge [sflag:s15], $0xA00  }
0x29: {  	[sflag:s15] =	ssyncset.done $0x0  }
0x2a: {  	s18 =	simm.s32 $0x2C00;
	s16 =	rddreg [dreg:$0x7];
	[sflag:s15] =	ssyncadd.s32 $0xFFFFF600  }
0x2b: {  	[tilespmem:s18], [sflag:$0x7] =	stream.linear.gather [hbm4b:s16+s5], $0xA00, $0x38;
	[tilespmem:$0x12800] =	vst v63  }
0x2c: {  	_ =	swait.ge [sflag:s15], $0xA00  }
0x2d: {  	[sflag:s15] =	ssyncset.done $0x0  }
0x2e: {  	[sflag:s15] =	ssyncadd.s32 $0xFFFFF600  }
0x2f: {  	s19 =	simm.s32 $0x3800;
	[bflag:$0x0] =	sbarrier.arrive $0xFFFF  }
0x30: {  	[tilespmem:s19], [sflag:$0x1] =	stream.indirect.gather [spmem:s3], $0x80, s14, s17, $0xb8;
	[tilespmem:$0x12800] =	vst v63  }
0x31: {  	s20 =	simm.s32 $0x8800  }
0x32: {  	[tilespmem:s20], [sflag:$0x3] =	stream.indirect.gather [spmem:s4], $0x80, s18, s17, $0xb8;
	[tilespmem:$0x12800] =	vst v63  }
0x33: {  	s22 =	simm.s32 $0x2080  }
0x34: {  	[tilespmem:s21], [sflag:$0x2] =	stream.indirect.gather [spmem:s3], $0x80, s22, s17, $0xb8;
	[tilespmem:$0x12800] =	vst v63  }
0x35: {  	s31 =	simm.s32 $0x2C80;
	s1 =	simm.s32 $0x0  }
0x36: {  	[tilespmem:s23], [sflag:$0x4] =	stream.indirect.gather [spmem:s4], $0x80, s31, s17, $0xb8;
	[tilespmem:$0x12800] =	vst v63  }
.LBB2_2:
0x37: {  	_ =	swait.ge [sflag:s24], $0x2800  }
0x38: {  	[sflag:s24] =	ssyncset.done $0x0  }
0x39: {  	[sflag:s24] =	ssyncadd.s32 $0xFFFFD800  }
0x3a: {  	_ =	swait.ge [sflag:s25], $0x2800  }
0x3b: {  	p1 =	seq.s32 s1, $0x0;
	[sflag:s25] =	ssyncset.done $0x0  }
0x3c: {  	s2 =	simm.s32 @!p1 $0x5;
	[sflag:s25] =	ssyncadd.s32 $0xFFFFD800  }
0x3d: {  	_ =	swait.ge @!p1 [sflag:s2], $0x2800  }
0x3e: {  	[sflag:s2] =	ssyncset.done @!p1 $0x0  }
0x3f: {  	s13 =	simm.s32 $0x3880;
	[sflag:s2] =	ssyncadd.s32 @!p1 $0xFFFFD800  }
0x40: {  	s12 =	simm.s32 $0x8880;
	v0 =	vld [tilespmem:s13+$0x0]  }
0x41: {  	v1 =	vld [tilespmem:s12+$0x0];
	_ =	sdelay $0x4  }
0x42: {  	v0 =	vadd.f32 v1, v0  }
0x43: {  	s20 =	simm.s32 $0xD880  }
0x44: {  	[tilespmem:s20+$0x0] =	vst v0  }
0x45: {  	v0 =	vld [tilespmem:s13+$0x10]  }
0x46: {  	v1 =	vld [tilespmem:s12+$0x10]  }
0x47: {  	v2 =	vld [tilespmem:s12+$0xFFFFFF80]  }
0x48: {  	v3 =	vld [tilespmem:s13+$0xFFFFFF80];
	_ =	sdelay $0x2  }
0x49: {  	v0 =	vadd.f32 v1, v0;
	_ =	sdelay $0x1  }
0x4a: {  	[tilespmem:s20+$0x10] =	vst v0;
	v0 =	vadd.f32 v2, v3  }
0x4b: {  	v1 =	vld [tilespmem:s13+$0x20]  }
0x4c: {  	v2 =	vld [tilespmem:s12+$0x20];
	[tilespmem:s20+$0xFFFFFF80] =	vst v0  }
0x4d: {  	v0 =	vld [tilespmem:s13+$0xFFFFFF90]  }
0x4e: {  	v3 =	vld [tilespmem:s12+$0xFFFFFF90];
	_ =	sdelay $0x2  }
0x4f: {  	v1 =	vadd.f32 v2, v1;
	_ =	sdelay $0x1  }
0x50: {  	[tilespmem:s20+$0x20] =	vst v1;
	v0 =	vadd.f32 v3, v0  }
0x51: {  	v1 =	vld [tilespmem:s13+$0x30]  }
0x52: {  	v2 =	vld [tilespmem:s12+$0x30];
	[tilespmem:s20+$0xFFFFFF90] =	vst v0  }
0x53: {  	v0 =	vld [tilespmem:s13+$0xFFFFFFA0]  }
0x54: {  	s14 =	simm.s32 $0x3980;
	v3 =	vld [tilespmem:s12+$0xFFFFFFA0]  }
0x55: {  	s16 =	simm.s32 $0x8980;
	v4 =	vld [tilespmem:s14+$0x0]  }
0x56: {  	v5 =	vld [tilespmem:s16+$0x0]  }
0x57: {  	v6 =	vld [tilespmem:s14+$0xFFFFFF80];
	v1 =	vadd.f32 v2, v1  }
0x58: {  	v2 =	vld [tilespmem:s16+$0xFFFFFF80]  }
0x59: {  	[tilespmem:s20+$0x30] =	vst v1;
	v0 =	vadd.f32 v3, v0  }
0x5a: {  	v1 =	vld [tilespmem:s13+$0x40]  }
0x5b: {  	v3 =	vld [tilespmem:s12+$0x40];
	[tilespmem:s20+$0xFFFFFFA0] =	vst v0;
	v0 =	vadd.f32 v5, v4  }
0x5c: {  	s22 =	simm.s32 $0xD980;
	v4 =	vld [tilespmem:s13+$0xFFFFFFB0]  }
0x5d: {  	v5 =	vld [tilespmem:s12+$0xFFFFFFB0];
	v2 =	vadd.f32 v2, v6;
	[tilespmem:s22+$0x0] =	vst v0  }
0x5e: {  	v0 =	vld [tilespmem:s14+$0x10]  }
0x5f: {  	[tilespmem:s22+$0xFFFFFF80] =	vst v2;
	v2 =	vld [tilespmem:s16+$0x10]  }
0x60: {  	v1 =	vadd.f32 v3, v1;
	v3 =	vld [tilespmem:s14+$0xFFFFFF90]  }
0x61: {  	v6 =	vld [tilespmem:s16+$0xFFFFFF90]  }
0x62: {  	[tilespmem:s20+$0x40] =	vst v1;
	v1 =	vadd.f32 v5, v4  }
0x63: {  	v4 =	vld [tilespmem:s13+$0x50]  }
0x64: {  	v5 =	vld [tilespmem:s12+$0x50];
	[tilespmem:s20+$0xFFFFFFB0] =	vst v1;
	v0 =	vadd.f32 v2, v0  }
0x65: {  	v1 =	vld [tilespmem:s13+$0xFFFFFFC0]  }
0x66: {  	v2 =	vld [tilespmem:s12+$0xFFFFFFC0];
	v3 =	vadd.f32 v6, v3;
	[tilespmem:s22+$0x10] =	vst v0  }
0x67: {  	v0 =	vld [tilespmem:s14+$0x20]  }
0x68: {  	[tilespmem:s22+$0xFFFFFF90] =	vst v3;
	v3 =	vld [tilespmem:s16+$0x20]  }
0x69: {  	v4 =	vadd.f32 v5, v4;
	v5 =	vld [tilespmem:s14+$0xFFFFFFA0]  }
0x6a: {  	v6 =	vld [tilespmem:s16+$0xFFFFFFA0]  }
0x6b: {  	s11 =	simm.s32 $0x8A80  }
0x6c: {  	v8 =	vld [tilespmem:s11+$0x0];
	[tilespmem:s20+$0x50] =	vst v4  }
0x6d: {  	v1 =	vadd.f32 v2, v1;
	v2 =	vld [tilespmem:s13+$0x60];
	v0 =	vadd.f32 v3, v0  }
0x6e: {  	s8 =	simm.s32 $0x3A80;
	v4 =	vld [tilespmem:s12+$0x60]  }
0x6f: {  	v9 =	vld [tilespmem:s8+$0xFFFFFF80];
	v5 =	vadd.f32 v6, v5;
	[tilespmem:s22+$0x20] =	vst v0  }
0x70: {  	[tilespmem:s20+$0xFFFFFFC0] =	vst v1;
	v0 =	vld [tilespmem:s14+$0x30]  }
0x71: {  	[tilespmem:s22+$0xFFFFFFA0] =	vst v5;
	v5 =	vld [tilespmem:s16+$0x30]  }
0x72: {  	v1 =	vld [tilespmem:s13+$0xFFFFFFD0]  }
0x73: {  	v3 =	vld [tilespmem:s12+$0xFFFFFFD0];
	v2 =	vadd.f32 v4, v2  }
0x74: {  	v6 =	vld [tilespmem:s8+$0x0]  }
0x75: {  	v4 =	vld [tilespmem:s14+$0xFFFFFFB0];
	[tilespmem:s20+$0x60] =	vst v2  }
0x76: {  	v2 =	vld [tilespmem:s13+$0x70];
	v0 =	vadd.f32 v5, v0  }
0x77: {  	v7 =	vld [tilespmem:s12+$0x70]  }
0x78: {  	v5 =	vld [tilespmem:s11+$0xFFFFFF80];
	[tilespmem:s22+$0x30] =	vst v0  }
0x79: {  	v0 =	vadd.f32 v3, v1;
	v1 =	vld [tilespmem:s14+$0x40]  }
0x7a: {  	v3 =	vld [tilespmem:s16+$0x40]  }
0x7b: {  	[tilespmem:s20+$0xFFFFFFD0] =	vst v0;
	v0 =	vadd.f32 v8, v6;
	v6 =	vld [tilespmem:s16+$0xFFFFFFB0]  }
0x7c: {  	s9 =	simm.s32 $0xDA80;
	v8 =	vld [tilespmem:s13+$0xFFFFFFE0]  }
0x7d: {  	v5 =	vadd.f32 v5, v9;
	[tilespmem:s9+$0x0] =	vst v0;
	v0 =	vld [tilespmem:s12+$0xFFFFFFE0]  }
0x7e: {  	v61 =	vld [tilespmem:s8+$0x10]  }
0x7f: {  	[tilespmem:s9+$0xFFFFFF80] =	vst v5;
	v5 =	vld [tilespmem:s11+$0x10];
	v1 =	vadd.f32 v3, v1  }
0x80: {  	v3 =	vld [tilespmem:s8+$0xFFFFFF90]  }
0x81: {  	v4 =	vadd.f32 v6, v4;
	v6 =	vld [tilespmem:s11+$0xFFFFFF90];
	[tilespmem:s22+$0x40] =	vst v1  }
0x82: {  	v1 =	vld [tilespmem:s14+$0x50]  }
0x83: {  	[tilespmem:s22+$0xFFFFFFB0] =	vst v4;
	v0 =	vadd.f32 v0, v8;
	v4 =	vld [tilespmem:s16+$0x50]  }
0x84: {  	v5 =	vadd.f32 v5, v61;
	v8 =	vld [tilespmem:s14+$0xFFFFFFC0]  }
0x85: {  	v62 =	vld [tilespmem:s16+$0xFFFFFFC0];
	[tilespmem:s20+$0xFFFFFFE0] =	vst v0  }
0x86: {  	v3 =	vadd.f32 v6, v3;
	[tilespmem:s9+$0x10] =	vst v5;
	v0 =	vld [tilespmem:s13+$0xFFFFFFF0]  }
0x87: {  	v5 =	vld [tilespmem:s8+$0x20]  }
0x88: {  	[tilespmem:s9+$0xFFFFFF90] =	vst v3;
	v3 =	vld [tilespmem:s11+$0x20];
	v1 =	vadd.f32 v4, v1  }
0x89: {  	v6 =	vld [tilespmem:s8+$0xFFFFFFA0]  }
0x8a: {  	v10 =	vld [tilespmem:s11+$0xFFFFFFA0];
	v4 =	vadd.f32 v62, v8;
	[tilespmem:s22+$0x50] =	vst v1  }
0x8b: {  	v8 =	vld [tilespmem:s14+$0x60]  }
0x8c: {  	[tilespmem:s22+$0xFFFFFFC0] =	vst v4;
	v63 =	vld [tilespmem:s16+$0x60]  }
0x8d: {  	v4 =	vld [tilespmem:s16+$0xFFFFFFD0];
	v1 =	vadd.f32 v3, v5  }
0x8e: {  	v3 =	vld [tilespmem:s14+$0xFFFFFFD0]  }
0x8f: {  	v5 =	vadd.f32 v10, v6;
	[tilespmem:s9+$0x20] =	vst v1;
	v1 =	vld [tilespmem:s12+$0xFFFFFFF0]  }
0x90: {  	s19 =	smul.u32 $0xA0, s1;
	v2 =	vadd.f32 v7, v2;
	v6 =	vld [tilespmem:s8+$0x30]  }
0x91: {  	s18 =	sshll.u32 s1, $0x8;
	s31 =	simm.s32 $0x4;
	[tilespmem:s9+$0xFFFFFFA0] =	vst v5;
	v7 =	vld [tilespmem:s11+$0x30];
	v5 =	vadd.f32 v63, v8  }
0x92: {  	s2 =	simm.s32 $0x3B80;
	[tilespmem:s20+$0x70] =	vst v2;
	s13 =	simm.s32 $0x8A80;
	s12 =	sadd.s32 s7, s19;
	v2 =	vld [tilespmem:s8+$0xFFFFFFB0]  }
.LBB2_3:
0x93: {  	v8 =	vld [tilespmem:s2+$0x0];
	v3 =	vadd.f32 v4, v3;
	[tilespmem:s22+$0x60] =	vst v5  }
0x94: {  	v4 =	vld [tilespmem:s14+$0x70];
	v0 =	vadd.f32 v1, v0  }
0x95: {  	s11 =	sadd.s32 $0x100, s11;
	[tilespmem:s22+$0xFFFFFFD0] =	vst v3;
	v1 =	vld [tilespmem:s16+$0x70]  }
0x96: {  	v3 =	vld [tilespmem:s11+$0x0];
	v5 =	vadd.f32 v7, v6;
	[tilespmem:s20+$0xFFFFFFF0] =	vst v0;
	s20 =	smov.u32 s22;
	s22 =	smov.u32 s9  }
0x97: {  	v0 =	vld [tilespmem:s11+$0xFFFFFF80]  }
0x98: {  	v6 =	vld [tilespmem:s2+$0xFFFFFF80];
	[tilespmem:s9+$0x30] =	vst v5  }
0x99: {  	v5 =	vld [tilespmem:s8+$0x40]  }
0x9a: {  	v7 =	vld [tilespmem:s13+$0x40];
	v1 =	vadd.f32 v1, v4  }
0x9b: {  	v3 =	vadd.f32 v3, v8;
	v4 =	vld [tilespmem:s13+$0xFFFFFFB0]  }
0x9c: {  	s9 =	sadd.s32 $0x100, s9;
	v8 =	vld [tilespmem:s14+$0xFFFFFFE0];
	[tilespmem:s20+$0x70] =	vst v1  }
0x9d: {  	s31 =	sadd.s32 $0x2, s31;
	v0 =	vadd.f32 v0, v6;
	[tilespmem:s9+$0x0] =	vst v3;
	v1 =	vld [tilespmem:s16+$0xFFFFFFE0]  }
0x9e: {  	p2 =	slt.u32 s31, $0x4E;
	v3 =	vld [tilespmem:s2+$0x10]  }
0x9f: {  	[tilespmem:s9+$0xFFFFFF80] =	vst v0;
	v0 =	vld [tilespmem:s11+$0x10];
	v5 =	vadd.f32 v7, v5  }
0xa0: {  	v6 =	vld [tilespmem:s2+$0xFFFFFF90];
	v2 =	vadd.f32 v4, v2  }
0xa1: {  	v4 =	vld [tilespmem:s11+$0xFFFFFF90];
	[tilespmem:s22+$0x40] =	vst v5  }
0xa2: {  	[tilespmem:s22+$0xFFFFFFB0] =	vst v2;
	v2 =	vld [tilespmem:s8+$0x50];
	v1 =	vadd.f32 v1, v8  }
0xa3: {  	v5 =	vld [tilespmem:s13+$0x50]  }
0xa4: {  	v0 =	vadd.f32 v0, v3;
	v3 =	vld [tilespmem:s8+$0xFFFFFFC0];
	[tilespmem:s20+$0xFFFFFFE0] =	vst v1  }
0xa5: {  	v1 =	vld [tilespmem:s13+$0xFFFFFFC0]  }
0xa6: {  	v4 =	vadd.f32 v4, v6;
	[tilespmem:s9+$0x10] =	vst v0;
	v0 =	vld [tilespmem:s14+$0xFFFFFFF0];
	s14 =	smov.u32 s8;
	s8 =	smov.u32 s2  }
0xa7: {  	v6 =	vld [tilespmem:s2+$0x20]  }
0xa8: {  	[tilespmem:s9+$0xFFFFFF90] =	vst v4;
	v4 =	vld [tilespmem:s11+$0x20];
	v2 =	vadd.f32 v5, v2  }
0xa9: {  	v5 =	vld [tilespmem:s2+$0xFFFFFFA0]  }
0xaa: {  	v7 =	vld [tilespmem:s11+$0xFFFFFFA0];
	v1 =	vadd.f32 v1, v3;
	[tilespmem:s22+$0x50] =	vst v2  }
0xab: {  	v2 =	vld [tilespmem:s14+$0x60]  }
0xac: {  	[tilespmem:s22+$0xFFFFFFC0] =	vst v1;
	v8 =	vld [tilespmem:s13+$0x60]  }
0xad: {  	v1 =	vadd.f32 v4, v6;
	v3 =	vld [tilespmem:s14+$0xFFFFFFD0]  }
.Ltmp2:
0xae: {  	v4 =	vld [tilespmem:s13+$0xFFFFFFD0];
	(pc) =	sbr.rel @p2 .LBB2_3-.Ltmp2, $4  }
0xaf: {  	v5 =	vadd.f32 v7, v5;
	[tilespmem:s9+$0x20] =	vst v1;
	v1 =	vld [tilespmem:s16+$0xFFFFFFF0];
	s16 =	smov.u32 s13;
	s13 =	smov.u32 s11  }
0xb0: {  	v6 =	vld [tilespmem:s2+$0x30]  }
0xb1: {  	[tilespmem:s9+$0xFFFFFFA0] =	vst v5;
	v7 =	vld [tilespmem:s11+$0x30];
	v5 =	vadd.f32 v8, v2  }
0xb2: {  	s2 =	sadd.s32 $0x100, s2;
	v2 =	vld [tilespmem:s8+$0xFFFFFFB0]  }
0xb3: {  	v8 =	vld [tilespmem:s13+$0xFFFFFFB0];
	_ =	sdelay $0x2  }
0xb4: {  	v6 =	vadd.f32 v7, v6;
	_ =	sdelay $0x1  }
0xb5: {  	[tilespmem:s9+$0x30] =	vst v6;
	v2 =	vadd.f32 v8, v2  }
0xb6: {  	v6 =	vld [tilespmem:s8+$0x40]  }
0xb7: {  	v7 =	vld [tilespmem:s13+$0x40];
	[tilespmem:s9+$0xFFFFFFB0] =	vst v2  }
0xb8: {  	v2 =	vld [tilespmem:s8+$0xFFFFFFC0]  }
0xb9: {  	v8 =	vld [tilespmem:s13+$0xFFFFFFC0];
	_ =	sdelay $0x2  }
0xba: {  	v6 =	vadd.f32 v7, v6;
	_ =	sdelay $0x1  }
0xbb: {  	[tilespmem:s9+$0x40] =	vst v6;
	v2 =	vadd.f32 v8, v2  }
0xbc: {  	v6 =	vld [tilespmem:s8+$0x50]  }
0xbd: {  	v7 =	vld [tilespmem:s13+$0x50];
	[tilespmem:s9+$0xFFFFFFC0] =	vst v2  }
0xbe: {  	v2 =	vld [tilespmem:s8+$0xFFFFFFD0]  }
0xbf: {  	v8 =	vld [tilespmem:s13+$0xFFFFFFD0]  }
0xc0: {  	v3 =	vadd.f32 v4, v3;
	_ =	sdelay $0x1  }
0xc1: {  	[tilespmem:s22+$0xFFFFFFD0] =	vst v3;
	v3 =	vadd.f32 v7, v6  }
0xc2: {  	v4 =	vld [tilespmem:s14+$0xFFFFFFE0]  }
0xc3: {  	v6 =	vld [tilespmem:s16+$0xFFFFFFE0];
	[tilespmem:s9+$0x50] =	vst v3;
	v2 =	vadd.f32 v8, v2  }
0xc4: {  	v3 =	vld [tilespmem:s8+$0x60]  }
0xc5: {  	v7 =	vld [tilespmem:s13+$0x60];
	[tilespmem:s9+$0xFFFFFFD0] =	vst v2  }
0xc6: {  	v2 =	vld [tilespmem:s8+$0xFFFFFFE0]  }
0xc7: {  	v8 =	vld [tilespmem:s13+$0xFFFFFFE0]  }
0xc8: {  	[tilespmem:s22+$0x60] =	vst v5;
	v4 =	vadd.f32 v6, v4  }
0xc9: {  	v5 =	vld [tilespmem:s14+$0x70]  }
0xca: {  	v6 =	vld [tilespmem:s16+$0x70];
	[tilespmem:s22+$0xFFFFFFE0] =	vst v4;
	v3 =	vadd.f32 v7, v3  }
0xcb: {  	v4 =	vld [tilespmem:s14+$0xFFFFFFF0]  }
0xcc: {  	v7 =	vld [tilespmem:s16+$0xFFFFFFF0];
	[tilespmem:s9+$0x60] =	vst v3;
	v2 =	vadd.f32 v8, v2  }
0xcd: {  	v3 =	vld [tilespmem:s8+$0x70]  }
0xce: {  	v8 =	vld [tilespmem:s13+$0x70];
	[tilespmem:s9+$0xFFFFFFE0] =	vst v2  }
0xcf: {  	v2 =	vld [tilespmem:s8+$0xFFFFFFF0]  }
0xd0: {  	v9 =	vld [tilespmem:s13+$0xFFFFFFF0]  }
0xd1: {  	v0 =	vadd.f32 v1, v0  }
0xd2: {  	v1 =	vadd.f32 v6, v5  }
0xd3: {  	[tilespmem:s20+$0xFFFFFFF0] =	vst v0;
	v0 =	vadd.f32 v7, v4  }
0xd4: {  	[tilespmem:s22+$0x70] =	vst v1;
	v1 =	vadd.f32 v8, v3  }
0xd5: {  	[tilespmem:s22+$0xFFFFFFF0] =	vst v0;
	v0 =	vadd.f32 v9, v2  }
0xd6: {  	s2 =	sshll.u32 s12, $0x4;
	[tilespmem:s9+$0x70] =	vst v1  }
0xd7: {  	p2 =	seq.s32 s1, $0x9;
	s2 =	sadd.s32 s6, s2;
	[tilespmem:s9+$0xFFFFFFF0] =	vst v0  }
0xd8: {  	[hbm4b:s2+s5] =	stream.linear.scatter [tilespmem:s26], [sflag:$0x5], $0x2800, $0x38;
	[tilespmem:$0x12800] =	vst v63  }
0xd9: {  	s8 =	simm.s32 @!p2 $0x50;
	s9 =	simm.s32 @!p2 $0x3800;
	s2 =	sadd.s32 @!p2 $0x2100, s18  }
0xda: {  	[tilespmem:s9], [sflag:$0x1] =	stream.indirect.gather @!p2 [spmem:s3], $0x80, s2, s8, $0xb8;
	[tilespmem:$0x12800] =	vst v63  }
0xdb: {  	s2 =	sadd.s32 @!p2 $0x2D00, s18;
	s9 =	simm.s32 @!p2 $0x8800  }
0xdc: {  	[tilespmem:s9], [sflag:$0x3] =	stream.indirect.gather @!p2 [spmem:s4], $0x80, s2, s8, $0xb8;
	[tilespmem:$0x12800] =	vst v63  }
0xdd: {  	_ =	swait.ge [sflag:s28], $0x2800  }
0xde: {  	[sflag:s28] =	ssyncset.done $0x0  }
0xdf: {  	[sflag:s28] =	ssyncadd.s32 $0xFFFFD800  }
0xe0: {  	_ =	swait.ge [sflag:s29], $0x2800  }
0xe1: {  	[sflag:s29] =	ssyncset.done $0x0  }
0xe2: {  	s2 =	simm.s32 @!p1 $0x6;
	[sflag:s29] =	ssyncadd.s32 $0xFFFFD800  }
0xe3: {  	_ =	swait.ge @!p1 [sflag:s2], $0x2800  }
0xe4: {  	[sflag:s2] =	ssyncset.done @!p1 $0x0  }
0xe5: {  	s12 =	simm.s32 $0x6080;
	[sflag:s2] =	ssyncadd.s32 @!p1 $0xFFFFD800  }
0xe6: {  	s31 =	simm.s32 $0xB080;
	v0 =	vld [tilespmem:s12+$0x0]  }
0xe7: {  	v1 =	vld [tilespmem:s31+$0x0];
	_ =	sdelay $0x4  }
0xe8: {  	v0 =	vadd.f32 v1, v0  }
0xe9: {  	s20 =	simm.s32 $0x10080  }
0xea: {  	[tilespmem:s20+$0x0] =	vst v0  }
0xeb: {  	v0 =	vld [tilespmem:s12+$0x10]  }
0xec: {  	v1 =	vld [tilespmem:s31+$0x10]  }
0xed: {  	v2 =	vld [tilespmem:s31+$0xFFFFFF80]  }
0xee: {  	v3 =	vld [tilespmem:s12+$0xFFFFFF80];
	_ =	sdelay $0x2  }
0xef: {  	v0 =	vadd.f32 v1, v0;
	_ =	sdelay $0x1  }
0xf0: {  	[tilespmem:s20+$0x10] =	vst v0;
	v0 =	vadd.f32 v2, v3  }
0xf1: {  	v1 =	vld [tilespmem:s12+$0x20]  }
0xf2: {  	v2 =	vld [tilespmem:s31+$0x20];
	[tilespmem:s20+$0xFFFFFF80] =	vst v0  }
0xf3: {  	v0 =	vld [tilespmem:s12+$0xFFFFFF90]  }
0xf4: {  	v3 =	vld [tilespmem:s31+$0xFFFFFF90];
	_ =	sdelay $0x2  }
0xf5: {  	v1 =	vadd.f32 v2, v1;
	_ =	sdelay $0x1  }
0xf6: {  	[tilespmem:s20+$0x20] =	vst v1;
	v0 =	vadd.f32 v3, v0  }
0xf7: {  	v1 =	vld [tilespmem:s12+$0x30]  }
0xf8: {  	v2 =	vld [tilespmem:s31+$0x30];
	[tilespmem:s20+$0xFFFFFF90] =	vst v0  }
0xf9: {  	v0 =	vld [tilespmem:s12+$0xFFFFFFA0]  }
0xfa: {  	s16 =	simm.s32 $0x6180;
	v3 =	vld [tilespmem:s31+$0xFFFFFFA0]  }
0xfb: {  	s22 =	simm.s32 $0xB180;
	v4 =	vld [tilespmem:s16+$0x0]  }
0xfc: {  	v5 =	vld [tilespmem:s22+$0x0]  }
0xfd: {  	v6 =	vld [tilespmem:s16+$0xFFFFFF80];
	v1 =	vadd.f32 v2, v1  }
0xfe: {  	v2 =	vld [tilespmem:s22+$0xFFFFFF80]  }
0xff: {  	[tilespmem:s20+$0x30] =	vst v1;
	v0 =	vadd.f32 v3, v0  }
0x100: {  	v1 =	vld [tilespmem:s12+$0x40]  }
0x101: {  	v3 =	vld [tilespmem:s31+$0x40];
	[tilespmem:s20+$0xFFFFFFA0] =	vst v0;
	v0 =	vadd.f32 v5, v4  }
0x102: {  	s14 =	simm.s32 $0x10180;
	v4 =	vld [tilespmem:s12+$0xFFFFFFB0]  }
0x103: {  	v5 =	vld [tilespmem:s31+$0xFFFFFFB0];
	v2 =	vadd.f32 v2, v6;
	[tilespmem:s14+$0x0] =	vst v0  }
0x104: {  	v0 =	vld [tilespmem:s16+$0x10]  }
0x105: {  	[tilespmem:s14+$0xFFFFFF80] =	vst v2;
	v2 =	vld [tilespmem:s22+$0x10]  }
0x106: {  	v1 =	vadd.f32 v3, v1;
	v3 =	vld [tilespmem:s16+$0xFFFFFF90]  }
0x107: {  	v6 =	vld [tilespmem:s22+$0xFFFFFF90]  }
0x108: {  	[tilespmem:s20+$0x40] =	vst v1;
	v1 =	vadd.f32 v5, v4  }
0x109: {  	v4 =	vld [tilespmem:s12+$0x50]  }
0x10a: {  	v5 =	vld [tilespmem:s31+$0x50];
	[tilespmem:s20+$0xFFFFFFB0] =	vst v1;
	v0 =	vadd.f32 v2, v0  }
0x10b: {  	v1 =	vld [tilespmem:s12+$0xFFFFFFC0]  }
0x10c: {  	v2 =	vld [tilespmem:s31+$0xFFFFFFC0];
	v3 =	vadd.f32 v6, v3;
	[tilespmem:s14+$0x10] =	vst v0  }
0x10d: {  	v0 =	vld [tilespmem:s16+$0x20]  }
0x10e: {  	[tilespmem:s14+$0xFFFFFF90] =	vst v3;
	v3 =	vld [tilespmem:s22+$0x20]  }
0x10f: {  	v4 =	vadd.f32 v5, v4;
	v5 =	vld [tilespmem:s16+$0xFFFFFFA0]  }
0x110: {  	v6 =	vld [tilespmem:s22+$0xFFFFFFA0]  }
0x111: {  	s11 =	simm.s32 $0xB280  }
0x112: {  	v8 =	vld [tilespmem:s11+$0x0];
	[tilespmem:s20+$0x50] =	vst v4  }
0x113: {  	v1 =	vadd.f32 v2, v1;
	v2 =	vld [tilespmem:s12+$0x60];
	v0 =	vadd.f32 v3, v0  }
0x114: {  	s8 =	simm.s32 $0x6280;
	v4 =	vld [tilespmem:s31+$0x60]  }
0x115: {  	v60 =	vld [tilespmem:s8+$0xFFFFFF80];
	v5 =	vadd.f32 v6, v5;
	[tilespmem:s14+$0x20] =	vst v0  }
0x116: {  	[tilespmem:s20+$0xFFFFFFC0] =	vst v1;
	v0 =	vld [tilespmem:s16+$0x30]  }
0x117: {  	[tilespmem:s14+$0xFFFFFFA0] =	vst v5;
	v5 =	vld [tilespmem:s22+$0x30]  }
0x118: {  	v1 =	vld [tilespmem:s12+$0xFFFFFFD0]  }
0x119: {  	v3 =	vld [tilespmem:s31+$0xFFFFFFD0];
	v2 =	vadd.f32 v4, v2  }
0x11a: {  	v6 =	vld [tilespmem:s8+$0x0]  }
0x11b: {  	v4 =	vld [tilespmem:s16+$0xFFFFFFB0];
	[tilespmem:s20+$0x60] =	vst v2  }
0x11c: {  	v2 =	vld [tilespmem:s12+$0x70];
	v0 =	vadd.f32 v5, v0  }
0x11d: {  	v7 =	vld [tilespmem:s31+$0x70]  }
0x11e: {  	v5 =	vld [tilespmem:s11+$0xFFFFFF80];
	[tilespmem:s14+$0x30] =	vst v0  }
0x11f: {  	v0 =	vadd.f32 v3, v1;
	v1 =	vld [tilespmem:s16+$0x40]  }
0x120: {  	v3 =	vld [tilespmem:s22+$0x40]  }
0x121: {  	[tilespmem:s20+$0xFFFFFFD0] =	vst v0;
	v0 =	vadd.f32 v8, v6;
	v6 =	vld [tilespmem:s22+$0xFFFFFFB0]  }
0x122: {  	s9 =	simm.s32 $0x10280;
	v8 =	vld [tilespmem:s12+$0xFFFFFFE0]  }
0x123: {  	v5 =	vadd.f32 v5, v60;
	[tilespmem:s9+$0x0] =	vst v0;
	v0 =	vld [tilespmem:s31+$0xFFFFFFE0]  }
0x124: {  	v61 =	vld [tilespmem:s8+$0x10]  }
0x125: {  	[tilespmem:s9+$0xFFFFFF80] =	vst v5;
	v5 =	vld [tilespmem:s11+$0x10];
	v1 =	vadd.f32 v3, v1  }
0x126: {  	v3 =	vld [tilespmem:s8+$0xFFFFFF90]  }
0x127: {  	v4 =	vadd.f32 v6, v4;
	v6 =	vld [tilespmem:s11+$0xFFFFFF90];
	[tilespmem:s14+$0x40] =	vst v1  }
0x128: {  	v1 =	vld [tilespmem:s16+$0x50]  }
0x129: {  	[tilespmem:s14+$0xFFFFFFB0] =	vst v4;
	v0 =	vadd.f32 v0, v8;
	v4 =	vld [tilespmem:s22+$0x50]  }
0x12a: {  	v5 =	vadd.f32 v5, v61;
	v8 =	vld [tilespmem:s16+$0xFFFFFFC0]  }
0x12b: {  	v62 =	vld [tilespmem:s22+$0xFFFFFFC0];
	[tilespmem:s20+$0xFFFFFFE0] =	vst v0  }
0x12c: {  	v3 =	vadd.f32 v6, v3;
	[tilespmem:s9+$0x10] =	vst v5;
	v0 =	vld [tilespmem:s12+$0xFFFFFFF0]  }
0x12d: {  	v5 =	vld [tilespmem:s8+$0x20]  }
0x12e: {  	[tilespmem:s9+$0xFFFFFF90] =	vst v3;
	v3 =	vld [tilespmem:s11+$0x20];
	v1 =	vadd.f32 v4, v1  }
0x12f: {  	v6 =	vld [tilespmem:s8+$0xFFFFFFA0]  }
0x130: {  	v10 =	vld [tilespmem:s11+$0xFFFFFFA0];
	v4 =	vadd.f32 v62, v8;
	[tilespmem:s14+$0x50] =	vst v1  }
0x131: {  	v8 =	vld [tilespmem:s16+$0x60]  }
0x132: {  	[tilespmem:s14+$0xFFFFFFC0] =	vst v4;
	v63 =	vld [tilespmem:s22+$0x60]  }
0x133: {  	v4 =	vld [tilespmem:s22+$0xFFFFFFD0];
	v1 =	vadd.f32 v3, v5  }
0x134: {  	v3 =	vld [tilespmem:s16+$0xFFFFFFD0]  }
0x135: {  	v5 =	vadd.f32 v10, v6;
	[tilespmem:s9+$0x20] =	vst v1;
	v1 =	vld [tilespmem:s31+$0xFFFFFFF0]  }
0x136: {  	v2 =	vadd.f32 v7, v2;
	v6 =	vld [tilespmem:s8+$0x30]  }
0x137: {  	s13 =	simm.s32 $0xB280;
	[tilespmem:s9+$0xFFFFFFA0] =	vst v5;
	v7 =	vld [tilespmem:s11+$0x30];
	v5 =	vadd.f32 v63, v8  }
0x138: {  	s2 =	simm.s32 $0x6380;
	[tilespmem:s20+$0x70] =	vst v2;
	s12 =	sadd.s32 s19, s10;
	s19 =	simm.s32 $0x4;
	v2 =	vld [tilespmem:s8+$0xFFFFFFB0]  }
.LBB2_5:
0x139: {  	v8 =	vld [tilespmem:s2+$0x0];
	v3 =	vadd.f32 v4, v3;
	[tilespmem:s14+$0x60] =	vst v5  }
0x13a: {  	v4 =	vld [tilespmem:s16+$0x70];
	v0 =	vadd.f32 v1, v0  }
0x13b: {  	s11 =	sadd.s32 $0x100, s11;
	[tilespmem:s14+$0xFFFFFFD0] =	vst v3;
	v1 =	vld [tilespmem:s22+$0x70]  }
0x13c: {  	v3 =	vld [tilespmem:s11+$0x0];
	v5 =	vadd.f32 v7, v6;
	[tilespmem:s20+$0xFFFFFFF0] =	vst v0;
	s20 =	smov.u32 s14;
	s14 =	smov.u32 s9  }
0x13d: {  	v0 =	vld [tilespmem:s11+$0xFFFFFF80]  }
0x13e: {  	v6 =	vld [tilespmem:s2+$0xFFFFFF80];
	[tilespmem:s9+$0x30] =	vst v5  }
0x13f: {  	v5 =	vld [tilespmem:s8+$0x40]  }
0x140: {  	v7 =	vld [tilespmem:s13+$0x40];
	v1 =	vadd.f32 v1, v4  }
0x141: {  	v3 =	vadd.f32 v3, v8;
	v4 =	vld [tilespmem:s13+$0xFFFFFFB0]  }
0x142: {  	s9 =	sadd.s32 $0x100, s9;
	v8 =	vld [tilespmem:s16+$0xFFFFFFE0];
	[tilespmem:s20+$0x70] =	vst v1  }
0x143: {  	s19 =	sadd.s32 $0x2, s19;
	v0 =	vadd.f32 v0, v6;
	[tilespmem:s9+$0x0] =	vst v3;
	v1 =	vld [tilespmem:s22+$0xFFFFFFE0]  }
0x144: {  	p1 =	slt.u32 s19, $0x4E;
	v3 =	vld [tilespmem:s2+$0x10]  }
0x145: {  	[tilespmem:s9+$0xFFFFFF80] =	vst v0;
	v0 =	vld [tilespmem:s11+$0x10];
	v5 =	vadd.f32 v7, v5  }
0x146: {  	v6 =	vld [tilespmem:s2+$0xFFFFFF90];
	v2 =	vadd.f32 v4, v2  }
0x147: {  	v4 =	vld [tilespmem:s11+$0xFFFFFF90];
	[tilespmem:s14+$0x40] =	vst v5  }
0x148: {  	[tilespmem:s14+$0xFFFFFFB0] =	vst v2;
	v2 =	vld [tilespmem:s8+$0x50];
	v1 =	vadd.f32 v1, v8  }
0x149: {  	v5 =	vld [tilespmem:s13+$0x50]  }
0x14a: {  	v0 =	vadd.f32 v0, v3;
	v3 =	vld [tilespmem:s8+$0xFFFFFFC0];
	[tilespmem:s20+$0xFFFFFFE0] =	vst v1  }
0x14b: {  	v1 =	vld [tilespmem:s13+$0xFFFFFFC0]  }
0x14c: {  	v4 =	vadd.f32 v4, v6;
	[tilespmem:s9+$0x10] =	vst v0;
	v0 =	vld [tilespmem:s16+$0xFFFFFFF0];
	s16 =	smov.u32 s8;
	s8 =	smov.u32 s2  }
0x14d: {  	v6 =	vld [tilespmem:s2+$0x20]  }
0x14e: {  	[tilespmem:s9+$0xFFFFFF90] =	vst v4;
	v4 =	vld [tilespmem:s11+$0x20];
	v2 =	vadd.f32 v5, v2  }
0x14f: {  	v5 =	vld [tilespmem:s2+$0xFFFFFFA0]  }
0x150: {  	v7 =	vld [tilespmem:s11+$0xFFFFFFA0];
	v1 =	vadd.f32 v1, v3;
	[tilespmem:s14+$0x50] =	vst v2  }
0x151: {  	v2 =	vld [tilespmem:s16+$0x60]  }
0x152: {  	[tilespmem:s14+$0xFFFFFFC0] =	vst v1;
	v8 =	vld [tilespmem:s13+$0x60]  }
0x153: {  	v1 =	vadd.f32 v4, v6;
	v3 =	vld [tilespmem:s16+$0xFFFFFFD0]  }
.Ltmp3:
0x154: {  	v4 =	vld [tilespmem:s13+$0xFFFFFFD0];
	(pc) =	sbr.rel @p1 .LBB2_5-.Ltmp3, $4  }
0x155: {  	v5 =	vadd.f32 v7, v5;
	[tilespmem:s9+$0x20] =	vst v1;
	v1 =	vld [tilespmem:s22+$0xFFFFFFF0];
	s22 =	smov.u32 s13;
	s13 =	smov.u32 s11  }
0x156: {  	v6 =	vld [tilespmem:s2+$0x30]  }
0x157: {  	[tilespmem:s9+$0xFFFFFFA0] =	vst v5;
	v7 =	vld [tilespmem:s11+$0x30];
	v5 =	vadd.f32 v8, v2  }
0x158: {  	s2 =	sadd.s32 $0x100, s2;
	v2 =	vld [tilespmem:s8+$0xFFFFFFB0]  }
0x159: {  	v8 =	vld [tilespmem:s13+$0xFFFFFFB0];
	_ =	sdelay $0x2  }
0x15a: {  	v6 =	vadd.f32 v7, v6;
	_ =	sdelay $0x1  }
0x15b: {  	[tilespmem:s9+$0x30] =	vst v6;
	v2 =	vadd.f32 v8, v2  }
0x15c: {  	v6 =	vld [tilespmem:s8+$0x40]  }
0x15d: {  	v48 =	vld [tilespmem:s13+$0x40];
	[tilespmem:s9+$0xFFFFFFB0] =	vst v2  }
0x15e: {  	v2 =	vld [tilespmem:s8+$0xFFFFFFC0]  }
0x15f: {  	v49 =	vld [tilespmem:s13+$0xFFFFFFC0];
	_ =	sdelay $0x2  }
0x160: {  	v6 =	vadd.f32 v48, v6;
	_ =	sdelay $0x1  }
0x161: {  	[tilespmem:s9+$0x40] =	vst v6;
	v2 =	vadd.f32 v49, v2  }
0x162: {  	v6 =	vld [tilespmem:s8+$0x50]  }
0x163: {  	v50 =	vld [tilespmem:s13+$0x50];
	[tilespmem:s9+$0xFFFFFFC0] =	vst v2  }
0x164: {  	v2 =	vld [tilespmem:s8+$0xFFFFFFD0]  }
0x165: {  	v51 =	vld [tilespmem:s13+$0xFFFFFFD0]  }
0x166: {  	v3 =	vadd.f32 v4, v3;
	_ =	sdelay $0x1  }
0x167: {  	[tilespmem:s14+$0xFFFFFFD0] =	vst v3;
	v52 =	vadd.f32 v50, v6  }
0x168: {  	v53 =	vld [tilespmem:s16+$0xFFFFFFE0]  }
0x169: {  	v54 =	vld [tilespmem:s22+$0xFFFFFFE0];
	[tilespmem:s9+$0x50] =	vst v52;
	v2 =	vadd.f32 v51, v2  }
0x16a: {  	v3 =	vld [tilespmem:s8+$0x60]  }
0x16b: {  	v55 =	vld [tilespmem:s13+$0x60];
	[tilespmem:s9+$0xFFFFFFD0] =	vst v2  }
0x16c: {  	v2 =	vld [tilespmem:s8+$0xFFFFFFE0]  }
0x16d: {  	v56 =	vld [tilespmem:s13+$0xFFFFFFE0]  }
0x16e: {  	[tilespmem:s14+$0x60] =	vst v5;
	v4 =	vadd.f32 v54, v53  }
0x16f: {  	v5 =	vld [tilespmem:s16+$0x70]  }
0x170: {  	v57 =	vld [tilespmem:s22+$0x70];
	[tilespmem:s14+$0xFFFFFFE0] =	vst v4;
	v3 =	vadd.f32 v55, v3  }
0x171: {  	v4 =	vld [tilespmem:s16+$0xFFFFFFF0]  }
0x172: {  	v58 =	vld [tilespmem:s22+$0xFFFFFFF0];
	[tilespmem:s9+$0x60] =	vst v3;
	v2 =	vadd.f32 v56, v2  }
0x173: {  	v3 =	vld [tilespmem:s8+$0x70]  }
0x174: {  	v59 =	vld [tilespmem:s13+$0x70];
	[tilespmem:s9+$0xFFFFFFE0] =	vst v2  }
0x175: {  	v2 =	vld [tilespmem:s8+$0xFFFFFFF0]  }
0x176: {  	v9 =	vld [tilespmem:s13+$0xFFFFFFF0]  }
0x177: {  	v0 =	vadd.f32 v1, v0  }
0x178: {  	v60 =	vadd.f32 v57, v5  }
0x179: {  	[tilespmem:s20+$0xFFFFFFF0] =	vst v0;
	v61 =	vadd.f32 v58, v4  }
.Ltmp4:
0x17a: {  	[tilespmem:s14+$0x70] =	vst v60;
	v62 =	vadd.f32 v59, v3;
	(pc) =	sbr.rel @p2 .LBB2_8-.Ltmp4, $4  }
0x17b: {  	[tilespmem:s14+$0xFFFFFFF0] =	vst v61;
	v63 =	vadd.f32 v9, v2  }
0x17c: {  	s2 =	sshll.u32 s12, $0x4;
	[tilespmem:s9+$0x70] =	vst v62  }
0x17d: {  	s2 =	sadd.s32 s6, s2;
	[tilespmem:s9+$0xFFFFFFF0] =	vst v63  }
0x17e: {  	[hbm4b:s2+s5] =	stream.linear.scatter [tilespmem:s30], [sflag:$0x6], $0x2800, $0x38;
	[tilespmem:$0x12800] =	vst v63  }
.Ltmp5:
0x17f: {  	(pc) =	sbr.rel .LBB2_2-.Ltmp5, $4  }
0x180: {  	s2 =	sadd.s32 $0x2180, s18  }
0x181: {  	[tilespmem:s21], [sflag:$0x2] =	stream.indirect.gather [spmem:s3], $0x80, s2, s17, $0xb8;
	[tilespmem:$0x12800] =	vst v63  }
0x182: {  	s31 =	sadd.s32 $0x2D80, s18;
	s1 =	sadd.s32 $0x1, s1  }
0x183: {  	[tilespmem:s23], [sflag:$0x4] =	stream.indirect.gather [spmem:s4], $0x80, s31, s17, $0xb8;
	[tilespmem:$0x12800] =	vst v63  }
.LBB2_9:
0x184: {  	_ =	sfence.sel $0x180000  }
0x185: {  	[bflag:$0x0] =	sbarrier.arrive $0xFFFF  }
0x186: {  	_ =	strace $0x9000004A  }
0x187: {  	[bflag:$0x2] =	sbarrier.arrive $0xFFFF  }
0x188: {  	s0 =	rddreg [dreg:$0x5]  }
0x189: {  	s0 =	sadd.s32 @!p0 $0x100000, s0  }
0x18a: {  	[sflag:s0] =	ssyncadd.tile.s32 @!p0 $0x1;
	_ =	shalt  }
.Lfunc_end2:
_tile_overlayer_lowered:
.L_overlay_start_2:
0x18b: {  	(tag) =	ssettag $0x2  }
0x18c: {  	s0 =	rddreg [dreg:$0x0];
	s2 =	stileid.u32  }
0x18d: {  	s1 =	rddreg [dreg:$0x1];
	p0 =	sne.s32 s2, $0x0  }
0x18e: {  	s3 =	rddreg [dreg:$0x2];
	[bflag:$0x3] =	sbarrier.arrive $0xFFFF;
	s2 =	simm.s32 @!p0 $0x1C07  }
0x18f: {  	[timem:s3], [sflag:s2] =	dma.local @!p0 [hbm:s0], s1  }
0x190: {  	s0 =	simm.s32 @!p0 $0x7  }
0x191: {  	_ =	swait.ge @!p0 [sflag:s0], s1  }
0x192: {  	s1 =	ssub.s32 @!p0 $0x0, s1;
	[sflag:s0] =	ssyncset.done @!p0 $0x0  }
0x193: {  	[sflag:s0] =	ssyncadd.s32 @!p0 s1  }
0x194: {  	[bflag:$0x3] =	sbarrier.arrive $0xFFFF  }
0x195: {  	_ =	shalt  }

// kernel: kernel.16.cloned.1.call-start
scs
__scs_entry_jumppad:
0x0: {  	(pc) =	sbr.rel $0x88, $3  }
0x1: {  	(tag) =	ssettag $0x0;
	lr =	simm.s32 $0x1  }
0x2: {  	[smem:$0x3F99] =	sst lr;
	_ =	strace $0xD0000000  }
0x3: {  	_ = 	snop  }
0x4: {  	_ = 	snop  }
0x5: {  	_ = 	snop  }
0x6: {  	_ = 	snop  }
0x7: {  	_ = 	snop  }
__scs_overlays_trampoline_lowered:
0x8: {  	[smem:$0x3FA8] =	sst s0  }
0x9: {  	[smem:$0x3FA9] =	sst s1  }
0xa: {  	[smem:$0x3FAA] =	sst s2  }
0xb: {  	[smem:$0x3FAB] =	sst s3  }
0xc: {  	[smem:$0x3FAC] =	sst s4  }
0xd: {  	[smem:$0x3FAD] =	sst s5  }
0xe: {  	[smem:$0x3FAE] =	sst s6  }
0xf: {  	[smem:$0x3FAF] =	sst s7  }
0x10: {  	[smem:$0x3FB0] =	sst s8  }
0x11: {  	[smem:$0x3FB1] =	sst s9;
	s0 =	simm.s32 @!p0 $0x0  }
0x12: {  	s1 =	sld [smem:$0x3F97];
	s0 =	simm.s32 @p0 $0x1  }
0x13: {  	[smem:$0x3FB2] =	sst s0;
	s0 =	simm.s32 @!p1 $0x0  }
0x14: {  	s2 =	sld [smem:$0x3F96];
	s0 =	simm.s32 @p1 $0x1  }
0x15: {  	[smem:$0x3FB3] =	sst s0;
	s0 =	simm.s32 @!p2 $0x0  }
0x16: {  	s3 =	sld [smem:$0x3FDB];
	s0 =	simm.s32 @p2 $0x1  }
0x17: {  	s4 =	simm.s32 $0x1BF5;
	[smem:$0x3FB5] =	sst s0  }
0x18: {  	s0 =	sld [smem:$0x3F98];
	_ =	swait.ge [sflag:s4], $0x0  }
0x19: {  	s7 =	sld [smem:$0x3F99]  }
0x1a: {  	s8 =	sadd.s32 $0xFFFFE003, lr  }
0x1b: {  	s9 =	sadd.s32 $0xFFFFFEF7, lr;
	s5 =	simm.s32 $0xFFFFFFFF;
	p2 =	slt.u32 s8, $0xFFFFF086  }
0x1c: {  	p1 =	slt.u32 s9, $0xF7A;
	s5 =	simm.s32 @!p2 $0x0  }
0x1d: {  	s5 =	simm.s32 @p1 $0x1;
	p0 =	seq.s32 s7, s2  }
0x1e: {  	s7 =	smul.u32 @!p0 $0xF7A, s2;
	p2 =	seq.s32 @!p0 s5, $0x0  }
0x1f: {  	s9 =	smul.u32 $0xF7A, s1;
	s8 =	simm.s32 @!p0 $0x1BF5;
	p2 =	por !p2, p0  }
0x20: {  	[sflag:s8] =	ssyncset.s32 @!p0 $0xFFFFF086;
	s6 =	sadd.s32 @!p0 s3, s7;
	s7 =	simm.s32 @!p0 $0x108  }
0x21: {  	s3 =	sadd.s32 s3, s9;
	s6 =	sadd.s32 @!p0 $0x88, s6;
	s7 =	simm.s32 @p2 $0x1082  }
0x22: {  	[simem:s7], [sflag:s8] =	dma.local @!p0 [hbm:s6], $0xF7A  }
0x23: {  	s9 =	sor.u32 $0xD0000000, s2;
	s6 =	simm.s32 $0x108;
	_ =	swait.ge @!p0 [sflag:s8], $0x0  }
0x24: {  	s3 =	sadd.s32 $0x88, s3;
	s6 =	simm.s32 @!p1 $0x1082;
	[sflag:s4] =	ssyncset.s32 $0xFFFFF086  }
0x25: {  	[simem:s6], [sflag:s4] =	dma.local [hbm:s3], $0xF7A  }
0x26: {  	[smem:$0x3F99] =	sst s1;
	(tag) =	ssettag s2;
	_ =	strace s9  }
0x27: {  	s1 =	sld [smem:$0x3FA9]  }
0x28: {  	s2 =	sld [smem:$0x3FAA]  }
0x29: {  	s4 =	sld [smem:$0x3FAC]  }
0x2a: {  	p0 =	seq.s32 s5, $0x0;
	s5 =	sld [smem:$0x3FAD]  }
0x2b: {  	s6 =	sld [smem:$0x3FAE]  }
0x2c: {  	s7 =	sld [smem:$0x3FAF]  }
0x2d: {  	s3 =	simm.s32 $0x108;
	s8 =	sld [smem:$0x3FB0]  }
0x2e: {  	s3 =	simm.s32 @!p0 $0x1082;
	s9 =	sld [smem:$0x3FB1]  }
0x2f: {  	lr =	sadd.s32 s0, s3;
	s0 =	sld [smem:$0x3FA8]  }
0x30: {  	s3 =	sld [smem:$0x3FAB]  }
0x31: {  	[smem:$0x3FB4] =	sst s10  }
0x32: {  	s10 =	sld [smem:$0x3FB2];
	_ =	sdelay $0x3  }
0x33: {  	p0 =	seq.s32 s10, $0x1;
	s10 =	sld [smem:$0x3FB4];
	_ =	sdelay $0x3  }
0x34: {  	[smem:$0x3FB4] =	sst s10  }
0x35: {  	s10 =	sld [smem:$0x3FB3];
	_ =	sdelay $0x3  }
0x36: {  	p1 =	seq.s32 s10, $0x1;
	s10 =	sld [smem:$0x3FB4];
	_ =	sdelay $0x3  }
0x37: {  	[smem:$0x3FB4] =	sst s10  }
0x38: {  	s10 =	sld [smem:$0x3FB5]  }
0x39: {  	_ = 	snop;
	(pc) =	sbr.ind lr, $3  }
0x3a: {  	_ = 	snop  }
0x3b: {  	_ = 	snop  }
0x3c: {  	p2 =	seq.s32 s10, $0x1;
	s10 =	sld [smem:$0x3FB4]  }
0x3d: {  	_ =	shalt  }
0x3e: {  	_ =	shalt  }
0x3f: {  	_ =	shalt  }
0x40: {  	_ =	shalt  }
0x41: {  	_ =	shalt  }
0x42: {  	_ =	shalt  }
0x43: {  	_ =	shalt  }
0x44: {  	_ =	shalt  }
0x45: {  	_ =	shalt  }
0x46: {  	_ =	shalt  }
0x47: {  	_ =	shalt  }
0x48: {  	_ =	shalt  }
0x49: {  	_ =	shalt  }
0x4a: {  	_ =	shalt  }
0x4b: {  	_ =	shalt  }
0x4c: {  	_ =	shalt  }
0x4d: {  	_ =	shalt  }
0x4e: {  	_ =	shalt  }
0x4f: {  	_ =	shalt  }
0x50: {  	_ =	shalt  }
0x51: {  	_ =	shalt  }
0x52: {  	_ =	shalt  }
0x53: {  	_ =	shalt  }
0x54: {  	_ =	shalt  }
0x55: {  	_ =	shalt  }
0x56: {  	_ =	shalt  }
0x57: {  	_ =	shalt  }
0x58: {  	_ =	shalt  }
0x59: {  	_ =	shalt  }
0x5a: {  	_ =	shalt  }
0x5b: {  	_ =	shalt  }
0x5c: {  	_ =	shalt  }
0x5d: {  	_ =	shalt  }
0x5e: {  	_ =	shalt  }
0x5f: {  	_ =	shalt  }
0x60: {  	_ =	shalt  }
0x61: {  	_ =	shalt  }
0x62: {  	_ =	shalt  }
0x63: {  	_ =	shalt  }
0x64: {  	_ =	shalt  }
0x65: {  	_ =	shalt  }
0x66: {  	_ =	shalt  }
0x67: {  	_ =	shalt  }
0x68: {  	_ =	shalt  }
0x69: {  	_ =	shalt  }
0x6a: {  	_ =	shalt  }
0x6b: {  	_ =	shalt  }
0x6c: {  	_ =	shalt  }
0x6d: {  	_ =	shalt  }
0x6e: {  	_ =	shalt  }
0x6f: {  	_ =	shalt  }
0x70: {  	_ =	shalt  }
0x71: {  	_ =	shalt  }
0x72: {  	_ =	shalt  }
0x73: {  	_ =	shalt  }
0x74: {  	_ =	shalt  }
0x75: {  	_ =	shalt  }
0x76: {  	_ =	shalt  }
0x77: {  	_ =	shalt  }
0x78: {  	_ =	shalt  }
0x79: {  	_ =	shalt  }
0x7a: {  	_ =	shalt  }
0x7b: {  	_ =	shalt  }
0x7c: {  	_ =	shalt  }
0x7d: {  	_ =	shalt  }
0x7e: {  	_ =	shalt  }
0x7f: {  	_ =	shalt  }
0x80: {  	_ =	shalt  }
0x81: {  	_ =	shalt  }
0x82: {  	_ =	shalt  }
0x83: {  	_ =	shalt  }
0x84: {  	_ =	shalt  }
0x85: {  	_ =	shalt  }
0x86: {  	_ =	shalt  }
0x87: {  	_ =	shalt  }
.Lfunc_end0:
.L_simem_size_0:
called_computation.2_lowered:
.L_overlay_start_0:
0x88: {  	s2 =	sld [smem:$0x3FD9]  }
0x89: {  	s3 =	sld [smem:$0x3FFE];
	_ =	sdelay $0x1  }
0x8a: {  	s1 =	srdreg.scid  }
0x8b: {  	s0 =	sand.u32 $0x1, s1  }
0x8c: {  	s17 =	sshll.u32 s0, $0xA;
	s2 =	sadd.s32 s3, s2  }
0x8d: {  	s2 =	sadd.s32 s2, s17  }
0x8e: {  	[smem:$0x3FC0] =	sst s2  }
0x8f: {  	_ = 	snop  }
0x90: {  	s18 =	sld [smem:$0x3FC4]  }
0x91: {  	s4 =	sld [smem:$0x3FC3];
	(tm) =	ssettm $0x1  }
0x92: {  	s19 =	sld [smem:$0x3FFB];
	_ =	sdelay $0x3  }
0x93: {  	_ =	strace s19  }
0x94: {  	s2 =	sld [smem:$0x3FFC];
	_ =	sdelay $0x3  }
0x95: {  	_ =	strace s2  }
0x96: {  	s2 =	sld [smem:$0x3FFD];
	_ =	sdelay $0x3  }
0x97: {  	_ =	strace s2  }
0x98: {  	_ =	strace $0x8FFFFFFF  }
0x99: {  	s20 =	sld [smem:$0x3FDB];
	_ =	sdelay $0x1  }
0x9a: {  	s5 =	simm.s32 $_scs_section_size  }
0x9b: {  	s6 =	simm.s32 $_size__tile_overlayer_lowered;
	s7 =	simm.s32 $_tile_overlayer_lowered  }
0x9c: {  	s8 =	simm.s32 $0x1BFF;
	s21 =	sshll.u32 s7, $0x1;
	s5 =	sadd.s32 s5, s20  }
0x9d: {  	s22 =	simm.s32 $0x0;
	s6 =	sshll.u32 s6, $0x1;
	s7 =	sadd.s32 s21, s5  }
0x9e: {  	[timem:s22], [sflag:s8] =	dma.local [hbm:s7], s6  }
0x9f: {  	_ =	swait.ge [sflag:s8], s6  }
0xa0: {  	s6 =	ssub.s32 $0x0, s6;
	[sflag:s8] =	ssyncset.done $0x0  }
0xa1: {  	[sflag:s8] =	ssyncadd.s32 s6;
	_ =	sdelay $0x1  }
0xa2: {  	s23 =	simm.s32 $0x1B8B  }
0xa3: {  	_ =	swait.ge [sflag:s23], $0x1  }
0xa4: {  	[sflag:s23] =	ssyncset.done $0x0  }
0xa5: {  	[sflag:s23] =	ssyncadd.s32 $0xFFFFFFFF  }
0xa6: {  	s6 =	sld [smem:$0x0]  }
0xa7: {  	s7 =	sand.u32 $0xFFFFFFFE, s1  }
0xa8: {  	p0 =	sne.s32 s1, s7  }
0xa9: {  	s7 =	sshll.u32 @p0 s7, $0xE  }
0xaa: {  	s7 =	sadd.s32 @p0 $0x11B8D, s7;
	s8 =	sshll.u32 @p0 s6, $0x11  }
0xab: {  	s7 =	sor.u32 @p0 s8, s7  }
0xac: {  	[sflag:s7] =	ssyncadd.remote.s32 @p0 $0x1;
	_ =	sdelay $0x1  }
0xad: {  	s7 =	simm.s32 @p0 $0x1B8D  }
0xae: {  	_ =	swait.eq @p0 [sflag:s7], $0x1  }
0xaf: {  	[sflag:s7] =	ssyncadd.s32 @p0 $0xFFFFFFFF  }
0xb0: {  	s8 =	sshll.u32 @!p0 s1, $0xE  }
0xb1: {  	s8 =	sor.u32 @!p0 $0x4000, s8;
	s7 =	simm.s32 @!p0 $0x1B8D  }
0xb2: {  	s6 =	sshll.u32 @!p0 s6, $0x11;
	s8 =	sadd.s32 @!p0 $0x11B8D, s8;
	_ =	swait.eq @!p0 [sflag:s7], $0x1  }
0xb3: {  	s6 =	sor.u32 @!p0 s6, s8;
	[sflag:s7] =	ssyncadd.s32 @!p0 $0xFFFFFFFF  }
0xb4: {  	s25 =	simm.s32 $0x1B8E;
	s24 =	sld [smem:$0x3FFE];
	[sflag:s6] =	ssyncadd.remote.s32 @!p0 $0x1  }
0xb5: {  	s26 =	simm.s32 $execute0_lowered;
	[smem:$0x3FD2] =	sst s25  }
0xb6: {  	s7 =	sshll.u32 s26, $0x1;
	_ =	strace $0x8000004C;
	[dreg:$0x1] =	wrdreg $0xFFFFFFFF  }
0xb7: {  	s28 =	simm.s32 $_size_execute0_lowered;
	s5 =	sadd.s32 s5, s7;
	[dreg:$0x0] =	wrdreg $0x0  }
0xb8: {  	s7 =	sshll.u32 s28, $0x1;
	[dreg:$0x2] =	wrdreg s5  }
0xb9: {  	[dreg:$0x3] =	wrdreg s7  }
0xba: {  	[dreg:$0x4] =	wrdreg $0xC0  }
0xbb: {  	_ =	task [dreg:s22], $0x5FFFF  }
0xbc: {  	[dreg:$0x1] =	wrdreg $0xFFFFFFFF  }
0xbd: {  	[dreg:$0x0] =	wrdreg $0x60  }
0xbe: {  	[dreg:$0x2] =	wrdreg s18  }
0xbf: {  	[dreg:$0x3] =	wrdreg s4  }
0xc0: {  	[dreg:$0x4] =	wrdreg s24  }
0xc1: {  	[dreg:$0x5] =	wrdreg $0x0  }
0xc2: {  	[dreg:$0x6] =	wrdreg $0x10000  }
0xc3: {  	[dreg:$0x7] =	wrdreg $0xB  }
0xc4: {  	_ =	task.clear_ibuf [dreg:s22], $0x8FFFF;
	_ =	strace $0x9000004C  }
0xc5: {  	s29 =	simm.s32 $0xB;
	_ =	strace $0x8000004E  }
0xc6: {  	_ =	swait.ge [sflag:s29], $0x1  }
0xc7: {  	[sflag:s29] =	ssyncadd.s32 $0xFFFFFFFF  }
0xc8: {  	_ =	strace $0x9000004E  }
0xc9: {  	_ =	sfence  }
0xca: {  	s30 =	sld [smem:$0x0];
	_ =	sdelay $0x2  }
0xcb: {  	s31 =	sshll.u32 s1, $0xD;
	s1 =	sshrl.u32 s1, $0x2  }
0xcc: {  	s4 =	sand.u32 $0x4000, s31;
	s1 =	sadd.s32 s1, s30  }
0xcd: {  	s0 =	sor.u32 s4, s0;
	s1 =	sshll.u32 s1, $0x11  }
0xce: {  	s0 =	sor.u32 s1, s0  }
0xcf: {  	s0 =	sadd.s32 $0x8F2B, s0  }
0xd0: {  	[sflag:s0] =	ssyncadd.remote.s32 $0x1  }
0xd1: {  	_ =	sfence.sel $0xFFFF  }
0xd2: {  	[dreg:$0x0] =	wrdreg $0xFFFFFFFF;
	(pc) =	sbr.abs _section_cstart, $3  }
0xd3: {  	[dreg:$0x1] =	wrdreg $0xFFFFFFFF  }
0xd4: {  	_ =	task.clear_ibuf [dreg:s22], $0x2FFFF;
	_ =	strace $0x9FFFFFFF  }
0xd5: {  	(tm) =	ssettm $0x7FFFFFFF  }
tec
execute0_lowered:
.L_overlay_start_1:
0x0: {  	(tag) =	ssettag $0x1  }
0x1: {  	s0 =	rddreg [dreg:$0x2]  }
0x2: {  	s1 =	srdreg.scid;
	s3 =	rddreg [dreg:$0x3]  }
0x3: {  	s2 =	stileid.u32;
	s4 =	rddreg [dreg:$0x4];
	s15 =	simm.s32 $0x7  }
0x4: {  	s17 =	simm.s32 $0x50;
	s21 =	simm.s32 $0x6000;
	s23 =	simm.s32 $0xB000  }
0x5: {  	s24 =	simm.s32 $0x1;
	s1 =	sand.u32 $0x1, s1;
	s5 =	sshll.u32 s2, $0x1  }
0x6: {  	s28 =	simm.s32 $0x2;
	s29 =	simm.s32 $0x4;
	s7 =	sor.u32 s1, s5  }
0x7: {  	s5 =	simm.s32 $0x0;
	s1 =	ssub.s32 $0x2, s1;
	s6 =	smul.u32 $0x180, s7  }
0x8: {  	s30 =	simm.s32 $0x10000;
	[smem:$0x7FF] =	sst s5;
	s25 =	sshrl.u32 s1, $0x1  }
0x9: {  	s7 =	smul.u32 $0x640, s7;
	_ =	strace $0x8000004D;
	s8 =	sadd.s32 s6, s0  }
0xa: {  	s6 =	sadd.s32 $0xD9C00, s0;
	s0 =	ssub.s32 s1, s25;
	s26 =	sadd.s32 $0xD3C00, s8  }
.Ltmp0:
0xb: {  	s31 =	sadd.s32 $0xD6C00, s8;
	[dreg:$0x6] =	wrdreg s26;
	(pc) =	sbr.rel .LBB2_1-.Ltmp0, $4  }
0xc: {  	p0 =	sne.s32 s2, $0x0;
	s0 =	smax.u32 s0, $0x1;
	[dreg:$0x7] =	wrdreg s31  }
0xd: {  	s10 =	sadd.s32 $0x50, s7;
	[dreg:$0x8] =	wrdreg s0;
	s0 =	sshrl.u32 @!p0 s3, $0x3  }
0xe: {  	s25 =	simm.s32 $0x3;
	[dreg:$0x9] =	wrdreg s0;
	s0 =	sshrl.u32 @!p0 s4, $0x3  }
0xf: {  	s26 =	simm.s32 $0xD800;
	[dreg:$0xa] =	wrdreg s0;
	s0 =	simm.s32 $0x0  }
.LBB2_8:
0x10: {  	s1 =	simm.s32 $0x5  }
0x11: {  	_ =	swait.ge [sflag:s1], $0x2800  }
0x12: {  	[sflag:s1] =	ssyncset.done $0x0  }
0x13: {  	s2 =	simm.s32 $0x6;
	[sflag:s1] =	ssyncadd.s32 $0xFFFFD800  }
0x14: {  	_ =	swait.ge [sflag:s2], $0x2800  }
0x15: {  	s0 =	sadd.s32 $0x1, s0;
	s31 =	rddreg [dreg:$0x8]  }
0x16: {  	p1 =	sne.s32 s0, s31  }
.Ltmp1:
0x17: {  	_ = 	snop;
	(pc) =	sbr.rel @!p1 .LBB2_9-.Ltmp1, $3  }
0x18: {  	_ =	sdelay $0x1  }
0x19: {  	[sflag:s2] =	ssyncset.done $0x0  }
0x1a: {  	[sflag:s2] =	ssyncadd.s32 $0xFFFFD800  }
.LBB2_1:
0x1b: {  	s2 =	rddreg [dreg:$0x0]  }
0x1c: {  	s1 =	simm.s32 @!p0 $0x1C07;
	s8 =	rddreg [dreg:$0x9]  }
0x1d: {  	[spmem:s8], [sflag:s1] =	dma.local @!p0 [hbm:s2], $0x2000  }
0x1e: {  	s2 =	simm.s32 @!p0 $0x7  }
0x1f: {  	_ =	swait.ge @!p0 [sflag:s2], $0x2000  }
0x20: {  	[sflag:s2] =	ssyncset.done @!p0 $0x0  }
0x21: {  	s9 =	rddreg [dreg:$0xa];
	[sflag:s2] =	ssyncadd.s32 @!p0 $0xFFFFE000  }
0x22: {  	s8 =	rddreg [dreg:$0x1]  }
0x23: {  	[spmem:s9], [sflag:s1] =	dma.local @!p0 [hbm:s8], $0x2000  }
0x24: {  	_ =	swait.ge @!p0 [sflag:s2], $0x2000  }
0x25: {  	[sflag:s2] =	ssyncset.done @!p0 $0x0  }
0x26: {  	s14 =	simm.s32 $0x2000;
	s13 =	rddreg [dreg:$0x6];
	[sflag:s2] =	ssyncadd.s32 @!p0 $0xFFFFE000  }
0x27: {  	[tilespmem:s14], [sflag:$0x7] =	stream.linear.gather [hbm4b:s13+s5], $0xA00, $0x38;
	[tilespmem:$0x12800] =	vst v63  }
0x28: {  	_ =	swait.ge [sflag:s15], $0xA00  }
0x29: {  	[sflag:s15] =	ssyncset.done $0x0  }
0x2a: {  	s18 =	simm.s32 $0x2C00;
	s16 =	rddreg [dreg:$0x7];
	[sflag:s15] =	ssyncadd.s32 $0xFFFFF600  }
0x2b: {  	[tilespmem:s18], [sflag:$0x7] =	stream.linear.gather [hbm4b:s16+s5], $0xA00, $0x38;
	[tilespmem:$0x12800] =	vst v63  }
0x2c: {  	_ =	swait.ge [sflag:s15], $0xA00  }
0x2d: {  	[sflag:s15] =	ssyncset.done $0x0  }
0x2e: {  	[sflag:s15] =	ssyncadd.s32 $0xFFFFF600  }
0x2f: {  	s19 =	simm.s32 $0x3800;
	[bflag:$0x0] =	sbarrier.arrive $0xFFFF  }
0x30: {  	[tilespmem:s19], [sflag:$0x1] =	stream.indirect.gather [spmem:s3], $0x80, s14, s17, $0xb8;
	[tilespmem:$0x12800] =	vst v63  }
0x31: {  	s20 =	simm.s32 $0x8800  }
0x32: {  	[tilespmem:s20], [sflag:$0x3] =	stream.indirect.gather [spmem:s4], $0x80, s18, s17, $0xb8;
	[tilespmem:$0x12800] =	vst v63  }
0x33: {  	s22 =	simm.s32 $0x2080  }
0x34: {  	[tilespmem:s21], [sflag:$0x2] =	stream.indirect.gather [spmem:s3], $0x80, s22, s17, $0xb8;
	[tilespmem:$0x12800] =	vst v63  }
0x35: {  	s31 =	simm.s32 $0x2C80;
	s1 =	simm.s32 $0x0  }
0x36: {  	[tilespmem:s23], [sflag:$0x4] =	stream.indirect.gather [spmem:s4], $0x80, s31, s17, $0xb8;
	[tilespmem:$0x12800] =	vst v63  }
.LBB2_2:
0x37: {  	_ =	swait.ge [sflag:s24], $0x2800  }
0x38: {  	[sflag:s24] =	ssyncset.done $0x0  }
0x39: {  	[sflag:s24] =	ssyncadd.s32 $0xFFFFD800  }
0x3a: {  	_ =	swait.ge [sflag:s25], $0x2800  }
0x3b: {  	p1 =	seq.s32 s1, $0x0;
	[sflag:s25] =	ssyncset.done $0x0  }
0x3c: {  	s2 =	simm.s32 @!p1 $0x5;
	[sflag:s25] =	ssyncadd.s32 $0xFFFFD800  }
0x3d: {  	_ =	swait.ge @!p1 [sflag:s2], $0x2800  }
0x3e: {  	[sflag:s2] =	ssyncset.done @!p1 $0x0  }
0x3f: {  	s13 =	simm.s32 $0x3880;
	[sflag:s2] =	ssyncadd.s32 @!p1 $0xFFFFD800  }
0x40: {  	s12 =	simm.s32 $0x8880;
	v0 =	vld [tilespmem:s13+$0x0]  }
0x41: {  	v1 =	vld [tilespmem:s12+$0x0];
	_ =	sdelay $0x4  }
0x42: {  	v0 =	vadd.f32 v1, v0  }
0x43: {  	s20 =	simm.s32 $0xD880  }
0x44: {  	[tilespmem:s20+$0x0] =	vst v0  }
0x45: {  	v0 =	vld [tilespmem:s13+$0x10]  }
0x46: {  	v1 =	vld [tilespmem:s12+$0x10]  }
0x47: {  	v2 =	vld [tilespmem:s12+$0xFFFFFF80]  }
0x48: {  	v3 =	vld [tilespmem:s13+$0xFFFFFF80];
	_ =	sdelay $0x2  }
0x49: {  	v0 =	vadd.f32 v1, v0;
	_ =	sdelay $0x1  }
0x4a: {  	[tilespmem:s20+$0x10] =	vst v0;
	v0 =	vadd.f32 v2, v3  }
0x4b: {  	v1 =	vld [tilespmem:s13+$0x20]  }
0x4c: {  	v2 =	vld [tilespmem:s12+$0x20];
	[tilespmem:s20+$0xFFFFFF80] =	vst v0  }
0x4d: {  	v0 =	vld [tilespmem:s13+$0xFFFFFF90]  }
0x4e: {  	v3 =	vld [tilespmem:s12+$0xFFFFFF90];
	_ =	sdelay $0x2  }
0x4f: {  	v1 =	vadd.f32 v2, v1;
	_ =	sdelay $0x1  }
0x50: {  	[tilespmem:s20+$0x20] =	vst v1;
	v0 =	vadd.f32 v3, v0  }
0x51: {  	v1 =	vld [tilespmem:s13+$0x30]  }
0x52: {  	v2 =	vld [tilespmem:s12+$0x30];
	[tilespmem:s20+$0xFFFFFF90] =	vst v0  }
0x53: {  	v0 =	vld [tilespmem:s13+$0xFFFFFFA0]  }
0x54: {  	s14 =	simm.s32 $0x3980;
	v3 =	vld [tilespmem:s12+$0xFFFFFFA0]  }
0x55: {  	s16 =	simm.s32 $0x8980;
	v4 =	vld [tilespmem:s14+$0x0]  }
0x56: {  	v5 =	vld [tilespmem:s16+$0x0]  }
0x57: {  	v6 =	vld [tilespmem:s14+$0xFFFFFF80];
	v1 =	vadd.f32 v2, v1  }
0x58: {  	v2 =	vld [tilespmem:s16+$0xFFFFFF80]  }
0x59: {  	[tilespmem:s20+$0x30] =	vst v1;
	v0 =	vadd.f32 v3, v0  }
0x5a: {  	v1 =	vld [tilespmem:s13+$0x40]  }
0x5b: {  	v3 =	vld [tilespmem:s12+$0x40];
	[tilespmem:s20+$0xFFFFFFA0] =	vst v0;
	v0 =	vadd.f32 v5, v4  }
0x5c: {  	s22 =	simm.s32 $0xD980;
	v4 =	vld [tilespmem:s13+$0xFFFFFFB0]  }
0x5d: {  	v5 =	vld [tilespmem:s12+$0xFFFFFFB0];
	v2 =	vadd.f32 v2, v6;
	[tilespmem:s22+$0x0] =	vst v0  }
0x5e: {  	v0 =	vld [tilespmem:s14+$0x10]  }
0x5f: {  	[tilespmem:s22+$0xFFFFFF80] =	vst v2;
	v2 =	vld [tilespmem:s16+$0x10]  }
0x60: {  	v1 =	vadd.f32 v3, v1;
	v3 =	vld [tilespmem:s14+$0xFFFFFF90]  }
0x61: {  	v6 =	vld [tilespmem:s16+$0xFFFFFF90]  }
0x62: {  	[tilespmem:s20+$0x40] =	vst v1;
	v1 =	vadd.f32 v5, v4  }
0x63: {  	v4 =	vld [tilespmem:s13+$0x50]  }
0x64: {  	v5 =	vld [tilespmem:s12+$0x50];
	[tilespmem:s20+$0xFFFFFFB0] =	vst v1;
	v0 =	vadd.f32 v2, v0  }
0x65: {  	v1 =	vld [tilespmem:s13+$0xFFFFFFC0]  }
0x66: {  	v2 =	vld [tilespmem:s12+$0xFFFFFFC0];
	v3 =	vadd.f32 v6, v3;
	[tilespmem:s22+$0x10] =	vst v0  }
0x67: {  	v0 =	vld [tilespmem:s14+$0x20]  }
0x68: {  	[tilespmem:s22+$0xFFFFFF90] =	vst v3;
	v3 =	vld [tilespmem:s16+$0x20]  }
0x69: {  	v4 =	vadd.f32 v5, v4;
	v5 =	vld [tilespmem:s14+$0xFFFFFFA0]  }
0x6a: {  	v6 =	vld [tilespmem:s16+$0xFFFFFFA0]  }
0x6b: {  	s11 =	simm.s32 $0x8A80  }
0x6c: {  	v8 =	vld [tilespmem:s11+$0x0];
	[tilespmem:s20+$0x50] =	vst v4  }
0x6d: {  	v1 =	vadd.f32 v2, v1;
	v2 =	vld [tilespmem:s13+$0x60];
	v0 =	vadd.f32 v3, v0  }
0x6e: {  	s8 =	simm.s32 $0x3A80;
	v4 =	vld [tilespmem:s12+$0x60]  }
0x6f: {  	v9 =	vld [tilespmem:s8+$0xFFFFFF80];
	v5 =	vadd.f32 v6, v5;
	[tilespmem:s22+$0x20] =	vst v0  }
0x70: {  	[tilespmem:s20+$0xFFFFFFC0] =	vst v1;
	v0 =	vld [tilespmem:s14+$0x30]  }
0x71: {  	[tilespmem:s22+$0xFFFFFFA0] =	vst v5;
	v5 =	vld [tilespmem:s16+$0x30]  }
0x72: {  	v1 =	vld [tilespmem:s13+$0xFFFFFFD0]  }
0x73: {  	v3 =	vld [tilespmem:s12+$0xFFFFFFD0];
	v2 =	vadd.f32 v4, v2  }
0x74: {  	v6 =	vld [tilespmem:s8+$0x0]  }
0x75: {  	v4 =	vld [tilespmem:s14+$0xFFFFFFB0];
	[tilespmem:s20+$0x60] =	vst v2  }
0x76: {  	v2 =	vld [tilespmem:s13+$0x70];
	v0 =	vadd.f32 v5, v0  }
0x77: {  	v7 =	vld [tilespmem:s12+$0x70]  }
0x78: {  	v5 =	vld [tilespmem:s11+$0xFFFFFF80];
	[tilespmem:s22+$0x30] =	vst v0  }
0x79: {  	v0 =	vadd.f32 v3, v1;
	v1 =	vld [tilespmem:s14+$0x40]  }
0x7a: {  	v3 =	vld [tilespmem:s16+$0x40]  }
0x7b: {  	[tilespmem:s20+$0xFFFFFFD0] =	vst v0;
	v0 =	vadd.f32 v8, v6;
	v6 =	vld [tilespmem:s16+$0xFFFFFFB0]  }
0x7c: {  	s9 =	simm.s32 $0xDA80;
	v8 =	vld [tilespmem:s13+$0xFFFFFFE0]  }
0x7d: {  	v5 =	vadd.f32 v5, v9;
	[tilespmem:s9+$0x0] =	vst v0;
	v0 =	vld [tilespmem:s12+$0xFFFFFFE0]  }
0x7e: {  	v61 =	vld [tilespmem:s8+$0x10]  }
0x7f: {  	[tilespmem:s9+$0xFFFFFF80] =	vst v5;
	v5 =	vld [tilespmem:s11+$0x10];
	v1 =	vadd.f32 v3, v1  }
0x80: {  	v3 =	vld [tilespmem:s8+$0xFFFFFF90]  }
0x81: {  	v4 =	vadd.f32 v6, v4;
	v6 =	vld [tilespmem:s11+$0xFFFFFF90];
	[tilespmem:s22+$0x40] =	vst v1  }
0x82: {  	v1 =	vld [tilespmem:s14+$0x50]  }
0x83: {  	[tilespmem:s22+$0xFFFFFFB0] =	vst v4;
	v0 =	vadd.f32 v0, v8;
	v4 =	vld [tilespmem:s16+$0x50]  }
0x84: {  	v5 =	vadd.f32 v5, v61;
	v8 =	vld [tilespmem:s14+$0xFFFFFFC0]  }
0x85: {  	v62 =	vld [tilespmem:s16+$0xFFFFFFC0];
	[tilespmem:s20+$0xFFFFFFE0] =	vst v0  }
0x86: {  	v3 =	vadd.f32 v6, v3;
	[tilespmem:s9+$0x10] =	vst v5;
	v0 =	vld [tilespmem:s13+$0xFFFFFFF0]  }
0x87: {  	v5 =	vld [tilespmem:s8+$0x20]  }
0x88: {  	[tilespmem:s9+$0xFFFFFF90] =	vst v3;
	v3 =	vld [tilespmem:s11+$0x20];
	v1 =	vadd.f32 v4, v1  }
0x89: {  	v6 =	vld [tilespmem:s8+$0xFFFFFFA0]  }
0x8a: {  	v10 =	vld [tilespmem:s11+$0xFFFFFFA0];
	v4 =	vadd.f32 v62, v8;
	[tilespmem:s22+$0x50] =	vst v1  }
0x8b: {  	v8 =	vld [tilespmem:s14+$0x60]  }
0x8c: {  	[tilespmem:s22+$0xFFFFFFC0] =	vst v4;
	v63 =	vld [tilespmem:s16+$0x60]  }
0x8d: {  	v4 =	vld [tilespmem:s16+$0xFFFFFFD0];
	v1 =	vadd.f32 v3, v5  }
0x8e: {  	v3 =	vld [tilespmem:s14+$0xFFFFFFD0]  }
0x8f: {  	v5 =	vadd.f32 v10, v6;
	[tilespmem:s9+$0x20] =	vst v1;
	v1 =	vld [tilespmem:s12+$0xFFFFFFF0]  }
0x90: {  	s19 =	smul.u32 $0xA0, s1;
	v2 =	vadd.f32 v7, v2;
	v6 =	vld [tilespmem:s8+$0x30]  }
0x91: {  	s18 =	sshll.u32 s1, $0x8;
	s31 =	simm.s32 $0x4;
	[tilespmem:s9+$0xFFFFFFA0] =	vst v5;
	v7 =	vld [tilespmem:s11+$0x30];
	v5 =	vadd.f32 v63, v8  }
0x92: {  	s2 =	simm.s32 $0x3B80;
	[tilespmem:s20+$0x70] =	vst v2;
	s13 =	simm.s32 $0x8A80;
	s12 =	sadd.s32 s7, s19;
	v2 =	vld [tilespmem:s8+$0xFFFFFFB0]  }
.LBB2_3:
0x93: {  	v8 =	vld [tilespmem:s2+$0x0];
	v3 =	vadd.f32 v4, v3;
	[tilespmem:s22+$0x60] =	vst v5  }
0x94: {  	v4 =	vld [tilespmem:s14+$0x70];
	v0 =	vadd.f32 v1, v0  }
0x95: {  	s11 =	sadd.s32 $0x100, s11;
	[tilespmem:s22+$0xFFFFFFD0] =	vst v3;
	v1 =	vld [tilespmem:s16+$0x70]  }
0x96: {  	v3 =	vld [tilespmem:s11+$0x0];
	v5 =	vadd.f32 v7, v6;
	[tilespmem:s20+$0xFFFFFFF0] =	vst v0;
	s20 =	smov.u32 s22;
	s22 =	smov.u32 s9  }
0x97: {  	v0 =	vld [tilespmem:s11+$0xFFFFFF80]  }
0x98: {  	v6 =	vld [tilespmem:s2+$0xFFFFFF80];
	[tilespmem:s9+$0x30] =	vst v5  }
0x99: {  	v5 =	vld [tilespmem:s8+$0x40]  }
0x9a: {  	v7 =	vld [tilespmem:s13+$0x40];
	v1 =	vadd.f32 v1, v4  }
0x9b: {  	v3 =	vadd.f32 v3, v8;
	v4 =	vld [tilespmem:s13+$0xFFFFFFB0]  }
0x9c: {  	s9 =	sadd.s32 $0x100, s9;
	v8 =	vld [tilespmem:s14+$0xFFFFFFE0];
	[tilespmem:s20+$0x70] =	vst v1  }
0x9d: {  	s31 =	sadd.s32 $0x2, s31;
	v0 =	vadd.f32 v0, v6;
	[tilespmem:s9+$0x0] =	vst v3;
	v1 =	vld [tilespmem:s16+$0xFFFFFFE0]  }
0x9e: {  	p2 =	slt.u32 s31, $0x4E;
	v3 =	vld [tilespmem:s2+$0x10]  }
0x9f: {  	[tilespmem:s9+$0xFFFFFF80] =	vst v0;
	v0 =	vld [tilespmem:s11+$0x10];
	v5 =	vadd.f32 v7, v5  }
0xa0: {  	v6 =	vld [tilespmem:s2+$0xFFFFFF90];
	v2 =	vadd.f32 v4, v2  }
0xa1: {  	v4 =	vld [tilespmem:s11+$0xFFFFFF90];
	[tilespmem:s22+$0x40] =	vst v5  }
0xa2: {  	[tilespmem:s22+$0xFFFFFFB0] =	vst v2;
	v2 =	vld [tilespmem:s8+$0x50];
	v1 =	vadd.f32 v1, v8  }
0xa3: {  	v5 =	vld [tilespmem:s13+$0x50]  }
0xa4: {  	v0 =	vadd.f32 v0, v3;
	v3 =	vld [tilespmem:s8+$0xFFFFFFC0];
	[tilespmem:s20+$0xFFFFFFE0] =	vst v1  }
0xa5: {  	v1 =	vld [tilespmem:s13+$0xFFFFFFC0]  }
0xa6: {  	v4 =	vadd.f32 v4, v6;
	[tilespmem:s9+$0x10] =	vst v0;
	v0 =	vld [tilespmem:s14+$0xFFFFFFF0];
	s14 =	smov.u32 s8;
	s8 =	smov.u32 s2  }
0xa7: {  	v6 =	vld [tilespmem:s2+$0x20]  }
0xa8: {  	[tilespmem:s9+$0xFFFFFF90] =	vst v4;
	v4 =	vld [tilespmem:s11+$0x20];
	v2 =	vadd.f32 v5, v2  }
0xa9: {  	v5 =	vld [tilespmem:s2+$0xFFFFFFA0]  }
0xaa: {  	v7 =	vld [tilespmem:s11+$0xFFFFFFA0];
	v1 =	vadd.f32 v1, v3;
	[tilespmem:s22+$0x50] =	vst v2  }
0xab: {  	v2 =	vld [tilespmem:s14+$0x60]  }
0xac: {  	[tilespmem:s22+$0xFFFFFFC0] =	vst v1;
	v8 =	vld [tilespmem:s13+$0x60]  }
0xad: {  	v1 =	vadd.f32 v4, v6;
	v3 =	vld [tilespmem:s14+$0xFFFFFFD0]  }
.Ltmp2:
0xae: {  	v4 =	vld [tilespmem:s13+$0xFFFFFFD0];
	(pc) =	sbr.rel @p2 .LBB2_3-.Ltmp2, $4  }
0xaf: {  	v5 =	vadd.f32 v7, v5;
	[tilespmem:s9+$0x20] =	vst v1;
	v1 =	vld [tilespmem:s16+$0xFFFFFFF0];
	s16 =	smov.u32 s13;
	s13 =	smov.u32 s11  }
0xb0: {  	v6 =	vld [tilespmem:s2+$0x30]  }
0xb1: {  	[tilespmem:s9+$0xFFFFFFA0] =	vst v5;
	v7 =	vld [tilespmem:s11+$0x30];
	v5 =	vadd.f32 v8, v2  }
0xb2: {  	s2 =	sadd.s32 $0x100, s2;
	v2 =	vld [tilespmem:s8+$0xFFFFFFB0]  }
0xb3: {  	v8 =	vld [tilespmem:s13+$0xFFFFFFB0];
	_ =	sdelay $0x2  }
0xb4: {  	v6 =	vadd.f32 v7, v6;
	_ =	sdelay $0x1  }
0xb5: {  	[tilespmem:s9+$0x30] =	vst v6;
	v2 =	vadd.f32 v8, v2  }
0xb6: {  	v6 =	vld [tilespmem:s8+$0x40]  }
0xb7: {  	v7 =	vld [tilespmem:s13+$0x40];
	[tilespmem:s9+$0xFFFFFFB0] =	vst v2  }
0xb8: {  	v2 =	vld [tilespmem:s8+$0xFFFFFFC0]  }
0xb9: {  	v8 =	vld [tilespmem:s13+$0xFFFFFFC0];
	_ =	sdelay $0x2  }
0xba: {  	v6 =	vadd.f32 v7, v6;
	_ =	sdelay $0x1  }
0xbb: {  	[tilespmem:s9+$0x40] =	vst v6;
	v2 =	vadd.f32 v8, v2  }
0xbc: {  	v6 =	vld [tilespmem:s8+$0x50]  }
0xbd: {  	v7 =	vld [tilespmem:s13+$0x50];
	[tilespmem:s9+$0xFFFFFFC0] =	vst v2  }
0xbe: {  	v2 =	vld [tilespmem:s8+$0xFFFFFFD0]  }
0xbf: {  	v8 =	vld [tilespmem:s13+$0xFFFFFFD0]  }
0xc0: {  	v3 =	vadd.f32 v4, v3;
	_ =	sdelay $0x1  }
0xc1: {  	[tilespmem:s22+$0xFFFFFFD0] =	vst v3;
	v3 =	vadd.f32 v7, v6  }
0xc2: {  	v4 =	vld [tilespmem:s14+$0xFFFFFFE0]  }
0xc3: {  	v6 =	vld [tilespmem:s16+$0xFFFFFFE0];
	[tilespmem:s9+$0x50] =	vst v3;
	v2 =	vadd.f32 v8, v2  }
0xc4: {  	v3 =	vld [tilespmem:s8+$0x60]  }
0xc5: {  	v7 =	vld [tilespmem:s13+$0x60];
	[tilespmem:s9+$0xFFFFFFD0] =	vst v2  }
0xc6: {  	v2 =	vld [tilespmem:s8+$0xFFFFFFE0]  }
0xc7: {  	v8 =	vld [tilespmem:s13+$0xFFFFFFE0]  }
0xc8: {  	[tilespmem:s22+$0x60] =	vst v5;
	v4 =	vadd.f32 v6, v4  }
0xc9: {  	v5 =	vld [tilespmem:s14+$0x70]  }
0xca: {  	v6 =	vld [tilespmem:s16+$0x70];
	[tilespmem:s22+$0xFFFFFFE0] =	vst v4;
	v3 =	vadd.f32 v7, v3  }
0xcb: {  	v4 =	vld [tilespmem:s14+$0xFFFFFFF0]  }
0xcc: {  	v7 =	vld [tilespmem:s16+$0xFFFFFFF0];
	[tilespmem:s9+$0x60] =	vst v3;
	v2 =	vadd.f32 v8, v2  }
0xcd: {  	v3 =	vld [tilespmem:s8+$0x70]  }
0xce: {  	v8 =	vld [tilespmem:s13+$0x70];
	[tilespmem:s9+$0xFFFFFFE0] =	vst v2  }
0xcf: {  	v2 =	vld [tilespmem:s8+$0xFFFFFFF0]  }
0xd0: {  	v9 =	vld [tilespmem:s13+$0xFFFFFFF0]  }
0xd1: {  	v0 =	vadd.f32 v1, v0  }
0xd2: {  	v1 =	vadd.f32 v6, v5  }
0xd3: {  	[tilespmem:s20+$0xFFFFFFF0] =	vst v0;
	v0 =	vadd.f32 v7, v4  }
0xd4: {  	[tilespmem:s22+$0x70] =	vst v1;
	v1 =	vadd.f32 v8, v3  }
0xd5: {  	[tilespmem:s22+$0xFFFFFFF0] =	vst v0;
	v0 =	vadd.f32 v9, v2  }
0xd6: {  	s2 =	sshll.u32 s12, $0x4;
	[tilespmem:s9+$0x70] =	vst v1  }
0xd7: {  	p2 =	seq.s32 s1, $0x9;
	s2 =	sadd.s32 s6, s2;
	[tilespmem:s9+$0xFFFFFFF0] =	vst v0  }
0xd8: {  	[hbm4b:s2+s5] =	stream.linear.scatter [tilespmem:s26], [sflag:$0x5], $0x2800, $0x38;
	[tilespmem:$0x12800] =	vst v63  }
0xd9: {  	s8 =	simm.s32 @!p2 $0x50;
	s9 =	simm.s32 @!p2 $0x3800;
	s2 =	sadd.s32 @!p2 $0x2100, s18  }
0xda: {  	[tilespmem:s9], [sflag:$0x1] =	stream.indirect.gather @!p2 [spmem:s3], $0x80, s2, s8, $0xb8;
	[tilespmem:$0x12800] =	vst v63  }
0xdb: {  	s2 =	sadd.s32 @!p2 $0x2D00, s18;
	s9 =	simm.s32 @!p2 $0x8800  }
0xdc: {  	[tilespmem:s9], [sflag:$0x3] =	stream.indirect.gather @!p2 [spmem:s4], $0x80, s2, s8, $0xb8;
	[tilespmem:$0x12800] =	vst v63  }
0xdd: {  	_ =	swait.ge [sflag:s28], $0x2800  }
0xde: {  	[sflag:s28] =	ssyncset.done $0x0  }
0xdf: {  	[sflag:s28] =	ssyncadd.s32 $0xFFFFD800  }
0xe0: {  	_ =	swait.ge [sflag:s29], $0x2800  }
0xe1: {  	[sflag:s29] =	ssyncset.done $0x0  }
0xe2: {  	s2 =	simm.s32 @!p1 $0x6;
	[sflag:s29] =	ssyncadd.s32 $0xFFFFD800  }
0xe3: {  	_ =	swait.ge @!p1 [sflag:s2], $0x2800  }
0xe4: {  	[sflag:s2] =	ssyncset.done @!p1 $0x0  }
0xe5: {  	s12 =	simm.s32 $0x6080;
	[sflag:s2] =	ssyncadd.s32 @!p1 $0xFFFFD800  }
0xe6: {  	s31 =	simm.s32 $0xB080;
	v0 =	vld [tilespmem:s12+$0x0]  }
0xe7: {  	v1 =	vld [tilespmem:s31+$0x0];
	_ =	sdelay $0x4  }
0xe8: {  	v0 =	vadd.f32 v1, v0  }
0xe9: {  	s20 =	simm.s32 $0x10080  }
0xea: {  	[tilespmem:s20+$0x0] =	vst v0  }
0xeb: {  	v0 =	vld [tilespmem:s12+$0x10]  }
0xec: {  	v1 =	vld [tilespmem:s31+$0x10]  }
0xed: {  	v2 =	vld [tilespmem:s31+$0xFFFFFF80]  }
0xee: {  	v3 =	vld [tilespmem:s12+$0xFFFFFF80];
	_ =	sdelay $0x2  }
0xef: {  	v0 =	vadd.f32 v1, v0;
	_ =	sdelay $0x1  }
0xf0: {  	[tilespmem:s20+$0x10] =	vst v0;
	v0 =	vadd.f32 v2, v3  }
0xf1: {  	v1 =	vld [tilespmem:s12+$0x20]  }
0xf2: {  	v2 =	vld [tilespmem:s31+$0x20];
	[tilespmem:s20+$0xFFFFFF80] =	vst v0  }
0xf3: {  	v0 =	vld [tilespmem:s12+$0xFFFFFF90]  }
0xf4: {  	v3 =	vld [tilespmem:s31+$0xFFFFFF90];
	_ =	sdelay $0x2  }
0xf5: {  	v1 =	vadd.f32 v2, v1;
	_ =	sdelay $0x1  }
0xf6: {  	[tilespmem:s20+$0x20] =	vst v1;
	v0 =	vadd.f32 v3, v0  }
0xf7: {  	v1 =	vld [tilespmem:s12+$0x30]  }
0xf8: {  	v2 =	vld [tilespmem:s31+$0x30];
	[tilespmem:s20+$0xFFFFFF90] =	vst v0  }
0xf9: {  	v0 =	vld [tilespmem:s12+$0xFFFFFFA0]  }
0xfa: {  	s16 =	simm.s32 $0x6180;
	v3 =	vld [tilespmem:s31+$0xFFFFFFA0]  }
0xfb: {  	s22 =	simm.s32 $0xB180;
	v4 =	vld [tilespmem:s16+$0x0]  }
0xfc: {  	v5 =	vld [tilespmem:s22+$0x0]  }
0xfd: {  	v6 =	vld [tilespmem:s16+$0xFFFFFF80];
	v1 =	vadd.f32 v2, v1  }
0xfe: {  	v2 =	vld [tilespmem:s22+$0xFFFFFF80]  }
0xff: {  	[tilespmem:s20+$0x30] =	vst v1;
	v0 =	vadd.f32 v3, v0  }
0x100: {  	v1 =	vld [tilespmem:s12+$0x40]  }
0x101: {  	v3 =	vld [tilespmem:s31+$0x40];
	[tilespmem:s20+$0xFFFFFFA0] =	vst v0;
	v0 =	vadd.f32 v5, v4  }
0x102: {  	s14 =	simm.s32 $0x10180;
	v4 =	vld [tilespmem:s12+$0xFFFFFFB0]  }
0x103: {  	v5 =	vld [tilespmem:s31+$0xFFFFFFB0];
	v2 =	vadd.f32 v2, v6;
	[tilespmem:s14+$0x0] =	vst v0  }
0x104: {  	v0 =	vld [tilespmem:s16+$0x10]  }
0x105: {  	[tilespmem:s14+$0xFFFFFF80] =	vst v2;
	v2 =	vld [tilespmem:s22+$0x10]  }
0x106: {  	v1 =	vadd.f32 v3, v1;
	v3 =	vld [tilespmem:s16+$0xFFFFFF90]  }
0x107: {  	v6 =	vld [tilespmem:s22+$0xFFFFFF90]  }
0x108: {  	[tilespmem:s20+$0x40] =	vst v1;
	v1 =	vadd.f32 v5, v4  }
0x109: {  	v4 =	vld [tilespmem:s12+$0x50]  }
0x10a: {  	v5 =	vld [tilespmem:s31+$0x50];
	[tilespmem:s20+$0xFFFFFFB0] =	vst v1;
	v0 =	vadd.f32 v2, v0  }
0x10b: {  	v1 =	vld [tilespmem:s12+$0xFFFFFFC0]  }
0x10c: {  	v2 =	vld [tilespmem:s31+$0xFFFFFFC0];
	v3 =	vadd.f32 v6, v3;
	[tilespmem:s14+$0x10] =	vst v0  }
0x10d: {  	v0 =	vld [tilespmem:s16+$0x20]  }
0x10e: {  	[tilespmem:s14+$0xFFFFFF90] =	vst v3;
	v3 =	vld [tilespmem:s22+$0x20]  }
0x10f: {  	v4 =	vadd.f32 v5, v4;
	v5 =	vld [tilespmem:s16+$0xFFFFFFA0]  }
0x110: {  	v6 =	vld [tilespmem:s22+$0xFFFFFFA0]  }
0x111: {  	s11 =	simm.s32 $0xB280  }
0x112: {  	v8 =	vld [tilespmem:s11+$0x0];
	[tilespmem:s20+$0x50] =	vst v4  }
0x113: {  	v1 =	vadd.f32 v2, v1;
	v2 =	vld [tilespmem:s12+$0x60];
	v0 =	vadd.f32 v3, v0  }
0x114: {  	s8 =	simm.s32 $0x6280;
	v4 =	vld [tilespmem:s31+$0x60]  }
0x115: {  	v60 =	vld [tilespmem:s8+$0xFFFFFF80];
	v5 =	vadd.f32 v6, v5;
	[tilespmem:s14+$0x20] =	vst v0  }
0x116: {  	[tilespmem:s20+$0xFFFFFFC0] =	vst v1;
	v0 =	vld [tilespmem:s16+$0x30]  }
0x117: {  	[tilespmem:s14+$0xFFFFFFA0] =	vst v5;
	v5 =	vld [tilespmem:s22+$0x30]  }
0x118: {  	v1 =	vld [tilespmem:s12+$0xFFFFFFD0]  }
0x119: {  	v3 =	vld [tilespmem:s31+$0xFFFFFFD0];
	v2 =	vadd.f32 v4, v2  }
0x11a: {  	v6 =	vld [tilespmem:s8+$0x0]  }
0x11b: {  	v4 =	vld [tilespmem:s16+$0xFFFFFFB0];
	[tilespmem:s20+$0x60] =	vst v2  }
0x11c: {  	v2 =	vld [tilespmem:s12+$0x70];
	v0 =	vadd.f32 v5, v0  }
0x11d: {  	v7 =	vld [tilespmem:s31+$0x70]  }
0x11e: {  	v5 =	vld [tilespmem:s11+$0xFFFFFF80];
	[tilespmem:s14+$0x30] =	vst v0  }
0x11f: {  	v0 =	vadd.f32 v3, v1;
	v1 =	vld [tilespmem:s16+$0x40]  }
0x120: {  	v3 =	vld [tilespmem:s22+$0x40]  }
0x121: {  	[tilespmem:s20+$0xFFFFFFD0] =	vst v0;
	v0 =	vadd.f32 v8, v6;
	v6 =	vld [tilespmem:s22+$0xFFFFFFB0]  }
0x122: {  	s9 =	simm.s32 $0x10280;
	v8 =	vld [tilespmem:s12+$0xFFFFFFE0]  }
0x123: {  	v5 =	vadd.f32 v5, v60;
	[tilespmem:s9+$0x0] =	vst v0;
	v0 =	vld [tilespmem:s31+$0xFFFFFFE0]  }
0x124: {  	v61 =	vld [tilespmem:s8+$0x10]  }
0x125: {  	[tilespmem:s9+$0xFFFFFF80] =	vst v5;
	v5 =	vld [tilespmem:s11+$0x10];
	v1 =	vadd.f32 v3, v1  }
0x126: {  	v3 =	vld [tilespmem:s8+$0xFFFFFF90]  }
0x127: {  	v4 =	vadd.f32 v6, v4;
	v6 =	vld [tilespmem:s11+$0xFFFFFF90];
	[tilespmem:s14+$0x40] =	vst v1  }
0x128: {  	v1 =	vld [tilespmem:s16+$0x50]  }
0x129: {  	[tilespmem:s14+$0xFFFFFFB0] =	vst v4;
	v0 =	vadd.f32 v0, v8;
	v4 =	vld [tilespmem:s22+$0x50]  }
0x12a: {  	v5 =	vadd.f32 v5, v61;
	v8 =	vld [tilespmem:s16+$0xFFFFFFC0]  }
0x12b: {  	v62 =	vld [tilespmem:s22+$0xFFFFFFC0];
	[tilespmem:s20+$0xFFFFFFE0] =	vst v0  }
0x12c: {  	v3 =	vadd.f32 v6, v3;
	[tilespmem:s9+$0x10] =	vst v5;
	v0 =	vld [tilespmem:s12+$0xFFFFFFF0]  }
0x12d: {  	v5 =	vld [tilespmem:s8+$0x20]  }
0x12e: {  	[tilespmem:s9+$0xFFFFFF90] =	vst v3;
	v3 =	vld [tilespmem:s11+$0x20];
	v1 =	vadd.f32 v4, v1  }
0x12f: {  	v6 =	vld [tilespmem:s8+$0xFFFFFFA0]  }
0x130: {  	v10 =	vld [tilespmem:s11+$0xFFFFFFA0];
	v4 =	vadd.f32 v62, v8;
	[tilespmem:s14+$0x50] =	vst v1  }
0x131: {  	v8 =	vld [tilespmem:s16+$0x60]  }
0x132: {  	[tilespmem:s14+$0xFFFFFFC0] =	vst v4;
	v63 =	vld [tilespmem:s22+$0x60]  }
0x133: {  	v4 =	vld [tilespmem:s22+$0xFFFFFFD0];
	v1 =	vadd.f32 v3, v5  }
0x134: {  	v3 =	vld [tilespmem:s16+$0xFFFFFFD0]  }
0x135: {  	v5 =	vadd.f32 v10, v6;
	[tilespmem:s9+$0x20] =	vst v1;
	v1 =	vld [tilespmem:s31+$0xFFFFFFF0]  }
0x136: {  	v2 =	vadd.f32 v7, v2;
	v6 =	vld [tilespmem:s8+$0x30]  }
0x137: {  	s13 =	simm.s32 $0xB280;
	[tilespmem:s9+$0xFFFFFFA0] =	vst v5;
	v7 =	vld [tilespmem:s11+$0x30];
	v5 =	vadd.f32 v63, v8  }
0x138: {  	s2 =	simm.s32 $0x6380;
	[tilespmem:s20+$0x70] =	vst v2;
	s12 =	sadd.s32 s19, s10;
	s19 =	simm.s32 $0x4;
	v2 =	vld [tilespmem:s8+$0xFFFFFFB0]  }
.LBB2_5:
0x139: {  	v8 =	vld [tilespmem:s2+$0x0];
	v3 =	vadd.f32 v4, v3;
	[tilespmem:s14+$0x60] =	vst v5  }
0x13a: {  	v4 =	vld [tilespmem:s16+$0x70];
	v0 =	vadd.f32 v1, v0  }
0x13b: {  	s11 =	sadd.s32 $0x100, s11;
	[tilespmem:s14+$0xFFFFFFD0] =	vst v3;
	v1 =	vld [tilespmem:s22+$0x70]  }
0x13c: {  	v3 =	vld [tilespmem:s11+$0x0];
	v5 =	vadd.f32 v7, v6;
	[tilespmem:s20+$0xFFFFFFF0] =	vst v0;
	s20 =	smov.u32 s14;
	s14 =	smov.u32 s9  }
0x13d: {  	v0 =	vld [tilespmem:s11+$0xFFFFFF80]  }
0x13e: {  	v6 =	vld [tilespmem:s2+$0xFFFFFF80];
	[tilespmem:s9+$0x30] =	vst v5  }
0x13f: {  	v5 =	vld [tilespmem:s8+$0x40]  }
0x140: {  	v7 =	vld [tilespmem:s13+$0x40];
	v1 =	vadd.f32 v1, v4  }
0x141: {  	v3 =	vadd.f32 v3, v8;
	v4 =	vld [tilespmem:s13+$0xFFFFFFB0]  }
0x142: {  	s9 =	sadd.s32 $0x100, s9;
	v8 =	vld [tilespmem:s16+$0xFFFFFFE0];
	[tilespmem:s20+$0x70] =	vst v1  }
0x143: {  	s19 =	sadd.s32 $0x2, s19;
	v0 =	vadd.f32 v0, v6;
	[tilespmem:s9+$0x0] =	vst v3;
	v1 =	vld [tilespmem:s22+$0xFFFFFFE0]  }
0x144: {  	p1 =	slt.u32 s19, $0x4E;
	v3 =	vld [tilespmem:s2+$0x10]  }
0x145: {  	[tilespmem:s9+$0xFFFFFF80] =	vst v0;
	v0 =	vld [tilespmem:s11+$0x10];
	v5 =	vadd.f32 v7, v5  }
0x146: {  	v6 =	vld [tilespmem:s2+$0xFFFFFF90];
	v2 =	vadd.f32 v4, v2  }
0x147: {  	v4 =	vld [tilespmem:s11+$0xFFFFFF90];
	[tilespmem:s14+$0x40] =	vst v5  }
0x148: {  	[tilespmem:s14+$0xFFFFFFB0] =	vst v2;
	v2 =	vld [tilespmem:s8+$0x50];
	v1 =	vadd.f32 v1, v8  }
0x149: {  	v5 =	vld [tilespmem:s13+$0x50]  }
0x14a: {  	v0 =	vadd.f32 v0, v3;
	v3 =	vld [tilespmem:s8+$0xFFFFFFC0];
	[tilespmem:s20+$0xFFFFFFE0] =	vst v1  }
0x14b: {  	v1 =	vld [tilespmem:s13+$0xFFFFFFC0]  }
0x14c: {  	v4 =	vadd.f32 v4, v6;
	[tilespmem:s9+$0x10] =	vst v0;
	v0 =	vld [tilespmem:s16+$0xFFFFFFF0];
	s16 =	smov.u32 s8;
	s8 =	smov.u32 s2  }
0x14d: {  	v6 =	vld [tilespmem:s2+$0x20]  }
0x14e: {  	[tilespmem:s9+$0xFFFFFF90] =	vst v4;
	v4 =	vld [tilespmem:s11+$0x20];
	v2 =	vadd.f32 v5, v2  }
0x14f: {  	v5 =	vld [tilespmem:s2+$0xFFFFFFA0]  }
0x150: {  	v7 =	vld [tilespmem:s11+$0xFFFFFFA0];
	v1 =	vadd.f32 v1, v3;
	[tilespmem:s14+$0x50] =	vst v2  }
0x151: {  	v2 =	vld [tilespmem:s16+$0x60]  }
0x152: {  	[tilespmem:s14+$0xFFFFFFC0] =	vst v1;
	v8 =	vld [tilespmem:s13+$0x60]  }
0x153: {  	v1 =	vadd.f32 v4, v6;
	v3 =	vld [tilespmem:s16+$0xFFFFFFD0]  }
.Ltmp3:
0x154: {  	v4 =	vld [tilespmem:s13+$0xFFFFFFD0];
	(pc) =	sbr.rel @p1 .LBB2_5-.Ltmp3, $4  }
0x155: {  	v5 =	vadd.f32 v7, v5;
	[tilespmem:s9+$0x20] =	vst v1;
	v1 =	vld [tilespmem:s22+$0xFFFFFFF0];
	s22 =	smov.u32 s13;
	s13 =	smov.u32 s11  }
0x156: {  	v6 =	vld [tilespmem:s2+$0x30]  }
0x157: {  	[tilespmem:s9+$0xFFFFFFA0] =	vst v5;
	v7 =	vld [tilespmem:s11+$0x30];
	v5 =	vadd.f32 v8, v2  }
0x158: {  	s2 =	sadd.s32 $0x100, s2;
	v2 =	vld [tilespmem:s8+$0xFFFFFFB0]  }
0x159: {  	v8 =	vld [tilespmem:s13+$0xFFFFFFB0];
	_ =	sdelay $0x2  }
0x15a: {  	v6 =	vadd.f32 v7, v6;
	_ =	sdelay $0x1  }
0x15b: {  	[tilespmem:s9+$0x30] =	vst v6;
	v2 =	vadd.f32 v8, v2  }
0x15c: {  	v6 =	vld [tilespmem:s8+$0x40]  }
0x15d: {  	v48 =	vld [tilespmem:s13+$0x40];
	[tilespmem:s9+$0xFFFFFFB0] =	vst v2  }
0x15e: {  	v2 =	vld [tilespmem:s8+$0xFFFFFFC0]  }
0x15f: {  	v49 =	vld [tilespmem:s13+$0xFFFFFFC0];
	_ =	sdelay $0x2  }
0x160: {  	v6 =	vadd.f32 v48, v6;
	_ =	sdelay $0x1  }
0x161: {  	[tilespmem:s9+$0x40] =	vst v6;
	v2 =	vadd.f32 v49, v2  }
0x162: {  	v6 =	vld [tilespmem:s8+$0x50]  }
0x163: {  	v50 =	vld [tilespmem:s13+$0x50];
	[tilespmem:s9+$0xFFFFFFC0] =	vst v2  }
0x164: {  	v2 =	vld [tilespmem:s8+$0xFFFFFFD0]  }
0x165: {  	v51 =	vld [tilespmem:s13+$0xFFFFFFD0]  }
0x166: {  	v3 =	vadd.f32 v4, v3;
	_ =	sdelay $0x1  }
0x167: {  	[tilespmem:s14+$0xFFFFFFD0] =	vst v3;
	v52 =	vadd.f32 v50, v6  }
0x168: {  	v53 =	vld [tilespmem:s16+$0xFFFFFFE0]  }
0x169: {  	v54 =	vld [tilespmem:s22+$0xFFFFFFE0];
	[tilespmem:s9+$0x50] =	vst v52;
	v2 =	vadd.f32 v51, v2  }
0x16a: {  	v3 =	vld [tilespmem:s8+$0x60]  }
0x16b: {  	v55 =	vld [tilespmem:s13+$0x60];
	[tilespmem:s9+$0xFFFFFFD0] =	vst v2  }
0x16c: {  	v2 =	vld [tilespmem:s8+$0xFFFFFFE0]  }
0x16d: {  	v56 =	vld [tilespmem:s13+$0xFFFFFFE0]  }
0x16e: {  	[tilespmem:s14+$0x60] =	vst v5;
	v4 =	vadd.f32 v54, v53  }
0x16f: {  	v5 =	vld [tilespmem:s16+$0x70]  }
0x170: {  	v57 =	vld [tilespmem:s22+$0x70];
	[tilespmem:s14+$0xFFFFFFE0] =	vst v4;
	v3 =	vadd.f32 v55, v3  }
0x171: {  	v4 =	vld [tilespmem:s16+$0xFFFFFFF0]  }
0x172: {  	v58 =	vld [tilespmem:s22+$0xFFFFFFF0];
	[tilespmem:s9+$0x60] =	vst v3;
	v2 =	vadd.f32 v56, v2  }
0x173: {  	v3 =	vld [tilespmem:s8+$0x70]  }
0x174: {  	v59 =	vld [tilespmem:s13+$0x70];
	[tilespmem:s9+$0xFFFFFFE0] =	vst v2  }
0x175: {  	v2 =	vld [tilespmem:s8+$0xFFFFFFF0]  }
0x176: {  	v9 =	vld [tilespmem:s13+$0xFFFFFFF0]  }
0x177: {  	v0 =	vadd.f32 v1, v0  }
0x178: {  	v60 =	vadd.f32 v57, v5  }
0x179: {  	[tilespmem:s20+$0xFFFFFFF0] =	vst v0;
	v61 =	vadd.f32 v58, v4  }
.Ltmp4:
0x17a: {  	[tilespmem:s14+$0x70] =	vst v60;
	v62 =	vadd.f32 v59, v3;
	(pc) =	sbr.rel @p2 .LBB2_8-.Ltmp4, $4  }
0x17b: {  	[tilespmem:s14+$0xFFFFFFF0] =	vst v61;
	v63 =	vadd.f32 v9, v2  }
0x17c: {  	s2 =	sshll.u32 s12, $0x4;
	[tilespmem:s9+$0x70] =	vst v62  }
0x17d: {  	s2 =	sadd.s32 s6, s2;
	[tilespmem:s9+$0xFFFFFFF0] =	vst v63  }
0x17e: {  	[hbm4b:s2+s5] =	stream.linear.scatter [tilespmem:s30], [sflag:$0x6], $0x2800, $0x38;
	[tilespmem:$0x12800] =	vst v63  }
.Ltmp5:
0x17f: {  	(pc) =	sbr.rel .LBB2_2-.Ltmp5, $4  }
0x180: {  	s2 =	sadd.s32 $0x2180, s18  }
0x181: {  	[tilespmem:s21], [sflag:$0x2] =	stream.indirect.gather [spmem:s3], $0x80, s2, s17, $0xb8;
	[tilespmem:$0x12800] =	vst v63  }
0x182: {  	s31 =	sadd.s32 $0x2D80, s18;
	s1 =	sadd.s32 $0x1, s1  }
0x183: {  	[tilespmem:s23], [sflag:$0x4] =	stream.indirect.gather [spmem:s4], $0x80, s31, s17, $0xb8;
	[tilespmem:$0x12800] =	vst v63  }
.LBB2_9:
0x184: {  	_ =	sfence.sel $0x180000  }
0x185: {  	[bflag:$0x0] =	sbarrier.arrive $0xFFFF  }
0x186: {  	_ =	strace $0x9000004D  }
0x187: {  	[bflag:$0x2] =	sbarrier.arrive $0xFFFF  }
0x188: {  	s0 =	rddreg [dreg:$0x5]  }
0x189: {  	s0 =	sadd.s32 @!p0 $0x100000, s0  }
0x18a: {  	[sflag:s0] =	ssyncadd.tile.s32 @!p0 $0x1;
	_ =	shalt  }
.Lfunc_end2:
_tile_overlayer_lowered:
.L_overlay_start_2:
0x18b: {  	(tag) =	ssettag $0x2  }
0x18c: {  	s0 =	rddreg [dreg:$0x0];
	s2 =	stileid.u32  }
0x18d: {  	s1 =	rddreg [dreg:$0x1];
	p0 =	sne.s32 s2, $0x0  }
0x18e: {  	s3 =	rddreg [dreg:$0x2];
	[bflag:$0x3] =	sbarrier.arrive $0xFFFF;
	s2 =	simm.s32 @!p0 $0x1C07  }
0x18f: {  	[timem:s3], [sflag:s2] =	dma.local @!p0 [hbm:s0], s1  }
0x190: {  	s0 =	simm.s32 @!p0 $0x7  }
0x191: {  	_ =	swait.ge @!p0 [sflag:s0], s1  }
0x192: {  	s1 =	ssub.s32 @!p0 $0x0, s1;
	[sflag:s0] =	ssyncset.done @!p0 $0x0  }
0x193: {  	[sflag:s0] =	ssyncadd.s32 @!p0 s1  }
0x194: {  	[bflag:$0x3] =	sbarrier.arrive $0xFFFF  }
0x195: {  	_ =	shalt  }

// kernel: kernel.19.cloned.1.call-start
scs
__scs_entry_jumppad:
0x0: {  	(pc) =	sbr.rel $0x88, $3  }
0x1: {  	(tag) =	ssettag $0x0;
	lr =	simm.s32 $0x1  }
0x2: {  	[smem:$0x3F99] =	sst lr;
	_ =	strace $0xD0000000  }
0x3: {  	_ = 	snop  }
0x4: {  	_ = 	snop  }
0x5: {  	_ = 	snop  }
0x6: {  	_ = 	snop  }
0x7: {  	_ = 	snop  }
__scs_overlays_trampoline_lowered:
0x8: {  	[smem:$0x3FA8] =	sst s0  }
0x9: {  	[smem:$0x3FA9] =	sst s1  }
0xa: {  	[smem:$0x3FAA] =	sst s2  }
0xb: {  	[smem:$0x3FAB] =	sst s3  }
0xc: {  	[smem:$0x3FAC] =	sst s4  }
0xd: {  	[smem:$0x3FAD] =	sst s5  }
0xe: {  	[smem:$0x3FAE] =	sst s6  }
0xf: {  	[smem:$0x3FAF] =	sst s7  }
0x10: {  	[smem:$0x3FB0] =	sst s8  }
0x11: {  	[smem:$0x3FB1] =	sst s9;
	s0 =	simm.s32 @!p0 $0x0  }
0x12: {  	s1 =	sld [smem:$0x3F97];
	s0 =	simm.s32 @p0 $0x1  }
0x13: {  	[smem:$0x3FB2] =	sst s0;
	s0 =	simm.s32 @!p1 $0x0  }
0x14: {  	s2 =	sld [smem:$0x3F96];
	s0 =	simm.s32 @p1 $0x1  }
0x15: {  	[smem:$0x3FB3] =	sst s0;
	s0 =	simm.s32 @!p2 $0x0  }
0x16: {  	s3 =	sld [smem:$0x3FDB];
	s0 =	simm.s32 @p2 $0x1  }
0x17: {  	s4 =	simm.s32 $0x1BF5;
	[smem:$0x3FB5] =	sst s0  }
0x18: {  	s0 =	sld [smem:$0x3F98];
	_ =	swait.ge [sflag:s4], $0x0  }
0x19: {  	s7 =	sld [smem:$0x3F99]  }
0x1a: {  	s8 =	sadd.s32 $0xFFFFE003, lr  }
0x1b: {  	s9 =	sadd.s32 $0xFFFFFEF7, lr;
	s5 =	simm.s32 $0xFFFFFFFF;
	p2 =	slt.u32 s8, $0xFFFFF086  }
0x1c: {  	p1 =	slt.u32 s9, $0xF7A;
	s5 =	simm.s32 @!p2 $0x0  }
0x1d: {  	s5 =	simm.s32 @p1 $0x1;
	p0 =	seq.s32 s7, s2  }
0x1e: {  	s7 =	smul.u32 @!p0 $0xF7A, s2;
	p2 =	seq.s32 @!p0 s5, $0x0  }
0x1f: {  	s9 =	smul.u32 $0xF7A, s1;
	s8 =	simm.s32 @!p0 $0x1BF5;
	p2 =	por !p2, p0  }
0x20: {  	[sflag:s8] =	ssyncset.s32 @!p0 $0xFFFFF086;
	s6 =	sadd.s32 @!p0 s3, s7;
	s7 =	simm.s32 @!p0 $0x108  }
0x21: {  	s3 =	sadd.s32 s3, s9;
	s6 =	sadd.s32 @!p0 $0x88, s6;
	s7 =	simm.s32 @p2 $0x1082  }
0x22: {  	[simem:s7], [sflag:s8] =	dma.local @!p0 [hbm:s6], $0xF7A  }
0x23: {  	s9 =	sor.u32 $0xD0000000, s2;
	s6 =	simm.s32 $0x108;
	_ =	swait.ge @!p0 [sflag:s8], $0x0  }
0x24: {  	s3 =	sadd.s32 $0x88, s3;
	s6 =	simm.s32 @!p1 $0x1082;
	[sflag:s4] =	ssyncset.s32 $0xFFFFF086  }
0x25: {  	[simem:s6], [sflag:s4] =	dma.local [hbm:s3], $0xF7A  }
0x26: {  	[smem:$0x3F99] =	sst s1;
	(tag) =	ssettag s2;
	_ =	strace s9  }
0x27: {  	s1 =	sld [smem:$0x3FA9]  }
0x28: {  	s2 =	sld [smem:$0x3FAA]  }
0x29: {  	s4 =	sld [smem:$0x3FAC]  }
0x2a: {  	p0 =	seq.s32 s5, $0x0;
	s5 =	sld [smem:$0x3FAD]  }
0x2b: {  	s6 =	sld [smem:$0x3FAE]  }
0x2c: {  	s7 =	sld [smem:$0x3FAF]  }
0x2d: {  	s3 =	simm.s32 $0x108;
	s8 =	sld [smem:$0x3FB0]  }
0x2e: {  	s3 =	simm.s32 @!p0 $0x1082;
	s9 =	sld [smem:$0x3FB1]  }
0x2f: {  	lr =	sadd.s32 s0, s3;
	s0 =	sld [smem:$0x3FA8]  }
0x30: {  	s3 =	sld [smem:$0x3FAB]  }
0x31: {  	[smem:$0x3FB4] =	sst s10  }
0x32: {  	s10 =	sld [smem:$0x3FB2];
	_ =	sdelay $0x3  }
0x33: {  	p0 =	seq.s32 s10, $0x1;
	s10 =	sld [smem:$0x3FB4];
	_ =	sdelay $0x3  }
0x34: {  	[smem:$0x3FB4] =	sst s10  }
0x35: {  	s10 =	sld [smem:$0x3FB3];
	_ =	sdelay $0x3  }
0x36: {  	p1 =	seq.s32 s10, $0x1;
	s10 =	sld [smem:$0x3FB4];
	_ =	sdelay $0x3  }
0x37: {  	[smem:$0x3FB4] =	sst s10  }
0x38: {  	s10 =	sld [smem:$0x3FB5]  }
0x39: {  	_ = 	snop;
	(pc) =	sbr.ind lr, $3  }
0x3a: {  	_ = 	snop  }
0x3b: {  	_ = 	snop  }
0x3c: {  	p2 =	seq.s32 s10, $0x1;
	s10 =	sld [smem:$0x3FB4]  }
0x3d: {  	_ =	shalt  }
0x3e: {  	_ =	shalt  }
0x3f: {  	_ =	shalt  }
0x40: {  	_ =	shalt  }
0x41: {  	_ =	shalt  }
0x42: {  	_ =	shalt  }
0x43: {  	_ =	shalt  }
0x44: {  	_ =	shalt  }
0x45: {  	_ =	shalt  }
0x46: {  	_ =	shalt  }
0x47: {  	_ =	shalt  }
0x48: {  	_ =	shalt  }
0x49: {  	_ =	shalt  }
0x4a: {  	_ =	shalt  }
0x4b: {  	_ =	shalt  }
0x4c: {  	_ =	shalt  }
0x4d: {  	_ =	shalt  }
0x4e: {  	_ =	shalt  }
0x4f: {  	_ =	shalt  }
0x50: {  	_ =	shalt  }
0x51: {  	_ =	shalt  }
0x52: {  	_ =	shalt  }
0x53: {  	_ =	shalt  }
0x54: {  	_ =	shalt  }
0x55: {  	_ =	shalt  }
0x56: {  	_ =	shalt  }
0x57: {  	_ =	shalt  }
0x58: {  	_ =	shalt  }
0x59: {  	_ =	shalt  }
0x5a: {  	_ =	shalt  }
0x5b: {  	_ =	shalt  }
0x5c: {  	_ =	shalt  }
0x5d: {  	_ =	shalt  }
0x5e: {  	_ =	shalt  }
0x5f: {  	_ =	shalt  }
0x60: {  	_ =	shalt  }
0x61: {  	_ =	shalt  }
0x62: {  	_ =	shalt  }
0x63: {  	_ =	shalt  }
0x64: {  	_ =	shalt  }
0x65: {  	_ =	shalt  }
0x66: {  	_ =	shalt  }
0x67: {  	_ =	shalt  }
0x68: {  	_ =	shalt  }
0x69: {  	_ =	shalt  }
0x6a: {  	_ =	shalt  }
0x6b: {  	_ =	shalt  }
0x6c: {  	_ =	shalt  }
0x6d: {  	_ =	shalt  }
0x6e: {  	_ =	shalt  }
0x6f: {  	_ =	shalt  }
0x70: {  	_ =	shalt  }
0x71: {  	_ =	shalt  }
0x72: {  	_ =	shalt  }
0x73: {  	_ =	shalt  }
0x74: {  	_ =	shalt  }
0x75: {  	_ =	shalt  }
0x76: {  	_ =	shalt  }
0x77: {  	_ =	shalt  }
0x78: {  	_ =	shalt  }
0x79: {  	_ =	shalt  }
0x7a: {  	_ =	shalt  }
0x7b: {  	_ =	shalt  }
0x7c: {  	_ =	shalt  }
0x7d: {  	_ =	shalt  }
0x7e: {  	_ =	shalt  }
0x7f: {  	_ =	shalt  }
0x80: {  	_ =	shalt  }
0x81: {  	_ =	shalt  }
0x82: {  	_ =	shalt  }
0x83: {  	_ =	shalt  }
0x84: {  	_ =	shalt  }
0x85: {  	_ =	shalt  }
0x86: {  	_ =	shalt  }
0x87: {  	_ =	shalt  }
.Lfunc_end0:
.L_simem_size_0:
called_computation.3_lowered:
.L_overlay_start_0:
0x88: {  	s2 =	sld [smem:$0x3FD9]  }
0x89: {  	s3 =	sld [smem:$0x3FFE];
	_ =	sdelay $0x1  }
0x8a: {  	s1 =	srdreg.scid  }
0x8b: {  	s0 =	sand.u32 $0x1, s1  }
0x8c: {  	s17 =	sshll.u32 s0, $0xA;
	s2 =	sadd.s32 s3, s2  }
0x8d: {  	s2 =	sadd.s32 s2, s17  }
0x8e: {  	[smem:$0x3FC0] =	sst s2  }
0x8f: {  	_ = 	snop  }
0x90: {  	s18 =	sld [smem:$0x3FC4]  }
0x91: {  	s4 =	sld [smem:$0x3FC3];
	(tm) =	ssettm $0x1  }
0x92: {  	s19 =	sld [smem:$0x3FFB];
	_ =	sdelay $0x3  }
0x93: {  	_ =	strace s19  }
0x94: {  	s2 =	sld [smem:$0x3FFC];
	_ =	sdelay $0x3  }
0x95: {  	_ =	strace s2  }
0x96: {  	s2 =	sld [smem:$0x3FFD];
	_ =	sdelay $0x3  }
0x97: {  	_ =	strace s2  }
0x98: {  	_ =	strace $0x8FFFFFFF  }
0x99: {  	s20 =	sld [smem:$0x3FDB];
	_ =	sdelay $0x1  }
0x9a: {  	s5 =	simm.s32 $_scs_section_size  }
0x9b: {  	s6 =	simm.s32 $_size__tile_overlayer_lowered;
	s7 =	simm.s32 $_tile_overlayer_lowered  }
0x9c: {  	s8 =	simm.s32 $0x1BFF;
	s21 =	sshll.u32 s7, $0x1;
	s5 =	sadd.s32 s5, s20  }
0x9d: {  	s22 =	simm.s32 $0x0;
	s6 =	sshll.u32 s6, $0x1;
	s7 =	sadd.s32 s21, s5  }
0x9e: {  	[timem:s22], [sflag:s8] =	dma.local [hbm:s7], s6  }
0x9f: {  	_ =	swait.ge [sflag:s8], s6  }
0xa0: {  	s6 =	ssub.s32 $0x0, s6;
	[sflag:s8] =	ssyncset.done $0x0  }
0xa1: {  	[sflag:s8] =	ssyncadd.s32 s6;
	_ =	sdelay $0x1  }
0xa2: {  	s23 =	simm.s32 $0x1B8B  }
0xa3: {  	_ =	swait.ge [sflag:s23], $0x1  }
0xa4: {  	[sflag:s23] =	ssyncset.done $0x0  }
0xa5: {  	[sflag:s23] =	ssyncadd.s32 $0xFFFFFFFF  }
0xa6: {  	s6 =	sld [smem:$0x0]  }
0xa7: {  	s7 =	sand.u32 $0xFFFFFFFE, s1  }
0xa8: {  	p0 =	sne.s32 s1, s7  }
0xa9: {  	s7 =	sshll.u32 @p0 s7, $0xE  }
0xaa: {  	s7 =	sadd.s32 @p0 $0x11B8D, s7;
	s8 =	sshll.u32 @p0 s6, $0x11  }
0xab: {  	s7 =	sor.u32 @p0 s8, s7  }
0xac: {  	[sflag:s7] =	ssyncadd.remote.s32 @p0 $0x1;
	_ =	sdelay $0x1  }
0xad: {  	s7 =	simm.s32 @p0 $0x1B8D  }
0xae: {  	_ =	swait.eq @p0 [sflag:s7], $0x1  }
0xaf: {  	[sflag:s7] =	ssyncadd.s32 @p0 $0xFFFFFFFF  }
0xb0: {  	s8 =	sshll.u32 @!p0 s1, $0xE  }
0xb1: {  	s8 =	sor.u32 @!p0 $0x4000, s8;
	s7 =	simm.s32 @!p0 $0x1B8D  }
0xb2: {  	s6 =	sshll.u32 @!p0 s6, $0x11;
	s8 =	sadd.s32 @!p0 $0x11B8D, s8;
	_ =	swait.eq @!p0 [sflag:s7], $0x1  }
0xb3: {  	s6 =	sor.u32 @!p0 s6, s8;
	[sflag:s7] =	ssyncadd.s32 @!p0 $0xFFFFFFFF  }
0xb4: {  	s25 =	simm.s32 $0x1B8E;
	s24 =	sld [smem:$0x3FFE];
	[sflag:s6] =	ssyncadd.remote.s32 @!p0 $0x1  }
0xb5: {  	s26 =	simm.s32 $execute0_lowered;
	[smem:$0x3FD2] =	sst s25  }
0xb6: {  	s7 =	sshll.u32 s26, $0x1;
	_ =	strace $0x8000004F;
	[dreg:$0x1] =	wrdreg $0xFFFFFFFF  }
0xb7: {  	s28 =	simm.s32 $_size_execute0_lowered;
	s5 =	sadd.s32 s5, s7;
	[dreg:$0x0] =	wrdreg $0x0  }
0xb8: {  	s7 =	sshll.u32 s28, $0x1;
	[dreg:$0x2] =	wrdreg s5  }
0xb9: {  	[dreg:$0x3] =	wrdreg s7  }
0xba: {  	[dreg:$0x4] =	wrdreg $0xC0  }
0xbb: {  	_ =	task [dreg:s22], $0x5FFFF  }
0xbc: {  	[dreg:$0x1] =	wrdreg $0xFFFFFFFF  }
0xbd: {  	[dreg:$0x0] =	wrdreg $0x60  }
0xbe: {  	[dreg:$0x2] =	wrdreg s18  }
0xbf: {  	[dreg:$0x3] =	wrdreg s4  }
0xc0: {  	[dreg:$0x4] =	wrdreg s24  }
0xc1: {  	[dreg:$0x5] =	wrdreg $0x0  }
0xc2: {  	[dreg:$0x6] =	wrdreg $0x10000  }
0xc3: {  	[dreg:$0x7] =	wrdreg $0xC  }
0xc4: {  	_ =	task.clear_ibuf [dreg:s22], $0x8FFFF;
	_ =	strace $0x9000004F  }
0xc5: {  	s29 =	simm.s32 $0xC;
	_ =	strace $0x80000051  }
0xc6: {  	_ =	swait.ge [sflag:s29], $0x1  }
0xc7: {  	[sflag:s29] =	ssyncadd.s32 $0xFFFFFFFF  }
0xc8: {  	_ =	strace $0x90000051  }
0xc9: {  	_ =	sfence  }
0xca: {  	s30 =	sld [smem:$0x0];
	_ =	sdelay $0x2  }
0xcb: {  	s31 =	sshll.u32 s1, $0xD;
	s1 =	sshrl.u32 s1, $0x2  }
0xcc: {  	s4 =	sand.u32 $0x4000, s31;
	s1 =	sadd.s32 s1, s30  }
0xcd: {  	s0 =	sor.u32 s4, s0;
	s1 =	sshll.u32 s1, $0x11  }
0xce: {  	s0 =	sor.u32 s1, s0  }
0xcf: {  	s0 =	sadd.s32 $0x8F2B, s0  }
0xd0: {  	[sflag:s0] =	ssyncadd.remote.s32 $0x1  }
0xd1: {  	_ =	sfence.sel $0xFFFF  }
0xd2: {  	[dreg:$0x0] =	wrdreg $0xFFFFFFFF;
	(pc) =	sbr.abs _section_cstart, $3  }
0xd3: {  	[dreg:$0x1] =	wrdreg $0xFFFFFFFF  }
0xd4: {  	_ =	task.clear_ibuf [dreg:s22], $0x2FFFF;
	_ =	strace $0x9FFFFFFF  }
0xd5: {  	(tm) =	ssettm $0x7FFFFFFF  }
tec
execute0_lowered:
.L_overlay_start_1:
0x0: {  	(tag) =	ssettag $0x1  }
0x1: {  	s0 =	rddreg [dreg:$0x2]  }
0x2: {  	s2 =	rddreg [dreg:$0x3];
	s1 =	srdreg.scid  }
0x3: {  	s3 =	stileid.u32;
	s4 =	rddreg [dreg:$0x4];
	s5 =	simm.s32 $0x0  }
0x4: {  	s15 =	simm.s32 $0x7;
	s17 =	simm.s32 $0x50;
	s21 =	simm.s32 $0x6800  }
0x5: {  	s23 =	simm.s32 $0xB800;
	s24 =	simm.s32 $0x1;
	s28 =	simm.s32 $0x2  }
0x6: {  	s29 =	simm.s32 $0x4;
	s1 =	sand.u32 $0x1, s1;
	s6 =	sshll.u32 s3, $0x1  }
0x7: {  	s30 =	simm.s32 $0x10800;
	[smem:$0x7FF] =	sst s5;
	s7 =	sor.u32 s1, s6  }
0x8: {  	p0 =	sne.s32 s3, $0x0;
	s1 =	ssub.s32 $0x2, s1;
	s6 =	sshll.u32 s7, $0x9  }
0x9: {  	_ =	strace $0x80000050;
	s25 =	sshrl.u32 s1, $0x1;
	s8 =	sadd.s32 s6, s0  }
0xa: {  	s6 =	sadd.s32 $0x1A9C00, s0;
	s0 =	ssub.s32 s1, s25;
	s26 =	sadd.s32 $0x1A1C00, s8  }
.Ltmp0:
0xb: {  	s31 =	sadd.s32 $0x1A5C00, s8;
	[dreg:$0x6] =	wrdreg s26;
	(pc) =	sbr.rel .LBB2_1-.Ltmp0, $4  }
0xc: {  	s7 =	smul.u32 $0x960, s7;
	s0 =	smax.u32 s0, $0x1;
	[dreg:$0x7] =	wrdreg s31  }
0xd: {  	s25 =	simm.s32 $0x3;
	[dreg:$0x8] =	wrdreg s0;
	s0 =	sshrl.u32 @!p0 s2, $0x3  }
0xe: {  	s10 =	sadd.s32 $0x50, s7;
	[dreg:$0x9] =	wrdreg s0;
	s0 =	sshrl.u32 @!p0 s4, $0x3  }
0xf: {  	s26 =	simm.s32 $0xE000;
	[dreg:$0xa] =	wrdreg s0;
	s0 =	simm.s32 $0x0  }
.LBB2_8:
0x10: {  	s1 =	simm.s32 $0x5  }
0x11: {  	_ =	swait.ge [sflag:s1], $0x2800  }
0x12: {  	[sflag:s1] =	ssyncset.done $0x0  }
0x13: {  	s3 =	simm.s32 $0x6;
	[sflag:s1] =	ssyncadd.s32 $0xFFFFD800  }
0x14: {  	_ =	swait.ge [sflag:s3], $0x2800  }
0x15: {  	s0 =	sadd.s32 $0x1, s0;
	s31 =	rddreg [dreg:$0x8]  }
0x16: {  	p1 =	sne.s32 s0, s31  }
.Ltmp1:
0x17: {  	_ = 	snop;
	(pc) =	sbr.rel @!p1 .LBB2_9-.Ltmp1, $3  }
0x18: {  	_ =	sdelay $0x1  }
0x19: {  	[sflag:s3] =	ssyncset.done $0x0  }
0x1a: {  	[sflag:s3] =	ssyncadd.s32 $0xFFFFD800  }
.LBB2_1:
0x1b: {  	s3 =	rddreg [dreg:$0x0]  }
0x1c: {  	s1 =	simm.s32 @!p0 $0x1C07;
	s8 =	rddreg [dreg:$0x9]  }
0x1d: {  	[spmem:s8], [sflag:s1] =	dma.local @!p0 [hbm:s3], $0x2000  }
0x1e: {  	s3 =	simm.s32 @!p0 $0x7  }
0x1f: {  	_ =	swait.ge @!p0 [sflag:s3], $0x2000  }
0x20: {  	[sflag:s3] =	ssyncset.done @!p0 $0x0  }
0x21: {  	s9 =	rddreg [dreg:$0xa];
	[sflag:s3] =	ssyncadd.s32 @!p0 $0xFFFFE000  }
0x22: {  	s8 =	rddreg [dreg:$0x1]  }
0x23: {  	[spmem:s9], [sflag:s1] =	dma.local @!p0 [hbm:s8], $0x2000  }
0x24: {  	_ =	swait.ge @!p0 [sflag:s3], $0x2000  }
0x25: {  	[sflag:s3] =	ssyncset.done @!p0 $0x0  }
0x26: {  	s14 =	simm.s32 $0x2000;
	s13 =	rddreg [dreg:$0x6];
	[sflag:s3] =	ssyncadd.s32 @!p0 $0xFFFFE000  }
0x27: {  	[tilespmem:s14], [sflag:$0x7] =	stream.linear.gather [hbm4b:s13+s5], $0xF00, $0x38;
	[tilespmem:$0x13000] =	vst v63  }
0x28: {  	_ =	swait.ge [sflag:s15], $0xF00  }
0x29: {  	[sflag:s15] =	ssyncset.done $0x0  }
0x2a: {  	s18 =	simm.s32 $0x3000;
	s16 =	rddreg [dreg:$0x7];
	[sflag:s15] =	ssyncadd.s32 $0xFFFFF100  }
0x2b: {  	[tilespmem:s18], [sflag:$0x7] =	stream.linear.gather [hbm4b:s16+s5], $0xF00, $0x38;
	[tilespmem:$0x13000] =	vst v63  }
0x2c: {  	_ =	swait.ge [sflag:s15], $0xF00  }
0x2d: {  	[sflag:s15] =	ssyncset.done $0x0  }
0x2e: {  	[sflag:s15] =	ssyncadd.s32 $0xFFFFF100  }
0x2f: {  	s19 =	simm.s32 $0x4000;
	[bflag:$0x0] =	sbarrier.arrive $0xFFFF  }
0x30: {  	[tilespmem:s19], [sflag:$0x1] =	stream.indirect.gather [spmem:s2], $0x80, s14, s17, $0xb8;
	[tilespmem:$0x13000] =	vst v63  }
0x31: {  	s20 =	simm.s32 $0x9000  }
0x32: {  	[tilespmem:s20], [sflag:$0x3] =	stream.indirect.gather [spmem:s4], $0x80, s18, s17, $0xb8;
	[tilespmem:$0x13000] =	vst v63  }
0x33: {  	s22 =	simm.s32 $0x2080  }
0x34: {  	[tilespmem:s21], [sflag:$0x2] =	stream.indirect.gather [spmem:s2], $0x80, s22, s17, $0xb8;
	[tilespmem:$0x13000] =	vst v63  }
0x35: {  	s31 =	simm.s32 $0x3080;
	s1 =	simm.s32 $0x0  }
0x36: {  	[tilespmem:s23], [sflag:$0x4] =	stream.indirect.gather [spmem:s4], $0x80, s31, s17, $0xb8;
	[tilespmem:$0x13000] =	vst v63  }
.LBB2_2:
0x37: {  	_ =	swait.ge [sflag:s24], $0x2800  }
0x38: {  	[sflag:s24] =	ssyncset.done $0x0  }
0x39: {  	[sflag:s24] =	ssyncadd.s32 $0xFFFFD800  }
0x3a: {  	_ =	swait.ge [sflag:s25], $0x2800  }
0x3b: {  	p1 =	seq.s32 s1, $0x0;
	[sflag:s25] =	ssyncset.done $0x0  }
0x3c: {  	s3 =	simm.s32 @!p1 $0x5;
	[sflag:s25] =	ssyncadd.s32 $0xFFFFD800  }
0x3d: {  	_ =	swait.ge @!p1 [sflag:s3], $0x2800  }
0x3e: {  	[sflag:s3] =	ssyncset.done @!p1 $0x0  }
0x3f: {  	s13 =	simm.s32 $0x4080;
	[sflag:s3] =	ssyncadd.s32 @!p1 $0xFFFFD800  }
0x40: {  	s12 =	simm.s32 $0x9080;
	v0 =	vld [tilespmem:s13+$0x0]  }
0x41: {  	v1 =	vld [tilespmem:s12+$0x0];
	_ =	sdelay $0x4  }
0x42: {  	v0 =	vadd.f32 v1, v0  }
0x43: {  	s20 =	simm.s32 $0xE080  }
0x44: {  	[tilespmem:s20+$0x0] =	vst v0  }
0x45: {  	v0 =	vld [tilespmem:s13+$0x10]  }
0x46: {  	v1 =	vld [tilespmem:s12+$0x10]  }
0x47: {  	v2 =	vld [tilespmem:s12+$0xFFFFFF80]  }
0x48: {  	v3 =	vld [tilespmem:s13+$0xFFFFFF80];
	_ =	sdelay $0x2  }
0x49: {  	v0 =	vadd.f32 v1, v0;
	_ =	sdelay $0x1  }
0x4a: {  	[tilespmem:s20+$0x10] =	vst v0;
	v0 =	vadd.f32 v2, v3  }
0x4b: {  	v1 =	vld [tilespmem:s13+$0x20]  }
0x4c: {  	v2 =	vld [tilespmem:s12+$0x20];
	[tilespmem:s20+$0xFFFFFF80] =	vst v0  }
0x4d: {  	v0 =	vld [tilespmem:s13+$0xFFFFFF90]  }
0x4e: {  	v3 =	vld [tilespmem:s12+$0xFFFFFF90];
	_ =	sdelay $0x2  }
0x4f: {  	v1 =	vadd.f32 v2, v1;
	_ =	sdelay $0x1  }
0x50: {  	[tilespmem:s20+$0x20] =	vst v1;
	v0 =	vadd.f32 v3, v0  }
0x51: {  	v1 =	vld [tilespmem:s13+$0x30]  }
0x52: {  	v2 =	vld [tilespmem:s12+$0x30];
	[tilespmem:s20+$0xFFFFFF90] =	vst v0  }
0x53: {  	v0 =	vld [tilespmem:s13+$0xFFFFFFA0]  }
0x54: {  	s14 =	simm.s32 $0x4180;
	v3 =	vld [tilespmem:s12+$0xFFFFFFA0]  }
0x55: {  	s16 =	simm.s32 $0x9180;
	v4 =	vld [tilespmem:s14+$0x0]  }
0x56: {  	v5 =	vld [tilespmem:s16+$0x0]  }
0x57: {  	v6 =	vld [tilespmem:s14+$0xFFFFFF80];
	v1 =	vadd.f32 v2, v1  }
0x58: {  	v2 =	vld [tilespmem:s16+$0xFFFFFF80]  }
0x59: {  	[tilespmem:s20+$0x30] =	vst v1;
	v0 =	vadd.f32 v3, v0  }
0x5a: {  	v1 =	vld [tilespmem:s13+$0x40]  }
0x5b: {  	v3 =	vld [tilespmem:s12+$0x40];
	[tilespmem:s20+$0xFFFFFFA0] =	vst v0;
	v0 =	vadd.f32 v5, v4  }
0x5c: {  	s22 =	simm.s32 $0xE180;
	v4 =	vld [tilespmem:s13+$0xFFFFFFB0]  }
0x5d: {  	v5 =	vld [tilespmem:s12+$0xFFFFFFB0];
	v2 =	vadd.f32 v2, v6;
	[tilespmem:s22+$0x0] =	vst v0  }
0x5e: {  	v0 =	vld [tilespmem:s14+$0x10]  }
0x5f: {  	[tilespmem:s22+$0xFFFFFF80] =	vst v2;
	v2 =	vld [tilespmem:s16+$0x10]  }
0x60: {  	v1 =	vadd.f32 v3, v1;
	v3 =	vld [tilespmem:s14+$0xFFFFFF90]  }
0x61: {  	v6 =	vld [tilespmem:s16+$0xFFFFFF90]  }
0x62: {  	[tilespmem:s20+$0x40] =	vst v1;
	v1 =	vadd.f32 v5, v4  }
0x63: {  	v4 =	vld [tilespmem:s13+$0x50]  }
0x64: {  	v5 =	vld [tilespmem:s12+$0x50];
	[tilespmem:s20+$0xFFFFFFB0] =	vst v1;
	v0 =	vadd.f32 v2, v0  }
0x65: {  	v1 =	vld [tilespmem:s13+$0xFFFFFFC0]  }
0x66: {  	v2 =	vld [tilespmem:s12+$0xFFFFFFC0];
	v3 =	vadd.f32 v6, v3;
	[tilespmem:s22+$0x10] =	vst v0  }
0x67: {  	v0 =	vld [tilespmem:s14+$0x20]  }
0x68: {  	[tilespmem:s22+$0xFFFFFF90] =	vst v3;
	v3 =	vld [tilespmem:s16+$0x20]  }
0x69: {  	v4 =	vadd.f32 v5, v4;
	v5 =	vld [tilespmem:s14+$0xFFFFFFA0]  }
0x6a: {  	v6 =	vld [tilespmem:s16+$0xFFFFFFA0]  }
0x6b: {  	s11 =	simm.s32 $0x9280  }
0x6c: {  	v8 =	vld [tilespmem:s11+$0x0];
	[tilespmem:s20+$0x50] =	vst v4  }
0x6d: {  	v1 =	vadd.f32 v2, v1;
	v2 =	vld [tilespmem:s13+$0x60];
	v0 =	vadd.f32 v3, v0  }
0x6e: {  	s8 =	simm.s32 $0x4280;
	v4 =	vld [tilespmem:s12+$0x60]  }
0x6f: {  	v9 =	vld [tilespmem:s8+$0xFFFFFF80];
	v5 =	vadd.f32 v6, v5;
	[tilespmem:s22+$0x20] =	vst v0  }
0x70: {  	[tilespmem:s20+$0xFFFFFFC0] =	vst v1;
	v0 =	vld [tilespmem:s14+$0x30]  }
0x71: {  	[tilespmem:s22+$0xFFFFFFA0] =	vst v5;
	v5 =	vld [tilespmem:s16+$0x30]  }
0x72: {  	v1 =	vld [tilespmem:s13+$0xFFFFFFD0]  }
0x73: {  	v3 =	vld [tilespmem:s12+$0xFFFFFFD0];
	v2 =	vadd.f32 v4, v2  }
0x74: {  	v6 =	vld [tilespmem:s8+$0x0]  }
0x75: {  	v4 =	vld [tilespmem:s14+$0xFFFFFFB0];
	[tilespmem:s20+$0x60] =	vst v2  }
0x76: {  	v2 =	vld [tilespmem:s13+$0x70];
	v0 =	vadd.f32 v5, v0  }
0x77: {  	v7 =	vld [tilespmem:s12+$0x70]  }
0x78: {  	v5 =	vld [tilespmem:s11+$0xFFFFFF80];
	[tilespmem:s22+$0x30] =	vst v0  }
0x79: {  	v0 =	vadd.f32 v3, v1;
	v1 =	vld [tilespmem:s14+$0x40]  }
0x7a: {  	v3 =	vld [tilespmem:s16+$0x40]  }
0x7b: {  	[tilespmem:s20+$0xFFFFFFD0] =	vst v0;
	v0 =	vadd.f32 v8, v6;
	v6 =	vld [tilespmem:s16+$0xFFFFFFB0]  }
0x7c: {  	s9 =	simm.s32 $0xE280;
	v8 =	vld [tilespmem:s13+$0xFFFFFFE0]  }
0x7d: {  	v5 =	vadd.f32 v5, v9;
	[tilespmem:s9+$0x0] =	vst v0;
	v0 =	vld [tilespmem:s12+$0xFFFFFFE0]  }
0x7e: {  	v61 =	vld [tilespmem:s8+$0x10]  }
0x7f: {  	[tilespmem:s9+$0xFFFFFF80] =	vst v5;
	v5 =	vld [tilespmem:s11+$0x10];
	v1 =	vadd.f32 v3, v1  }
0x80: {  	v3 =	vld [tilespmem:s8+$0xFFFFFF90]  }
0x81: {  	v4 =	vadd.f32 v6, v4;
	v6 =	vld [tilespmem:s11+$0xFFFFFF90];
	[tilespmem:s22+$0x40] =	vst v1  }
0x82: {  	v1 =	vld [tilespmem:s14+$0x50]  }
0x83: {  	[tilespmem:s22+$0xFFFFFFB0] =	vst v4;
	v0 =	vadd.f32 v0, v8;
	v4 =	vld [tilespmem:s16+$0x50]  }
0x84: {  	v5 =	vadd.f32 v5, v61;
	v8 =	vld [tilespmem:s14+$0xFFFFFFC0]  }
0x85: {  	v62 =	vld [tilespmem:s16+$0xFFFFFFC0];
	[tilespmem:s20+$0xFFFFFFE0] =	vst v0  }
0x86: {  	v3 =	vadd.f32 v6, v3;
	[tilespmem:s9+$0x10] =	vst v5;
	v0 =	vld [tilespmem:s13+$0xFFFFFFF0]  }
0x87: {  	v5 =	vld [tilespmem:s8+$0x20]  }
0x88: {  	[tilespmem:s9+$0xFFFFFF90] =	vst v3;
	v3 =	vld [tilespmem:s11+$0x20];
	v1 =	vadd.f32 v4, v1  }
0x89: {  	v6 =	vld [tilespmem:s8+$0xFFFFFFA0]  }
0x8a: {  	v10 =	vld [tilespmem:s11+$0xFFFFFFA0];
	v4 =	vadd.f32 v62, v8;
	[tilespmem:s22+$0x50] =	vst v1  }
0x8b: {  	v8 =	vld [tilespmem:s14+$0x60]  }
0x8c: {  	[tilespmem:s22+$0xFFFFFFC0] =	vst v4;
	v63 =	vld [tilespmem:s16+$0x60]  }
0x8d: {  	v4 =	vld [tilespmem:s16+$0xFFFFFFD0];
	v1 =	vadd.f32 v3, v5  }
0x8e: {  	v3 =	vld [tilespmem:s14+$0xFFFFFFD0]  }
0x8f: {  	v5 =	vadd.f32 v10, v6;
	[tilespmem:s9+$0x20] =	vst v1;
	v1 =	vld [tilespmem:s12+$0xFFFFFFF0]  }
0x90: {  	s19 =	smul.u32 $0xA0, s1;
	v2 =	vadd.f32 v7, v2;
	v6 =	vld [tilespmem:s8+$0x30]  }
0x91: {  	s18 =	sshll.u32 s1, $0x8;
	s31 =	simm.s32 $0x4;
	[tilespmem:s9+$0xFFFFFFA0] =	vst v5;
	v7 =	vld [tilespmem:s11+$0x30];
	v5 =	vadd.f32 v63, v8  }
0x92: {  	s3 =	simm.s32 $0x4380;
	[tilespmem:s20+$0x70] =	vst v2;
	s13 =	simm.s32 $0x9280;
	s12 =	sadd.s32 s7, s19;
	v2 =	vld [tilespmem:s8+$0xFFFFFFB0]  }
.LBB2_3:
0x93: {  	v8 =	vld [tilespmem:s3+$0x0];
	v3 =	vadd.f32 v4, v3;
	[tilespmem:s22+$0x60] =	vst v5  }
0x94: {  	v4 =	vld [tilespmem:s14+$0x70];
	v0 =	vadd.f32 v1, v0  }
0x95: {  	s11 =	sadd.s32 $0x100, s11;
	[tilespmem:s22+$0xFFFFFFD0] =	vst v3;
	v1 =	vld [tilespmem:s16+$0x70]  }
0x96: {  	v3 =	vld [tilespmem:s11+$0x0];
	v5 =	vadd.f32 v7, v6;
	[tilespmem:s20+$0xFFFFFFF0] =	vst v0;
	s20 =	smov.u32 s22;
	s22 =	smov.u32 s9  }
0x97: {  	v0 =	vld [tilespmem:s11+$0xFFFFFF80]  }
0x98: {  	v6 =	vld [tilespmem:s3+$0xFFFFFF80];
	[tilespmem:s9+$0x30] =	vst v5  }
0x99: {  	v5 =	vld [tilespmem:s8+$0x40]  }
0x9a: {  	v7 =	vld [tilespmem:s13+$0x40];
	v1 =	vadd.f32 v1, v4  }
0x9b: {  	v3 =	vadd.f32 v3, v8;
	v4 =	vld [tilespmem:s13+$0xFFFFFFB0]  }
0x9c: {  	s9 =	sadd.s32 $0x100, s9;
	v8 =	vld [tilespmem:s14+$0xFFFFFFE0];
	[tilespmem:s20+$0x70] =	vst v1  }
0x9d: {  	s31 =	sadd.s32 $0x2, s31;
	v0 =	vadd.f32 v0, v6;
	[tilespmem:s9+$0x0] =	vst v3;
	v1 =	vld [tilespmem:s16+$0xFFFFFFE0]  }
0x9e: {  	p2 =	slt.u32 s31, $0x4E;
	v3 =	vld [tilespmem:s3+$0x10]  }
0x9f: {  	[tilespmem:s9+$0xFFFFFF80] =	vst v0;
	v0 =	vld [tilespmem:s11+$0x10];
	v5 =	vadd.f32 v7, v5  }
0xa0: {  	v6 =	vld [tilespmem:s3+$0xFFFFFF90];
	v2 =	vadd.f32 v4, v2  }
0xa1: {  	v4 =	vld [tilespmem:s11+$0xFFFFFF90];
	[tilespmem:s22+$0x40] =	vst v5  }
0xa2: {  	[tilespmem:s22+$0xFFFFFFB0] =	vst v2;
	v2 =	vld [tilespmem:s8+$0x50];
	v1 =	vadd.f32 v1, v8  }
0xa3: {  	v5 =	vld [tilespmem:s13+$0x50]  }
0xa4: {  	v0 =	vadd.f32 v0, v3;
	v3 =	vld [tilespmem:s8+$0xFFFFFFC0];
	[tilespmem:s20+$0xFFFFFFE0] =	vst v1  }
0xa5: {  	v1 =	vld [tilespmem:s13+$0xFFFFFFC0]  }
0xa6: {  	v4 =	vadd.f32 v4, v6;
	[tilespmem:s9+$0x10] =	vst v0;
	v0 =	vld [tilespmem:s14+$0xFFFFFFF0];
	s14 =	smov.u32 s8;
	s8 =	smov.u32 s3  }
0xa7: {  	v6 =	vld [tilespmem:s3+$0x20]  }
0xa8: {  	[tilespmem:s9+$0xFFFFFF90] =	vst v4;
	v4 =	vld [tilespmem:s11+$0x20];
	v2 =	vadd.f32 v5, v2  }
0xa9: {  	v5 =	vld [tilespmem:s3+$0xFFFFFFA0]  }
0xaa: {  	v7 =	vld [tilespmem:s11+$0xFFFFFFA0];
	v1 =	vadd.f32 v1, v3;
	[tilespmem:s22+$0x50] =	vst v2  }
0xab: {  	v2 =	vld [tilespmem:s14+$0x60]  }
0xac: {  	[tilespmem:s22+$0xFFFFFFC0] =	vst v1;
	v8 =	vld [tilespmem:s13+$0x60]  }
0xad: {  	v1 =	vadd.f32 v4, v6;
	v3 =	vld [tilespmem:s14+$0xFFFFFFD0]  }
.Ltmp2:
0xae: {  	v4 =	vld [tilespmem:s13+$0xFFFFFFD0];
	(pc) =	sbr.rel @p2 .LBB2_3-.Ltmp2, $4  }
0xaf: {  	v5 =	vadd.f32 v7, v5;
	[tilespmem:s9+$0x20] =	vst v1;
	v1 =	vld [tilespmem:s16+$0xFFFFFFF0];
	s16 =	smov.u32 s13;
	s13 =	smov.u32 s11  }
0xb0: {  	v6 =	vld [tilespmem:s3+$0x30]  }
0xb1: {  	[tilespmem:s9+$0xFFFFFFA0] =	vst v5;
	v7 =	vld [tilespmem:s11+$0x30];
	v5 =	vadd.f32 v8, v2  }
0xb2: {  	s3 =	sadd.s32 $0x100, s3;
	v2 =	vld [tilespmem:s8+$0xFFFFFFB0]  }
0xb3: {  	v8 =	vld [tilespmem:s13+$0xFFFFFFB0];
	_ =	sdelay $0x2  }
0xb4: {  	v6 =	vadd.f32 v7, v6;
	_ =	sdelay $0x1  }
0xb5: {  	[tilespmem:s9+$0x30] =	vst v6;
	v2 =	vadd.f32 v8, v2  }
0xb6: {  	v6 =	vld [tilespmem:s8+$0x40]  }
0xb7: {  	v7 =	vld [tilespmem:s13+$0x40];
	[tilespmem:s9+$0xFFFFFFB0] =	vst v2  }
0xb8: {  	v2 =	vld [tilespmem:s8+$0xFFFFFFC0]  }
0xb9: {  	v8 =	vld [tilespmem:s13+$0xFFFFFFC0];
	_ =	sdelay $0x2  }
0xba: {  	v6 =	vadd.f32 v7, v6;
	_ =	sdelay $0x1  }
0xbb: {  	[tilespmem:s9+$0x40] =	vst v6;
	v2 =	vadd.f32 v8, v2  }
0xbc: {  	v6 =	vld [tilespmem:s8+$0x50]  }
0xbd: {  	v7 =	vld [tilespmem:s13+$0x50];
	[tilespmem:s9+$0xFFFFFFC0] =	vst v2  }
0xbe: {  	v2 =	vld [tilespmem:s8+$0xFFFFFFD0]  }
0xbf: {  	v8 =	vld [tilespmem:s13+$0xFFFFFFD0]  }
0xc0: {  	v3 =	vadd.f32 v4, v3;
	_ =	sdelay $0x1  }
0xc1: {  	[tilespmem:s22+$0xFFFFFFD0] =	vst v3;
	v3 =	vadd.f32 v7, v6  }
0xc2: {  	v4 =	vld [tilespmem:s14+$0xFFFFFFE0]  }
0xc3: {  	v6 =	vld [tilespmem:s16+$0xFFFFFFE0];
	[tilespmem:s9+$0x50] =	vst v3;
	v2 =	vadd.f32 v8, v2  }
0xc4: {  	v3 =	vld [tilespmem:s8+$0x60]  }
0xc5: {  	v7 =	vld [tilespmem:s13+$0x60];
	[tilespmem:s9+$0xFFFFFFD0] =	vst v2  }
0xc6: {  	v2 =	vld [tilespmem:s8+$0xFFFFFFE0]  }
0xc7: {  	v8 =	vld [tilespmem:s13+$0xFFFFFFE0]  }
0xc8: {  	[tilespmem:s22+$0x60] =	vst v5;
	v4 =	vadd.f32 v6, v4  }
0xc9: {  	v5 =	vld [tilespmem:s14+$0x70]  }
0xca: {  	v6 =	vld [tilespmem:s16+$0x70];
	[tilespmem:s22+$0xFFFFFFE0] =	vst v4;
	v3 =	vadd.f32 v7, v3  }
0xcb: {  	v4 =	vld [tilespmem:s14+$0xFFFFFFF0]  }
0xcc: {  	v7 =	vld [tilespmem:s16+$0xFFFFFFF0];
	[tilespmem:s9+$0x60] =	vst v3;
	v2 =	vadd.f32 v8, v2  }
0xcd: {  	v3 =	vld [tilespmem:s8+$0x70]  }
0xce: {  	v8 =	vld [tilespmem:s13+$0x70];
	[tilespmem:s9+$0xFFFFFFE0] =	vst v2  }
0xcf: {  	v2 =	vld [tilespmem:s8+$0xFFFFFFF0]  }
0xd0: {  	v9 =	vld [tilespmem:s13+$0xFFFFFFF0]  }
0xd1: {  	v0 =	vadd.f32 v1, v0  }
0xd2: {  	v1 =	vadd.f32 v6, v5  }
0xd3: {  	[tilespmem:s20+$0xFFFFFFF0] =	vst v0;
	v0 =	vadd.f32 v7, v4  }
0xd4: {  	[tilespmem:s22+$0x70] =	vst v1;
	v1 =	vadd.f32 v8, v3  }
0xd5: {  	[tilespmem:s22+$0xFFFFFFF0] =	vst v0;
	v0 =	vadd.f32 v9, v2  }
0xd6: {  	s3 =	sshll.u32 s12, $0x4;
	[tilespmem:s9+$0x70] =	vst v1  }
0xd7: {  	p2 =	seq.s32 s1, $0xE;
	s3 =	sadd.s32 s6, s3;
	[tilespmem:s9+$0xFFFFFFF0] =	vst v0  }
0xd8: {  	[hbm4b:s3+s5] =	stream.linear.scatter [tilespmem:s26], [sflag:$0x5], $0x2800, $0x38;
	[tilespmem:$0x13000] =	vst v63  }
0xd9: {  	s8 =	simm.s32 @!p2 $0x50;
	s9 =	simm.s32 @!p2 $0x4000;
	s3 =	sadd.s32 @!p2 $0x2100, s18  }
0xda: {  	[tilespmem:s9], [sflag:$0x1] =	stream.indirect.gather @!p2 [spmem:s2], $0x80, s3, s8, $0xb8;
	[tilespmem:$0x13000] =	vst v63  }
0xdb: {  	s3 =	sadd.s32 @!p2 $0x3100, s18;
	s9 =	simm.s32 @!p2 $0x9000  }
0xdc: {  	[tilespmem:s9], [sflag:$0x3] =	stream.indirect.gather @!p2 [spmem:s4], $0x80, s3, s8, $0xb8;
	[tilespmem:$0x13000] =	vst v63  }
0xdd: {  	_ =	swait.ge [sflag:s28], $0x2800  }
0xde: {  	[sflag:s28] =	ssyncset.done $0x0  }
0xdf: {  	[sflag:s28] =	ssyncadd.s32 $0xFFFFD800  }
0xe0: {  	_ =	swait.ge [sflag:s29], $0x2800  }
0xe1: {  	[sflag:s29] =	ssyncset.done $0x0  }
0xe2: {  	s3 =	simm.s32 @!p1 $0x6;
	[sflag:s29] =	ssyncadd.s32 $0xFFFFD800  }
0xe3: {  	_ =	swait.ge @!p1 [sflag:s3], $0x2800  }
0xe4: {  	[sflag:s3] =	ssyncset.done @!p1 $0x0  }
0xe5: {  	s12 =	simm.s32 $0x6880;
	[sflag:s3] =	ssyncadd.s32 @!p1 $0xFFFFD800  }
0xe6: {  	s31 =	simm.s32 $0xB880;
	v0 =	vld [tilespmem:s12+$0x0]  }
0xe7: {  	v1 =	vld [tilespmem:s31+$0x0];
	_ =	sdelay $0x4  }
0xe8: {  	v0 =	vadd.f32 v1, v0  }
0xe9: {  	s20 =	simm.s32 $0x10880  }
0xea: {  	[tilespmem:s20+$0x0] =	vst v0  }
0xeb: {  	v0 =	vld [tilespmem:s12+$0x10]  }
0xec: {  	v1 =	vld [tilespmem:s31+$0x10]  }
0xed: {  	v2 =	vld [tilespmem:s31+$0xFFFFFF80]  }
0xee: {  	v3 =	vld [tilespmem:s12+$0xFFFFFF80];
	_ =	sdelay $0x2  }
0xef: {  	v0 =	vadd.f32 v1, v0;
	_ =	sdelay $0x1  }
0xf0: {  	[tilespmem:s20+$0x10] =	vst v0;
	v0 =	vadd.f32 v2, v3  }
0xf1: {  	v1 =	vld [tilespmem:s12+$0x20]  }
0xf2: {  	v2 =	vld [tilespmem:s31+$0x20];
	[tilespmem:s20+$0xFFFFFF80] =	vst v0  }
0xf3: {  	v0 =	vld [tilespmem:s12+$0xFFFFFF90]  }
0xf4: {  	v3 =	vld [tilespmem:s31+$0xFFFFFF90];
	_ =	sdelay $0x2  }
0xf5: {  	v1 =	vadd.f32 v2, v1;
	_ =	sdelay $0x1  }
0xf6: {  	[tilespmem:s20+$0x20] =	vst v1;
	v0 =	vadd.f32 v3, v0  }
0xf7: {  	v1 =	vld [tilespmem:s12+$0x30]  }
0xf8: {  	v2 =	vld [tilespmem:s31+$0x30];
	[tilespmem:s20+$0xFFFFFF90] =	vst v0  }
0xf9: {  	v0 =	vld [tilespmem:s12+$0xFFFFFFA0]  }
0xfa: {  	s16 =	simm.s32 $0x6980;
	v3 =	vld [tilespmem:s31+$0xFFFFFFA0]  }
0xfb: {  	s22 =	simm.s32 $0xB980;
	v4 =	vld [tilespmem:s16+$0x0]  }
0xfc: {  	v5 =	vld [tilespmem:s22+$0x0]  }
0xfd: {  	v6 =	vld [tilespmem:s16+$0xFFFFFF80];
	v1 =	vadd.f32 v2, v1  }
0xfe: {  	v2 =	vld [tilespmem:s22+$0xFFFFFF80]  }
0xff: {  	[tilespmem:s20+$0x30] =	vst v1;
	v0 =	vadd.f32 v3, v0  }
0x100: {  	v1 =	vld [tilespmem:s12+$0x40]  }
0x101: {  	v3 =	vld [tilespmem:s31+$0x40];
	[tilespmem:s20+$0xFFFFFFA0] =	vst v0;
	v0 =	vadd.f32 v5, v4  }
0x102: {  	s14 =	simm.s32 $0x10980;
	v4 =	vld [tilespmem:s12+$0xFFFFFFB0]  }
0x103: {  	v5 =	vld [tilespmem:s31+$0xFFFFFFB0];
	v2 =	vadd.f32 v2, v6;
	[tilespmem:s14+$0x0] =	vst v0  }
0x104: {  	v0 =	vld [tilespmem:s16+$0x10]  }
0x105: {  	[tilespmem:s14+$0xFFFFFF80] =	vst v2;
	v2 =	vld [tilespmem:s22+$0x10]  }
0x106: {  	v1 =	vadd.f32 v3, v1;
	v3 =	vld [tilespmem:s16+$0xFFFFFF90]  }
0x107: {  	v6 =	vld [tilespmem:s22+$0xFFFFFF90]  }
0x108: {  	[tilespmem:s20+$0x40] =	vst v1;
	v1 =	vadd.f32 v5, v4  }
0x109: {  	v4 =	vld [tilespmem:s12+$0x50]  }
0x10a: {  	v5 =	vld [tilespmem:s31+$0x50];
	[tilespmem:s20+$0xFFFFFFB0] =	vst v1;
	v0 =	vadd.f32 v2, v0  }
0x10b: {  	v1 =	vld [tilespmem:s12+$0xFFFFFFC0]  }
0x10c: {  	v2 =	vld [tilespmem:s31+$0xFFFFFFC0];
	v3 =	vadd.f32 v6, v3;
	[tilespmem:s14+$0x10] =	vst v0  }
0x10d: {  	v0 =	vld [tilespmem:s16+$0x20]  }
0x10e: {  	[tilespmem:s14+$0xFFFFFF90] =	vst v3;
	v3 =	vld [tilespmem:s22+$0x20]  }
0x10f: {  	v4 =	vadd.f32 v5, v4;
	v5 =	vld [tilespmem:s16+$0xFFFFFFA0]  }
0x110: {  	v6 =	vld [tilespmem:s22+$0xFFFFFFA0]  }
0x111: {  	s11 =	simm.s32 $0xBA80  }
0x112: {  	v8 =	vld [tilespmem:s11+$0x0];
	[tilespmem:s20+$0x50] =	vst v4  }
0x113: {  	v1 =	vadd.f32 v2, v1;
	v2 =	vld [tilespmem:s12+$0x60];
	v0 =	vadd.f32 v3, v0  }
0x114: {  	s8 =	simm.s32 $0x6A80;
	v4 =	vld [tilespmem:s31+$0x60]  }
0x115: {  	v60 =	vld [tilespmem:s8+$0xFFFFFF80];
	v5 =	vadd.f32 v6, v5;
	[tilespmem:s14+$0x20] =	vst v0  }
0x116: {  	[tilespmem:s20+$0xFFFFFFC0] =	vst v1;
	v0 =	vld [tilespmem:s16+$0x30]  }
0x117: {  	[tilespmem:s14+$0xFFFFFFA0] =	vst v5;
	v5 =	vld [tilespmem:s22+$0x30]  }
0x118: {  	v1 =	vld [tilespmem:s12+$0xFFFFFFD0]  }
0x119: {  	v3 =	vld [tilespmem:s31+$0xFFFFFFD0];
	v2 =	vadd.f32 v4, v2  }
0x11a: {  	v6 =	vld [tilespmem:s8+$0x0]  }
0x11b: {  	v4 =	vld [tilespmem:s16+$0xFFFFFFB0];
	[tilespmem:s20+$0x60] =	vst v2  }
0x11c: {  	v2 =	vld [tilespmem:s12+$0x70];
	v0 =	vadd.f32 v5, v0  }
0x11d: {  	v7 =	vld [tilespmem:s31+$0x70]  }
0x11e: {  	v5 =	vld [tilespmem:s11+$0xFFFFFF80];
	[tilespmem:s14+$0x30] =	vst v0  }
0x11f: {  	v0 =	vadd.f32 v3, v1;
	v1 =	vld [tilespmem:s16+$0x40]  }
0x120: {  	v3 =	vld [tilespmem:s22+$0x40]  }
0x121: {  	[tilespmem:s20+$0xFFFFFFD0] =	vst v0;
	v0 =	vadd.f32 v8, v6;
	v6 =	vld [tilespmem:s22+$0xFFFFFFB0]  }
0x122: {  	s9 =	simm.s32 $0x10A80;
	v8 =	vld [tilespmem:s12+$0xFFFFFFE0]  }
0x123: {  	v5 =	vadd.f32 v5, v60;
	[tilespmem:s9+$0x0] =	vst v0;
	v0 =	vld [tilespmem:s31+$0xFFFFFFE0]  }
0x124: {  	v61 =	vld [tilespmem:s8+$0x10]  }
0x125: {  	[tilespmem:s9+$0xFFFFFF80] =	vst v5;
	v5 =	vld [tilespmem:s11+$0x10];
	v1 =	vadd.f32 v3, v1  }
0x126: {  	v3 =	vld [tilespmem:s8+$0xFFFFFF90]  }
0x127: {  	v4 =	vadd.f32 v6, v4;
	v6 =	vld [tilespmem:s11+$0xFFFFFF90];
	[tilespmem:s14+$0x40] =	vst v1  }
0x128: {  	v1 =	vld [tilespmem:s16+$0x50]  }
0x129: {  	[tilespmem:s14+$0xFFFFFFB0] =	vst v4;
	v0 =	vadd.f32 v0, v8;
	v4 =	vld [tilespmem:s22+$0x50]  }
0x12a: {  	v5 =	vadd.f32 v5, v61;
	v8 =	vld [tilespmem:s16+$0xFFFFFFC0]  }
0x12b: {  	v62 =	vld [tilespmem:s22+$0xFFFFFFC0];
	[tilespmem:s20+$0xFFFFFFE0] =	vst v0  }
0x12c: {  	v3 =	vadd.f32 v6, v3;
	[tilespmem:s9+$0x10] =	vst v5;
	v0 =	vld [tilespmem:s12+$0xFFFFFFF0]  }
0x12d: {  	v5 =	vld [tilespmem:s8+$0x20]  }
0x12e: {  	[tilespmem:s9+$0xFFFFFF90] =	vst v3;
	v3 =	vld [tilespmem:s11+$0x20];
	v1 =	vadd.f32 v4, v1  }
0x12f: {  	v6 =	vld [tilespmem:s8+$0xFFFFFFA0]  }
0x130: {  	v10 =	vld [tilespmem:s11+$0xFFFFFFA0];
	v4 =	vadd.f32 v62, v8;
	[tilespmem:s14+$0x50] =	vst v1  }
0x131: {  	v8 =	vld [tilespmem:s16+$0x60]  }
0x132: {  	[tilespmem:s14+$0xFFFFFFC0] =	vst v4;
	v63 =	vld [tilespmem:s22+$0x60]  }
0x133: {  	v4 =	vld [tilespmem:s22+$0xFFFFFFD0];
	v1 =	vadd.f32 v3, v5  }
0x134: {  	v3 =	vld [tilespmem:s16+$0xFFFFFFD0]  }
0x135: {  	v5 =	vadd.f32 v10, v6;
	[tilespmem:s9+$0x20] =	vst v1;
	v1 =	vld [tilespmem:s31+$0xFFFFFFF0]  }
0x136: {  	v2 =	vadd.f32 v7, v2;
	v6 =	vld [tilespmem:s8+$0x30]  }
0x137: {  	s13 =	simm.s32 $0xBA80;
	[tilespmem:s9+$0xFFFFFFA0] =	vst v5;
	v7 =	vld [tilespmem:s11+$0x30];
	v5 =	vadd.f32 v63, v8  }
0x138: {  	s3 =	simm.s32 $0x6B80;
	[tilespmem:s20+$0x70] =	vst v2;
	s12 =	sadd.s32 s19, s10;
	s19 =	simm.s32 $0x4;
	v2 =	vld [tilespmem:s8+$0xFFFFFFB0]  }
.LBB2_5:
0x139: {  	v8 =	vld [tilespmem:s3+$0x0];
	v3 =	vadd.f32 v4, v3;
	[tilespmem:s14+$0x60] =	vst v5  }
0x13a: {  	v4 =	vld [tilespmem:s16+$0x70];
	v0 =	vadd.f32 v1, v0  }
0x13b: {  	s11 =	sadd.s32 $0x100, s11;
	[tilespmem:s14+$0xFFFFFFD0] =	vst v3;
	v1 =	vld [tilespmem:s22+$0x70]  }
0x13c: {  	v3 =	vld [tilespmem:s11+$0x0];
	v5 =	vadd.f32 v7, v6;
	[tilespmem:s20+$0xFFFFFFF0] =	vst v0;
	s20 =	smov.u32 s14;
	s14 =	smov.u32 s9  }
0x13d: {  	v0 =	vld [tilespmem:s11+$0xFFFFFF80]  }
0x13e: {  	v6 =	vld [tilespmem:s3+$0xFFFFFF80];
	[tilespmem:s9+$0x30] =	vst v5  }
0x13f: {  	v5 =	vld [tilespmem:s8+$0x40]  }
0x140: {  	v7 =	vld [tilespmem:s13+$0x40];
	v1 =	vadd.f32 v1, v4  }
0x141: {  	v3 =	vadd.f32 v3, v8;
	v4 =	vld [tilespmem:s13+$0xFFFFFFB0]  }
0x142: {  	s9 =	sadd.s32 $0x100, s9;
	v8 =	vld [tilespmem:s16+$0xFFFFFFE0];
	[tilespmem:s20+$0x70] =	vst v1  }
0x143: {  	s19 =	sadd.s32 $0x2, s19;
	v0 =	vadd.f32 v0, v6;
	[tilespmem:s9+$0x0] =	vst v3;
	v1 =	vld [tilespmem:s22+$0xFFFFFFE0]  }
0x144: {  	p1 =	slt.u32 s19, $0x4E;
	v3 =	vld [tilespmem:s3+$0x10]  }
0x145: {  	[tilespmem:s9+$0xFFFFFF80] =	vst v0;
	v0 =	vld [tilespmem:s11+$0x10];
	v5 =	vadd.f32 v7, v5  }
0x146: {  	v6 =	vld [tilespmem:s3+$0xFFFFFF90];
	v2 =	vadd.f32 v4, v2  }
0x147: {  	v4 =	vld [tilespmem:s11+$0xFFFFFF90];
	[tilespmem:s14+$0x40] =	vst v5  }
0x148: {  	[tilespmem:s14+$0xFFFFFFB0] =	vst v2;
	v2 =	vld [tilespmem:s8+$0x50];
	v1 =	vadd.f32 v1, v8  }
0x149: {  	v5 =	vld [tilespmem:s13+$0x50]  }
0x14a: {  	v0 =	vadd.f32 v0, v3;
	v3 =	vld [tilespmem:s8+$0xFFFFFFC0];
	[tilespmem:s20+$0xFFFFFFE0] =	vst v1  }
0x14b: {  	v1 =	vld [tilespmem:s13+$0xFFFFFFC0]  }
0x14c: {  	v4 =	vadd.f32 v4, v6;
	[tilespmem:s9+$0x10] =	vst v0;
	v0 =	vld [tilespmem:s16+$0xFFFFFFF0];
	s16 =	smov.u32 s8;
	s8 =	smov.u32 s3  }
0x14d: {  	v6 =	vld [tilespmem:s3+$0x20]  }
0x14e: {  	[tilespmem:s9+$0xFFFFFF90] =	vst v4;
	v4 =	vld [tilespmem:s11+$0x20];
	v2 =	vadd.f32 v5, v2  }
0x14f: {  	v5 =	vld [tilespmem:s3+$0xFFFFFFA0]  }
0x150: {  	v7 =	vld [tilespmem:s11+$0xFFFFFFA0];
	v1 =	vadd.f32 v1, v3;
	[tilespmem:s14+$0x50] =	vst v2  }
0x151: {  	v2 =	vld [tilespmem:s16+$0x60]  }
0x152: {  	[tilespmem:s14+$0xFFFFFFC0] =	vst v1;
	v8 =	vld [tilespmem:s13+$0x60]  }
0x153: {  	v1 =	vadd.f32 v4, v6;
	v3 =	vld [tilespmem:s16+$0xFFFFFFD0]  }
.Ltmp3:
0x154: {  	v4 =	vld [tilespmem:s13+$0xFFFFFFD0];
	(pc) =	sbr.rel @p1 .LBB2_5-.Ltmp3, $4  }
0x155: {  	v5 =	vadd.f32 v7, v5;
	[tilespmem:s9+$0x20] =	vst v1;
	v1 =	vld [tilespmem:s22+$0xFFFFFFF0];
	s22 =	smov.u32 s13;
	s13 =	smov.u32 s11  }
0x156: {  	v6 =	vld [tilespmem:s3+$0x30]  }
0x157: {  	[tilespmem:s9+$0xFFFFFFA0] =	vst v5;
	v7 =	vld [tilespmem:s11+$0x30];
	v5 =	vadd.f32 v8, v2  }
0x158: {  	s3 =	sadd.s32 $0x100, s3;
	v2 =	vld [tilespmem:s8+$0xFFFFFFB0]  }
0x159: {  	v8 =	vld [tilespmem:s13+$0xFFFFFFB0];
	_ =	sdelay $0x2  }
0x15a: {  	v6 =	vadd.f32 v7, v6;
	_ =	sdelay $0x1  }
0x15b: {  	[tilespmem:s9+$0x30] =	vst v6;
	v2 =	vadd.f32 v8, v2  }
0x15c: {  	v6 =	vld [tilespmem:s8+$0x40]  }
0x15d: {  	v48 =	vld [tilespmem:s13+$0x40];
	[tilespmem:s9+$0xFFFFFFB0] =	vst v2  }
0x15e: {  	v2 =	vld [tilespmem:s8+$0xFFFFFFC0]  }
0x15f: {  	v49 =	vld [tilespmem:s13+$0xFFFFFFC0];
	_ =	sdelay $0x2  }
0x160: {  	v6 =	vadd.f32 v48, v6;
	_ =	sdelay $0x1  }
0x161: {  	[tilespmem:s9+$0x40] =	vst v6;
	v2 =	vadd.f32 v49, v2  }
0x162: {  	v6 =	vld [tilespmem:s8+$0x50]  }
0x163: {  	v50 =	vld [tilespmem:s13+$0x50];
	[tilespmem:s9+$0xFFFFFFC0] =	vst v2  }
0x164: {  	v2 =	vld [tilespmem:s8+$0xFFFFFFD0]  }
0x165: {  	v51 =	vld [tilespmem:s13+$0xFFFFFFD0]  }
0x166: {  	v3 =	vadd.f32 v4, v3;
	_ =	sdelay $0x1  }
0x167: {  	[tilespmem:s14+$0xFFFFFFD0] =	vst v3;
	v52 =	vadd.f32 v50, v6  }
0x168: {  	v53 =	vld [tilespmem:s16+$0xFFFFFFE0]  }
0x169: {  	v54 =	vld [tilespmem:s22+$0xFFFFFFE0];
	[tilespmem:s9+$0x50] =	vst v52;
	v2 =	vadd.f32 v51, v2  }
0x16a: {  	v3 =	vld [tilespmem:s8+$0x60]  }
0x16b: {  	v55 =	vld [tilespmem:s13+$0x60];
	[tilespmem:s9+$0xFFFFFFD0] =	vst v2  }
0x16c: {  	v2 =	vld [tilespmem:s8+$0xFFFFFFE0]  }
0x16d: {  	v56 =	vld [tilespmem:s13+$0xFFFFFFE0]  }
0x16e: {  	[tilespmem:s14+$0x60] =	vst v5;
	v4 =	vadd.f32 v54, v53  }
0x16f: {  	v5 =	vld [tilespmem:s16+$0x70]  }
0x170: {  	v57 =	vld [tilespmem:s22+$0x70];
	[tilespmem:s14+$0xFFFFFFE0] =	vst v4;
	v3 =	vadd.f32 v55, v3  }
0x171: {  	v4 =	vld [tilespmem:s16+$0xFFFFFFF0]  }
0x172: {  	v58 =	vld [tilespmem:s22+$0xFFFFFFF0];
	[tilespmem:s9+$0x60] =	vst v3;
	v2 =	vadd.f32 v56, v2  }
0x173: {  	v3 =	vld [tilespmem:s8+$0x70]  }
0x174: {  	v59 =	vld [tilespmem:s13+$0x70];
	[tilespmem:s9+$0xFFFFFFE0] =	vst v2  }
0x175: {  	v2 =	vld [tilespmem:s8+$0xFFFFFFF0]  }
0x176: {  	v9 =	vld [tilespmem:s13+$0xFFFFFFF0]  }
0x177: {  	v0 =	vadd.f32 v1, v0  }
0x178: {  	v60 =	vadd.f32 v57, v5  }
0x179: {  	[tilespmem:s20+$0xFFFFFFF0] =	vst v0;
	v61 =	vadd.f32 v58, v4  }
.Ltmp4:
0x17a: {  	[tilespmem:s14+$0x70] =	vst v60;
	v62 =	vadd.f32 v59, v3;
	(pc) =	sbr.rel @p2 .LBB2_8-.Ltmp4, $4  }
0x17b: {  	[tilespmem:s14+$0xFFFFFFF0] =	vst v61;
	v63 =	vadd.f32 v9, v2  }
0x17c: {  	s3 =	sshll.u32 s12, $0x4;
	[tilespmem:s9+$0x70] =	vst v62  }
0x17d: {  	s3 =	sadd.s32 s6, s3;
	[tilespmem:s9+$0xFFFFFFF0] =	vst v63  }
0x17e: {  	[hbm4b:s3+s5] =	stream.linear.scatter [tilespmem:s30], [sflag:$0x6], $0x2800, $0x38;
	[tilespmem:$0x13000] =	vst v63  }
.Ltmp5:
0x17f: {  	(pc) =	sbr.rel .LBB2_2-.Ltmp5, $4  }
0x180: {  	s3 =	sadd.s32 $0x2180, s18  }
0x181: {  	[tilespmem:s21], [sflag:$0x2] =	stream.indirect.gather [spmem:s2], $0x80, s3, s17, $0xb8;
	[tilespmem:$0x13000] =	vst v63  }
0x182: {  	s31 =	sadd.s32 $0x3180, s18;
	s1 =	sadd.s32 $0x1, s1  }
0x183: {  	[tilespmem:s23], [sflag:$0x4] =	stream.indirect.gather [spmem:s4], $0x80, s31, s17, $0xb8;
	[tilespmem:$0x13000] =	vst v63  }
.LBB2_9:
0x184: {  	_ =	sfence.sel $0x180000  }
0x185: {  	[bflag:$0x0] =	sbarrier.arrive $0xFFFF  }
0x186: {  	_ =	strace $0x90000050  }
0x187: {  	[bflag:$0x2] =	sbarrier.arrive $0xFFFF  }
0x188: {  	s0 =	rddreg [dreg:$0x5]  }
0x189: {  	s0 =	sadd.s32 @!p0 $0x100000, s0  }
0x18a: {  	[sflag:s0] =	ssyncadd.tile.s32 @!p0 $0x1;
	_ =	shalt  }
.Lfunc_end2:
_tile_overlayer_lowered:
.L_overlay_start_2:
0x18b: {  	(tag) =	ssettag $0x2  }
0x18c: {  	s0 =	rddreg [dreg:$0x0];
	s2 =	stileid.u32  }
0x18d: {  	s1 =	rddreg [dreg:$0x1];
	p0 =	sne.s32 s2, $0x0  }
0x18e: {  	s3 =	rddreg [dreg:$0x2];
	[bflag:$0x3] =	sbarrier.arrive $0xFFFF;
	s2 =	simm.s32 @!p0 $0x1C07  }
0x18f: {  	[timem:s3], [sflag:s2] =	dma.local @!p0 [hbm:s0], s1  }
0x190: {  	s0 =	simm.s32 @!p0 $0x7  }
0x191: {  	_ =	swait.ge @!p0 [sflag:s0], s1  }
0x192: {  	s1 =	ssub.s32 @!p0 $0x0, s1;
	[sflag:s0] =	ssyncset.done @!p0 $0x0  }
0x193: {  	[sflag:s0] =	ssyncadd.s32 @!p0 s1  }
0x194: {  	[bflag:$0x3] =	sbarrier.arrive $0xFFFF  }
0x195: {  	_ =	shalt  }

</sc_bundles>
